<compile_context>
chip_gen: v7x
topology: tpu7x:2x2x1
jax: 0.10.2.dev20260603
libtpu: 0.0.44.dev20260713+nightly
codegen_flags: <defaults>
</compile_context>

<pallas_src>
import functools

import jax
import jax.numpy as jnp
from jax import lax
from jax.experimental import pallas as pl
from jax.experimental.pallas import tpu as pltpu
from jax.experimental.pallas import tpu_sc as plsc

HEADS = 16
DH = 64
DIM = 1024
S = 4096
NH = 2
BKT = 64
NB = 64
NCH = NH * S // BKT
G = 8
GRP = NCH // G
ROWS = G * BKT
EXT = 128
TAB = 128
DFF = 4 * DIM


def _bdot(a, b):
    return jnp.dot(a.astype(jnp.bfloat16), b.astype(jnp.bfloat16),
                   preferred_element_type=jnp.float32)


def _bdot256(a, b):
    kd = a.shape[1]
    acc = _bdot(a[:, :256], b[:256])
    for i in range(1, kd // 256):
        acc = acc + _bdot(a[:, i * 256:(i + 1) * 256], b[i * 256:(i + 1) * 256])
    return acc



def _sc_gather(table, idx):
    V, D = table.shape
    B = idx.shape[0]
    info = plsc.get_sparse_core_info()
    NC, NS = info.num_cores, info.num_subcores
    NW = NC * NS
    b_per_w = B // NW
    assert b_per_w * NW == B
    C = 128
    while C * D * 4 > 196608 or C > b_per_w:
        C //= 2
    n_chunks = b_per_w // C
    idx3 = idx.reshape(NW, n_chunks, C)
    mesh = plsc.VectorSubcoreMesh(core_axis_name="c", subcore_axis_name="s")

    n_pairs = n_chunks // 2

    @functools.partial(
        pl.kernel,
        mesh=mesh,
        out_type=jax.ShapeDtypeStruct((B, D), table.dtype),
        scratch_types=[
            pltpu.VMEM((n_chunks, C), jnp.int32),
            pltpu.VMEM((C, D), table.dtype),
            pltpu.VMEM((C, D), table.dtype),
            pltpu.SemaphoreType.DMA,
            pltpu.SemaphoreType.DMA,
        ],
    )
    def k(table_hbm, idx_hbm, out_hbm, idx_v, rows0, rows1, sem0, sem1):
        wid = lax.axis_index("s") * NC + lax.axis_index("c")
        base = wid * b_per_w
        pltpu.sync_copy(idx_hbm.at[wid], idx_v)
        if n_pairs == 0:
            pltpu.async_copy(table_hbm.at[idx_v.at[0]], rows0, sem0).wait()
            pltpu.sync_copy(rows0, out_hbm.at[pl.ds(base, C)])
            return
        c0 = pltpu.async_copy(table_hbm.at[idx_v.at[0]], rows0, sem0)

        def pair(j, carry):
            g1 = pltpu.async_copy(table_hbm.at[idx_v.at[2 * j + 1]], rows1, sem1)
            c0.wait()
            pltpu.sync_copy(rows0, out_hbm.at[pl.ds(base + (2 * j) * C, C)])

            @pl.when(j < n_pairs - 1)
            def _():
                pltpu.async_copy(table_hbm.at[idx_v.at[2 * j + 2]], rows0, sem0)

            g1.wait()
            pltpu.sync_copy(rows1, out_hbm.at[pl.ds(base + (2 * j + 1) * C, C)])
            return carry

        lax.fori_loop(0, n_pairs, pair, 0)

    return k(table, idx3)


def _ln_proj_buckets(h, wqk, wv):
    Ts = 512

    def body(h_ref, wqk_ref, wv_ref, tab_ref):
        h = h_ref[...]
        qk = _bdot256(h, wqk_ref[...])
        v = _bdot256(h, wv_ref[...])
        for hh in range(HEADS):
            tab_ref[hh] = jnp.concatenate(
                [qk[:, hh * DH:(hh + 1) * DH],
                 v[:, hh * DH:(hh + 1) * DH]], axis=1)

    return pl.pallas_call(
        body,
        grid=(S // Ts,),
        in_specs=[
            pl.BlockSpec((Ts, DIM), lambda i: (i, 0)),
            pl.BlockSpec((DIM, DIM), lambda i: (0, 0)),
            pl.BlockSpec((DIM, DIM), lambda i: (0, 0)),
        ],
        out_specs=pl.BlockSpec((HEADS, Ts, TAB), lambda i: (0, i, 0)),
        out_shape=jax.ShapeDtypeStruct((HEADS, S, TAB), jnp.float32),
    )(h, wqk, wv)


def _chunk_attention(stab, posr):
    KW = ROWS + BKT

    def body(cur_ref, prv_ref, pc_ref, pp_ref, o_ref):
        cur = cur_ref[0]
        prv = prv_ref[0]
        kall = jnp.concatenate([prv[ROWS - BKT:], cur], axis=0)
        pall = jnp.concatenate(
            [pp_ref[0, :, ROWS - BKT:], pc_ref[0]], axis=1)
        qf = cur[:, :DH]
        kf = kall[:, :DH]
        vv = kall[:, DH:]
        nrm = jnp.sqrt(jnp.sum(kf * kf, axis=1, keepdims=True))
        kf = kf / jnp.maximum(nrm, 1e-6)
        HR = ROWS // 2
        HK = HR + BKT
        ii = lax.broadcasted_iota(jnp.int32, (HR, HK), 0)
        jj = lax.broadcasted_iota(jnp.int32, (HR, HK), 1)
        ci = ii // BKT
        valid = (jj >= ci * BKT) & (jj < ci * BKT + 2 * BKT)
        outs = []
        for half in range(2):
            r0 = half * HR
            qh = qf[r0:r0 + HR]
            kh = kf[r0:r0 + HK]
            vh = vv[r0:r0 + HK]
            ph = pall[:, r0:r0 + HK]
            qpos = jnp.sum(
                jnp.where(jj == ii + BKT, jnp.broadcast_to(ph, (HR, HK)), 0.0),
                axis=1, keepdims=True)
            dots = lax.dot_general(
                qh.astype(jnp.bfloat16), kh.astype(jnp.bfloat16),
                (((1,), (1,)), ((), ())),
                preferred_element_type=jnp.float32) * (DH ** -0.5)
            dots = jnp.where(qpos == ph, dots - 100000.0, dots)
            dots = jnp.where(valid, dots, -1e9)
            mx = jnp.max(dots, axis=1, keepdims=True)
            ex = jnp.exp(dots - mx)
            lse = jnp.log(jnp.sum(ex, axis=1, keepdims=True)) + mx
            bo = _bdot(jnp.exp(dots - lse), vh)
            outs.append(jnp.concatenate(
                [bo, lse, jnp.zeros((HR, EXT - DH - 1), jnp.float32)], axis=1))
        o_ref[0] = jnp.concatenate(outs, axis=0)

    return pl.pallas_call(
        body,
        grid=(HEADS, GRP),
        in_specs=[
            pl.BlockSpec((1, ROWS, TAB), lambda h, g: (h, g, 0)),
            pl.BlockSpec((1, ROWS, TAB), lambda h, g: (h, (g + GRP - 1) % GRP, 0)),
            pl.BlockSpec((1, 1, ROWS), lambda h, g: (h * GRP + g, 0, 0)),
            pl.BlockSpec((1, 1, ROWS),
                         lambda h, g: (h * GRP + (g + GRP - 1) % GRP, 0, 0)),
        ],
        out_specs=pl.BlockSpec((1, ROWS, EXT), lambda h, g: (h, g, 0)),
        out_shape=jax.ShapeDtypeStruct((HEADS, NH * S, EXT), jnp.float32),
    )(stab, stab, posr, posr)


def _combine_wo(o_uns, x, wo):
    Ts = 512

    def body(o_ref, x_ref, wo_ref, out_ref):
        parts = []
        for h in range(HEADS):
            l0 = o_ref[h, 0, :, DH:DH + 1]
            l1 = o_ref[h, 1, :, DH:DH + 1]
            m = jnp.maximum(l0, l1)
            lse2 = jnp.log(jnp.exp(l0 - m) + jnp.exp(l1 - m)) + m
            parts.append(o_ref[h, 0, :, :DH] * jnp.exp(l0 - lse2)
                         + o_ref[h, 1, :, :DH] * jnp.exp(l1 - lse2))
        attn = jnp.concatenate(parts, axis=1)
        out_ref[...] = x_ref[...] + _bdot256(attn, wo_ref[...])

    return pl.pallas_call(
        body,
        grid=(S // Ts,),
        in_specs=[
            pl.BlockSpec((HEADS, NH, Ts, EXT), lambda i: (0, 0, i, 0)),
            pl.BlockSpec((Ts, DIM), lambda i: (i, 0)),
            pl.BlockSpec((DIM, DIM), lambda i: (0, 0)),
        ],
        out_specs=pl.BlockSpec((Ts, DIM), lambda i: (i, 0)),
        out_shape=jax.ShapeDtypeStruct((S, DIM), jnp.float32),
    )(o_uns, x, wo)


def _ff(x, g, b, w1, b1, w2, b2):
    Ts = 1024
    Tf = 512

    def body(x_ref, g_ref, b_ref, w1_ref, b1_ref, w2_ref, b2_ref, out_ref):
        j = pl.program_id(1)
        xt = x_ref[...]
        m = jnp.mean(xt, axis=1, keepdims=True)
        var = jnp.mean((xt - m) * (xt - m), axis=1, keepdims=True)
        h2 = (xt - m) * lax.rsqrt(var + 1e-5) * g_ref[...] + b_ref[...]
        b1t = b1_ref[:, pl.ds(j * Tf, Tf)]
        a = _bdot256(h2, w1_ref[...]) + b1t
        ge = jax.nn.gelu(a)
        contrib = _bdot256(ge, w2_ref[...])

        @pl.when(j == 0)
        def _():
            out_ref[...] = contrib

        @pl.when((j > 0) & (j < DFF // Tf - 1))
        def _():
            out_ref[...] = out_ref[...] + contrib

        @pl.when(j == DFF // Tf - 1)
        def _():
            out_ref[...] = xt + ((out_ref[...] + contrib) + b2_ref[...])

    return pl.pallas_call(
        body,
        grid=(S // Ts, DFF // Tf),
        in_specs=[
            pl.BlockSpec((Ts, DIM), lambda i, j: (i, 0)),
            pl.BlockSpec((1, DIM), lambda i, j: (0, 0)),
            pl.BlockSpec((1, DIM), lambda i, j: (0, 0)),
            pl.BlockSpec((DIM, Tf), lambda i, j: (0, j)),
            pl.BlockSpec((1, DFF), lambda i, j: (0, 0)),
            pl.BlockSpec((Tf, DIM), lambda i, j: (j, 0)),
            pl.BlockSpec((1, DIM), lambda i, j: (0, 0)),
        ],
        out_specs=pl.BlockSpec((Ts, DIM), lambda i, j: (i, 0)),
        out_shape=jax.ShapeDtypeStruct((S, DIM), jnp.float32),
    )(x, g.reshape(1, DIM), b.reshape(1, DIM), w1, b1.reshape(1, DFF),
      w2, b2.reshape(1, DIM))


def _final_head(h, qaw, qab):
    Ts = 512

    def body(h_ref, w_ref, bb_ref, out_ref):
        out_ref[...] = _bdot256(h_ref[...], w_ref[...]) + bb_ref[...]

    return pl.pallas_call(
        body,
        grid=(S // Ts,),
        in_specs=[
            pl.BlockSpec((Ts, DIM), lambda i: (i, 0)),
            pl.BlockSpec((DIM, 128), lambda i: (0, 0)),
            pl.BlockSpec((1, 128), lambda i: (0, 0)),
        ],
        out_specs=pl.BlockSpec((Ts, 128), lambda i: (i, 0)),
        out_shape=jax.ShapeDtypeStruct((S, 128), jnp.float32),
    )(h, qaw, qab)


def _xla_layer_norm(x, g, b):
    m = jnp.mean(x, axis=-1, keepdims=True)
    v = jnp.var(x, axis=-1, keepdims=True)
    return (x - m) / jnp.sqrt(v + 1e-5) * g + b


def _route_attention_head(qk, v, key):
    s, d = qk.shape
    n_buckets = s // BKT
    rot = jax.random.normal(key, (d, NH, n_buckets // 2), dtype=jnp.float32)
    rotated = jnp.einsum('sd,dhb->hsb', qk, rot)
    rotated = jnp.concatenate([rotated, -rotated], axis=-1)
    buckets = jnp.argmax(rotated, axis=-1) + jnp.arange(NH)[:, None] * n_buckets
    buckets = buckets.reshape(-1)
    ticker = jnp.arange(NH * s)
    buckets_and_t = s * buckets + ticker % s
    sticker = jnp.argsort(buckets_and_t)
    undo_sort = jnp.argsort(sticker)
    st = sticker % s
    sqk = jnp.take(qk, st, axis=0)
    sv = jnp.take(v, st, axis=0)
    n_ch = NH * s // BKT
    bq = sqk.reshape(n_ch, BKT, d)
    nk = sqk / jnp.maximum(jnp.linalg.norm(sqk, axis=-1, keepdims=True), 1e-6)
    bk = nk.reshape(n_ch, BKT, d)
    bv = sv.reshape(n_ch, BKT, d)
    bt = st.reshape(n_ch, BKT)
    look = lambda t: jnp.concatenate([t, jnp.roll(t, 1, axis=0)], axis=1)
    bk = look(bk)
    bv = look(bv)
    bkt = look(bt)
    dots = jnp.einsum('cid,cjd->cij', bq, bk) / (d ** 0.5)
    dots = jnp.where(bt[:, :, None] == bkt[:, None, :], dots - 100000.0, dots)
    lse = jax.nn.logsumexp(dots, axis=-1, keepdims=True)
    probs = jnp.exp(dots - lse)
    bo = jnp.einsum('cij,cjd->cid', probs, bv)
    so = bo.reshape(NH * s, d)
    slog = lse.reshape(NH * s)
    o = jnp.take(so, undo_sort, axis=0).reshape(NH, s, d)
    logits = jnp.take(slog, undo_sort, axis=0).reshape(NH, s, 1)
    w = jnp.exp(logits - jax.nn.logsumexp(logits, axis=0, keepdims=True))
    return jnp.sum(o * w, axis=0), sticker, undo_sort


def _route_layer(x, lp, i, need_forward):
    b, s = 1, S
    h = _xla_layer_norm(x, lp['n1_g'], lp['n1_b'])
    qk = (h @ lp['Wqk']).reshape(b, s, HEADS, DH).transpose(0, 2, 1, 3).reshape(b * HEADS, s, DH)
    v = (h @ lp['Wv']).reshape(b, s, HEADS, DH).transpose(0, 2, 1, 3).reshape(b * HEADS, s, DH)
    keys = jax.random.split(jax.random.fold_in(jax.random.key(1), i), b * HEADS)
    attn, sticker, undo = jax.vmap(_route_attention_head)(qk, v, keys)
    if not need_forward:
        return None, sticker, undo
    attn = attn.reshape(b, HEADS, s, DH).transpose(0, 2, 1, 3).reshape(b, s, DIM)
    x = x + attn @ lp['Wo']
    h2 = _xla_layer_norm(x, lp['n2_g'], lp['n2_b'])
    x = x + (jax.nn.gelu(h2 @ lp['W1'] + lp['b1']) @ lp['W2'] + lp['b2'])
    return x, sticker, undo


def _routing_buckets(input_ids, params):
    input_ids, params = lax.optimization_barrier((input_ids, params))
    x = jnp.take(params['tok_emb'], input_ids, axis=0) + params['pos_emb'][:S][None, :, :]
    perms = []
    n = len(params['layers'])
    for i, lp in enumerate(params['layers']):
        x, sticker, undo = _route_layer(x, lp, i, need_forward=(i + 1 < n))
        perms.append((sticker.astype(jnp.int32), undo.astype(jnp.int32)))
    return perms


def kernel(input_ids, params):
    ids = input_ids.reshape(S).astype(jnp.int32)
    p = params

    perms = _routing_buckets(input_ids, p)

    emb = _sc_gather(p['tok_emb'], ids)
    x = emb + p['pos_emb'][:S]

    for i, lp in enumerate(p['layers']):
        sticker, undo = perms[i]

        h = _xla_layer_norm(x, lp['n1_g'], lp['n1_b'])
        tab = _ln_proj_buckets(h, lp['Wqk'], lp['Wv'])

        sj = sticker % S
        head_base = (jnp.arange(HEADS, dtype=jnp.int32) * S)[:, None]
        stab = _sc_gather(tab.reshape(HEADS * S, TAB),
                          (sj + head_base).reshape(-1)).reshape(HEADS, NH * S, TAB)
        posr = sj.astype(jnp.float32).reshape(HEADS * GRP, 1, ROWS)

        so = _chunk_attention(stab, posr)

        unsort_idx = (jnp.arange(HEADS, dtype=jnp.int32)[:, None] * (NH * S)
                      + undo).reshape(-1)
        o_uns = _sc_gather(so.reshape(HEADS * NH * S, EXT),
                           unsort_idx).reshape(HEADS, NH, S, EXT)

        x = _combine_wo(o_uns, x, lp['Wo'])
        x = _ff(x, lp['n2_g'], lp['n2_b'], lp['W1'], lp['b1'],
                lp['W2'], lp['b2'])

    qaw = jnp.zeros((DIM, 128), jnp.float32).at[:, :2].set(p['qa_w'])
    qab = jnp.zeros((1, 128), jnp.float32).at[0, :2].set(p['qa_b'])
    hf = _xla_layer_norm(x, p['nf_g'], p['nf_b'])
    out = _final_head(hf, qaw, qab)
    return (out[:, 0].reshape(1, S), out[:, 1].reshape(1, S))

# --- scband reference (transcript-rebuilt; emitter-appended) ---
"""Pipeline reference for scband-reformer-qa-7834020347977 (READ-ONLY COPY).

The authoritative reference and input builder live on the scoring server;
editing this copy changes nothing except your own understanding.
"""

import jax, jax.numpy as jnp
import numpy as np

CFG = {'num_tokens': 20000, 'dim': 1024, 'depth': 2, 'max_seq_len': 4096, 'heads': 16, 'num_label': 2, 'n_hashes': 2, 'bucket_size': 64}
B, S = 1, 4096


def setup_inputs(seed: int = 0):
    key = jax.random.key(seed)
    ks = jax.random.split(key, 64)
    dim = CFG['dim']
    dff = 4 * dim
    input_ids = jax.random.randint(ks[0], (B, S), 0, CFG['num_tokens'])

    def nrm(k, shape):
        return 0.02 * jax.random.normal(k, shape, dtype=jnp.float32)
    layers = []
    ki = 2
    for l in range(CFG['depth']):
        layers.append({'n1_g': jnp.ones((dim,), jnp.float32), 'n1_b': jnp.zeros((dim,), jnp.float32), 'Wqk': nrm(ks[ki], (dim, dim)), 'Wv': nrm(ks[ki + 1], (dim, dim)), 'Wo': nrm(ks[ki + 2], (dim, dim)), 'n2_g': jnp.ones((dim,), jnp.float32), 'n2_b': jnp.zeros((dim,), jnp.float32), 'W1': nrm(ks[ki + 3], (dim, dff)), 'b1': jnp.zeros((dff,), jnp.float32), 'W2': nrm(ks[ki + 4], (dff, dim)), 'b2': jnp.zeros((dim,), jnp.float32)})
        ki += 5
    params = {'tok_emb': nrm(ks[1], (CFG['num_tokens'], dim)), 'pos_emb': nrm(ks[ki], (CFG['max_seq_len'], dim)), 'layers': layers, 'nf_g': jnp.ones((dim,), jnp.float32), 'nf_b': jnp.zeros((dim,), jnp.float32), 'qa_w': nrm(ks[ki + 1], (dim, CFG['num_label'])), 'qa_b': jnp.zeros((CFG['num_label'],), jnp.float32)}
    return {'input_ids': input_ids, 'params': params}


def layer_norm(x, g, b):
    m = jnp.mean(x, axis=-1, keepdims=True)
    v = jnp.var(x, axis=-1, keepdims=True)
    return (x - m) / jnp.sqrt(v + 1e-5) * g + b


def lsh_attention_head(qk, v, key):
    n_hashes = CFG['n_hashes']
    bucket_size = CFG['bucket_size']
    s, d = qk.shape
    n_buckets = s // bucket_size
    rot = jax.random.normal(key, (d, n_hashes, n_buckets // 2), dtype=jnp.float32)
    rotated = jnp.einsum('sd,dhb->hsb', qk, rot)
    rotated = jnp.concatenate([rotated, -rotated], axis=-1)
    buckets = jnp.argmax(rotated, axis=-1) + jnp.arange(n_hashes)[:, None] * n_buckets
    buckets = buckets.reshape(-1)
    ticker = jnp.arange(n_hashes * s)
    buckets_and_t = s * buckets + ticker % s
    sticker = jnp.argsort(buckets_and_t)
    undo_sort = jnp.argsort(sticker)
    st = sticker % s
    sqk = jnp.take(qk, st, axis=0)
    sv = jnp.take(v, st, axis=0)
    n_ch = n_hashes * s // bucket_size
    bq = sqk.reshape(n_ch, bucket_size, d)
    nk = sqk / jnp.maximum(jnp.linalg.norm(sqk, axis=-1, keepdims=True), 1e-6)
    bk = nk.reshape(n_ch, bucket_size, d)
    bv = sv.reshape(n_ch, bucket_size, d)
    bt = st.reshape(n_ch, bucket_size)
    look = lambda x: jnp.concatenate([x, jnp.roll(x, 1, axis=0)], axis=1)
    bk = look(bk)
    bv = look(bv)
    bkt = look(bt)
    dots = jnp.einsum('cid,cjd->cij', bq, bk) / (d ** 0.5)
    dots = jnp.where(bt[:, :, None] == bkt[:, None, :], dots - 100000.0, dots)
    lse = jax.nn.logsumexp(dots, axis=-1, keepdims=True)
    probs = jnp.exp(dots - lse)
    bo = jnp.einsum('cij,cjd->cid', probs, bv)
    so = bo.reshape(n_hashes * s, d)
    slog = lse.reshape(n_hashes * s)
    o = jnp.take(so, undo_sort, axis=0).reshape(n_hashes, s, d)
    logits = jnp.take(slog, undo_sort, axis=0).reshape(n_hashes, s, 1)
    w = jnp.exp(logits - jax.nn.logsumexp(logits, axis=0, keepdims=True))
    return jnp.sum(o * w, axis=0)


def _forward(params, input_ids):
    b, s = input_ids.shape
    dim = CFG['dim']
    heads = CFG['heads']
    dh = dim // heads
    x = jnp.take(params['tok_emb'], input_ids, axis=0) + params['pos_emb'][:s][None, :, :]
    for i, lp in enumerate(params['layers']):
        h = layer_norm(x, lp['n1_g'], lp['n1_b'])
        qk = (h @ lp['Wqk']).reshape(b, s, heads, dh).transpose(0, 2, 1, 3).reshape(b * heads, s, dh)
        v = (h @ lp['Wv']).reshape(b, s, heads, dh).transpose(0, 2, 1, 3).reshape(b * heads, s, dh)
        keys = jax.random.split(jax.random.fold_in(jax.random.key(1), i), b * heads)
        attn = jax.vmap(lsh_attention_head)(qk, v, keys)
        attn = attn.reshape(b, heads, s, dh).transpose(0, 2, 1, 3).reshape(b, s, dim)
        x = x + attn @ lp['Wo']
        h2 = layer_norm(x, lp['n2_g'], lp['n2_b'])
        x = x + (jax.nn.gelu(h2 @ lp['W1'] + lp['b1']) @ lp['W2'] + lp['b2'])
    x = layer_norm(x, params['nf_g'], params['nf_b'])
    logits = x @ params['qa_w'] + params['qa_b']
    return logits[..., 0], logits[..., 1]


def reference(input_ids, params):
    start_logits, end_logits = _forward(params, input_ids)
    return (start_logits, end_logits)

if __name__ == "__main__":
    import jax
    _d = setup_inputs()
    print(jax.jit(kernel)(*tuple(_d.values())))

</pallas_src>

<mosaic_0001>
#map = affine_map<(d0, d1) -> (0, 0)>
#map1 = affine_map<(d0, d1) -> (0, 0, 0)>
module attributes {stable_mosaic.version = 14 : i64} {
  func.func @k(%arg0: i32, %arg1: i32, %arg2: memref<20000x1024xf32, #tpu.memory_space<hbm>>, %arg3: memref<32x4x32xi32, #tpu.memory_space<hbm>>, %arg4: memref<4096x1024xf32, #tpu.memory_space<hbm>>, %arg5: memref<4x32xi32, #tpu.memory_space<vmem>>, %arg6: memref<32x1024xf32, #tpu.memory_space<vmem>>, %arg7: memref<32x1024xf32, #tpu.memory_space<vmem>>, %arg8: memref<!tpu.dma_semaphore, #tpu.memory_space<semaphore_mem>>, %arg9: memref<!tpu.dma_semaphore, #tpu.memory_space<semaphore_mem>>) attributes {dimension_semantics = [#tpu.dimension_semantics<core_parallel>, #tpu.dimension_semantics<subcore_parallel>], iteration_bounds = array<i64: 2, 16>, scalar_prefetch = 0 : i64, scratch_operands = 5 : i64, tpu.core_type = #tpu.core_type<sc_vector_subcore>, window_params = [{transform_indices = #map}, {transform_indices = #map1}, {transform_indices = #map}]} {
    %mul3A = arith.constant 2 : i32
    %mul3A_0 = arith.muli %arg1, %mul3A : i32
    %add3A = arith.addi %mul3A_0, %arg0 : i32
    %mul3A_1 = arith.constant 128 : i32
    %mul3A_2 = arith.muli %add3A, %mul3A_1 : i32
    "tpu.region"() ({
      %run_scoped3A = tpu.sem_alloc : memref<!tpu.dma_semaphore, #tpu.memory_space<semaphore_mem>>
      %dma_start3A_15 = arith.constant 0 : i32
      %dma_start3A_16 = arith.constant 0 : i32
      %dma_start3A_17 = tpu.memref_slice %arg3[%add3A, %dma_start3A_15, %dma_start3A_16] : memref<32x4x32xi32, #tpu.memory_space<hbm>> -> memref<1x4x32xi32, #tpu.memory_space<hbm>>
      %dma_start3A_18 = tpu.memref_squeeze %dma_start3A_17 : memref<1x4x32xi32, #tpu.memory_space<hbm>> -> memref<4x32xi32, #tpu.memory_space<hbm>>
      %dma_start3A_19 = arith.constant 0 : i32
      %dma_start3A_20 = arith.constant 0 : i32
      %dma_start3A_21 = tpu.memref_slice %arg3[%add3A, %dma_start3A_19, %dma_start3A_20] : memref<32x4x32xi32, #tpu.memory_space<hbm>> -> memref<1x4x32xi32, #tpu.memory_space<hbm>>
      %dma_start3A_22 = tpu.memref_squeeze %dma_start3A_21 : memref<1x4x32xi32, #tpu.memory_space<hbm>> -> memref<4x32xi32, #tpu.memory_space<hbm>>
      tpu.enqueue_dma source(%dma_start3A_22 : memref<4x32xi32, #tpu.memory_space<hbm>>) target(%arg5 : memref<4x32xi32, #tpu.memory_space<vmem>>) target_semaphore(%run_scoped3A : memref<!tpu.dma_semaphore, #tpu.memory_space<semaphore_mem>>)
      %dma_wait3A = arith.constant 0 : i32
      %dma_wait3A_23 = arith.constant 0 : i32
      %dma_wait3A_24 = tpu.memref_slice %arg3[%add3A, %dma_wait3A, %dma_wait3A_23] : memref<32x4x32xi32, #tpu.memory_space<hbm>> -> memref<1x4x32xi32, #tpu.memory_space<hbm>>
      %dma_wait3A_25 = tpu.memref_squeeze %dma_wait3A_24 : memref<1x4x32xi32, #tpu.memory_space<hbm>> -> memref<4x32xi32, #tpu.memory_space<hbm>>
      %dma_wait3A_26 = arith.constant 0 : i32
      %dma_wait3A_27 = arith.constant 0 : i32
      %dma_wait3A_28 = tpu.memref_slice %arg3[%add3A, %dma_wait3A_26, %dma_wait3A_27] : memref<32x4x32xi32, #tpu.memory_space<hbm>> -> memref<1x4x32xi32, #tpu.memory_space<hbm>>
      %dma_wait3A_29 = tpu.memref_squeeze %dma_wait3A_28 : memref<1x4x32xi32, #tpu.memory_space<hbm>> -> memref<4x32xi32, #tpu.memory_space<hbm>>
      tpu.wait_dma2 semaphore(%run_scoped3A : memref<!tpu.dma_semaphore, #tpu.memory_space<semaphore_mem>>) src(%dma_wait3A_29 : memref<4x32xi32, #tpu.memory_space<hbm>>) dst(%arg5 : memref<4x32xi32, #tpu.memory_space<vmem>>)
      tpu.yield
    }) : () -> ()
    %dma_start3A = arith.constant 0 : i32
    %dma_start3A_3 = arith.constant 0 : i32
    %dma_start3A_4 = tpu.memref_slice %arg5[%dma_start3A, %dma_start3A_3] : memref<4x32xi32, #tpu.memory_space<vmem>> -> memref<1x32xi32, #tpu.memory_space<vmem>>
    %dma_start3A_5 = tpu.memref_squeeze %dma_start3A_4 : memref<1x32xi32, #tpu.memory_space<vmem>> -> memref<32xi32, #tpu.memory_space<vmem>>
    %dma_start3A_6 = arith.constant 0 : i32
    %dma_start3A_7 = arith.constant 0 : i32
    %dma_start3A_8 = tpu.memref_slice %arg2[%dma_start3A_6, %dma_start3A_7] : memref<20000x1024xf32, #tpu.memory_space<hbm>> -> memref<20000x1024xf32, #tpu.memory_space<hbm>>
    tpu.enqueue_indirect_dma source(%dma_start3A_8 : memref<20000x1024xf32, #tpu.memory_space<hbm>>) target(%arg6 : memref<32x1024xf32, #tpu.memory_space<vmem>>) offsets(%dma_start3A_5 : memref<32xi32, #tpu.memory_space<vmem>>) semaphore(%arg8 : memref<!tpu.dma_semaphore, #tpu.memory_space<semaphore_mem>>)
    %scan3A = arith.constant 0 : i32
    %scan3A_9 = arith.constant 0 : i32
    %scan3A_10 = arith.constant 0 : i32
    %scan3A_11 = arith.constant 2 : i32
    %scan3A_12 = arith.addi %scan3A_10, %scan3A_11 : i32
    %scan3A_13 = arith.constant 1 : i32
    scf.for %scan3A_15 = %scan3A_10 to %scan3A_12 step %scan3A_13  : i32 {
      %mul3A_16 = arith.constant 2 : i32
      %mul3A_17 = arith.muli %mul3A_16, %scan3A_15 : i32
      %add3A_18 = arith.constant 1 : i32
      %add3A_19 = arith.addi %mul3A_17, %add3A_18 : i32
      %dma_start3A_20 = arith.constant 0 : i32
      %dma_start3A_21 = tpu.memref_slice %arg5[%add3A_19, %dma_start3A_20] : memref<4x32xi32, #tpu.memory_space<vmem>> -> memref<1x32xi32, #tpu.memory_space<vmem>>
      %dma_start3A_22 = tpu.memref_squeeze %dma_start3A_21 : memref<1x32xi32, #tpu.memory_space<vmem>> -> memref<32xi32, #tpu.memory_space<vmem>>
      %dma_start3A_23 = arith.constant 0 : i32
      %dma_start3A_24 = arith.constant 0 : i32
      %dma_start3A_25 = tpu.memref_slice %arg2[%dma_start3A_23, %dma_start3A_24] : memref<20000x1024xf32, #tpu.memory_space<hbm>> -> memref<20000x1024xf32, #tpu.memory_space<hbm>>
      tpu.enqueue_indirect_dma source(%dma_start3A_25 : memref<20000x1024xf32, #tpu.memory_space<hbm>>) target(%arg7 : memref<32x1024xf32, #tpu.memory_space<vmem>>) offsets(%dma_start3A_22 : memref<32xi32, #tpu.memory_space<vmem>>) semaphore(%arg9 : memref<!tpu.dma_semaphore, #tpu.memory_space<semaphore_mem>>)
      %dma_wait3A = arith.constant 0 : i32
      %dma_wait3A_26 = tpu.memref_slice %arg5[%scan3A_9, %dma_wait3A] : memref<4x32xi32, #tpu.memory_space<vmem>> -> memref<1x32xi32, #tpu.memory_space<vmem>>
      %dma_wait3A_27 = tpu.memref_squeeze %dma_wait3A_26 : memref<1x32xi32, #tpu.memory_space<vmem>> -> memref<32xi32, #tpu.memory_space<vmem>>
      %dma_wait3A_28 = arith.constant 0 : i32
      %dma_wait3A_29 = arith.constant 0 : i32
      %dma_wait3A_30 = tpu.memref_slice %arg2[%dma_wait3A_28, %dma_wait3A_29] : memref<20000x1024xf32, #tpu.memory_space<hbm>> -> memref<20000x1024xf32, #tpu.memory_space<hbm>>
      tpu.wait_indirect_dma semaphore(%arg8 : memref<!tpu.dma_semaphore, #tpu.memory_space<semaphore_mem>>) src(%dma_wait3A_30 : memref<20000x1024xf32, #tpu.memory_space<hbm>>) dst(%arg6 : memref<32x1024xf32, #tpu.memory_space<vmem>>)
      %mul3A_31 = arith.constant 2 : i32
      %mul3A_32 = arith.muli %mul3A_31, %scan3A_15 : i32
      %mul3A_33 = arith.constant 32 : i32
      %mul3A_34 = arith.muli %mul3A_32, %mul3A_33 : i32
      %add3A_35 = arith.addi %mul3A_2, %mul3A_34 : i32
      "tpu.region"() ({
        %run_scoped3A = tpu.sem_alloc : memref<!tpu.dma_semaphore, #tpu.memory_space<semaphore_mem>>
        %dma_start3A_51 = arith.constant 0 : i32
        %dma_start3A_52 = tpu.memref_slice %arg4[%add3A_35, %dma_start3A_51] : memref<4096x1024xf32, #tpu.memory_space<hbm>> -> memref<32x1024xf32, #tpu.memory_space<hbm>>
        %dma_start3A_53 = arith.constant 0 : i32
        %dma_start3A_54 = tpu.memref_slice %arg4[%add3A_35, %dma_start3A_53] : memref<4096x1024xf32, #tpu.memory_space<hbm>> -> memref<32x1024xf32, #tpu.memory_space<hbm>>
        tpu.enqueue_dma source(%arg6 : memref<32x1024xf32, #tpu.memory_space<vmem>>) target(%dma_start3A_54 : memref<32x1024xf32, #tpu.memory_space<hbm>>) target_semaphore(%run_scoped3A : memref<!tpu.dma_semaphore, #tpu.memory_space<semaphore_mem>>)
        %dma_wait3A_55 = arith.constant 0 : i32
        %dma_wait3A_56 = tpu.memref_slice %arg4[%add3A_35, %dma_wait3A_55] : memref<4096x1024xf32, #tpu.memory_space<hbm>> -> memref<32x1024xf32, #tpu.memory_space<hbm>>
        %dma_wait3A_57 = arith.constant 0 : i32
        %dma_wait3A_58 = tpu.memref_slice %arg4[%add3A_35, %dma_wait3A_57] : memref<4096x1024xf32, #tpu.memory_space<hbm>> -> memref<32x1024xf32, #tpu.memory_space<hbm>>
        tpu.wait_dma2 semaphore(%run_scoped3A : memref<!tpu.dma_semaphore, #tpu.memory_space<semaphore_mem>>) src(%arg6 : memref<32x1024xf32, #tpu.memory_space<vmem>>) dst(%dma_wait3A_58 : memref<32x1024xf32, #tpu.memory_space<hbm>>)
        tpu.yield
      }) : () -> ()
      %lt3A = arith.constant 1 : i32
      %lt3A_36 = arith.cmpi slt, %scan3A_15, %lt3A : i32
      %convert_element_type3A = arith.extui %lt3A_36 : i1 to i32
      %cond3A = arith.constant 0 : i32
      %cond3A_37 = arith.cmpi ne, %convert_element_type3A, %cond3A : i32
      scf.if %cond3A_37 {
        %mul3A_51 = arith.constant 2 : i32
        %mul3A_52 = arith.muli %mul3A_51, %scan3A_15 : i32
        %add3A_53 = arith.constant 2 : i32
        %add3A_54 = arith.addi %mul3A_52, %add3A_53 : i32
        %dma_start3A_55 = arith.constant 0 : i32
        %dma_start3A_56 = tpu.memref_slice %arg5[%add3A_54, %dma_start3A_55] : memref<4x32xi32, #tpu.memory_space<vmem>> -> memref<1x32xi32, #tpu.memory_space<vmem>>
        %dma_start3A_57 = tpu.memref_squeeze %dma_start3A_56 : memref<1x32xi32, #tpu.memory_space<vmem>> -> memref<32xi32, #tpu.memory_space<vmem>>
        %dma_start3A_58 = arith.constant 0 : i32
        %dma_start3A_59 = arith.constant 0 : i32
        %dma_start3A_60 = tpu.memref_slice %arg2[%dma_start3A_58, %dma_start3A_59] : memref<20000x1024xf32, #tpu.memory_space<hbm>> -> memref<20000x1024xf32, #tpu.memory_space<hbm>>
        tpu.enqueue_indirect_dma source(%dma_start3A_60 : memref<20000x1024xf32, #tpu.memory_space<hbm>>) target(%arg6 : memref<32x1024xf32, #tpu.memory_space<vmem>>) offsets(%dma_start3A_57 : memref<32xi32, #tpu.memory_space<vmem>>) semaphore(%arg8 : memref<!tpu.dma_semaphore, #tpu.memory_space<semaphore_mem>>)
      } else {
      }
      %dma_wait3A_38 = arith.constant 0 : i32
      %dma_wait3A_39 = tpu.memref_slice %arg5[%add3A_19, %dma_wait3A_38] : memref<4x32xi32, #tpu.memory_space<vmem>> -> memref<1x32xi32, #tpu.memory_space<vmem>>
      %dma_wait3A_40 = tpu.memref_squeeze %dma_wait3A_39 : memref<1x32xi32, #tpu.memory_space<vmem>> -> memref<32xi32, #tpu.memory_space<vmem>>
      %dma_wait3A_41 = arith.constant 0 : i32
      %dma_wait3A_42 = arith.constant 0 : i32
      %dma_wait3A_43 = tpu.memref_slice %arg2[%dma_wait3A_41, %dma_wait3A_42] : memref<20000x1024xf32, #tpu.memory_space<hbm>> -> memref<20000x1024xf32, #tpu.memory_space<hbm>>
      tpu.wait_indirect_dma semaphore(%arg9 : memref<!tpu.dma_semaphore, #tpu.memory_space<semaphore_mem>>) src(%dma_wait3A_43 : memref<20000x1024xf32, #tpu.memory_space<hbm>>) dst(%arg7 : memref<32x1024xf32, #tpu.memory_space<vmem>>)
      %mul3A_44 = arith.constant 2 : i32
      %mul3A_45 = arith.muli %mul3A_44, %scan3A_15 : i32
      %add3A_46 = arith.constant 1 : i32
      %add3A_47 = arith.addi %mul3A_45, %add3A_46 : i32
      %mul3A_48 = arith.constant 32 : i32
      %mul3A_49 = arith.muli %add3A_47, %mul3A_48 : i32
      %add3A_50 = arith.addi %mul3A_2, %mul3A_49 : i32
      "tpu.region"() ({
        %run_scoped3A = tpu.sem_alloc : memref<!tpu.dma_semaphore, #tpu.memory_space<semaphore_mem>>
        %dma_start3A_51 = arith.constant 0 : i32
        %dma_start3A_52 = tpu.memref_slice %arg4[%add3A_50, %dma_start3A_51] : memref<4096x1024xf32, #tpu.memory_space<hbm>> -> memref<32x1024xf32, #tpu.memory_space<hbm>>
        %dma_start3A_53 = arith.constant 0 : i32
        %dma_start3A_54 = tpu.memref_slice %arg4[%add3A_50, %dma_start3A_53] : memref<4096x1024xf32, #tpu.memory_space<hbm>> -> memref<32x1024xf32, #tpu.memory_space<hbm>>
        tpu.enqueue_dma source(%arg7 : memref<32x1024xf32, #tpu.memory_space<vmem>>) target(%dma_start3A_54 : memref<32x1024xf32, #tpu.memory_space<hbm>>) target_semaphore(%run_scoped3A : memref<!tpu.dma_semaphore, #tpu.memory_space<semaphore_mem>>)
        %dma_wait3A_55 = arith.constant 0 : i32
        %dma_wait3A_56 = tpu.memref_slice %arg4[%add3A_50, %dma_wait3A_55] : memref<4096x1024xf32, #tpu.memory_space<hbm>> -> memref<32x1024xf32, #tpu.memory_space<hbm>>
        %dma_wait3A_57 = arith.constant 0 : i32
        %dma_wait3A_58 = tpu.memref_slice %arg4[%add3A_50, %dma_wait3A_57] : memref<4096x1024xf32, #tpu.memory_space<hbm>> -> memref<32x1024xf32, #tpu.memory_space<hbm>>
        tpu.wait_dma2 semaphore(%run_scoped3A : memref<!tpu.dma_semaphore, #tpu.memory_space<semaphore_mem>>) src(%arg7 : memref<32x1024xf32, #tpu.memory_space<vmem>>) dst(%dma_wait3A_58 : memref<32x1024xf32, #tpu.memory_space<hbm>>)
        tpu.yield
      }) : () -> ()
    }
    %scan3A_14 = arith.constant 2 : i32
    return
  }
}

#map = affine_map<(d0, d1) -> (0, 0)>
#map1 = affine_map<(d0, d1) -> (0, 0, 0)>
module attributes {stable_mosaic.version = 14 : i64} {
  func.func @k(%arg0: i32, %arg1: i32, %arg2: memref<65536x128xf32, #tpu.memory_space<hbm>>, %arg3: memref<32x32x128xi32, #tpu.memory_space<hbm>>, %arg4: memref<131072x128xf32, #tpu.memory_space<hbm>>, %arg5: memref<32x128xi32, #tpu.memory_space<vmem>>, %arg6: memref<128x128xf32, #tpu.memory_space<vmem>>, %arg7: memref<128x128xf32, #tpu.memory_space<vmem>>, %arg8: memref<!tpu.dma_semaphore, #tpu.memory_space<semaphore_mem>>, %arg9: memref<!tpu.dma_semaphore, #tpu.memory_space<semaphore_mem>>) attributes {dimension_semantics = [#tpu.dimension_semantics<core_parallel>, #tpu.dimension_semantics<subcore_parallel>], iteration_bounds = array<i64: 2, 16>, scalar_prefetch = 0 : i64, scratch_operands = 5 : i64, tpu.core_type = #tpu.core_type<sc_vector_subcore>, window_params = [{transform_indices = #map}, {transform_indices = #map1}, {transform_indices = #map}]} {
    %mul3A = arith.constant 2 : i32
    %mul3A_0 = arith.muli %arg1, %mul3A : i32
    %add3A = arith.addi %mul3A_0, %arg0 : i32
    %mul3A_1 = arith.constant 4096 : i32
    %mul3A_2 = arith.muli %add3A, %mul3A_1 : i32
    "tpu.region"() ({
      %run_scoped3A = tpu.sem_alloc : memref<!tpu.dma_semaphore, #tpu.memory_space<semaphore_mem>>
      %dma_start3A_15 = arith.constant 0 : i32
      %dma_start3A_16 = arith.constant 0 : i32
      %dma_start3A_17 = tpu.memref_slice %arg3[%add3A, %dma_start3A_15, %dma_start3A_16] : memref<32x32x128xi32, #tpu.memory_space<hbm>> -> memref<1x32x128xi32, #tpu.memory_space<hbm>>
      %dma_start3A_18 = tpu.memref_squeeze %dma_start3A_17 : memref<1x32x128xi32, #tpu.memory_space<hbm>> -> memref<32x128xi32, #tpu.memory_space<hbm>>
      %dma_start3A_19 = arith.constant 0 : i32
      %dma_start3A_20 = arith.constant 0 : i32
      %dma_start3A_21 = tpu.memref_slice %arg3[%add3A, %dma_start3A_19, %dma_start3A_20] : memref<32x32x128xi32, #tpu.memory_space<hbm>> -> memref<1x32x128xi32, #tpu.memory_space<hbm>>
      %dma_start3A_22 = tpu.memref_squeeze %dma_start3A_21 : memref<1x32x128xi32, #tpu.memory_space<hbm>> -> memref<32x128xi32, #tpu.memory_space<hbm>>
      tpu.enqueue_dma source(%dma_start3A_22 : memref<32x128xi32, #tpu.memory_space<hbm>>) target(%arg5 : memref<32x128xi32, #tpu.memory_space<vmem>>) target_semaphore(%run_scoped3A : memref<!tpu.dma_semaphore, #tpu.memory_space<semaphore_mem>>)
      %dma_wait3A = arith.constant 0 : i32
      %dma_wait3A_23 = arith.constant 0 : i32
      %dma_wait3A_24 = tpu.memref_slice %arg3[%add3A, %dma_wait3A, %dma_wait3A_23] : memref<32x32x128xi32, #tpu.memory_space<hbm>> -> memref<1x32x128xi32, #tpu.memory_space<hbm>>
      %dma_wait3A_25 = tpu.memref_squeeze %dma_wait3A_24 : memref<1x32x128xi32, #tpu.memory_space<hbm>> -> memref<32x128xi32, #tpu.memory_space<hbm>>
      %dma_wait3A_26 = arith.constant 0 : i32
      %dma_wait3A_27 = arith.constant 0 : i32
      %dma_wait3A_28 = tpu.memref_slice %arg3[%add3A, %dma_wait3A_26, %dma_wait3A_27] : memref<32x32x128xi32, #tpu.memory_space<hbm>> -> memref<1x32x128xi32, #tpu.memory_space<hbm>>
      %dma_wait3A_29 = tpu.memref_squeeze %dma_wait3A_28 : memref<1x32x128xi32, #tpu.memory_space<hbm>> -> memref<32x128xi32, #tpu.memory_space<hbm>>
      tpu.wait_dma2 semaphore(%run_scoped3A : memref<!tpu.dma_semaphore, #tpu.memory_space<semaphore_mem>>) src(%dma_wait3A_29 : memref<32x128xi32, #tpu.memory_space<hbm>>) dst(%arg5 : memref<32x128xi32, #tpu.memory_space<vmem>>)
      tpu.yield
    }) : () -> ()
    %dma_start3A = arith.constant 0 : i32
    %dma_start3A_3 = arith.constant 0 : i32
    %dma_start3A_4 = tpu.memref_slice %arg5[%dma_start3A, %dma_start3A_3] : memref<32x128xi32, #tpu.memory_space<vmem>> -> memref<1x128xi32, #tpu.memory_space<vmem>>
    %dma_start3A_5 = tpu.memref_squeeze %dma_start3A_4 : memref<1x128xi32, #tpu.memory_space<vmem>> -> memref<128xi32, #tpu.memory_space<vmem>>
    %dma_start3A_6 = arith.constant 0 : i32
    %dma_start3A_7 = arith.constant 0 : i32
    %dma_start3A_8 = tpu.memref_slice %arg2[%dma_start3A_6, %dma_start3A_7] : memref<65536x128xf32, #tpu.memory_space<hbm>> -> memref<65536x128xf32, #tpu.memory_space<hbm>>
    tpu.enqueue_indirect_dma source(%dma_start3A_8 : memref<65536x128xf32, #tpu.memory_space<hbm>>) target(%arg6 : memref<128x128xf32, #tpu.memory_space<vmem>>) offsets(%dma_start3A_5 : memref<128xi32, #tpu.memory_space<vmem>>) semaphore(%arg8 : memref<!tpu.dma_semaphore, #tpu.memory_space<semaphore_mem>>)
    %scan3A = arith.constant 0 : i32
    %scan3A_9 = arith.constant 0 : i32
    %scan3A_10 = arith.constant 0 : i32
    %scan3A_11 = arith.constant 16 : i32
    %scan3A_12 = arith.addi %scan3A_10, %scan3A_11 : i32
    %scan3A_13 = arith.constant 1 : i32
    scf.for %scan3A_15 = %scan3A_10 to %scan3A_12 step %scan3A_13  : i32 {
      %mul3A_16 = arith.constant 2 : i32
      %mul3A_17 = arith.muli %mul3A_16, %scan3A_15 : i32
      %add3A_18 = arith.constant 1 : i32
      %add3A_19 = arith.addi %mul3A_17, %add3A_18 : i32
      %dma_start3A_20 = arith.constant 0 : i32
      %dma_start3A_21 = tpu.memref_slice %arg5[%add3A_19, %dma_start3A_20] : memref<32x128xi32, #tpu.memory_space<vmem>> -> memref<1x128xi32, #tpu.memory_space<vmem>>
      %dma_start3A_22 = tpu.memref_squeeze %dma_start3A_21 : memref<1x128xi32, #tpu.memory_space<vmem>> -> memref<128xi32, #tpu.memory_space<vmem>>
      %dma_start3A_23 = arith.constant 0 : i32
      %dma_start3A_24 = arith.constant 0 : i32
      %dma_start3A_25 = tpu.memref_slice %arg2[%dma_start3A_23, %dma_start3A_24] : memref<65536x128xf32, #tpu.memory_space<hbm>> -> memref<65536x128xf32, #tpu.memory_space<hbm>>
      tpu.enqueue_indirect_dma source(%dma_start3A_25 : memref<65536x128xf32, #tpu.memory_space<hbm>>) target(%arg7 : memref<128x128xf32, #tpu.memory_space<vmem>>) offsets(%dma_start3A_22 : memref<128xi32, #tpu.memory_space<vmem>>) semaphore(%arg9 : memref<!tpu.dma_semaphore, #tpu.memory_space<semaphore_mem>>)
      %dma_wait3A = arith.constant 0 : i32
      %dma_wait3A_26 = tpu.memref_slice %arg5[%scan3A_9, %dma_wait3A] : memref<32x128xi32, #tpu.memory_space<vmem>> -> memref<1x128xi32, #tpu.memory_space<vmem>>
      %dma_wait3A_27 = tpu.memref_squeeze %dma_wait3A_26 : memref<1x128xi32, #tpu.memory_space<vmem>> -> memref<128xi32, #tpu.memory_space<vmem>>
      %dma_wait3A_28 = arith.constant 0 : i32
      %dma_wait3A_29 = arith.constant 0 : i32
      %dma_wait3A_30 = tpu.memref_slice %arg2[%dma_wait3A_28, %dma_wait3A_29] : memref<65536x128xf32, #tpu.memory_space<hbm>> -> memref<65536x128xf32, #tpu.memory_space<hbm>>
      tpu.wait_indirect_dma semaphore(%arg8 : memref<!tpu.dma_semaphore, #tpu.memory_space<semaphore_mem>>) src(%dma_wait3A_30 : memref<65536x128xf32, #tpu.memory_space<hbm>>) dst(%arg6 : memref<128x128xf32, #tpu.memory_space<vmem>>)
      %mul3A_31 = arith.constant 2 : i32
      %mul3A_32 = arith.muli %mul3A_31, %scan3A_15 : i32
      %mul3A_33 = arith.constant 128 : i32
      %mul3A_34 = arith.muli %mul3A_32, %mul3A_33 : i32
      %add3A_35 = arith.addi %mul3A_2, %mul3A_34 : i32
      "tpu.region"() ({
        %run_scoped3A = tpu.sem_alloc : memref<!tpu.dma_semaphore, #tpu.memory_space<semaphore_mem>>
        %dma_start3A_51 = arith.constant 0 : i32
        %dma_start3A_52 = tpu.memref_slice %arg4[%add3A_35, %dma_start3A_51] : memref<131072x128xf32, #tpu.memory_space<hbm>> -> memref<128x128xf32, #tpu.memory_space<hbm>>
        %dma_start3A_53 = arith.constant 0 : i32
        %dma_start3A_54 = tpu.memref_slice %arg4[%add3A_35, %dma_start3A_53] : memref<131072x128xf32, #tpu.memory_space<hbm>> -> memref<128x128xf32, #tpu.memory_space<hbm>>
        tpu.enqueue_dma source(%arg6 : memref<128x128xf32, #tpu.memory_space<vmem>>) target(%dma_start3A_54 : memref<128x128xf32, #tpu.memory_space<hbm>>) target_semaphore(%run_scoped3A : memref<!tpu.dma_semaphore, #tpu.memory_space<semaphore_mem>>)
        %dma_wait3A_55 = arith.constant 0 : i32
        %dma_wait3A_56 = tpu.memref_slice %arg4[%add3A_35, %dma_wait3A_55] : memref<131072x128xf32, #tpu.memory_space<hbm>> -> memref<128x128xf32, #tpu.memory_space<hbm>>
        %dma_wait3A_57 = arith.constant 0 : i32
        %dma_wait3A_58 = tpu.memref_slice %arg4[%add3A_35, %dma_wait3A_57] : memref<131072x128xf32, #tpu.memory_space<hbm>> -> memref<128x128xf32, #tpu.memory_space<hbm>>
        tpu.wait_dma2 semaphore(%run_scoped3A : memref<!tpu.dma_semaphore, #tpu.memory_space<semaphore_mem>>) src(%arg6 : memref<128x128xf32, #tpu.memory_space<vmem>>) dst(%dma_wait3A_58 : memref<128x128xf32, #tpu.memory_space<hbm>>)
        tpu.yield
      }) : () -> ()
      %lt3A = arith.constant 15 : i32
      %lt3A_36 = arith.cmpi slt, %scan3A_15, %lt3A : i32
      %convert_element_type3A = arith.extui %lt3A_36 : i1 to i32
      %cond3A = arith.constant 0 : i32
      %cond3A_37 = arith.cmpi ne, %convert_element_type3A, %cond3A : i32
      scf.if %cond3A_37 {
        %mul3A_51 = arith.constant 2 : i32
        %mul3A_52 = arith.muli %mul3A_51, %scan3A_15 : i32
        %add3A_53 = arith.constant 2 : i32
        %add3A_54 = arith.addi %mul3A_52, %add3A_53 : i32
        %dma_start3A_55 = arith.constant 0 : i32
        %dma_start3A_56 = tpu.memref_slice %arg5[%add3A_54, %dma_start3A_55] : memref<32x128xi32, #tpu.memory_space<vmem>> -> memref<1x128xi32, #tpu.memory_space<vmem>>
        %dma_start3A_57 = tpu.memref_squeeze %dma_start3A_56 : memref<1x128xi32, #tpu.memory_space<vmem>> -> memref<128xi32, #tpu.memory_space<vmem>>
        %dma_start3A_58 = arith.constant 0 : i32
        %dma_start3A_59 = arith.constant 0 : i32
        %dma_start3A_60 = tpu.memref_slice %arg2[%dma_start3A_58, %dma_start3A_59] : memref<65536x128xf32, #tpu.memory_space<hbm>> -> memref<65536x128xf32, #tpu.memory_space<hbm>>
        tpu.enqueue_indirect_dma source(%dma_start3A_60 : memref<65536x128xf32, #tpu.memory_space<hbm>>) target(%arg6 : memref<128x128xf32, #tpu.memory_space<vmem>>) offsets(%dma_start3A_57 : memref<128xi32, #tpu.memory_space<vmem>>) semaphore(%arg8 : memref<!tpu.dma_semaphore, #tpu.memory_space<semaphore_mem>>)
      } else {
      }
      %dma_wait3A_38 = arith.constant 0 : i32
      %dma_wait3A_39 = tpu.memref_slice %arg5[%add3A_19, %dma_wait3A_38] : memref<32x128xi32, #tpu.memory_space<vmem>> -> memref<1x128xi32, #tpu.memory_space<vmem>>
      %dma_wait3A_40 = tpu.memref_squeeze %dma_wait3A_39 : memref<1x128xi32, #tpu.memory_space<vmem>> -> memref<128xi32, #tpu.memory_space<vmem>>
      %dma_wait3A_41 = arith.constant 0 : i32
      %dma_wait3A_42 = arith.constant 0 : i32
      %dma_wait3A_43 = tpu.memref_slice %arg2[%dma_wait3A_41, %dma_wait3A_42] : memref<65536x128xf32, #tpu.memory_space<hbm>> -> memref<65536x128xf32, #tpu.memory_space<hbm>>
      tpu.wait_indirect_dma semaphore(%arg9 : memref<!tpu.dma_semaphore, #tpu.memory_space<semaphore_mem>>) src(%dma_wait3A_43 : memref<65536x128xf32, #tpu.memory_space<hbm>>) dst(%arg7 : memref<128x128xf32, #tpu.memory_space<vmem>>)
      %mul3A_44 = arith.constant 2 : i32
      %mul3A_45 = arith.muli %mul3A_44, %scan3A_15 : i32
      %add3A_46 = arith.constant 1 : i32
      %add3A_47 = arith.addi %mul3A_45, %add3A_46 : i32
      %mul3A_48 = arith.constant 128 : i32
      %mul3A_49 = arith.muli %add3A_47, %mul3A_48 : i32
      %add3A_50 = arith.addi %mul3A_2, %mul3A_49 : i32
      "tpu.region"() ({
        %run_scoped3A = tpu.sem_alloc : memref<!tpu.dma_semaphore, #tpu.memory_space<semaphore_mem>>
        %dma_start3A_51 = arith.constant 0 : i32
        %dma_start3A_52 = tpu.memref_slice %arg4[%add3A_50, %dma_start3A_51] : memref<131072x128xf32, #tpu.memory_space<hbm>> -> memref<128x128xf32, #tpu.memory_space<hbm>>
        %dma_start3A_53 = arith.constant 0 : i32
        %dma_start3A_54 = tpu.memref_slice %arg4[%add3A_50, %dma_start3A_53] : memref<131072x128xf32, #tpu.memory_space<hbm>> -> memref<128x128xf32, #tpu.memory_space<hbm>>
        tpu.enqueue_dma source(%arg7 : memref<128x128xf32, #tpu.memory_space<vmem>>) target(%dma_start3A_54 : memref<128x128xf32, #tpu.memory_space<hbm>>) target_semaphore(%run_scoped3A : memref<!tpu.dma_semaphore, #tpu.memory_space<semaphore_mem>>)
        %dma_wait3A_55 = arith.constant 0 : i32
        %dma_wait3A_56 = tpu.memref_slice %arg4[%add3A_50, %dma_wait3A_55] : memref<131072x128xf32, #tpu.memory_space<hbm>> -> memref<128x128xf32, #tpu.memory_space<hbm>>
        %dma_wait3A_57 = arith.constant 0 : i32
        %dma_wait3A_58 = tpu.memref_slice %arg4[%add3A_50, %dma_wait3A_57] : memref<131072x128xf32, #tpu.memory_space<hbm>> -> memref<128x128xf32, #tpu.memory_space<hbm>>
        tpu.wait_dma2 semaphore(%run_scoped3A : memref<!tpu.dma_semaphore, #tpu.memory_space<semaphore_mem>>) src(%arg7 : memref<128x128xf32, #tpu.memory_space<vmem>>) dst(%dma_wait3A_58 : memref<128x128xf32, #tpu.memory_space<hbm>>)
        tpu.yield
      }) : () -> ()
    }
    %scan3A_14 = arith.constant 16 : i32
    return
  }
}

#map = affine_map<(d0, d1) -> (0, 0)>
#map1 = affine_map<(d0, d1) -> (0, 0, 0)>
module attributes {stable_mosaic.version = 14 : i64} {
  func.func @k(%arg0: i32, %arg1: i32, %arg2: memref<131072x128xf32, #tpu.memory_space<hbm>>, %arg3: memref<32x32x128xi32, #tpu.memory_space<hbm>>, %arg4: memref<131072x128xf32, #tpu.memory_space<hbm>>, %arg5: memref<32x128xi32, #tpu.memory_space<vmem>>, %arg6: memref<128x128xf32, #tpu.memory_space<vmem>>, %arg7: memref<128x128xf32, #tpu.memory_space<vmem>>, %arg8: memref<!tpu.dma_semaphore, #tpu.memory_space<semaphore_mem>>, %arg9: memref<!tpu.dma_semaphore, #tpu.memory_space<semaphore_mem>>) attributes {dimension_semantics = [#tpu.dimension_semantics<core_parallel>, #tpu.dimension_semantics<subcore_parallel>], iteration_bounds = array<i64: 2, 16>, scalar_prefetch = 0 : i64, scratch_operands = 5 : i64, tpu.core_type = #tpu.core_type<sc_vector_subcore>, window_params = [{transform_indices = #map}, {transform_indices = #map1}, {transform_indices = #map}]} {
    %mul3A = arith.constant 2 : i32
    %mul3A_0 = arith.muli %arg1, %mul3A : i32
    %add3A = arith.addi %mul3A_0, %arg0 : i32
    %mul3A_1 = arith.constant 4096 : i32
    %mul3A_2 = arith.muli %add3A, %mul3A_1 : i32
    "tpu.region"() ({
      %run_scoped3A = tpu.sem_alloc : memref<!tpu.dma_semaphore, #tpu.memory_space<semaphore_mem>>
      %dma_start3A_15 = arith.constant 0 : i32
      %dma_start3A_16 = arith.constant 0 : i32
      %dma_start3A_17 = tpu.memref_slice %arg3[%add3A, %dma_start3A_15, %dma_start3A_16] : memref<32x32x128xi32, #tpu.memory_space<hbm>> -> memref<1x32x128xi32, #tpu.memory_space<hbm>>
      %dma_start3A_18 = tpu.memref_squeeze %dma_start3A_17 : memref<1x32x128xi32, #tpu.memory_space<hbm>> -> memref<32x128xi32, #tpu.memory_space<hbm>>
      %dma_start3A_19 = arith.constant 0 : i32
      %dma_start3A_20 = arith.constant 0 : i32
      %dma_start3A_21 = tpu.memref_slice %arg3[%add3A, %dma_start3A_19, %dma_start3A_20] : memref<32x32x128xi32, #tpu.memory_space<hbm>> -> memref<1x32x128xi32, #tpu.memory_space<hbm>>
      %dma_start3A_22 = tpu.memref_squeeze %dma_start3A_21 : memref<1x32x128xi32, #tpu.memory_space<hbm>> -> memref<32x128xi32, #tpu.memory_space<hbm>>
      tpu.enqueue_dma source(%dma_start3A_22 : memref<32x128xi32, #tpu.memory_space<hbm>>) target(%arg5 : memref<32x128xi32, #tpu.memory_space<vmem>>) target_semaphore(%run_scoped3A : memref<!tpu.dma_semaphore, #tpu.memory_space<semaphore_mem>>)
      %dma_wait3A = arith.constant 0 : i32
      %dma_wait3A_23 = arith.constant 0 : i32
      %dma_wait3A_24 = tpu.memref_slice %arg3[%add3A, %dma_wait3A, %dma_wait3A_23] : memref<32x32x128xi32, #tpu.memory_space<hbm>> -> memref<1x32x128xi32, #tpu.memory_space<hbm>>
      %dma_wait3A_25 = tpu.memref_squeeze %dma_wait3A_24 : memref<1x32x128xi32, #tpu.memory_space<hbm>> -> memref<32x128xi32, #tpu.memory_space<hbm>>
      %dma_wait3A_26 = arith.constant 0 : i32
      %dma_wait3A_27 = arith.constant 0 : i32
      %dma_wait3A_28 = tpu.memref_slice %arg3[%add3A, %dma_wait3A_26, %dma_wait3A_27] : memref<32x32x128xi32, #tpu.memory_space<hbm>> -> memref<1x32x128xi32, #tpu.memory_space<hbm>>
      %dma_wait3A_29 = tpu.memref_squeeze %dma_wait3A_28 : memref<1x32x128xi32, #tpu.memory_space<hbm>> -> memref<32x128xi32, #tpu.memory_space<hbm>>
      tpu.wait_dma2 semaphore(%run_scoped3A : memref<!tpu.dma_semaphore, #tpu.memory_space<semaphore_mem>>) src(%dma_wait3A_29 : memref<32x128xi32, #tpu.memory_space<hbm>>) dst(%arg5 : memref<32x128xi32, #tpu.memory_space<vmem>>)
      tpu.yield
    }) : () -> ()
    %dma_start3A = arith.constant 0 : i32
    %dma_start3A_3 = arith.constant 0 : i32
    %dma_start3A_4 = tpu.memref_slice %arg5[%dma_start3A, %dma_start3A_3] : memref<32x128xi32, #tpu.memory_space<vmem>> -> memref<1x128xi32, #tpu.memory_space<vmem>>
    %dma_start3A_5 = tpu.memref_squeeze %dma_start3A_4 : memref<1x128xi32, #tpu.memory_space<vmem>> -> memref<128xi32, #tpu.memory_space<vmem>>
    %dma_start3A_6 = arith.constant 0 : i32
    %dma_start3A_7 = arith.constant 0 : i32
    %dma_start3A_8 = tpu.memref_slice %arg2[%dma_start3A_6, %dma_start3A_7] : memref<131072x128xf32, #tpu.memory_space<hbm>> -> memref<131072x128xf32, #tpu.memory_space<hbm>>
    tpu.enqueue_indirect_dma source(%dma_start3A_8 : memref<131072x128xf32, #tpu.memory_space<hbm>>) target(%arg6 : memref<128x128xf32, #tpu.memory_space<vmem>>) offsets(%dma_start3A_5 : memref<128xi32, #tpu.memory_space<vmem>>) semaphore(%arg8 : memref<!tpu.dma_semaphore, #tpu.memory_space<semaphore_mem>>)
    %scan3A = arith.constant 0 : i32
    %scan3A_9 = arith.constant 0 : i32
    %scan3A_10 = arith.constant 0 : i32
    %scan3A_11 = arith.constant 16 : i32
    %scan3A_12 = arith.addi %scan3A_10, %scan3A_11 : i32
    %scan3A_13 = arith.constant 1 : i32
    scf.for %scan3A_15 = %scan3A_10 to %scan3A_12 step %scan3A_13  : i32 {
      %mul3A_16 = arith.constant 2 : i32
      %mul3A_17 = arith.muli %mul3A_16, %scan3A_15 : i32
      %add3A_18 = arith.constant 1 : i32
      %add3A_19 = arith.addi %mul3A_17, %add3A_18 : i32
      %dma_start3A_20 = arith.constant 0 : i32
      %dma_start3A_21 = tpu.memref_slice %arg5[%add3A_19, %dma_start3A_20] : memref<32x128xi32, #tpu.memory_space<vmem>> -> memref<1x128xi32, #tpu.memory_space<vmem>>
      %dma_start3A_22 = tpu.memref_squeeze %dma_start3A_21 : memref<1x128xi32, #tpu.memory_space<vmem>> -> memref<128xi32, #tpu.memory_space<vmem>>
      %dma_start3A_23 = arith.constant 0 : i32
      %dma_start3A_24 = arith.constant 0 : i32
      %dma_start3A_25 = tpu.memref_slice %arg2[%dma_start3A_23, %dma_start3A_24] : memref<131072x128xf32, #tpu.memory_space<hbm>> -> memref<131072x128xf32, #tpu.memory_space<hbm>>
      tpu.enqueue_indirect_dma source(%dma_start3A_25 : memref<131072x128xf32, #tpu.memory_space<hbm>>) target(%arg7 : memref<128x128xf32, #tpu.memory_space<vmem>>) offsets(%dma_start3A_22 : memref<128xi32, #tpu.memory_space<vmem>>) semaphore(%arg9 : memref<!tpu.dma_semaphore, #tpu.memory_space<semaphore_mem>>)
      %dma_wait3A = arith.constant 0 : i32
      %dma_wait3A_26 = tpu.memref_slice %arg5[%scan3A_9, %dma_wait3A] : memref<32x128xi32, #tpu.memory_space<vmem>> -> memref<1x128xi32, #tpu.memory_space<vmem>>
      %dma_wait3A_27 = tpu.memref_squeeze %dma_wait3A_26 : memref<1x128xi32, #tpu.memory_space<vmem>> -> memref<128xi32, #tpu.memory_space<vmem>>
      %dma_wait3A_28 = arith.constant 0 : i32
      %dma_wait3A_29 = arith.constant 0 : i32
      %dma_wait3A_30 = tpu.memref_slice %arg2[%dma_wait3A_28, %dma_wait3A_29] : memref<131072x128xf32, #tpu.memory_space<hbm>> -> memref<131072x128xf32, #tpu.memory_space<hbm>>
      tpu.wait_indirect_dma semaphore(%arg8 : memref<!tpu.dma_semaphore, #tpu.memory_space<semaphore_mem>>) src(%dma_wait3A_30 : memref<131072x128xf32, #tpu.memory_space<hbm>>) dst(%arg6 : memref<128x128xf32, #tpu.memory_space<vmem>>)
      %mul3A_31 = arith.constant 2 : i32
      %mul3A_32 = arith.muli %mul3A_31, %scan3A_15 : i32
      %mul3A_33 = arith.constant 128 : i32
      %mul3A_34 = arith.muli %mul3A_32, %mul3A_33 : i32
      %add3A_35 = arith.addi %mul3A_2, %mul3A_34 : i32
      "tpu.region"() ({
        %run_scoped3A = tpu.sem_alloc : memref<!tpu.dma_semaphore, #tpu.memory_space<semaphore_mem>>
        %dma_start3A_51 = arith.constant 0 : i32
        %dma_start3A_52 = tpu.memref_slice %arg4[%add3A_35, %dma_start3A_51] : memref<131072x128xf32, #tpu.memory_space<hbm>> -> memref<128x128xf32, #tpu.memory_space<hbm>>
        %dma_start3A_53 = arith.constant 0 : i32
        %dma_start3A_54 = tpu.memref_slice %arg4[%add3A_35, %dma_start3A_53] : memref<131072x128xf32, #tpu.memory_space<hbm>> -> memref<128x128xf32, #tpu.memory_space<hbm>>
        tpu.enqueue_dma source(%arg6 : memref<128x128xf32, #tpu.memory_space<vmem>>) target(%dma_start3A_54 : memref<128x128xf32, #tpu.memory_space<hbm>>) target_semaphore(%run_scoped3A : memref<!tpu.dma_semaphore, #tpu.memory_space<semaphore_mem>>)
        %dma_wait3A_55 = arith.constant 0 : i32
        %dma_wait3A_56 = tpu.memref_slice %arg4[%add3A_35, %dma_wait3A_55] : memref<131072x128xf32, #tpu.memory_space<hbm>> -> memref<128x128xf32, #tpu.memory_space<hbm>>
        %dma_wait3A_57 = arith.constant 0 : i32
        %dma_wait3A_58 = tpu.memref_slice %arg4[%add3A_35, %dma_wait3A_57] : memref<131072x128xf32, #tpu.memory_space<hbm>> -> memref<128x128xf32, #tpu.memory_space<hbm>>
        tpu.wait_dma2 semaphore(%run_scoped3A : memref<!tpu.dma_semaphore, #tpu.memory_space<semaphore_mem>>) src(%arg6 : memref<128x128xf32, #tpu.memory_space<vmem>>) dst(%dma_wait3A_58 : memref<128x128xf32, #tpu.memory_space<hbm>>)
        tpu.yield
      }) : () -> ()
      %lt3A = arith.constant 15 : i32
      %lt3A_36 = arith.cmpi slt, %scan3A_15, %lt3A : i32
      %convert_element_type3A = arith.extui %lt3A_36 : i1 to i32
      %cond3A = arith.constant 0 : i32
      %cond3A_37 = arith.cmpi ne, %convert_element_type3A, %cond3A : i32
      scf.if %cond3A_37 {
        %mul3A_51 = arith.constant 2 : i32
        %mul3A_52 = arith.muli %mul3A_51, %scan3A_15 : i32
        %add3A_53 = arith.constant 2 : i32
        %add3A_54 = arith.addi %mul3A_52, %add3A_53 : i32
        %dma_start3A_55 = arith.constant 0 : i32
        %dma_start3A_56 = tpu.memref_slice %arg5[%add3A_54, %dma_start3A_55] : memref<32x128xi32, #tpu.memory_space<vmem>> -> memref<1x128xi32, #tpu.memory_space<vmem>>
        %dma_start3A_57 = tpu.memref_squeeze %dma_start3A_56 : memref<1x128xi32, #tpu.memory_space<vmem>> -> memref<128xi32, #tpu.memory_space<vmem>>
        %dma_start3A_58 = arith.constant 0 : i32
        %dma_start3A_59 = arith.constant 0 : i32
        %dma_start3A_60 = tpu.memref_slice %arg2[%dma_start3A_58, %dma_start3A_59] : memref<131072x128xf32, #tpu.memory_space<hbm>> -> memref<131072x128xf32, #tpu.memory_space<hbm>>
        tpu.enqueue_indirect_dma source(%dma_start3A_60 : memref<131072x128xf32, #tpu.memory_space<hbm>>) target(%arg6 : memref<128x128xf32, #tpu.memory_space<vmem>>) offsets(%dma_start3A_57 : memref<128xi32, #tpu.memory_space<vmem>>) semaphore(%arg8 : memref<!tpu.dma_semaphore, #tpu.memory_space<semaphore_mem>>)
      } else {
      }
      %dma_wait3A_38 = arith.constant 0 : i32
      %dma_wait3A_39 = tpu.memref_slice %arg5[%add3A_19, %dma_wait3A_38] : memref<32x128xi32, #tpu.memory_space<vmem>> -> memref<1x128xi32, #tpu.memory_space<vmem>>
      %dma_wait3A_40 = tpu.memref_squeeze %dma_wait3A_39 : memref<1x128xi32, #tpu.memory_space<vmem>> -> memref<128xi32, #tpu.memory_space<vmem>>
      %dma_wait3A_41 = arith.constant 0 : i32
      %dma_wait3A_42 = arith.constant 0 : i32
      %dma_wait3A_43 = tpu.memref_slice %arg2[%dma_wait3A_41, %dma_wait3A_42] : memref<131072x128xf32, #tpu.memory_space<hbm>> -> memref<131072x128xf32, #tpu.memory_space<hbm>>
      tpu.wait_indirect_dma semaphore(%arg9 : memref<!tpu.dma_semaphore, #tpu.memory_space<semaphore_mem>>) src(%dma_wait3A_43 : memref<131072x128xf32, #tpu.memory_space<hbm>>) dst(%arg7 : memref<128x128xf32, #tpu.memory_space<vmem>>)
      %mul3A_44 = arith.constant 2 : i32
      %mul3A_45 = arith.muli %mul3A_44, %scan3A_15 : i32
      %add3A_46 = arith.constant 1 : i32
      %add3A_47 = arith.addi %mul3A_45, %add3A_46 : i32
      %mul3A_48 = arith.constant 128 : i32
      %mul3A_49 = arith.muli %add3A_47, %mul3A_48 : i32
      %add3A_50 = arith.addi %mul3A_2, %mul3A_49 : i32
      "tpu.region"() ({
        %run_scoped3A = tpu.sem_alloc : memref<!tpu.dma_semaphore, #tpu.memory_space<semaphore_mem>>
        %dma_start3A_51 = arith.constant 0 : i32
        %dma_start3A_52 = tpu.memref_slice %arg4[%add3A_50, %dma_start3A_51] : memref<131072x128xf32, #tpu.memory_space<hbm>> -> memref<128x128xf32, #tpu.memory_space<hbm>>
        %dma_start3A_53 = arith.constant 0 : i32
        %dma_start3A_54 = tpu.memref_slice %arg4[%add3A_50, %dma_start3A_53] : memref<131072x128xf32, #tpu.memory_space<hbm>> -> memref<128x128xf32, #tpu.memory_space<hbm>>
        tpu.enqueue_dma source(%arg7 : memref<128x128xf32, #tpu.memory_space<vmem>>) target(%dma_start3A_54 : memref<128x128xf32, #tpu.memory_space<hbm>>) target_semaphore(%run_scoped3A : memref<!tpu.dma_semaphore, #tpu.memory_space<semaphore_mem>>)
        %dma_wait3A_55 = arith.constant 0 : i32
        %dma_wait3A_56 = tpu.memref_slice %arg4[%add3A_50, %dma_wait3A_55] : memref<131072x128xf32, #tpu.memory_space<hbm>> -> memref<128x128xf32, #tpu.memory_space<hbm>>
        %dma_wait3A_57 = arith.constant 0 : i32
        %dma_wait3A_58 = tpu.memref_slice %arg4[%add3A_50, %dma_wait3A_57] : memref<131072x128xf32, #tpu.memory_space<hbm>> -> memref<128x128xf32, #tpu.memory_space<hbm>>
        tpu.wait_dma2 semaphore(%run_scoped3A : memref<!tpu.dma_semaphore, #tpu.memory_space<semaphore_mem>>) src(%arg7 : memref<128x128xf32, #tpu.memory_space<vmem>>) dst(%dma_wait3A_58 : memref<128x128xf32, #tpu.memory_space<hbm>>)
        tpu.yield
      }) : () -> ()
    }
    %scan3A_14 = arith.constant 16 : i32
    return
  }
}

#map = affine_map<(d0, d1) -> (0, 0)>
#map1 = affine_map<(d0, d1) -> (0, 0, 0)>
module attributes {stable_mosaic.version = 14 : i64} {
  func.func @k(%arg0: i32, %arg1: i32, %arg2: memref<65536x128xf32, #tpu.memory_space<hbm>>, %arg3: memref<32x32x128xi32, #tpu.memory_space<hbm>>, %arg4: memref<131072x128xf32, #tpu.memory_space<hbm>>, %arg5: memref<32x128xi32, #tpu.memory_space<vmem>>, %arg6: memref<128x128xf32, #tpu.memory_space<vmem>>, %arg7: memref<128x128xf32, #tpu.memory_space<vmem>>, %arg8: memref<!tpu.dma_semaphore, #tpu.memory_space<semaphore_mem>>, %arg9: memref<!tpu.dma_semaphore, #tpu.memory_space<semaphore_mem>>) attributes {dimension_semantics = [#tpu.dimension_semantics<core_parallel>, #tpu.dimension_semantics<subcore_parallel>], iteration_bounds = array<i64: 2, 16>, scalar_prefetch = 0 : i64, scratch_operands = 5 : i64, tpu.core_type = #tpu.core_type<sc_vector_subcore>, window_params = [{transform_indices = #map}, {transform_indices = #map1}, {transform_indices = #map}]} {
    %mul3A = arith.constant 2 : i32
    %mul3A_0 = arith.muli %arg1, %mul3A : i32
    %add3A = arith.addi %mul3A_0, %arg0 : i32
    %mul3A_1 = arith.constant 4096 : i32
    %mul3A_2 = arith.muli %add3A, %mul3A_1 : i32
    "tpu.region"() ({
      %run_scoped3A = tpu.sem_alloc : memref<!tpu.dma_semaphore, #tpu.memory_space<semaphore_mem>>
      %dma_start3A_15 = arith.constant 0 : i32
      %dma_start3A_16 = arith.constant 0 : i32
      %dma_start3A_17 = tpu.memref_slice %arg3[%add3A, %dma_start3A_15, %dma_start3A_16] : memref<32x32x128xi32, #tpu.memory_space<hbm>> -> memref<1x32x128xi32, #tpu.memory_space<hbm>>
      %dma_start3A_18 = tpu.memref_squeeze %dma_start3A_17 : memref<1x32x128xi32, #tpu.memory_space<hbm>> -> memref<32x128xi32, #tpu.memory_space<hbm>>
      %dma_start3A_19 = arith.constant 0 : i32
      %dma_start3A_20 = arith.constant 0 : i32
      %dma_start3A_21 = tpu.memref_slice %arg3[%add3A, %dma_start3A_19, %dma_start3A_20] : memref<32x32x128xi32, #tpu.memory_space<hbm>> -> memref<1x32x128xi32, #tpu.memory_space<hbm>>
      %dma_start3A_22 = tpu.memref_squeeze %dma_start3A_21 : memref<1x32x128xi32, #tpu.memory_space<hbm>> -> memref<32x128xi32, #tpu.memory_space<hbm>>
      tpu.enqueue_dma source(%dma_start3A_22 : memref<32x128xi32, #tpu.memory_space<hbm>>) target(%arg5 : memref<32x128xi32, #tpu.memory_space<vmem>>) target_semaphore(%run_scoped3A : memref<!tpu.dma_semaphore, #tpu.memory_space<semaphore_mem>>)
      %dma_wait3A = arith.constant 0 : i32
      %dma_wait3A_23 = arith.constant 0 : i32
      %dma_wait3A_24 = tpu.memref_slice %arg3[%add3A, %dma_wait3A, %dma_wait3A_23] : memref<32x32x128xi32, #tpu.memory_space<hbm>> -> memref<1x32x128xi32, #tpu.memory_space<hbm>>
      %dma_wait3A_25 = tpu.memref_squeeze %dma_wait3A_24 : memref<1x32x128xi32, #tpu.memory_space<hbm>> -> memref<32x128xi32, #tpu.memory_space<hbm>>
      %dma_wait3A_26 = arith.constant 0 : i32
      %dma_wait3A_27 = arith.constant 0 : i32
      %dma_wait3A_28 = tpu.memref_slice %arg3[%add3A, %dma_wait3A_26, %dma_wait3A_27] : memref<32x32x128xi32, #tpu.memory_space<hbm>> -> memref<1x32x128xi32, #tpu.memory_space<hbm>>
      %dma_wait3A_29 = tpu.memref_squeeze %dma_wait3A_28 : memref<1x32x128xi32, #tpu.memory_space<hbm>> -> memref<32x128xi32, #tpu.memory_space<hbm>>
      tpu.wait_dma2 semaphore(%run_scoped3A : memref<!tpu.dma_semaphore, #tpu.memory_space<semaphore_mem>>) src(%dma_wait3A_29 : memref<32x128xi32, #tpu.memory_space<hbm>>) dst(%arg5 : memref<32x128xi32, #tpu.memory_space<vmem>>)
      tpu.yield
    }) : () -> ()
    %dma_start3A = arith.constant 0 : i32
    %dma_start3A_3 = arith.constant 0 : i32
    %dma_start3A_4 = tpu.memref_slice %arg5[%dma_start3A, %dma_start3A_3] : memref<32x128xi32, #tpu.memory_space<vmem>> -> memref<1x128xi32, #tpu.memory_space<vmem>>
    %dma_start3A_5 = tpu.memref_squeeze %dma_start3A_4 : memref<1x128xi32, #tpu.memory_space<vmem>> -> memref<128xi32, #tpu.memory_space<vmem>>
    %dma_start3A_6 = arith.constant 0 : i32
    %dma_start3A_7 = arith.constant 0 : i32
    %dma_start3A_8 = tpu.memref_slice %arg2[%dma_start3A_6, %dma_start3A_7] : memref<65536x128xf32, #tpu.memory_space<hbm>> -> memref<65536x128xf32, #tpu.memory_space<hbm>>
    tpu.enqueue_indirect_dma source(%dma_start3A_8 : memref<65536x128xf32, #tpu.memory_space<hbm>>) target(%arg6 : memref<128x128xf32, #tpu.memory_space<vmem>>) offsets(%dma_start3A_5 : memref<128xi32, #tpu.memory_space<vmem>>) semaphore(%arg8 : memref<!tpu.dma_semaphore, #tpu.memory_space<semaphore_mem>>)
    %scan3A = arith.constant 0 : i32
    %scan3A_9 = arith.constant 0 : i32
    %scan3A_10 = arith.constant 0 : i32
    %scan3A_11 = arith.constant 16 : i32
    %scan3A_12 = arith.addi %scan3A_10, %scan3A_11 : i32
    %scan3A_13 = arith.constant 1 : i32
    scf.for %scan3A_15 = %scan3A_10 to %scan3A_12 step %scan3A_13  : i32 {
      %mul3A_16 = arith.constant 2 : i32
      %mul3A_17 = arith.muli %mul3A_16, %scan3A_15 : i32
      %add3A_18 = arith.constant 1 : i32
      %add3A_19 = arith.addi %mul3A_17, %add3A_18 : i32
      %dma_start3A_20 = arith.constant 0 : i32
      %dma_start3A_21 = tpu.memref_slice %arg5[%add3A_19, %dma_start3A_20] : memref<32x128xi32, #tpu.memory_space<vmem>> -> memref<1x128xi32, #tpu.memory_space<vmem>>
      %dma_start3A_22 = tpu.memref_squeeze %dma_start3A_21 : memref<1x128xi32, #tpu.memory_space<vmem>> -> memref<128xi32, #tpu.memory_space<vmem>>
      %dma_start3A_23 = arith.constant 0 : i32
      %dma_start3A_24 = arith.constant 0 : i32
      %dma_start3A_25 = tpu.memref_slice %arg2[%dma_start3A_23, %dma_start3A_24] : memref<65536x128xf32, #tpu.memory_space<hbm>> -> memref<65536x128xf32, #tpu.memory_space<hbm>>
      tpu.enqueue_indirect_dma source(%dma_start3A_25 : memref<65536x128xf32, #tpu.memory_space<hbm>>) target(%arg7 : memref<128x128xf32, #tpu.memory_space<vmem>>) offsets(%dma_start3A_22 : memref<128xi32, #tpu.memory_space<vmem>>) semaphore(%arg9 : memref<!tpu.dma_semaphore, #tpu.memory_space<semaphore_mem>>)
      %dma_wait3A = arith.constant 0 : i32
      %dma_wait3A_26 = tpu.memref_slice %arg5[%scan3A_9, %dma_wait3A] : memref<32x128xi32, #tpu.memory_space<vmem>> -> memref<1x128xi32, #tpu.memory_space<vmem>>
      %dma_wait3A_27 = tpu.memref_squeeze %dma_wait3A_26 : memref<1x128xi32, #tpu.memory_space<vmem>> -> memref<128xi32, #tpu.memory_space<vmem>>
      %dma_wait3A_28 = arith.constant 0 : i32
      %dma_wait3A_29 = arith.constant 0 : i32
      %dma_wait3A_30 = tpu.memref_slice %arg2[%dma_wait3A_28, %dma_wait3A_29] : memref<65536x128xf32, #tpu.memory_space<hbm>> -> memref<65536x128xf32, #tpu.memory_space<hbm>>
      tpu.wait_indirect_dma semaphore(%arg8 : memref<!tpu.dma_semaphore, #tpu.memory_space<semaphore_mem>>) src(%dma_wait3A_30 : memref<65536x128xf32, #tpu.memory_space<hbm>>) dst(%arg6 : memref<128x128xf32, #tpu.memory_space<vmem>>)
      %mul3A_31 = arith.constant 2 : i32
      %mul3A_32 = arith.muli %mul3A_31, %scan3A_15 : i32
      %mul3A_33 = arith.constant 128 : i32
      %mul3A_34 = arith.muli %mul3A_32, %mul3A_33 : i32
      %add3A_35 = arith.addi %mul3A_2, %mul3A_34 : i32
      "tpu.region"() ({
        %run_scoped3A = tpu.sem_alloc : memref<!tpu.dma_semaphore, #tpu.memory_space<semaphore_mem>>
        %dma_start3A_51 = arith.constant 0 : i32
        %dma_start3A_52 = tpu.memref_slice %arg4[%add3A_35, %dma_start3A_51] : memref<131072x128xf32, #tpu.memory_space<hbm>> -> memref<128x128xf32, #tpu.memory_space<hbm>>
        %dma_start3A_53 = arith.constant 0 : i32
        %dma_start3A_54 = tpu.memref_slice %arg4[%add3A_35, %dma_start3A_53] : memref<131072x128xf32, #tpu.memory_space<hbm>> -> memref<128x128xf32, #tpu.memory_space<hbm>>
        tpu.enqueue_dma source(%arg6 : memref<128x128xf32, #tpu.memory_space<vmem>>) target(%dma_start3A_54 : memref<128x128xf32, #tpu.memory_space<hbm>>) target_semaphore(%run_scoped3A : memref<!tpu.dma_semaphore, #tpu.memory_space<semaphore_mem>>)
        %dma_wait3A_55 = arith.constant 0 : i32
        %dma_wait3A_56 = tpu.memref_slice %arg4[%add3A_35, %dma_wait3A_55] : memref<131072x128xf32, #tpu.memory_space<hbm>> -> memref<128x128xf32, #tpu.memory_space<hbm>>
        %dma_wait3A_57 = arith.constant 0 : i32
        %dma_wait3A_58 = tpu.memref_slice %arg4[%add3A_35, %dma_wait3A_57] : memref<131072x128xf32, #tpu.memory_space<hbm>> -> memref<128x128xf32, #tpu.memory_space<hbm>>
        tpu.wait_dma2 semaphore(%run_scoped3A : memref<!tpu.dma_semaphore, #tpu.memory_space<semaphore_mem>>) src(%arg6 : memref<128x128xf32, #tpu.memory_space<vmem>>) dst(%dma_wait3A_58 : memref<128x128xf32, #tpu.memory_space<hbm>>)
        tpu.yield
      }) : () -> ()
      %lt3A = arith.constant 15 : i32
      %lt3A_36 = arith.cmpi slt, %scan3A_15, %lt3A : i32
      %convert_element_type3A = arith.extui %lt3A_36 : i1 to i32
      %cond3A = arith.constant 0 : i32
      %cond3A_37 = arith.cmpi ne, %convert_element_type3A, %cond3A : i32
      scf.if %cond3A_37 {
        %mul3A_51 = arith.constant 2 : i32
        %mul3A_52 = arith.muli %mul3A_51, %scan3A_15 : i32
        %add3A_53 = arith.constant 2 : i32
        %add3A_54 = arith.addi %mul3A_52, %add3A_53 : i32
        %dma_start3A_55 = arith.constant 0 : i32
        %dma_start3A_56 = tpu.memref_slice %arg5[%add3A_54, %dma_start3A_55] : memref<32x128xi32, #tpu.memory_space<vmem>> -> memref<1x128xi32, #tpu.memory_space<vmem>>
        %dma_start3A_57 = tpu.memref_squeeze %dma_start3A_56 : memref<1x128xi32, #tpu.memory_space<vmem>> -> memref<128xi32, #tpu.memory_space<vmem>>
        %dma_start3A_58 = arith.constant 0 : i32
        %dma_start3A_59 = arith.constant 0 : i32
        %dma_start3A_60 = tpu.memref_slice %arg2[%dma_start3A_58, %dma_start3A_59] : memref<65536x128xf32, #tpu.memory_space<hbm>> -> memref<65536x128xf32, #tpu.memory_space<hbm>>
        tpu.enqueue_indirect_dma source(%dma_start3A_60 : memref<65536x128xf32, #tpu.memory_space<hbm>>) target(%arg6 : memref<128x128xf32, #tpu.memory_space<vmem>>) offsets(%dma_start3A_57 : memref<128xi32, #tpu.memory_space<vmem>>) semaphore(%arg8 : memref<!tpu.dma_semaphore, #tpu.memory_space<semaphore_mem>>)
      } else {
      }
      %dma_wait3A_38 = arith.constant 0 : i32
      %dma_wait3A_39 = tpu.memref_slice %arg5[%add3A_19, %dma_wait3A_38] : memref<32x128xi32, #tpu.memory_space<vmem>> -> memref<1x128xi32, #tpu.memory_space<vmem>>
      %dma_wait3A_40 = tpu.memref_squeeze %dma_wait3A_39 : memref<1x128xi32, #tpu.memory_space<vmem>> -> memref<128xi32, #tpu.memory_space<vmem>>
      %dma_wait3A_41 = arith.constant 0 : i32
      %dma_wait3A_42 = arith.constant 0 : i32
      %dma_wait3A_43 = tpu.memref_slice %arg2[%dma_wait3A_41, %dma_wait3A_42] : memref<65536x128xf32, #tpu.memory_space<hbm>> -> memref<65536x128xf32, #tpu.memory_space<hbm>>
      tpu.wait_indirect_dma semaphore(%arg9 : memref<!tpu.dma_semaphore, #tpu.memory_space<semaphore_mem>>) src(%dma_wait3A_43 : memref<65536x128xf32, #tpu.memory_space<hbm>>) dst(%arg7 : memref<128x128xf32, #tpu.memory_space<vmem>>)
      %mul3A_44 = arith.constant 2 : i32
      %mul3A_45 = arith.muli %mul3A_44, %scan3A_15 : i32
      %add3A_46 = arith.constant 1 : i32
      %add3A_47 = arith.addi %mul3A_45, %add3A_46 : i32
      %mul3A_48 = arith.constant 128 : i32
      %mul3A_49 = arith.muli %add3A_47, %mul3A_48 : i32
      %add3A_50 = arith.addi %mul3A_2, %mul3A_49 : i32
      "tpu.region"() ({
        %run_scoped3A = tpu.sem_alloc : memref<!tpu.dma_semaphore, #tpu.memory_space<semaphore_mem>>
        %dma_start3A_51 = arith.constant 0 : i32
        %dma_start3A_52 = tpu.memref_slice %arg4[%add3A_50, %dma_start3A_51] : memref<131072x128xf32, #tpu.memory_space<hbm>> -> memref<128x128xf32, #tpu.memory_space<hbm>>
        %dma_start3A_53 = arith.constant 0 : i32
        %dma_start3A_54 = tpu.memref_slice %arg4[%add3A_50, %dma_start3A_53] : memref<131072x128xf32, #tpu.memory_space<hbm>> -> memref<128x128xf32, #tpu.memory_space<hbm>>
        tpu.enqueue_dma source(%arg7 : memref<128x128xf32, #tpu.memory_space<vmem>>) target(%dma_start3A_54 : memref<128x128xf32, #tpu.memory_space<hbm>>) target_semaphore(%run_scoped3A : memref<!tpu.dma_semaphore, #tpu.memory_space<semaphore_mem>>)
        %dma_wait3A_55 = arith.constant 0 : i32
        %dma_wait3A_56 = tpu.memref_slice %arg4[%add3A_50, %dma_wait3A_55] : memref<131072x128xf32, #tpu.memory_space<hbm>> -> memref<128x128xf32, #tpu.memory_space<hbm>>
        %dma_wait3A_57 = arith.constant 0 : i32
        %dma_wait3A_58 = tpu.memref_slice %arg4[%add3A_50, %dma_wait3A_57] : memref<131072x128xf32, #tpu.memory_space<hbm>> -> memref<128x128xf32, #tpu.memory_space<hbm>>
        tpu.wait_dma2 semaphore(%run_scoped3A : memref<!tpu.dma_semaphore, #tpu.memory_space<semaphore_mem>>) src(%arg7 : memref<128x128xf32, #tpu.memory_space<vmem>>) dst(%dma_wait3A_58 : memref<128x128xf32, #tpu.memory_space<hbm>>)
        tpu.yield
      }) : () -> ()
    }
    %scan3A_14 = arith.constant 16 : i32
    return
  }
}

#map = affine_map<(d0, d1) -> (0, 0)>
#map1 = affine_map<(d0, d1) -> (0, 0, 0)>
module attributes {stable_mosaic.version = 14 : i64} {
  func.func @k(%arg0: i32, %arg1: i32, %arg2: memref<131072x128xf32, #tpu.memory_space<hbm>>, %arg3: memref<32x32x128xi32, #tpu.memory_space<hbm>>, %arg4: memref<131072x128xf32, #tpu.memory_space<hbm>>, %arg5: memref<32x128xi32, #tpu.memory_space<vmem>>, %arg6: memref<128x128xf32, #tpu.memory_space<vmem>>, %arg7: memref<128x128xf32, #tpu.memory_space<vmem>>, %arg8: memref<!tpu.dma_semaphore, #tpu.memory_space<semaphore_mem>>, %arg9: memref<!tpu.dma_semaphore, #tpu.memory_space<semaphore_mem>>) attributes {dimension_semantics = [#tpu.dimension_semantics<core_parallel>, #tpu.dimension_semantics<subcore_parallel>], iteration_bounds = array<i64: 2, 16>, scalar_prefetch = 0 : i64, scratch_operands = 5 : i64, tpu.core_type = #tpu.core_type<sc_vector_subcore>, window_params = [{transform_indices = #map}, {transform_indices = #map1}, {transform_indices = #map}]} {
    %mul3A = arith.constant 2 : i32
    %mul3A_0 = arith.muli %arg1, %mul3A : i32
    %add3A = arith.addi %mul3A_0, %arg0 : i32
    %mul3A_1 = arith.constant 4096 : i32
    %mul3A_2 = arith.muli %add3A, %mul3A_1 : i32
    "tpu.region"() ({
      %run_scoped3A = tpu.sem_alloc : memref<!tpu.dma_semaphore, #tpu.memory_space<semaphore_mem>>
      %dma_start3A_15 = arith.constant 0 : i32
      %dma_start3A_16 = arith.constant 0 : i32
      %dma_start3A_17 = tpu.memref_slice %arg3[%add3A, %dma_start3A_15, %dma_start3A_16] : memref<32x32x128xi32, #tpu.memory_space<hbm>> -> memref<1x32x128xi32, #tpu.memory_space<hbm>>
      %dma_start3A_18 = tpu.memref_squeeze %dma_start3A_17 : memref<1x32x128xi32, #tpu.memory_space<hbm>> -> memref<32x128xi32, #tpu.memory_space<hbm>>
      %dma_start3A_19 = arith.constant 0 : i32
      %dma_start3A_20 = arith.constant 0 : i32
      %dma_start3A_21 = tpu.memref_slice %arg3[%add3A, %dma_start3A_19, %dma_start3A_20] : memref<32x32x128xi32, #tpu.memory_space<hbm>> -> memref<1x32x128xi32, #tpu.memory_space<hbm>>
      %dma_start3A_22 = tpu.memref_squeeze %dma_start3A_21 : memref<1x32x128xi32, #tpu.memory_space<hbm>> -> memref<32x128xi32, #tpu.memory_space<hbm>>
      tpu.enqueue_dma source(%dma_start3A_22 : memref<32x128xi32, #tpu.memory_space<hbm>>) target(%arg5 : memref<32x128xi32, #tpu.memory_space<vmem>>) target_semaphore(%run_scoped3A : memref<!tpu.dma_semaphore, #tpu.memory_space<semaphore_mem>>)
      %dma_wait3A = arith.constant 0 : i32
      %dma_wait3A_23 = arith.constant 0 : i32
      %dma_wait3A_24 = tpu.memref_slice %arg3[%add3A, %dma_wait3A, %dma_wait3A_23] : memref<32x32x128xi32, #tpu.memory_space<hbm>> -> memref<1x32x128xi32, #tpu.memory_space<hbm>>
      %dma_wait3A_25 = tpu.memref_squeeze %dma_wait3A_24 : memref<1x32x128xi32, #tpu.memory_space<hbm>> -> memref<32x128xi32, #tpu.memory_space<hbm>>
      %dma_wait3A_26 = arith.constant 0 : i32
      %dma_wait3A_27 = arith.constant 0 : i32
      %dma_wait3A_28 = tpu.memref_slice %arg3[%add3A, %dma_wait3A_26, %dma_wait3A_27] : memref<32x32x128xi32, #tpu.memory_space<hbm>> -> memref<1x32x128xi32, #tpu.memory_space<hbm>>
      %dma_wait3A_29 = tpu.memref_squeeze %dma_wait3A_28 : memref<1x32x128xi32, #tpu.memory_space<hbm>> -> memref<32x128xi32, #tpu.memory_space<hbm>>
      tpu.wait_dma2 semaphore(%run_scoped3A : memref<!tpu.dma_semaphore, #tpu.memory_space<semaphore_mem>>) src(%dma_wait3A_29 : memref<32x128xi32, #tpu.memory_space<hbm>>) dst(%arg5 : memref<32x128xi32, #tpu.memory_space<vmem>>)
      tpu.yield
    }) : () -> ()
    %dma_start3A = arith.constant 0 : i32
    %dma_start3A_3 = arith.constant 0 : i32
    %dma_start3A_4 = tpu.memref_slice %arg5[%dma_start3A, %dma_start3A_3] : memref<32x128xi32, #tpu.memory_space<vmem>> -> memref<1x128xi32, #tpu.memory_space<vmem>>
    %dma_start3A_5 = tpu.memref_squeeze %dma_start3A_4 : memref<1x128xi32, #tpu.memory_space<vmem>> -> memref<128xi32, #tpu.memory_space<vmem>>
    %dma_start3A_6 = arith.constant 0 : i32
    %dma_start3A_7 = arith.constant 0 : i32
    %dma_start3A_8 = tpu.memref_slice %arg2[%dma_start3A_6, %dma_start3A_7] : memref<131072x128xf32, #tpu.memory_space<hbm>> -> memref<131072x128xf32, #tpu.memory_space<hbm>>
    tpu.enqueue_indirect_dma source(%dma_start3A_8 : memref<131072x128xf32, #tpu.memory_space<hbm>>) target(%arg6 : memref<128x128xf32, #tpu.memory_space<vmem>>) offsets(%dma_start3A_5 : memref<128xi32, #tpu.memory_space<vmem>>) semaphore(%arg8 : memref<!tpu.dma_semaphore, #tpu.memory_space<semaphore_mem>>)
    %scan3A = arith.constant 0 : i32
    %scan3A_9 = arith.constant 0 : i32
    %scan3A_10 = arith.constant 0 : i32
    %scan3A_11 = arith.constant 16 : i32
    %scan3A_12 = arith.addi %scan3A_10, %scan3A_11 : i32
    %scan3A_13 = arith.constant 1 : i32
    scf.for %scan3A_15 = %scan3A_10 to %scan3A_12 step %scan3A_13  : i32 {
      %mul3A_16 = arith.constant 2 : i32
      %mul3A_17 = arith.muli %mul3A_16, %scan3A_15 : i32
      %add3A_18 = arith.constant 1 : i32
      %add3A_19 = arith.addi %mul3A_17, %add3A_18 : i32
      %dma_start3A_20 = arith.constant 0 : i32
      %dma_start3A_21 = tpu.memref_slice %arg5[%add3A_19, %dma_start3A_20] : memref<32x128xi32, #tpu.memory_space<vmem>> -> memref<1x128xi32, #tpu.memory_space<vmem>>
      %dma_start3A_22 = tpu.memref_squeeze %dma_start3A_21 : memref<1x128xi32, #tpu.memory_space<vmem>> -> memref<128xi32, #tpu.memory_space<vmem>>
      %dma_start3A_23 = arith.constant 0 : i32
      %dma_start3A_24 = arith.constant 0 : i32
      %dma_start3A_25 = tpu.memref_slice %arg2[%dma_start3A_23, %dma_start3A_24] : memref<131072x128xf32, #tpu.memory_space<hbm>> -> memref<131072x128xf32, #tpu.memory_space<hbm>>
      tpu.enqueue_indirect_dma source(%dma_start3A_25 : memref<131072x128xf32, #tpu.memory_space<hbm>>) target(%arg7 : memref<128x128xf32, #tpu.memory_space<vmem>>) offsets(%dma_start3A_22 : memref<128xi32, #tpu.memory_space<vmem>>) semaphore(%arg9 : memref<!tpu.dma_semaphore, #tpu.memory_space<semaphore_mem>>)
      %dma_wait3A = arith.constant 0 : i32
      %dma_wait3A_26 = tpu.memref_slice %arg5[%scan3A_9, %dma_wait3A] : memref<32x128xi32, #tpu.memory_space<vmem>> -> memref<1x128xi32, #tpu.memory_space<vmem>>
      %dma_wait3A_27 = tpu.memref_squeeze %dma_wait3A_26 : memref<1x128xi32, #tpu.memory_space<vmem>> -> memref<128xi32, #tpu.memory_space<vmem>>
      %dma_wait3A_28 = arith.constant 0 : i32
      %dma_wait3A_29 = arith.constant 0 : i32
      %dma_wait3A_30 = tpu.memref_slice %arg2[%dma_wait3A_28, %dma_wait3A_29] : memref<131072x128xf32, #tpu.memory_space<hbm>> -> memref<131072x128xf32, #tpu.memory_space<hbm>>
      tpu.wait_indirect_dma semaphore(%arg8 : memref<!tpu.dma_semaphore, #tpu.memory_space<semaphore_mem>>) src(%dma_wait3A_30 : memref<131072x128xf32, #tpu.memory_space<hbm>>) dst(%arg6 : memref<128x128xf32, #tpu.memory_space<vmem>>)
      %mul3A_31 = arith.constant 2 : i32
      %mul3A_32 = arith.muli %mul3A_31, %scan3A_15 : i32
      %mul3A_33 = arith.constant 128 : i32
      %mul3A_34 = arith.muli %mul3A_32, %mul3A_33 : i32
      %add3A_35 = arith.addi %mul3A_2, %mul3A_34 : i32
      "tpu.region"() ({
        %run_scoped3A = tpu.sem_alloc : memref<!tpu.dma_semaphore, #tpu.memory_space<semaphore_mem>>
        %dma_start3A_51 = arith.constant 0 : i32
        %dma_start3A_52 = tpu.memref_slice %arg4[%add3A_35, %dma_start3A_51] : memref<131072x128xf32, #tpu.memory_space<hbm>> -> memref<128x128xf32, #tpu.memory_space<hbm>>
        %dma_start3A_53 = arith.constant 0 : i32
        %dma_start3A_54 = tpu.memref_slice %arg4[%add3A_35, %dma_start3A_53] : memref<131072x128xf32, #tpu.memory_space<hbm>> -> memref<128x128xf32, #tpu.memory_space<hbm>>
        tpu.enqueue_dma source(%arg6 : memref<128x128xf32, #tpu.memory_space<vmem>>) target(%dma_start3A_54 : memref<128x128xf32, #tpu.memory_space<hbm>>) target_semaphore(%run_scoped3A : memref<!tpu.dma_semaphore, #tpu.memory_space<semaphore_mem>>)
        %dma_wait3A_55 = arith.constant 0 : i32
        %dma_wait3A_56 = tpu.memref_slice %arg4[%add3A_35, %dma_wait3A_55] : memref<131072x128xf32, #tpu.memory_space<hbm>> -> memref<128x128xf32, #tpu.memory_space<hbm>>
        %dma_wait3A_57 = arith.constant 0 : i32
        %dma_wait3A_58 = tpu.memref_slice %arg4[%add3A_35, %dma_wait3A_57] : memref<131072x128xf32, #tpu.memory_space<hbm>> -> memref<128x128xf32, #tpu.memory_space<hbm>>
        tpu.wait_dma2 semaphore(%run_scoped3A : memref<!tpu.dma_semaphore, #tpu.memory_space<semaphore_mem>>) src(%arg6 : memref<128x128xf32, #tpu.memory_space<vmem>>) dst(%dma_wait3A_58 : memref<128x128xf32, #tpu.memory_space<hbm>>)
        tpu.yield
      }) : () -> ()
      %lt3A = arith.constant 15 : i32
      %lt3A_36 = arith.cmpi slt, %scan3A_15, %lt3A : i32
      %convert_element_type3A = arith.extui %lt3A_36 : i1 to i32
      %cond3A = arith.constant 0 : i32
      %cond3A_37 = arith.cmpi ne, %convert_element_type3A, %cond3A : i32
      scf.if %cond3A_37 {
        %mul3A_51 = arith.constant 2 : i32
        %mul3A_52 = arith.muli %mul3A_51, %scan3A_15 : i32
        %add3A_53 = arith.constant 2 : i32
        %add3A_54 = arith.addi %mul3A_52, %add3A_53 : i32
        %dma_start3A_55 = arith.constant 0 : i32
        %dma_start3A_56 = tpu.memref_slice %arg5[%add3A_54, %dma_start3A_55] : memref<32x128xi32, #tpu.memory_space<vmem>> -> memref<1x128xi32, #tpu.memory_space<vmem>>
        %dma_start3A_57 = tpu.memref_squeeze %dma_start3A_56 : memref<1x128xi32, #tpu.memory_space<vmem>> -> memref<128xi32, #tpu.memory_space<vmem>>
        %dma_start3A_58 = arith.constant 0 : i32
        %dma_start3A_59 = arith.constant 0 : i32
        %dma_start3A_60 = tpu.memref_slice %arg2[%dma_start3A_58, %dma_start3A_59] : memref<131072x128xf32, #tpu.memory_space<hbm>> -> memref<131072x128xf32, #tpu.memory_space<hbm>>
        tpu.enqueue_indirect_dma source(%dma_start3A_60 : memref<131072x128xf32, #tpu.memory_space<hbm>>) target(%arg6 : memref<128x128xf32, #tpu.memory_space<vmem>>) offsets(%dma_start3A_57 : memref<128xi32, #tpu.memory_space<vmem>>) semaphore(%arg8 : memref<!tpu.dma_semaphore, #tpu.memory_space<semaphore_mem>>)
      } else {
      }
      %dma_wait3A_38 = arith.constant 0 : i32
      %dma_wait3A_39 = tpu.memref_slice %arg5[%add3A_19, %dma_wait3A_38] : memref<32x128xi32, #tpu.memory_space<vmem>> -> memref<1x128xi32, #tpu.memory_space<vmem>>
      %dma_wait3A_40 = tpu.memref_squeeze %dma_wait3A_39 : memref<1x128xi32, #tpu.memory_space<vmem>> -> memref<128xi32, #tpu.memory_space<vmem>>
      %dma_wait3A_41 = arith.constant 0 : i32
      %dma_wait3A_42 = arith.constant 0 : i32
      %dma_wait3A_43 = tpu.memref_slice %arg2[%dma_wait3A_41, %dma_wait3A_42] : memref<131072x128xf32, #tpu.memory_space<hbm>> -> memref<131072x128xf32, #tpu.memory_space<hbm>>
      tpu.wait_indirect_dma semaphore(%arg9 : memref<!tpu.dma_semaphore, #tpu.memory_space<semaphore_mem>>) src(%dma_wait3A_43 : memref<131072x128xf32, #tpu.memory_space<hbm>>) dst(%arg7 : memref<128x128xf32, #tpu.memory_space<vmem>>)
      %mul3A_44 = arith.constant 2 : i32
      %mul3A_45 = arith.muli %mul3A_44, %scan3A_15 : i32
      %add3A_46 = arith.constant 1 : i32
      %add3A_47 = arith.addi %mul3A_45, %add3A_46 : i32
      %mul3A_48 = arith.constant 128 : i32
      %mul3A_49 = arith.muli %add3A_47, %mul3A_48 : i32
      %add3A_50 = arith.addi %mul3A_2, %mul3A_49 : i32
      "tpu.region"() ({
        %run_scoped3A = tpu.sem_alloc : memref<!tpu.dma_semaphore, #tpu.memory_space<semaphore_mem>>
        %dma_start3A_51 = arith.constant 0 : i32
        %dma_start3A_52 = tpu.memref_slice %arg4[%add3A_50, %dma_start3A_51] : memref<131072x128xf32, #tpu.memory_space<hbm>> -> memref<128x128xf32, #tpu.memory_space<hbm>>
        %dma_start3A_53 = arith.constant 0 : i32
        %dma_start3A_54 = tpu.memref_slice %arg4[%add3A_50, %dma_start3A_53] : memref<131072x128xf32, #tpu.memory_space<hbm>> -> memref<128x128xf32, #tpu.memory_space<hbm>>
        tpu.enqueue_dma source(%arg7 : memref<128x128xf32, #tpu.memory_space<vmem>>) target(%dma_start3A_54 : memref<128x128xf32, #tpu.memory_space<hbm>>) target_semaphore(%run_scoped3A : memref<!tpu.dma_semaphore, #tpu.memory_space<semaphore_mem>>)
        %dma_wait3A_55 = arith.constant 0 : i32
        %dma_wait3A_56 = tpu.memref_slice %arg4[%add3A_50, %dma_wait3A_55] : memref<131072x128xf32, #tpu.memory_space<hbm>> -> memref<128x128xf32, #tpu.memory_space<hbm>>
        %dma_wait3A_57 = arith.constant 0 : i32
        %dma_wait3A_58 = tpu.memref_slice %arg4[%add3A_50, %dma_wait3A_57] : memref<131072x128xf32, #tpu.memory_space<hbm>> -> memref<128x128xf32, #tpu.memory_space<hbm>>
        tpu.wait_dma2 semaphore(%run_scoped3A : memref<!tpu.dma_semaphore, #tpu.memory_space<semaphore_mem>>) src(%arg7 : memref<128x128xf32, #tpu.memory_space<vmem>>) dst(%dma_wait3A_58 : memref<128x128xf32, #tpu.memory_space<hbm>>)
        tpu.yield
      }) : () -> ()
    }
    %scan3A_14 = arith.constant 16 : i32
    return
  }
}

module attributes {stable_mosaic.version = 14 : i64} {
  func.func @body(%arg0: i32, %arg1: memref<512x1024xf32, #tpu.memory_space<vmem>>, %arg2: memref<1024x1024xf32, #tpu.memory_space<vmem>>, %arg3: memref<1024x1024xf32, #tpu.memory_space<vmem>>, %arg4: memref<16x512x128xf32, #tpu.memory_space<vmem>>) attributes {dimension_semantics = [#tpu.dimension_semantics<arbitrary>], iteration_bounds = array<i64: 8>, scalar_prefetch = 0 : i64, scratch_operands = 0 : i64, tpu.core_type = #tpu.core_type<tc>, window_params = [{transform_indices = @transform_0, window_bounds = array<i64: 512, 1024>}, {pipeline_mode = #tpu.pipeline_mode<synchronous>, transform_indices = @transform_1, window_bounds = array<i64: 1024, 1024>}, {pipeline_mode = #tpu.pipeline_mode<synchronous>, transform_indices = @transform_2, window_bounds = array<i64: 1024, 1024>}, {transform_indices = @transform_3, window_bounds = array<i64: 16, 512, 128>}]} {
    %get3A = arith.constant 0 : index
    %get3A_0 = arith.constant 0 : index
    %get3A_1 = vector.load %arg1[%get3A, %get3A_0] : memref<512x1024xf32, #tpu.memory_space<vmem>>, vector<512x1024xf32>
    %get3A_2 = arith.constant 0 : index
    %get3A_3 = arith.constant 0 : index
    %get3A_4 = vector.load %arg2[%get3A_2, %get3A_3] : memref<1024x1024xf32, #tpu.memory_space<vmem>>, vector<1024x1024xf32>
    %slice3A = vector.extract_strided_slice %get3A_1 {offsets = [0, 0], sizes = [512, 256], strides = [1, 1]} : vector<512x1024xf32> to vector<512x256xf32>
    %slice3A_5 = vector.extract_strided_slice %get3A_4 {offsets = [0, 0], sizes = [256, 1024], strides = [1, 1]} : vector<1024x1024xf32> to vector<256x1024xf32>
    %convert_element_type3A = arith.truncf %slice3A : vector<512x256xf32> to vector<512x256xbf16>
    %convert_element_type3A_6 = arith.truncf %slice3A_5 : vector<256x1024xf32> to vector<256x1024xbf16>
    %dot_general3A = arith.constant dense<0.000000e+00> : vector<512x1024xf32>
    %dot_general3A_7 = tpu.matmul %convert_element_type3A, %convert_element_type3A_6, %dot_general3A {dimension_numbers = #tpu.dot_dimension_numbers<[1], [0], [0], [1], [0, 0, 1, 1], [], []>, transpose_lhs_hint = false} : vector<512x256xbf16>, vector<256x1024xbf16>, vector<512x1024xf32> -> vector<512x1024xf32>
    %slice3A_8 = vector.extract_strided_slice %get3A_1 {offsets = [0, 256], sizes = [512, 256], strides = [1, 1]} : vector<512x1024xf32> to vector<512x256xf32>
    %slice3A_9 = vector.extract_strided_slice %get3A_4 {offsets = [256, 0], sizes = [256, 1024], strides = [1, 1]} : vector<1024x1024xf32> to vector<256x1024xf32>
    %convert_element_type3A_10 = arith.truncf %slice3A_8 : vector<512x256xf32> to vector<512x256xbf16>
    %convert_element_type3A_11 = arith.truncf %slice3A_9 : vector<256x1024xf32> to vector<256x1024xbf16>
    %dot_general3A_12 = arith.constant dense<0.000000e+00> : vector<512x1024xf32>
    %dot_general3A_13 = tpu.matmul %convert_element_type3A_10, %convert_element_type3A_11, %dot_general3A_12 {dimension_numbers = #tpu.dot_dimension_numbers<[1], [0], [0], [1], [0, 0, 1, 1], [], []>, transpose_lhs_hint = false} : vector<512x256xbf16>, vector<256x1024xbf16>, vector<512x1024xf32> -> vector<512x1024xf32>
    %add3A = arith.addf %dot_general3A_7, %dot_general3A_13 : vector<512x1024xf32>
    %slice3A_14 = vector.extract_strided_slice %get3A_1 {offsets = [0, 512], sizes = [512, 256], strides = [1, 1]} : vector<512x1024xf32> to vector<512x256xf32>
    %slice3A_15 = vector.extract_strided_slice %get3A_4 {offsets = [512, 0], sizes = [256, 1024], strides = [1, 1]} : vector<1024x1024xf32> to vector<256x1024xf32>
    %convert_element_type3A_16 = arith.truncf %slice3A_14 : vector<512x256xf32> to vector<512x256xbf16>
    %convert_element_type3A_17 = arith.truncf %slice3A_15 : vector<256x1024xf32> to vector<256x1024xbf16>
    %dot_general3A_18 = arith.constant dense<0.000000e+00> : vector<512x1024xf32>
    %dot_general3A_19 = tpu.matmul %convert_element_type3A_16, %convert_element_type3A_17, %dot_general3A_18 {dimension_numbers = #tpu.dot_dimension_numbers<[1], [0], [0], [1], [0, 0, 1, 1], [], []>, transpose_lhs_hint = false} : vector<512x256xbf16>, vector<256x1024xbf16>, vector<512x1024xf32> -> vector<512x1024xf32>
    %add3A_20 = arith.addf %add3A, %dot_general3A_19 : vector<512x1024xf32>
    %slice3A_21 = vector.extract_strided_slice %get3A_1 {offsets = [0, 768], sizes = [512, 256], strides = [1, 1]} : vector<512x1024xf32> to vector<512x256xf32>
    %slice3A_22 = vector.extract_strided_slice %get3A_4 {offsets = [768, 0], sizes = [256, 1024], strides = [1, 1]} : vector<1024x1024xf32> to vector<256x1024xf32>
    %convert_element_type3A_23 = arith.truncf %slice3A_21 : vector<512x256xf32> to vector<512x256xbf16>
    %convert_element_type3A_24 = arith.truncf %slice3A_22 : vector<256x1024xf32> to vector<256x1024xbf16>
    %dot_general3A_25 = arith.constant dense<0.000000e+00> : vector<512x1024xf32>
    %dot_general3A_26 = tpu.matmul %convert_element_type3A_23, %convert_element_type3A_24, %dot_general3A_25 {dimension_numbers = #tpu.dot_dimension_numbers<[1], [0], [0], [1], [0, 0, 1, 1], [], []>, transpose_lhs_hint = false} : vector<512x256xbf16>, vector<256x1024xbf16>, vector<512x1024xf32> -> vector<512x1024xf32>
    %add3A_27 = arith.addf %add3A_20, %dot_general3A_26 : vector<512x1024xf32>
    %get3A_28 = arith.constant 0 : index
    %get3A_29 = arith.constant 0 : index
    %get3A_30 = vector.load %arg3[%get3A_28, %get3A_29] : memref<1024x1024xf32, #tpu.memory_space<vmem>>, vector<1024x1024xf32>
    %slice3A_31 = vector.extract_strided_slice %get3A_1 {offsets = [0, 0], sizes = [512, 256], strides = [1, 1]} : vector<512x1024xf32> to vector<512x256xf32>
    %slice3A_32 = vector.extract_strided_slice %get3A_30 {offsets = [0, 0], sizes = [256, 1024], strides = [1, 1]} : vector<1024x1024xf32> to vector<256x1024xf32>
    %convert_element_type3A_33 = arith.truncf %slice3A_31 : vector<512x256xf32> to vector<512x256xbf16>
    %convert_element_type3A_34 = arith.truncf %slice3A_32 : vector<256x1024xf32> to vector<256x1024xbf16>
    %dot_general3A_35 = arith.constant dense<0.000000e+00> : vector<512x1024xf32>
    %dot_general3A_36 = tpu.matmul %convert_element_type3A_33, %convert_element_type3A_34, %dot_general3A_35 {dimension_numbers = #tpu.dot_dimension_numbers<[1], [0], [0], [1], [0, 0, 1, 1], [], []>, transpose_lhs_hint = false} : vector<512x256xbf16>, vector<256x1024xbf16>, vector<512x1024xf32> -> vector<512x1024xf32>
    %slice3A_37 = vector.extract_strided_slice %get3A_1 {offsets = [0, 256], sizes = [512, 256], strides = [1, 1]} : vector<512x1024xf32> to vector<512x256xf32>
    %slice3A_38 = vector.extract_strided_slice %get3A_30 {offsets = [256, 0], sizes = [256, 1024], strides = [1, 1]} : vector<1024x1024xf32> to vector<256x1024xf32>
    %convert_element_type3A_39 = arith.truncf %slice3A_37 : vector<512x256xf32> to vector<512x256xbf16>
    %convert_element_type3A_40 = arith.truncf %slice3A_38 : vector<256x1024xf32> to vector<256x1024xbf16>
    %dot_general3A_41 = arith.constant dense<0.000000e+00> : vector<512x1024xf32>
    %dot_general3A_42 = tpu.matmul %convert_element_type3A_39, %convert_element_type3A_40, %dot_general3A_41 {dimension_numbers = #tpu.dot_dimension_numbers<[1], [0], [0], [1], [0, 0, 1, 1], [], []>, transpose_lhs_hint = false} : vector<512x256xbf16>, vector<256x1024xbf16>, vector<512x1024xf32> -> vector<512x1024xf32>
    %add3A_43 = arith.addf %dot_general3A_36, %dot_general3A_42 : vector<512x1024xf32>
    %slice3A_44 = vector.extract_strided_slice %get3A_1 {offsets = [0, 512], sizes = [512, 256], strides = [1, 1]} : vector<512x1024xf32> to vector<512x256xf32>
    %slice3A_45 = vector.extract_strided_slice %get3A_30 {offsets = [512, 0], sizes = [256, 1024], strides = [1, 1]} : vector<1024x1024xf32> to vector<256x1024xf32>
    %convert_element_type3A_46 = arith.truncf %slice3A_44 : vector<512x256xf32> to vector<512x256xbf16>
    %convert_element_type3A_47 = arith.truncf %slice3A_45 : vector<256x1024xf32> to vector<256x1024xbf16>
    %dot_general3A_48 = arith.constant dense<0.000000e+00> : vector<512x1024xf32>
    %dot_general3A_49 = tpu.matmul %convert_element_type3A_46, %convert_element_type3A_47, %dot_general3A_48 {dimension_numbers = #tpu.dot_dimension_numbers<[1], [0], [0], [1], [0, 0, 1, 1], [], []>, transpose_lhs_hint = false} : vector<512x256xbf16>, vector<256x1024xbf16>, vector<512x1024xf32> -> vector<512x1024xf32>
    %add3A_50 = arith.addf %add3A_43, %dot_general3A_49 : vector<512x1024xf32>
    %slice3A_51 = vector.extract_strided_slice %get3A_1 {offsets = [0, 768], sizes = [512, 256], strides = [1, 1]} : vector<512x1024xf32> to vector<512x256xf32>
    %slice3A_52 = vector.extract_strided_slice %get3A_30 {offsets = [768, 0], sizes = [256, 1024], strides = [1, 1]} : vector<1024x1024xf32> to vector<256x1024xf32>
    %convert_element_type3A_53 = arith.truncf %slice3A_51 : vector<512x256xf32> to vector<512x256xbf16>
    %convert_element_type3A_54 = arith.truncf %slice3A_52 : vector<256x1024xf32> to vector<256x1024xbf16>
    %dot_general3A_55 = arith.constant dense<0.000000e+00> : vector<512x1024xf32>
    %dot_general3A_56 = tpu.matmul %convert_element_type3A_53, %convert_element_type3A_54, %dot_general3A_55 {dimension_numbers = #tpu.dot_dimension_numbers<[1], [0], [0], [1], [0, 0, 1, 1], [], []>, transpose_lhs_hint = false} : vector<512x256xbf16>, vector<256x1024xbf16>, vector<512x1024xf32> -> vector<512x1024xf32>
    %add3A_57 = arith.addf %add3A_50, %dot_general3A_56 : vector<512x1024xf32>
    %slice3A_58 = vector.extract_strided_slice %add3A_27 {offsets = [0, 0], sizes = [512, 64], strides = [1, 1]} : vector<512x1024xf32> to vector<512x64xf32>
    %slice3A_59 = vector.extract_strided_slice %add3A_57 {offsets = [0, 0], sizes = [512, 64], strides = [1, 1]} : vector<512x1024xf32> to vector<512x64xf32>
    %concatenate3A = tpu.concatenate %slice3A_58, %slice3A_59 in 1 : vector<512x64xf32>, vector<512x64xf32> -> vector<512x128xf32>
    %swap3A = arith.constant 0 : index
    %swap3A_60 = arith.constant 0 : index
    %swap3A_61 = arith.constant 0 : index
    %swap3A_62 = vector.load %arg4[%swap3A, %swap3A_60, %swap3A_61] : memref<16x512x128xf32, #tpu.memory_space<vmem>>, vector<1x512x128xf32>
    %swap3A_63 = vector.shape_cast %swap3A_62 : vector<1x512x128xf32> to vector<512x128xf32>
    %swap3A_64 = vector.shape_cast %concatenate3A : vector<512x128xf32> to vector<1x512x128xf32>
    tpu.vector_store %arg4[%swap3A, %swap3A_60, %swap3A_61], %swap3A_64 {strides = array<i32>} : memref<16x512x128xf32, #tpu.memory_space<vmem>>, vector<1x512x128xf32>,
    %slice3A_65 = vector.extract_strided_slice %add3A_27 {offsets = [0, 64], sizes = [512, 64], strides = [1, 1]} : vector<512x1024xf32> to vector<512x64xf32>
    %slice3A_66 = vector.extract_strided_slice %add3A_57 {offsets = [0, 64], sizes = [512, 64], strides = [1, 1]} : vector<512x1024xf32> to vector<512x64xf32>
    %concatenate3A_67 = tpu.concatenate %slice3A_65, %slice3A_66 in 1 : vector<512x64xf32>, vector<512x64xf32> -> vector<512x128xf32>
    %swap3A_68 = arith.constant 1 : index
    %swap3A_69 = arith.constant 0 : index
    %swap3A_70 = arith.constant 0 : index
    %swap3A_71 = vector.load %arg4[%swap3A_68, %swap3A_69, %swap3A_70] : memref<16x512x128xf32, #tpu.memory_space<vmem>>, vector<1x512x128xf32>
    %swap3A_72 = vector.shape_cast %swap3A_71 : vector<1x512x128xf32> to vector<512x128xf32>
    %swap3A_73 = vector.shape_cast %concatenate3A_67 : vector<512x128xf32> to vector<1x512x128xf32>
    tpu.vector_store %arg4[%swap3A_68, %swap3A_69, %swap3A_70], %swap3A_73 {strides = array<i32>} : memref<16x512x128xf32, #tpu.memory_space<vmem>>, vector<1x512x128xf32>,
    %slice3A_74 = vector.extract_strided_slice %add3A_27 {offsets = [0, 128], sizes = [512, 64], strides = [1, 1]} : vector<512x1024xf32> to vector<512x64xf32>
    %slice3A_75 = vector.extract_strided_slice %add3A_57 {offsets = [0, 128], sizes = [512, 64], strides = [1, 1]} : vector<512x1024xf32> to vector<512x64xf32>
    %concatenate3A_76 = tpu.concatenate %slice3A_74, %slice3A_75 in 1 : vector<512x64xf32>, vector<512x64xf32> -> vector<512x128xf32>
    %swap3A_77 = arith.constant 2 : index
    %swap3A_78 = arith.constant 0 : index
    %swap3A_79 = arith.constant 0 : index
    %swap3A_80 = vector.load %arg4[%swap3A_77, %swap3A_78, %swap3A_79] : memref<16x512x128xf32, #tpu.memory_space<vmem>>, vector<1x512x128xf32>
    %swap3A_81 = vector.shape_cast %swap3A_80 : vector<1x512x128xf32> to vector<512x128xf32>
    %swap3A_82 = vector.shape_cast %concatenate3A_76 : vector<512x128xf32> to vector<1x512x128xf32>
    tpu.vector_store %arg4[%swap3A_77, %swap3A_78, %swap3A_79], %swap3A_82 {strides = array<i32>} : memref<16x512x128xf32, #tpu.memory_space<vmem>>, vector<1x512x128xf32>,
    %slice3A_83 = vector.extract_strided_slice %add3A_27 {offsets = [0, 192], sizes = [512, 64], strides = [1, 1]} : vector<512x1024xf32> to vector<512x64xf32>
    %slice3A_84 = vector.extract_strided_slice %add3A_57 {offsets = [0, 192], sizes = [512, 64], strides = [1, 1]} : vector<512x1024xf32> to vector<512x64xf32>
    %concatenate3A_85 = tpu.concatenate %slice3A_83, %slice3A_84 in 1 : vector<512x64xf32>, vector<512x64xf32> -> vector<512x128xf32>
    %swap3A_86 = arith.constant 3 : index
    %swap3A_87 = arith.constant 0 : index
    %swap3A_88 = arith.constant 0 : index
    %swap3A_89 = vector.load %arg4[%swap3A_86, %swap3A_87, %swap3A_88] : memref<16x512x128xf32, #tpu.memory_space<vmem>>, vector<1x512x128xf32>
    %swap3A_90 = vector.shape_cast %swap3A_89 : vector<1x512x128xf32> to vector<512x128xf32>
    %swap3A_91 = vector.shape_cast %concatenate3A_85 : vector<512x128xf32> to vector<1x512x128xf32>
    tpu.vector_store %arg4[%swap3A_86, %swap3A_87, %swap3A_88], %swap3A_91 {strides = array<i32>} : memref<16x512x128xf32, #tpu.memory_space<vmem>>, vector<1x512x128xf32>,
    %slice3A_92 = vector.extract_strided_slice %add3A_27 {offsets = [0, 256], sizes = [512, 64], strides = [1, 1]} : vector<512x1024xf32> to vector<512x64xf32>
    %slice3A_93 = vector.extract_strided_slice %add3A_57 {offsets = [0, 256], sizes = [512, 64], strides = [1, 1]} : vector<512x1024xf32> to vector<512x64xf32>
    %concatenate3A_94 = tpu.concatenate %slice3A_92, %slice3A_93 in 1 : vector<512x64xf32>, vector<512x64xf32> -> vector<512x128xf32>
    %swap3A_95 = arith.constant 4 : index
    %swap3A_96 = arith.constant 0 : index
    %swap3A_97 = arith.constant 0 : index
    %swap3A_98 = vector.load %arg4[%swap3A_95, %swap3A_96, %swap3A_97] : memref<16x512x128xf32, #tpu.memory_space<vmem>>, vector<1x512x128xf32>
    %swap3A_99 = vector.shape_cast %swap3A_98 : vector<1x512x128xf32> to vector<512x128xf32>
    %swap3A_100 = vector.shape_cast %concatenate3A_94 : vector<512x128xf32> to vector<1x512x128xf32>
    tpu.vector_store %arg4[%swap3A_95, %swap3A_96, %swap3A_97], %swap3A_100 {strides = array<i32>} : memref<16x512x128xf32, #tpu.memory_space<vmem>>, vector<1x512x128xf32>,
    %slice3A_101 = vector.extract_strided_slice %add3A_27 {offsets = [0, 320], sizes = [512, 64], strides = [1, 1]} : vector<512x1024xf32> to vector<512x64xf32>
    %slice3A_102 = vector.extract_strided_slice %add3A_57 {offsets = [0, 320], sizes = [512, 64], strides = [1, 1]} : vector<512x1024xf32> to vector<512x64xf32>
    %concatenate3A_103 = tpu.concatenate %slice3A_101, %slice3A_102 in 1 : vector<512x64xf32>, vector<512x64xf32> -> vector<512x128xf32>
    %swap3A_104 = arith.constant 5 : index
    %swap3A_105 = arith.constant 0 : index
    %swap3A_106 = arith.constant 0 : index
    %swap3A_107 = vector.load %arg4[%swap3A_104, %swap3A_105, %swap3A_106] : memref<16x512x128xf32, #tpu.memory_space<vmem>>, vector<1x512x128xf32>
    %swap3A_108 = vector.shape_cast %swap3A_107 : vector<1x512x128xf32> to vector<512x128xf32>
    %swap3A_109 = vector.shape_cast %concatenate3A_103 : vector<512x128xf32> to vector<1x512x128xf32>
    tpu.vector_store %arg4[%swap3A_104, %swap3A_105, %swap3A_106], %swap3A_109 {strides = array<i32>} : memref<16x512x128xf32, #tpu.memory_space<vmem>>, vector<1x512x128xf32>,
    %slice3A_110 = vector.extract_strided_slice %add3A_27 {offsets = [0, 384], sizes = [512, 64], strides = [1, 1]} : vector<512x1024xf32> to vector<512x64xf32>
    %slice3A_111 = vector.extract_strided_slice %add3A_57 {offsets = [0, 384], sizes = [512, 64], strides = [1, 1]} : vector<512x1024xf32> to vector<512x64xf32>
    %concatenate3A_112 = tpu.concatenate %slice3A_110, %slice3A_111 in 1 : vector<512x64xf32>, vector<512x64xf32> -> vector<512x128xf32>
    %swap3A_113 = arith.constant 6 : index
    %swap3A_114 = arith.constant 0 : index
    %swap3A_115 = arith.constant 0 : index
    %swap3A_116 = vector.load %arg4[%swap3A_113, %swap3A_114, %swap3A_115] : memref<16x512x128xf32, #tpu.memory_space<vmem>>, vector<1x512x128xf32>
    %swap3A_117 = vector.shape_cast %swap3A_116 : vector<1x512x128xf32> to vector<512x128xf32>
    %swap3A_118 = vector.shape_cast %concatenate3A_112 : vector<512x128xf32> to vector<1x512x128xf32>
    tpu.vector_store %arg4[%swap3A_113, %swap3A_114, %swap3A_115], %swap3A_118 {strides = array<i32>} : memref<16x512x128xf32, #tpu.memory_space<vmem>>, vector<1x512x128xf32>,
    %slice3A_119 = vector.extract_strided_slice %add3A_27 {offsets = [0, 448], sizes = [512, 64], strides = [1, 1]} : vector<512x1024xf32> to vector<512x64xf32>
    %slice3A_120 = vector.extract_strided_slice %add3A_57 {offsets = [0, 448], sizes = [512, 64], strides = [1, 1]} : vector<512x1024xf32> to vector<512x64xf32>
    %concatenate3A_121 = tpu.concatenate %slice3A_119, %slice3A_120 in 1 : vector<512x64xf32>, vector<512x64xf32> -> vector<512x128xf32>
    %swap3A_122 = arith.constant 7 : index
    %swap3A_123 = arith.constant 0 : index
    %swap3A_124 = arith.constant 0 : index
    %swap3A_125 = vector.load %arg4[%swap3A_122, %swap3A_123, %swap3A_124] : memref<16x512x128xf32, #tpu.memory_space<vmem>>, vector<1x512x128xf32>
    %swap3A_126 = vector.shape_cast %swap3A_125 : vector<1x512x128xf32> to vector<512x128xf32>
    %swap3A_127 = vector.shape_cast %concatenate3A_121 : vector<512x128xf32> to vector<1x512x128xf32>
    tpu.vector_store %arg4[%swap3A_122, %swap3A_123, %swap3A_124], %swap3A_127 {strides = array<i32>} : memref<16x512x128xf32, #tpu.memory_space<vmem>>, vector<1x512x128xf32>,
    %slice3A_128 = vector.extract_strided_slice %add3A_27 {offsets = [0, 512], sizes = [512, 64], strides = [1, 1]} : vector<512x1024xf32> to vector<512x64xf32>
    %slice3A_129 = vector.extract_strided_slice %add3A_57 {offsets = [0, 512], sizes = [512, 64], strides = [1, 1]} : vector<512x1024xf32> to vector<512x64xf32>
    %concatenate3A_130 = tpu.concatenate %slice3A_128, %slice3A_129 in 1 : vector<512x64xf32>, vector<512x64xf32> -> vector<512x128xf32>
    %swap3A_131 = arith.constant 8 : index
    %swap3A_132 = arith.constant 0 : index
    %swap3A_133 = arith.constant 0 : index
    %swap3A_134 = vector.load %arg4[%swap3A_131, %swap3A_132, %swap3A_133] : memref<16x512x128xf32, #tpu.memory_space<vmem>>, vector<1x512x128xf32>
    %swap3A_135 = vector.shape_cast %swap3A_134 : vector<1x512x128xf32> to vector<512x128xf32>
    %swap3A_136 = vector.shape_cast %concatenate3A_130 : vector<512x128xf32> to vector<1x512x128xf32>
    tpu.vector_store %arg4[%swap3A_131, %swap3A_132, %swap3A_133], %swap3A_136 {strides = array<i32>} : memref<16x512x128xf32, #tpu.memory_space<vmem>>, vector<1x512x128xf32>,
    %slice3A_137 = vector.extract_strided_slice %add3A_27 {offsets = [0, 576], sizes = [512, 64], strides = [1, 1]} : vector<512x1024xf32> to vector<512x64xf32>
    %slice3A_138 = vector.extract_strided_slice %add3A_57 {offsets = [0, 576], sizes = [512, 64], strides = [1, 1]} : vector<512x1024xf32> to vector<512x64xf32>
    %concatenate3A_139 = tpu.concatenate %slice3A_137, %slice3A_138 in 1 : vector<512x64xf32>, vector<512x64xf32> -> vector<512x128xf32>
    %swap3A_140 = arith.constant 9 : index
    %swap3A_141 = arith.constant 0 : index
    %swap3A_142 = arith.constant 0 : index
    %swap3A_143 = vector.load %arg4[%swap3A_140, %swap3A_141, %swap3A_142] : memref<16x512x128xf32, #tpu.memory_space<vmem>>, vector<1x512x128xf32>
    %swap3A_144 = vector.shape_cast %swap3A_143 : vector<1x512x128xf32> to vector<512x128xf32>
    %swap3A_145 = vector.shape_cast %concatenate3A_139 : vector<512x128xf32> to vector<1x512x128xf32>
    tpu.vector_store %arg4[%swap3A_140, %swap3A_141, %swap3A_142], %swap3A_145 {strides = array<i32>} : memref<16x512x128xf32, #tpu.memory_space<vmem>>, vector<1x512x128xf32>,
    %slice3A_146 = vector.extract_strided_slice %add3A_27 {offsets = [0, 640], sizes = [512, 64], strides = [1, 1]} : vector<512x1024xf32> to vector<512x64xf32>
    %slice3A_147 = vector.extract_strided_slice %add3A_57 {offsets = [0, 640], sizes = [512, 64], strides = [1, 1]} : vector<512x1024xf32> to vector<512x64xf32>
    %concatenate3A_148 = tpu.concatenate %slice3A_146, %slice3A_147 in 1 : vector<512x64xf32>, vector<512x64xf32> -> vector<512x128xf32>
    %swap3A_149 = arith.constant 10 : index
    %swap3A_150 = arith.constant 0 : index
    %swap3A_151 = arith.constant 0 : index
    %swap3A_152 = vector.load %arg4[%swap3A_149, %swap3A_150, %swap3A_151] : memref<16x512x128xf32, #tpu.memory_space<vmem>>, vector<1x512x128xf32>
    %swap3A_153 = vector.shape_cast %swap3A_152 : vector<1x512x128xf32> to vector<512x128xf32>
    %swap3A_154 = vector.shape_cast %concatenate3A_148 : vector<512x128xf32> to vector<1x512x128xf32>
    tpu.vector_store %arg4[%swap3A_149, %swap3A_150, %swap3A_151], %swap3A_154 {strides = array<i32>} : memref<16x512x128xf32, #tpu.memory_space<vmem>>, vector<1x512x128xf32>,
    %slice3A_155 = vector.extract_strided_slice %add3A_27 {offsets = [0, 704], sizes = [512, 64], strides = [1, 1]} : vector<512x1024xf32> to vector<512x64xf32>
    %slice3A_156 = vector.extract_strided_slice %add3A_57 {offsets = [0, 704], sizes = [512, 64], strides = [1, 1]} : vector<512x1024xf32> to vector<512x64xf32>
    %concatenate3A_157 = tpu.concatenate %slice3A_155, %slice3A_156 in 1 : vector<512x64xf32>, vector<512x64xf32> -> vector<512x128xf32>
    %swap3A_158 = arith.constant 11 : index
    %swap3A_159 = arith.constant 0 : index
    %swap3A_160 = arith.constant 0 : index
    %swap3A_161 = vector.load %arg4[%swap3A_158, %swap3A_159, %swap3A_160] : memref<16x512x128xf32, #tpu.memory_space<vmem>>, vector<1x512x128xf32>
    %swap3A_162 = vector.shape_cast %swap3A_161 : vector<1x512x128xf32> to vector<512x128xf32>
    %swap3A_163 = vector.shape_cast %concatenate3A_157 : vector<512x128xf32> to vector<1x512x128xf32>
    tpu.vector_store %arg4[%swap3A_158, %swap3A_159, %swap3A_160], %swap3A_163 {strides = array<i32>} : memref<16x512x128xf32, #tpu.memory_space<vmem>>, vector<1x512x128xf32>,
    %slice3A_164 = vector.extract_strided_slice %add3A_27 {offsets = [0, 768], sizes = [512, 64], strides = [1, 1]} : vector<512x1024xf32> to vector<512x64xf32>
    %slice3A_165 = vector.extract_strided_slice %add3A_57 {offsets = [0, 768], sizes = [512, 64], strides = [1, 1]} : vector<512x1024xf32> to vector<512x64xf32>
    %concatenate3A_166 = tpu.concatenate %slice3A_164, %slice3A_165 in 1 : vector<512x64xf32>, vector<512x64xf32> -> vector<512x128xf32>
    %swap3A_167 = arith.constant 12 : index
    %swap3A_168 = arith.constant 0 : index
    %swap3A_169 = arith.constant 0 : index
    %swap3A_170 = vector.load %arg4[%swap3A_167, %swap3A_168, %swap3A_169] : memref<16x512x128xf32, #tpu.memory_space<vmem>>, vector<1x512x128xf32>
    %swap3A_171 = vector.shape_cast %swap3A_170 : vector<1x512x128xf32> to vector<512x128xf32>
    %swap3A_172 = vector.shape_cast %concatenate3A_166 : vector<512x128xf32> to vector<1x512x128xf32>
    tpu.vector_store %arg4[%swap3A_167, %swap3A_168, %swap3A_169], %swap3A_172 {strides = array<i32>} : memref<16x512x128xf32, #tpu.memory_space<vmem>>, vector<1x512x128xf32>,
    %slice3A_173 = vector.extract_strided_slice %add3A_27 {offsets = [0, 832], sizes = [512, 64], strides = [1, 1]} : vector<512x1024xf32> to vector<512x64xf32>
    %slice3A_174 = vector.extract_strided_slice %add3A_57 {offsets = [0, 832], sizes = [512, 64], strides = [1, 1]} : vector<512x1024xf32> to vector<512x64xf32>
    %concatenate3A_175 = tpu.concatenate %slice3A_173, %slice3A_174 in 1 : vector<512x64xf32>, vector<512x64xf32> -> vector<512x128xf32>
    %swap3A_176 = arith.constant 13 : index
    %swap3A_177 = arith.constant 0 : index
    %swap3A_178 = arith.constant 0 : index
    %swap3A_179 = vector.load %arg4[%swap3A_176, %swap3A_177, %swap3A_178] : memref<16x512x128xf32, #tpu.memory_space<vmem>>, vector<1x512x128xf32>
    %swap3A_180 = vector.shape_cast %swap3A_179 : vector<1x512x128xf32> to vector<512x128xf32>
    %swap3A_181 = vector.shape_cast %concatenate3A_175 : vector<512x128xf32> to vector<1x512x128xf32>
    tpu.vector_store %arg4[%swap3A_176, %swap3A_177, %swap3A_178], %swap3A_181 {strides = array<i32>} : memref<16x512x128xf32, #tpu.memory_space<vmem>>, vector<1x512x128xf32>,
    %slice3A_182 = vector.extract_strided_slice %add3A_27 {offsets = [0, 896], sizes = [512, 64], strides = [1, 1]} : vector<512x1024xf32> to vector<512x64xf32>
    %slice3A_183 = vector.extract_strided_slice %add3A_57 {offsets = [0, 896], sizes = [512, 64], strides = [1, 1]} : vector<512x1024xf32> to vector<512x64xf32>
    %concatenate3A_184 = tpu.concatenate %slice3A_182, %slice3A_183 in 1 : vector<512x64xf32>, vector<512x64xf32> -> vector<512x128xf32>
    %swap3A_185 = arith.constant 14 : index
    %swap3A_186 = arith.constant 0 : index
    %swap3A_187 = arith.constant 0 : index
    %swap3A_188 = vector.load %arg4[%swap3A_185, %swap3A_186, %swap3A_187] : memref<16x512x128xf32, #tpu.memory_space<vmem>>, vector<1x512x128xf32>
    %swap3A_189 = vector.shape_cast %swap3A_188 : vector<1x512x128xf32> to vector<512x128xf32>
    %swap3A_190 = vector.shape_cast %concatenate3A_184 : vector<512x128xf32> to vector<1x512x128xf32>
    tpu.vector_store %arg4[%swap3A_185, %swap3A_186, %swap3A_187], %swap3A_190 {strides = array<i32>} : memref<16x512x128xf32, #tpu.memory_space<vmem>>, vector<1x512x128xf32>,
    %slice3A_191 = vector.extract_strided_slice %add3A_27 {offsets = [0, 960], sizes = [512, 64], strides = [1, 1]} : vector<512x1024xf32> to vector<512x64xf32>
    %slice3A_192 = vector.extract_strided_slice %add3A_57 {offsets = [0, 960], sizes = [512, 64], strides = [1, 1]} : vector<512x1024xf32> to vector<512x64xf32>
    %concatenate3A_193 = tpu.concatenate %slice3A_191, %slice3A_192 in 1 : vector<512x64xf32>, vector<512x64xf32> -> vector<512x128xf32>
    %swap3A_194 = arith.constant 15 : index
    %swap3A_195 = arith.constant 0 : index
    %swap3A_196 = arith.constant 0 : index
    %swap3A_197 = vector.load %arg4[%swap3A_194, %swap3A_195, %swap3A_196] : memref<16x512x128xf32, #tpu.memory_space<vmem>>, vector<1x512x128xf32>
    %swap3A_198 = vector.shape_cast %swap3A_197 : vector<1x512x128xf32> to vector<512x128xf32>
    %swap3A_199 = vector.shape_cast %concatenate3A_193 : vector<512x128xf32> to vector<1x512x128xf32>
    tpu.vector_store %arg4[%swap3A_194, %swap3A_195, %swap3A_196], %swap3A_199 {strides = array<i32>} : memref<16x512x128xf32, #tpu.memory_space<vmem>>, vector<1x512x128xf32>,
    return
  }
  func.func @transform_0(%arg0: i32) -> (i32, i32) {
    %c0_i32 = arith.constant 0 : i32
    %c0_i32_0 = arith.constant 0 : i32
    return %arg0, %c0_i32 : i32, i32
  }
  func.func @transform_1(%arg0: i32) -> (i32, i32) {
    %c0_i32 = arith.constant 0 : i32
    %c0_i32_0 = arith.constant 0 : i32
    %c0_i32_1 = arith.constant 0 : i32
    return %c0_i32, %c0_i32_0 : i32, i32
  }
  func.func @transform_2(%arg0: i32) -> (i32, i32) {
    %c0_i32 = arith.constant 0 : i32
    %c0_i32_0 = arith.constant 0 : i32
    %c0_i32_1 = arith.constant 0 : i32
    return %c0_i32, %c0_i32_0 : i32, i32
  }
  func.func @transform_3(%arg0: i32) -> (i32, i32, i32) {
    %c0_i32 = arith.constant 0 : i32
    %c0_i32_0 = arith.constant 0 : i32
    %c0_i32_1 = arith.constant 0 : i32
    return %c0_i32, %arg0, %c0_i32_0 : i32, i32, i32
  }
}

module attributes {stable_mosaic.version = 14 : i64} {
  func.func @body(%arg0: i32, %arg1: i32, %arg2: memref<1x512x128xf32, #tpu.memory_space<vmem>>, %arg3: memref<1x512x128xf32, #tpu.memory_space<vmem>>, %arg4: memref<1x1x512xf32, #tpu.memory_space<vmem>>, %arg5: memref<1x1x512xf32, #tpu.memory_space<vmem>>, %arg6: memref<1x512x128xf32, #tpu.memory_space<vmem>>) attributes {dimension_semantics = [#tpu.dimension_semantics<arbitrary>, #tpu.dimension_semantics<arbitrary>], iteration_bounds = array<i64: 16, 16>, scalar_prefetch = 0 : i64, scratch_operands = 0 : i64, tpu.core_type = #tpu.core_type<tc>, window_params = [{transform_indices = @transform_0, window_bounds = array<i64: 1, 512, 128>}, {transform_indices = @transform_1, window_bounds = array<i64: 1, 512, 128>}, {transform_indices = @transform_2, window_bounds = array<i64: 1, 1, 512>}, {transform_indices = @transform_3, window_bounds = array<i64: 1, 1, 512>}, {transform_indices = @transform_4, window_bounds = array<i64: 1, 512, 128>}]} {
    %get3A = arith.constant 0 : index
    %get3A_0 = arith.constant 0 : index
    %get3A_1 = arith.constant 0 : index
    %get3A_2 = vector.load %arg2[%get3A, %get3A_0, %get3A_1] : memref<1x512x128xf32, #tpu.memory_space<vmem>>, vector<1x512x128xf32>
    %get3A_3 = vector.shape_cast %get3A_2 : vector<1x512x128xf32> to vector<512x128xf32>
    %get3A_4 = arith.constant 0 : index
    %get3A_5 = arith.constant 0 : index
    %get3A_6 = arith.constant 0 : index
    %get3A_7 = vector.load %arg3[%get3A_4, %get3A_5, %get3A_6] : memref<1x512x128xf32, #tpu.memory_space<vmem>>, vector<1x512x128xf32>
    %get3A_8 = vector.shape_cast %get3A_7 : vector<1x512x128xf32> to vector<512x128xf32>
    %slice3A = vector.extract_strided_slice %get3A_8 {offsets = [448, 0], sizes = [64, 128], strides = [1, 1]} : vector<512x128xf32> to vector<64x128xf32>
    %concatenate3A = tpu.concatenate %slice3A, %get3A_3 in 0 : vector<64x128xf32>, vector<512x128xf32> -> vector<576x128xf32>
    %get3A_9 = arith.constant 0 : index
    %get3A_10 = arith.constant 0 : index
    %get3A_11 = arith.constant 448 : index
    %get3A_12 = vector.load %arg5[%get3A_9, %get3A_10, %get3A_11] : memref<1x1x512xf32, #tpu.memory_space<vmem>>, vector<1x1x64xf32>
    %get3A_13 = vector.shape_cast %get3A_12 : vector<1x1x64xf32> to vector<1x64xf32>
    %get3A_14 = arith.constant 0 : index
    %get3A_15 = arith.constant 0 : index
    %get3A_16 = arith.constant 0 : index
    %get3A_17 = vector.load %arg4[%get3A_14, %get3A_15, %get3A_16] : memref<1x1x512xf32, #tpu.memory_space<vmem>>, vector<1x1x512xf32>
    %get3A_18 = vector.shape_cast %get3A_17 : vector<1x1x512xf32> to vector<1x512xf32>
    %concatenate3A_19 = tpu.concatenate %get3A_13, %get3A_18 in 1 : vector<1x64xf32>, vector<1x512xf32> -> vector<1x576xf32>
    %slice3A_20 = vector.extract_strided_slice %get3A_3 {offsets = [0, 0], sizes = [512, 64], strides = [1, 1]} : vector<512x128xf32> to vector<512x64xf32>
    %slice3A_21 = vector.extract_strided_slice %concatenate3A {offsets = [0, 0], sizes = [576, 64], strides = [1, 1]} : vector<576x128xf32> to vector<576x64xf32>
    %slice3A_22 = vector.extract_strided_slice %concatenate3A {offsets = [0, 64], sizes = [576, 64], strides = [1, 1]} : vector<576x128xf32> to vector<576x64xf32>
    %mul3A = arith.mulf %slice3A_21, %slice3A_21 : vector<576x64xf32>
    %reduce_sum3A = arith.constant dense<0.000000e+00> : vector<576xf32>
    %reduce_sum3A_23 = vector.multi_reduction <add>, %mul3A, %reduce_sum3A [1] : vector<576x64xf32> to vector<576xf32>
    %broadcast_in_dim3A = vector.shape_cast %reduce_sum3A_23 : vector<576xf32> to vector<576x1xf32>
    %sqrt3A = math.sqrt %broadcast_in_dim3A : vector<576x1xf32>
    %max3A = arith.constant 9.99999997E-7 : f32
    %max3A_24 = vector.broadcast %max3A : f32 to vector<576x1xf32>
    %max3A_25 = arith.maximumf %sqrt3A, %max3A_24 : vector<576x1xf32>
    %div3A = vector.broadcast %max3A_25 : vector<576x1xf32> to vector<576x64xf32>
    %div3A_26 = arith.divf %slice3A_21, %div3A : vector<576x64xf32>
    %iota3A = tpu.iota {dimensions = array<i32: 0>} : vector<256x320xi32>
    %iota3A_27 = tpu.iota {dimensions = array<i32: 1>} : vector<256x320xi32>
    %jit3A = arith.constant 64 : i32
    %div3A_28 = vector.broadcast %jit3A : i32 to vector<256x320xi32>
    %div3A_29 = arith.divsi %iota3A, %div3A_28 : vector<256x320xi32>
    %sign3A = arith.constant 0 : i32
    %sign3A_30 = vector.broadcast %sign3A : i32 to vector<256x320xi32>
    %sign3A_31 = arith.cmpi sgt, %iota3A, %sign3A_30 : vector<256x320xi32>
    %sign3A_32 = arith.extui %sign3A_31 : vector<256x320xi1> to vector<256x320xi32>
    %sign3A_33 = arith.constant 0 : i32
    %sign3A_34 = vector.broadcast %sign3A_33 : i32 to vector<256x320xi32>
    %sign3A_35 = arith.cmpi slt, %iota3A, %sign3A_34 : vector<256x320xi32>
    %sign3A_36 = arith.extui %sign3A_35 : vector<256x320xi1> to vector<256x320xi32>
    %sign3A_37 = arith.subi %sign3A_32, %sign3A_36 : vector<256x320xi32>
    %sign3A_38 = arith.constant 0 : i32
    %sign3A_39 = arith.cmpi sgt, %jit3A, %sign3A_38 : i32
    %sign3A_40 = arith.extui %sign3A_39 : i1 to i32
    %sign3A_41 = arith.constant 0 : i32
    %sign3A_42 = arith.cmpi slt, %jit3A, %sign3A_41 : i32
    %sign3A_43 = arith.extui %sign3A_42 : i1 to i32
    %sign3A_44 = arith.subi %sign3A_40, %sign3A_43 : i32
    %ne3A = vector.broadcast %sign3A_44 : i32 to vector<256x320xi32>
    %ne3A_45 = arith.cmpi ne, %sign3A_37, %ne3A : vector<256x320xi32>
    %rem3A = vector.broadcast %jit3A : i32 to vector<256x320xi32>
    %rem3A_46 = arith.remsi %iota3A, %rem3A : vector<256x320xi32>
    %ne3A_47 = arith.constant 0 : i32
    %ne3A_48 = vector.broadcast %ne3A_47 : i32 to vector<256x320xi32>
    %ne3A_49 = arith.cmpi ne, %rem3A_46, %ne3A_48 : vector<256x320xi32>
    %and3A = arith.andi %ne3A_45, %ne3A_49 : vector<256x320xi1>
    %sub3A = arith.constant 1 : i32
    %sub3A_50 = vector.broadcast %sub3A : i32 to vector<256x320xi32>
    %sub3A_51 = arith.subi %div3A_29, %sub3A_50 : vector<256x320xi32>
    %select_n3A = arith.select %and3A, %sub3A_51, %div3A_29 : vector<256x320xi1>, vector<256x320xi32>
    %mul3A_52 = arith.constant 64 : i32
    %mul3A_53 = vector.broadcast %mul3A_52 : i32 to vector<256x320xi32>
    %mul3A_54 = arith.muli %select_n3A, %mul3A_53 : vector<256x320xi32>
    %ge3A = arith.cmpi sge, %iota3A_27, %mul3A_54 : vector<256x320xi32>
    %mul3A_55 = arith.constant 64 : i32
    %mul3A_56 = vector.broadcast %mul3A_55 : i32 to vector<256x320xi32>
    %mul3A_57 = arith.muli %select_n3A, %mul3A_56 : vector<256x320xi32>
    %add3A = arith.constant 128 : i32
    %add3A_58 = vector.broadcast %add3A : i32 to vector<256x320xi32>
    %add3A_59 = arith.addi %mul3A_57, %add3A_58 : vector<256x320xi32>
    %lt3A = arith.cmpi slt, %iota3A_27, %add3A_59 : vector<256x320xi32>
    %and3A_60 = arith.andi %ge3A, %lt3A : vector<256x320xi1>
    %slice3A_61 = vector.extract_strided_slice %slice3A_20 {offsets = [0, 0], sizes = [256, 64], strides = [1, 1]} : vector<512x64xf32> to vector<256x64xf32>
    %slice3A_62 = vector.extract_strided_slice %div3A_26 {offsets = [0, 0], sizes = [320, 64], strides = [1, 1]} : vector<576x64xf32> to vector<320x64xf32>
    %slice3A_63 = vector.extract_strided_slice %slice3A_22 {offsets = [0, 0], sizes = [320, 64], strides = [1, 1]} : vector<576x64xf32> to vector<320x64xf32>
    %slice3A_64 = vector.extract_strided_slice %concatenate3A_19 {offsets = [0, 0], sizes = [1, 320], strides = [1, 1]} : vector<1x576xf32> to vector<1x320xf32>
    %add3A_65 = arith.constant 64 : i32
    %add3A_66 = vector.broadcast %add3A_65 : i32 to vector<256x320xi32>
    %add3A_67 = arith.addi %iota3A, %add3A_66 : vector<256x320xi32>
    %eq3A = arith.cmpi eq, %iota3A_27, %add3A_67 : vector<256x320xi32>
    %broadcast_in_dim3A_68 = vector.shape_cast %slice3A_64 : vector<1x320xf32> to vector<1x320xf32>
    %broadcast_in_dim3A_69 = vector.broadcast %broadcast_in_dim3A_68 : vector<1x320xf32> to vector<256x320xf32>
    %jit3A_70 = arith.constant 0.000000e+00 : f32
    %broadcast_in_dim3A_71 = vector.broadcast %jit3A_70 : f32 to vector<256x320xf32>
    %select_n3A_72 = arith.select %eq3A, %broadcast_in_dim3A_69, %broadcast_in_dim3A_71 : vector<256x320xi1>, vector<256x320xf32>
    %reduce_sum3A_73 = arith.constant dense<0.000000e+00> : vector<256xf32>
    %reduce_sum3A_74 = vector.multi_reduction <add>, %select_n3A_72, %reduce_sum3A_73 [1] : vector<256x320xf32> to vector<256xf32>
    %broadcast_in_dim3A_75 = vector.shape_cast %reduce_sum3A_74 : vector<256xf32> to vector<256x1xf32>
    %convert_element_type3A = arith.truncf %slice3A_61 : vector<256x64xf32> to vector<256x64xbf16>
    %convert_element_type3A_76 = arith.truncf %slice3A_62 : vector<320x64xf32> to vector<320x64xbf16>
    %dot_general3A = arith.constant dense<0.000000e+00> : vector<256x320xf32>
    %dot_general3A_77 = tpu.matmul %convert_element_type3A, %convert_element_type3A_76, %dot_general3A {dimension_numbers = #tpu.dot_dimension_numbers<[1], [1], [0], [0], [0, 0, 1, 0], [], []>, transpose_lhs_hint = false} : vector<256x64xbf16>, vector<320x64xbf16>, vector<256x320xf32> -> vector<256x320xf32>
    %mul3A_78 = arith.constant 1.250000e-01 : f32
    %mul3A_79 = vector.broadcast %mul3A_78 : f32 to vector<256x320xf32>
    %mul3A_80 = arith.mulf %dot_general3A_77, %mul3A_79 : vector<256x320xf32>
    %eq3A_81 = vector.broadcast %broadcast_in_dim3A_75 : vector<256x1xf32> to vector<256x320xf32>
    %eq3A_82 = vector.broadcast %slice3A_64 : vector<1x320xf32> to vector<256x320xf32>
    %eq3A_83 = arith.cmpf oeq, %eq3A_81, %eq3A_82 : vector<256x320xf32>
    %sub3A_84 = arith.constant 1.000000e+05 : f32
    %sub3A_85 = vector.broadcast %sub3A_84 : f32 to vector<256x320xf32>
    %sub3A_86 = arith.subf %mul3A_80, %sub3A_85 : vector<256x320xf32>
    %select_n3A_87 = arith.select %eq3A_83, %sub3A_86, %mul3A_80 : vector<256x320xi1>, vector<256x320xf32>
    %jit3A_88 = arith.constant -1.000000e+09 : f32
    %broadcast_in_dim3A_89 = vector.broadcast %jit3A_88 : f32 to vector<256x320xf32>
    %select_n3A_90 = arith.select %and3A_60, %select_n3A_87, %broadcast_in_dim3A_89 : vector<256x320xi1>, vector<256x320xf32>
    %reduce_max3A = arith.constant dense<0xFF800000> : vector<256xf32>
    %reduce_max3A_91 = vector.multi_reduction <maximumf>, %select_n3A_90, %reduce_max3A [1] : vector<256x320xf32> to vector<256xf32>
    %broadcast_in_dim3A_92 = vector.shape_cast %reduce_max3A_91 : vector<256xf32> to vector<256x1xf32>
    %sub3A_93 = vector.broadcast %broadcast_in_dim3A_92 : vector<256x1xf32> to vector<256x320xf32>
    %sub3A_94 = arith.subf %select_n3A_90, %sub3A_93 : vector<256x320xf32>
    %exp3A = math.exp %sub3A_94 : vector<256x320xf32>
    %reduce_sum3A_95 = arith.constant dense<0.000000e+00> : vector<256xf32>
    %reduce_sum3A_96 = vector.multi_reduction <add>, %exp3A, %reduce_sum3A_95 [1] : vector<256x320xf32> to vector<256xf32>
    %broadcast_in_dim3A_97 = vector.shape_cast %reduce_sum3A_96 : vector<256xf32> to vector<256x1xf32>
    %log3A = math.log %broadcast_in_dim3A_97 : vector<256x1xf32>
    %add3A_98 = arith.addf %log3A, %broadcast_in_dim3A_92 : vector<256x1xf32>
    %sub3A_99 = vector.broadcast %add3A_98 : vector<256x1xf32> to vector<256x320xf32>
    %sub3A_100 = arith.subf %select_n3A_90, %sub3A_99 : vector<256x320xf32>
    %exp3A_101 = math.exp %sub3A_100 : vector<256x320xf32>
    %convert_element_type3A_102 = arith.truncf %exp3A_101 : vector<256x320xf32> to vector<256x320xbf16>
    %convert_element_type3A_103 = arith.truncf %slice3A_63 : vector<320x64xf32> to vector<320x64xbf16>
    %dot_general3A_104 = arith.constant dense<0.000000e+00> : vector<256x64xf32>
    %dot_general3A_105 = tpu.matmul %convert_element_type3A_102, %convert_element_type3A_103, %dot_general3A_104 {dimension_numbers = #tpu.dot_dimension_numbers<[1], [0], [0], [1], [0, 0, 1, 1], [], []>, transpose_lhs_hint = false} : vector<256x320xbf16>, vector<320x64xbf16>, vector<256x64xf32> -> vector<256x64xf32>
    %broadcast_in_dim3A_106 = arith.constant 0.000000e+00 : f32
    %broadcast_in_dim3A_107 = vector.broadcast %broadcast_in_dim3A_106 : f32 to vector<256x63xf32>
    %concatenate3A_108 = tpu.concatenate %dot_general3A_105, %add3A_98, %broadcast_in_dim3A_107 in 1 : vector<256x64xf32>, vector<256x1xf32>, vector<256x63xf32> -> vector<256x128xf32>
    %slice3A_109 = vector.extract_strided_slice %slice3A_20 {offsets = [256, 0], sizes = [256, 64], strides = [1, 1]} : vector<512x64xf32> to vector<256x64xf32>
    %slice3A_110 = vector.extract_strided_slice %div3A_26 {offsets = [256, 0], sizes = [320, 64], strides = [1, 1]} : vector<576x64xf32> to vector<320x64xf32>
    %slice3A_111 = vector.extract_strided_slice %slice3A_22 {offsets = [256, 0], sizes = [320, 64], strides = [1, 1]} : vector<576x64xf32> to vector<320x64xf32>
    %slice3A_112 = vector.extract_strided_slice %concatenate3A_19 {offsets = [0, 256], sizes = [1, 320], strides = [1, 1]} : vector<1x576xf32> to vector<1x320xf32>
    %add3A_113 = arith.constant 64 : i32
    %add3A_114 = vector.broadcast %add3A_113 : i32 to vector<256x320xi32>
    %add3A_115 = arith.addi %iota3A, %add3A_114 : vector<256x320xi32>
    %eq3A_116 = arith.cmpi eq, %iota3A_27, %add3A_115 : vector<256x320xi32>
    %broadcast_in_dim3A_117 = vector.shape_cast %slice3A_112 : vector<1x320xf32> to vector<1x320xf32>
    %broadcast_in_dim3A_118 = vector.broadcast %broadcast_in_dim3A_117 : vector<1x320xf32> to vector<256x320xf32>
    %jit3A_119 = arith.constant 0.000000e+00 : f32
    %broadcast_in_dim3A_120 = vector.broadcast %jit3A_119 : f32 to vector<256x320xf32>
    %select_n3A_121 = arith.select %eq3A_116, %broadcast_in_dim3A_118, %broadcast_in_dim3A_120 : vector<256x320xi1>, vector<256x320xf32>
    %reduce_sum3A_122 = arith.constant dense<0.000000e+00> : vector<256xf32>
    %reduce_sum3A_123 = vector.multi_reduction <add>, %select_n3A_121, %reduce_sum3A_122 [1] : vector<256x320xf32> to vector<256xf32>
    %broadcast_in_dim3A_124 = vector.shape_cast %reduce_sum3A_123 : vector<256xf32> to vector<256x1xf32>
    %convert_element_type3A_125 = arith.truncf %slice3A_109 : vector<256x64xf32> to vector<256x64xbf16>
    %convert_element_type3A_126 = arith.truncf %slice3A_110 : vector<320x64xf32> to vector<320x64xbf16>
    %dot_general3A_127 = arith.constant dense<0.000000e+00> : vector<256x320xf32>
    %dot_general3A_128 = tpu.matmul %convert_element_type3A_125, %convert_element_type3A_126, %dot_general3A_127 {dimension_numbers = #tpu.dot_dimension_numbers<[1], [1], [0], [0], [0, 0, 1, 0], [], []>, transpose_lhs_hint = false} : vector<256x64xbf16>, vector<320x64xbf16>, vector<256x320xf32> -> vector<256x320xf32>
    %mul3A_129 = arith.constant 1.250000e-01 : f32
    %mul3A_130 = vector.broadcast %mul3A_129 : f32 to vector<256x320xf32>
    %mul3A_131 = arith.mulf %dot_general3A_128, %mul3A_130 : vector<256x320xf32>
    %eq3A_132 = vector.broadcast %broadcast_in_dim3A_124 : vector<256x1xf32> to vector<256x320xf32>
    %eq3A_133 = vector.broadcast %slice3A_112 : vector<1x320xf32> to vector<256x320xf32>
    %eq3A_134 = arith.cmpf oeq, %eq3A_132, %eq3A_133 : vector<256x320xf32>
    %sub3A_135 = arith.constant 1.000000e+05 : f32
    %sub3A_136 = vector.broadcast %sub3A_135 : f32 to vector<256x320xf32>
    %sub3A_137 = arith.subf %mul3A_131, %sub3A_136 : vector<256x320xf32>
    %select_n3A_138 = arith.select %eq3A_134, %sub3A_137, %mul3A_131 : vector<256x320xi1>, vector<256x320xf32>
    %jit3A_139 = arith.constant -1.000000e+09 : f32
    %broadcast_in_dim3A_140 = vector.broadcast %jit3A_139 : f32 to vector<256x320xf32>
    %select_n3A_141 = arith.select %and3A_60, %select_n3A_138, %broadcast_in_dim3A_140 : vector<256x320xi1>, vector<256x320xf32>
    %reduce_max3A_142 = arith.constant dense<0xFF800000> : vector<256xf32>
    %reduce_max3A_143 = vector.multi_reduction <maximumf>, %select_n3A_141, %reduce_max3A_142 [1] : vector<256x320xf32> to vector<256xf32>
    %broadcast_in_dim3A_144 = vector.shape_cast %reduce_max3A_143 : vector<256xf32> to vector<256x1xf32>
    %sub3A_145 = vector.broadcast %broadcast_in_dim3A_144 : vector<256x1xf32> to vector<256x320xf32>
    %sub3A_146 = arith.subf %select_n3A_141, %sub3A_145 : vector<256x320xf32>
    %exp3A_147 = math.exp %sub3A_146 : vector<256x320xf32>
    %reduce_sum3A_148 = arith.constant dense<0.000000e+00> : vector<256xf32>
    %reduce_sum3A_149 = vector.multi_reduction <add>, %exp3A_147, %reduce_sum3A_148 [1] : vector<256x320xf32> to vector<256xf32>
    %broadcast_in_dim3A_150 = vector.shape_cast %reduce_sum3A_149 : vector<256xf32> to vector<256x1xf32>
    %log3A_151 = math.log %broadcast_in_dim3A_150 : vector<256x1xf32>
    %add3A_152 = arith.addf %log3A_151, %broadcast_in_dim3A_144 : vector<256x1xf32>
    %sub3A_153 = vector.broadcast %add3A_152 : vector<256x1xf32> to vector<256x320xf32>
    %sub3A_154 = arith.subf %select_n3A_141, %sub3A_153 : vector<256x320xf32>
    %exp3A_155 = math.exp %sub3A_154 : vector<256x320xf32>
    %convert_element_type3A_156 = arith.truncf %exp3A_155 : vector<256x320xf32> to vector<256x320xbf16>
    %convert_element_type3A_157 = arith.truncf %slice3A_111 : vector<320x64xf32> to vector<320x64xbf16>
    %dot_general3A_158 = arith.constant dense<0.000000e+00> : vector<256x64xf32>
    %dot_general3A_159 = tpu.matmul %convert_element_type3A_156, %convert_element_type3A_157, %dot_general3A_158 {dimension_numbers = #tpu.dot_dimension_numbers<[1], [0], [0], [1], [0, 0, 1, 1], [], []>, transpose_lhs_hint = false} : vector<256x320xbf16>, vector<320x64xbf16>, vector<256x64xf32> -> vector<256x64xf32>
    %broadcast_in_dim3A_160 = arith.constant 0.000000e+00 : f32
    %broadcast_in_dim3A_161 = vector.broadcast %broadcast_in_dim3A_160 : f32 to vector<256x63xf32>
    %concatenate3A_162 = tpu.concatenate %dot_general3A_159, %add3A_152, %broadcast_in_dim3A_161 in 1 : vector<256x64xf32>, vector<256x1xf32>, vector<256x63xf32> -> vector<256x128xf32>
    %concatenate3A_163 = tpu.concatenate %concatenate3A_108, %concatenate3A_162 in 0 : vector<256x128xf32>, vector<256x128xf32> -> vector<512x128xf32>
    %swap3A = arith.constant 0 : index
    %swap3A_164 = arith.constant 0 : index
    %swap3A_165 = arith.constant 0 : index
    %swap3A_166 = vector.load %arg6[%swap3A, %swap3A_164, %swap3A_165] : memref<1x512x128xf32, #tpu.memory_space<vmem>>, vector<1x512x128xf32>
    %swap3A_167 = vector.shape_cast %swap3A_166 : vector<1x512x128xf32> to vector<512x128xf32>
    %swap3A_168 = vector.shape_cast %concatenate3A_163 : vector<512x128xf32> to vector<1x512x128xf32>
    tpu.vector_store %arg6[%swap3A, %swap3A_164, %swap3A_165], %swap3A_168 {strides = array<i32>} : memref<1x512x128xf32, #tpu.memory_space<vmem>>, vector<1x512x128xf32>,
    return
  }
  func.func @transform_0(%arg0: i32, %arg1: i32) -> (i32, i32, i32) {
    %c0_i32 = arith.constant 0 : i32
    %c0_i32_0 = arith.constant 0 : i32
    return %arg0, %arg1, %c0_i32 : i32, i32, i32
  }
  func.func @transform_1(%arg0: i32, %arg1: i32) -> (i32, i32, i32) {
    %add3A = arith.constant 16 : i32
    %add3A_0 = arith.addi %arg1, %add3A : i32
    %sub3A = arith.constant 1 : i32
    %sub3A_1 = arith.subi %add3A_0, %sub3A : i32
    %jit3A = arith.constant 16 : i32
    %eq3A = arith.constant 0 : i32
    %eq3A_2 = arith.cmpi eq, %jit3A, %eq3A : i32
    %jit3A_3 = arith.constant 1 : i32
    %select_n3A = arith.select %eq3A_2, %jit3A_3, %jit3A : i32
    %rem3A = arith.remsi %sub3A_1, %select_n3A : i32
    %ne3A = arith.constant 0 : i32
    %ne3A_4 = arith.cmpi ne, %rem3A, %ne3A : i32
    %lt3A = arith.constant 0 : i32
    %lt3A_5 = arith.cmpi slt, %rem3A, %lt3A : i32
    %lt3A_6 = arith.constant 0 : i32
    %lt3A_7 = arith.cmpi slt, %select_n3A, %lt3A_6 : i32
    %ne3A_8 = arith.xori %lt3A_5, %lt3A_7 : i1
    %and3A = arith.andi %ne3A_8, %ne3A_4 : i1
    %add3A_9 = arith.addi %rem3A, %select_n3A : i32
    %select_n3A_10 = arith.select %and3A, %add3A_9, %rem3A : i32
    %c0_i32 = arith.constant 0 : i32
    %c0_i32_11 = arith.constant 0 : i32
    return %arg0, %select_n3A_10, %c0_i32 : i32, i32, i32
  }
  func.func @transform_2(%arg0: i32, %arg1: i32) -> (i32, i32, i32) {
    %mul3A = arith.constant 16 : i32
    %mul3A_0 = arith.muli %arg0, %mul3A : i32
    %add3A = arith.addi %mul3A_0, %arg1 : i32
    %c0_i32 = arith.constant 0 : i32
    %c0_i32_1 = arith.constant 0 : i32
    %c0_i32_2 = arith.constant 0 : i32
    return %add3A, %c0_i32, %c0_i32_1 : i32, i32, i32
  }
  func.func @transform_3(%arg0: i32, %arg1: i32) -> (i32, i32, i32) {
    %mul3A = arith.constant 16 : i32
    %mul3A_0 = arith.muli %arg0, %mul3A : i32
    %add3A = arith.constant 16 : i32
    %add3A_1 = arith.addi %arg1, %add3A : i32
    %sub3A = arith.constant 1 : i32
    %sub3A_2 = arith.subi %add3A_1, %sub3A : i32
    %jit3A = arith.constant 16 : i32
    %eq3A = arith.constant 0 : i32
    %eq3A_3 = arith.cmpi eq, %jit3A, %eq3A : i32
    %jit3A_4 = arith.constant 1 : i32
    %select_n3A = arith.select %eq3A_3, %jit3A_4, %jit3A : i32
    %rem3A = arith.remsi %sub3A_2, %select_n3A : i32
    %ne3A = arith.constant 0 : i32
    %ne3A_5 = arith.cmpi ne, %rem3A, %ne3A : i32
    %lt3A = arith.constant 0 : i32
    %lt3A_6 = arith.cmpi slt, %rem3A, %lt3A : i32
    %lt3A_7 = arith.constant 0 : i32
    %lt3A_8 = arith.cmpi slt, %select_n3A, %lt3A_7 : i32
    %ne3A_9 = arith.xori %lt3A_6, %lt3A_8 : i1
    %and3A = arith.andi %ne3A_9, %ne3A_5 : i1
    %add3A_10 = arith.addi %rem3A, %select_n3A : i32
    %select_n3A_11 = arith.select %and3A, %add3A_10, %rem3A : i32
    %add3A_12 = arith.addi %mul3A_0, %select_n3A_11 : i32
    %c0_i32 = arith.constant 0 : i32
    %c0_i32_13 = arith.constant 0 : i32
    %c0_i32_14 = arith.constant 0 : i32
    return %add3A_12, %c0_i32, %c0_i32_13 : i32, i32, i32
  }
  func.func @transform_4(%arg0: i32, %arg1: i32) -> (i32, i32, i32) {
    %c0_i32 = arith.constant 0 : i32
    %c0_i32_0 = arith.constant 0 : i32
    return %arg0, %arg1, %c0_i32 : i32, i32, i32
  }
}

module attributes {stable_mosaic.version = 14 : i64} {
  func.func @body(%arg0: i32, %arg1: memref<16x2x512x128xf32, #tpu.memory_space<vmem>>, %arg2: memref<512x1024xf32, #tpu.memory_space<vmem>>, %arg3: memref<1024x1024xf32, #tpu.memory_space<vmem>>, %arg4: memref<512x1024xf32, #tpu.memory_space<vmem>>) attributes {dimension_semantics = [#tpu.dimension_semantics<arbitrary>], iteration_bounds = array<i64: 8>, scalar_prefetch = 0 : i64, scratch_operands = 0 : i64, tpu.core_type = #tpu.core_type<tc>, window_params = [{transform_indices = @transform_0, window_bounds = array<i64: 16, 2, 512, 128>}, {transform_indices = @transform_1, window_bounds = array<i64: 512, 1024>}, {pipeline_mode = #tpu.pipeline_mode<synchronous>, transform_indices = @transform_2, window_bounds = array<i64: 1024, 1024>}, {transform_indices = @transform_3, window_bounds = array<i64: 512, 1024>}]} {
    %get3A = arith.constant 0 : index
    %get3A_0 = arith.constant 0 : index
    %get3A_1 = arith.constant 0 : index
    %get3A_2 = arith.constant 64 : index
    %get3A_3 = vector.load %arg1[%get3A, %get3A_0, %get3A_1, %get3A_2] : memref<16x2x512x128xf32, #tpu.memory_space<vmem>>, vector<1x1x512x1xf32>
    %get3A_4 = vector.shape_cast %get3A_3 : vector<1x1x512x1xf32> to vector<512x1xf32>
    %get3A_5 = arith.constant 0 : index
    %get3A_6 = arith.constant 1 : index
    %get3A_7 = arith.constant 0 : index
    %get3A_8 = arith.constant 64 : index
    %get3A_9 = vector.load %arg1[%get3A_5, %get3A_6, %get3A_7, %get3A_8] : memref<16x2x512x128xf32, #tpu.memory_space<vmem>>, vector<1x1x512x1xf32>
    %get3A_10 = vector.shape_cast %get3A_9 : vector<1x1x512x1xf32> to vector<512x1xf32>
    %max3A = arith.maximumf %get3A_4, %get3A_10 : vector<512x1xf32>
    %sub3A = arith.subf %get3A_4, %max3A : vector<512x1xf32>
    %exp3A = math.exp %sub3A : vector<512x1xf32>
    %sub3A_11 = arith.subf %get3A_10, %max3A : vector<512x1xf32>
    %exp3A_12 = math.exp %sub3A_11 : vector<512x1xf32>
    %add3A = arith.addf %exp3A, %exp3A_12 : vector<512x1xf32>
    %log3A = math.log %add3A : vector<512x1xf32>
    %add3A_13 = arith.addf %log3A, %max3A : vector<512x1xf32>
    %get3A_14 = arith.constant 0 : index
    %get3A_15 = arith.constant 0 : index
    %get3A_16 = arith.constant 0 : index
    %get3A_17 = arith.constant 0 : index
    %get3A_18 = vector.load %arg1[%get3A_14, %get3A_15, %get3A_16, %get3A_17] : memref<16x2x512x128xf32, #tpu.memory_space<vmem>>, vector<1x1x512x64xf32>
    %get3A_19 = vector.shape_cast %get3A_18 : vector<1x1x512x64xf32> to vector<512x64xf32>
    %sub3A_20 = arith.subf %get3A_4, %add3A_13 : vector<512x1xf32>
    %exp3A_21 = math.exp %sub3A_20 : vector<512x1xf32>
    %mul3A = vector.broadcast %exp3A_21 : vector<512x1xf32> to vector<512x64xf32>
    %mul3A_22 = arith.mulf %get3A_19, %mul3A : vector<512x64xf32>
    %get3A_23 = arith.constant 0 : index
    %get3A_24 = arith.constant 1 : index
    %get3A_25 = arith.constant 0 : index
    %get3A_26 = arith.constant 0 : index
    %get3A_27 = vector.load %arg1[%get3A_23, %get3A_24, %get3A_25, %get3A_26] : memref<16x2x512x128xf32, #tpu.memory_space<vmem>>, vector<1x1x512x64xf32>
    %get3A_28 = vector.shape_cast %get3A_27 : vector<1x1x512x64xf32> to vector<512x64xf32>
    %sub3A_29 = arith.subf %get3A_10, %add3A_13 : vector<512x1xf32>
    %exp3A_30 = math.exp %sub3A_29 : vector<512x1xf32>
    %mul3A_31 = vector.broadcast %exp3A_30 : vector<512x1xf32> to vector<512x64xf32>
    %mul3A_32 = arith.mulf %get3A_28, %mul3A_31 : vector<512x64xf32>
    %add3A_33 = arith.addf %mul3A_22, %mul3A_32 : vector<512x64xf32>
    %get3A_34 = arith.constant 1 : index
    %get3A_35 = arith.constant 0 : index
    %get3A_36 = arith.constant 0 : index
    %get3A_37 = arith.constant 64 : index
    %get3A_38 = vector.load %arg1[%get3A_34, %get3A_35, %get3A_36, %get3A_37] : memref<16x2x512x128xf32, #tpu.memory_space<vmem>>, vector<1x1x512x1xf32>
    %get3A_39 = vector.shape_cast %get3A_38 : vector<1x1x512x1xf32> to vector<512x1xf32>
    %get3A_40 = arith.constant 1 : index
    %get3A_41 = arith.constant 1 : index
    %get3A_42 = arith.constant 0 : index
    %get3A_43 = arith.constant 64 : index
    %get3A_44 = vector.load %arg1[%get3A_40, %get3A_41, %get3A_42, %get3A_43] : memref<16x2x512x128xf32, #tpu.memory_space<vmem>>, vector<1x1x512x1xf32>
    %get3A_45 = vector.shape_cast %get3A_44 : vector<1x1x512x1xf32> to vector<512x1xf32>
    %max3A_46 = arith.maximumf %get3A_39, %get3A_45 : vector<512x1xf32>
    %sub3A_47 = arith.subf %get3A_39, %max3A_46 : vector<512x1xf32>
    %exp3A_48 = math.exp %sub3A_47 : vector<512x1xf32>
    %sub3A_49 = arith.subf %get3A_45, %max3A_46 : vector<512x1xf32>
    %exp3A_50 = math.exp %sub3A_49 : vector<512x1xf32>
    %add3A_51 = arith.addf %exp3A_48, %exp3A_50 : vector<512x1xf32>
    %log3A_52 = math.log %add3A_51 : vector<512x1xf32>
    %add3A_53 = arith.addf %log3A_52, %max3A_46 : vector<512x1xf32>
    %get3A_54 = arith.constant 1 : index
    %get3A_55 = arith.constant 0 : index
    %get3A_56 = arith.constant 0 : index
    %get3A_57 = arith.constant 0 : index
    %get3A_58 = vector.load %arg1[%get3A_54, %get3A_55, %get3A_56, %get3A_57] : memref<16x2x512x128xf32, #tpu.memory_space<vmem>>, vector<1x1x512x64xf32>
    %get3A_59 = vector.shape_cast %get3A_58 : vector<1x1x512x64xf32> to vector<512x64xf32>
    %sub3A_60 = arith.subf %get3A_39, %add3A_53 : vector<512x1xf32>
    %exp3A_61 = math.exp %sub3A_60 : vector<512x1xf32>
    %mul3A_62 = vector.broadcast %exp3A_61 : vector<512x1xf32> to vector<512x64xf32>
    %mul3A_63 = arith.mulf %get3A_59, %mul3A_62 : vector<512x64xf32>
    %get3A_64 = arith.constant 1 : index
    %get3A_65 = arith.constant 1 : index
    %get3A_66 = arith.constant 0 : index
    %get3A_67 = arith.constant 0 : index
    %get3A_68 = vector.load %arg1[%get3A_64, %get3A_65, %get3A_66, %get3A_67] : memref<16x2x512x128xf32, #tpu.memory_space<vmem>>, vector<1x1x512x64xf32>
    %get3A_69 = vector.shape_cast %get3A_68 : vector<1x1x512x64xf32> to vector<512x64xf32>
    %sub3A_70 = arith.subf %get3A_45, %add3A_53 : vector<512x1xf32>
    %exp3A_71 = math.exp %sub3A_70 : vector<512x1xf32>
    %mul3A_72 = vector.broadcast %exp3A_71 : vector<512x1xf32> to vector<512x64xf32>
    %mul3A_73 = arith.mulf %get3A_69, %mul3A_72 : vector<512x64xf32>
    %add3A_74 = arith.addf %mul3A_63, %mul3A_73 : vector<512x64xf32>
    %get3A_75 = arith.constant 2 : index
    %get3A_76 = arith.constant 0 : index
    %get3A_77 = arith.constant 0 : index
    %get3A_78 = arith.constant 64 : index
    %get3A_79 = vector.load %arg1[%get3A_75, %get3A_76, %get3A_77, %get3A_78] : memref<16x2x512x128xf32, #tpu.memory_space<vmem>>, vector<1x1x512x1xf32>
    %get3A_80 = vector.shape_cast %get3A_79 : vector<1x1x512x1xf32> to vector<512x1xf32>
    %get3A_81 = arith.constant 2 : index
    %get3A_82 = arith.constant 1 : index
    %get3A_83 = arith.constant 0 : index
    %get3A_84 = arith.constant 64 : index
    %get3A_85 = vector.load %arg1[%get3A_81, %get3A_82, %get3A_83, %get3A_84] : memref<16x2x512x128xf32, #tpu.memory_space<vmem>>, vector<1x1x512x1xf32>
    %get3A_86 = vector.shape_cast %get3A_85 : vector<1x1x512x1xf32> to vector<512x1xf32>
    %max3A_87 = arith.maximumf %get3A_80, %get3A_86 : vector<512x1xf32>
    %sub3A_88 = arith.subf %get3A_80, %max3A_87 : vector<512x1xf32>
    %exp3A_89 = math.exp %sub3A_88 : vector<512x1xf32>
    %sub3A_90 = arith.subf %get3A_86, %max3A_87 : vector<512x1xf32>
    %exp3A_91 = math.exp %sub3A_90 : vector<512x1xf32>
    %add3A_92 = arith.addf %exp3A_89, %exp3A_91 : vector<512x1xf32>
    %log3A_93 = math.log %add3A_92 : vector<512x1xf32>
    %add3A_94 = arith.addf %log3A_93, %max3A_87 : vector<512x1xf32>
    %get3A_95 = arith.constant 2 : index
    %get3A_96 = arith.constant 0 : index
    %get3A_97 = arith.constant 0 : index
    %get3A_98 = arith.constant 0 : index
    %get3A_99 = vector.load %arg1[%get3A_95, %get3A_96, %get3A_97, %get3A_98] : memref<16x2x512x128xf32, #tpu.memory_space<vmem>>, vector<1x1x512x64xf32>
    %get3A_100 = vector.shape_cast %get3A_99 : vector<1x1x512x64xf32> to vector<512x64xf32>
    %sub3A_101 = arith.subf %get3A_80, %add3A_94 : vector<512x1xf32>
    %exp3A_102 = math.exp %sub3A_101 : vector<512x1xf32>
    %mul3A_103 = vector.broadcast %exp3A_102 : vector<512x1xf32> to vector<512x64xf32>
    %mul3A_104 = arith.mulf %get3A_100, %mul3A_103 : vector<512x64xf32>
    %get3A_105 = arith.constant 2 : index
    %get3A_106 = arith.constant 1 : index
    %get3A_107 = arith.constant 0 : index
    %get3A_108 = arith.constant 0 : index
    %get3A_109 = vector.load %arg1[%get3A_105, %get3A_106, %get3A_107, %get3A_108] : memref<16x2x512x128xf32, #tpu.memory_space<vmem>>, vector<1x1x512x64xf32>
    %get3A_110 = vector.shape_cast %get3A_109 : vector<1x1x512x64xf32> to vector<512x64xf32>
    %sub3A_111 = arith.subf %get3A_86, %add3A_94 : vector<512x1xf32>
    %exp3A_112 = math.exp %sub3A_111 : vector<512x1xf32>
    %mul3A_113 = vector.broadcast %exp3A_112 : vector<512x1xf32> to vector<512x64xf32>
    %mul3A_114 = arith.mulf %get3A_110, %mul3A_113 : vector<512x64xf32>
    %add3A_115 = arith.addf %mul3A_104, %mul3A_114 : vector<512x64xf32>
    %get3A_116 = arith.constant 3 : index
    %get3A_117 = arith.constant 0 : index
    %get3A_118 = arith.constant 0 : index
    %get3A_119 = arith.constant 64 : index
    %get3A_120 = vector.load %arg1[%get3A_116, %get3A_117, %get3A_118, %get3A_119] : memref<16x2x512x128xf32, #tpu.memory_space<vmem>>, vector<1x1x512x1xf32>
    %get3A_121 = vector.shape_cast %get3A_120 : vector<1x1x512x1xf32> to vector<512x1xf32>
    %get3A_122 = arith.constant 3 : index
    %get3A_123 = arith.constant 1 : index
    %get3A_124 = arith.constant 0 : index
    %get3A_125 = arith.constant 64 : index
    %get3A_126 = vector.load %arg1[%get3A_122, %get3A_123, %get3A_124, %get3A_125] : memref<16x2x512x128xf32, #tpu.memory_space<vmem>>, vector<1x1x512x1xf32>
    %get3A_127 = vector.shape_cast %get3A_126 : vector<1x1x512x1xf32> to vector<512x1xf32>
    %max3A_128 = arith.maximumf %get3A_121, %get3A_127 : vector<512x1xf32>
    %sub3A_129 = arith.subf %get3A_121, %max3A_128 : vector<512x1xf32>
    %exp3A_130 = math.exp %sub3A_129 : vector<512x1xf32>
    %sub3A_131 = arith.subf %get3A_127, %max3A_128 : vector<512x1xf32>
    %exp3A_132 = math.exp %sub3A_131 : vector<512x1xf32>
    %add3A_133 = arith.addf %exp3A_130, %exp3A_132 : vector<512x1xf32>
    %log3A_134 = math.log %add3A_133 : vector<512x1xf32>
    %add3A_135 = arith.addf %log3A_134, %max3A_128 : vector<512x1xf32>
    %get3A_136 = arith.constant 3 : index
    %get3A_137 = arith.constant 0 : index
    %get3A_138 = arith.constant 0 : index
    %get3A_139 = arith.constant 0 : index
    %get3A_140 = vector.load %arg1[%get3A_136, %get3A_137, %get3A_138, %get3A_139] : memref<16x2x512x128xf32, #tpu.memory_space<vmem>>, vector<1x1x512x64xf32>
    %get3A_141 = vector.shape_cast %get3A_140 : vector<1x1x512x64xf32> to vector<512x64xf32>
    %sub3A_142 = arith.subf %get3A_121, %add3A_135 : vector<512x1xf32>
    %exp3A_143 = math.exp %sub3A_142 : vector<512x1xf32>
    %mul3A_144 = vector.broadcast %exp3A_143 : vector<512x1xf32> to vector<512x64xf32>
    %mul3A_145 = arith.mulf %get3A_141, %mul3A_144 : vector<512x64xf32>
    %get3A_146 = arith.constant 3 : index
    %get3A_147 = arith.constant 1 : index
    %get3A_148 = arith.constant 0 : index
    %get3A_149 = arith.constant 0 : index
    %get3A_150 = vector.load %arg1[%get3A_146, %get3A_147, %get3A_148, %get3A_149] : memref<16x2x512x128xf32, #tpu.memory_space<vmem>>, vector<1x1x512x64xf32>
    %get3A_151 = vector.shape_cast %get3A_150 : vector<1x1x512x64xf32> to vector<512x64xf32>
    %sub3A_152 = arith.subf %get3A_127, %add3A_135 : vector<512x1xf32>
    %exp3A_153 = math.exp %sub3A_152 : vector<512x1xf32>
    %mul3A_154 = vector.broadcast %exp3A_153 : vector<512x1xf32> to vector<512x64xf32>
    %mul3A_155 = arith.mulf %get3A_151, %mul3A_154 : vector<512x64xf32>
    %add3A_156 = arith.addf %mul3A_145, %mul3A_155 : vector<512x64xf32>
    %get3A_157 = arith.constant 4 : index
    %get3A_158 = arith.constant 0 : index
    %get3A_159 = arith.constant 0 : index
    %get3A_160 = arith.constant 64 : index
    %get3A_161 = vector.load %arg1[%get3A_157, %get3A_158, %get3A_159, %get3A_160] : memref<16x2x512x128xf32, #tpu.memory_space<vmem>>, vector<1x1x512x1xf32>
    %get3A_162 = vector.shape_cast %get3A_161 : vector<1x1x512x1xf32> to vector<512x1xf32>
    %get3A_163 = arith.constant 4 : index
    %get3A_164 = arith.constant 1 : index
    %get3A_165 = arith.constant 0 : index
    %get3A_166 = arith.constant 64 : index
    %get3A_167 = vector.load %arg1[%get3A_163, %get3A_164, %get3A_165, %get3A_166] : memref<16x2x512x128xf32, #tpu.memory_space<vmem>>, vector<1x1x512x1xf32>
    %get3A_168 = vector.shape_cast %get3A_167 : vector<1x1x512x1xf32> to vector<512x1xf32>
    %max3A_169 = arith.maximumf %get3A_162, %get3A_168 : vector<512x1xf32>
    %sub3A_170 = arith.subf %get3A_162, %max3A_169 : vector<512x1xf32>
    %exp3A_171 = math.exp %sub3A_170 : vector<512x1xf32>
    %sub3A_172 = arith.subf %get3A_168, %max3A_169 : vector<512x1xf32>
    %exp3A_173 = math.exp %sub3A_172 : vector<512x1xf32>
    %add3A_174 = arith.addf %exp3A_171, %exp3A_173 : vector<512x1xf32>
    %log3A_175 = math.log %add3A_174 : vector<512x1xf32>
    %add3A_176 = arith.addf %log3A_175, %max3A_169 : vector<512x1xf32>
    %get3A_177 = arith.constant 4 : index
    %get3A_178 = arith.constant 0 : index
    %get3A_179 = arith.constant 0 : index
    %get3A_180 = arith.constant 0 : index
    %get3A_181 = vector.load %arg1[%get3A_177, %get3A_178, %get3A_179, %get3A_180] : memref<16x2x512x128xf32, #tpu.memory_space<vmem>>, vector<1x1x512x64xf32>
    %get3A_182 = vector.shape_cast %get3A_181 : vector<1x1x512x64xf32> to vector<512x64xf32>
    %sub3A_183 = arith.subf %get3A_162, %add3A_176 : vector<512x1xf32>
    %exp3A_184 = math.exp %sub3A_183 : vector<512x1xf32>
    %mul3A_185 = vector.broadcast %exp3A_184 : vector<512x1xf32> to vector<512x64xf32>
    %mul3A_186 = arith.mulf %get3A_182, %mul3A_185 : vector<512x64xf32>
    %get3A_187 = arith.constant 4 : index
    %get3A_188 = arith.constant 1 : index
    %get3A_189 = arith.constant 0 : index
    %get3A_190 = arith.constant 0 : index
    %get3A_191 = vector.load %arg1[%get3A_187, %get3A_188, %get3A_189, %get3A_190] : memref<16x2x512x128xf32, #tpu.memory_space<vmem>>, vector<1x1x512x64xf32>
    %get3A_192 = vector.shape_cast %get3A_191 : vector<1x1x512x64xf32> to vector<512x64xf32>
    %sub3A_193 = arith.subf %get3A_168, %add3A_176 : vector<512x1xf32>
    %exp3A_194 = math.exp %sub3A_193 : vector<512x1xf32>
    %mul3A_195 = vector.broadcast %exp3A_194 : vector<512x1xf32> to vector<512x64xf32>
    %mul3A_196 = arith.mulf %get3A_192, %mul3A_195 : vector<512x64xf32>
    %add3A_197 = arith.addf %mul3A_186, %mul3A_196 : vector<512x64xf32>
    %get3A_198 = arith.constant 5 : index
    %get3A_199 = arith.constant 0 : index
    %get3A_200 = arith.constant 0 : index
    %get3A_201 = arith.constant 64 : index
    %get3A_202 = vector.load %arg1[%get3A_198, %get3A_199, %get3A_200, %get3A_201] : memref<16x2x512x128xf32, #tpu.memory_space<vmem>>, vector<1x1x512x1xf32>
    %get3A_203 = vector.shape_cast %get3A_202 : vector<1x1x512x1xf32> to vector<512x1xf32>
    %get3A_204 = arith.constant 5 : index
    %get3A_205 = arith.constant 1 : index
    %get3A_206 = arith.constant 0 : index
    %get3A_207 = arith.constant 64 : index
    %get3A_208 = vector.load %arg1[%get3A_204, %get3A_205, %get3A_206, %get3A_207] : memref<16x2x512x128xf32, #tpu.memory_space<vmem>>, vector<1x1x512x1xf32>
    %get3A_209 = vector.shape_cast %get3A_208 : vector<1x1x512x1xf32> to vector<512x1xf32>
    %max3A_210 = arith.maximumf %get3A_203, %get3A_209 : vector<512x1xf32>
    %sub3A_211 = arith.subf %get3A_203, %max3A_210 : vector<512x1xf32>
    %exp3A_212 = math.exp %sub3A_211 : vector<512x1xf32>
    %sub3A_213 = arith.subf %get3A_209, %max3A_210 : vector<512x1xf32>
    %exp3A_214 = math.exp %sub3A_213 : vector<512x1xf32>
    %add3A_215 = arith.addf %exp3A_212, %exp3A_214 : vector<512x1xf32>
    %log3A_216 = math.log %add3A_215 : vector<512x1xf32>
    %add3A_217 = arith.addf %log3A_216, %max3A_210 : vector<512x1xf32>
    %get3A_218 = arith.constant 5 : index
    %get3A_219 = arith.constant 0 : index
    %get3A_220 = arith.constant 0 : index
    %get3A_221 = arith.constant 0 : index
    %get3A_222 = vector.load %arg1[%get3A_218, %get3A_219, %get3A_220, %get3A_221] : memref<16x2x512x128xf32, #tpu.memory_space<vmem>>, vector<1x1x512x64xf32>
    %get3A_223 = vector.shape_cast %get3A_222 : vector<1x1x512x64xf32> to vector<512x64xf32>
    %sub3A_224 = arith.subf %get3A_203, %add3A_217 : vector<512x1xf32>
    %exp3A_225 = math.exp %sub3A_224 : vector<512x1xf32>
    %mul3A_226 = vector.broadcast %exp3A_225 : vector<512x1xf32> to vector<512x64xf32>
    %mul3A_227 = arith.mulf %get3A_223, %mul3A_226 : vector<512x64xf32>
    %get3A_228 = arith.constant 5 : index
    %get3A_229 = arith.constant 1 : index
    %get3A_230 = arith.constant 0 : index
    %get3A_231 = arith.constant 0 : index
    %get3A_232 = vector.load %arg1[%get3A_228, %get3A_229, %get3A_230, %get3A_231] : memref<16x2x512x128xf32, #tpu.memory_space<vmem>>, vector<1x1x512x64xf32>
    %get3A_233 = vector.shape_cast %get3A_232 : vector<1x1x512x64xf32> to vector<512x64xf32>
    %sub3A_234 = arith.subf %get3A_209, %add3A_217 : vector<512x1xf32>
    %exp3A_235 = math.exp %sub3A_234 : vector<512x1xf32>
    %mul3A_236 = vector.broadcast %exp3A_235 : vector<512x1xf32> to vector<512x64xf32>
    %mul3A_237 = arith.mulf %get3A_233, %mul3A_236 : vector<512x64xf32>
    %add3A_238 = arith.addf %mul3A_227, %mul3A_237 : vector<512x64xf32>
    %get3A_239 = arith.constant 6 : index
    %get3A_240 = arith.constant 0 : index
    %get3A_241 = arith.constant 0 : index
    %get3A_242 = arith.constant 64 : index
    %get3A_243 = vector.load %arg1[%get3A_239, %get3A_240, %get3A_241, %get3A_242] : memref<16x2x512x128xf32, #tpu.memory_space<vmem>>, vector<1x1x512x1xf32>
    %get3A_244 = vector.shape_cast %get3A_243 : vector<1x1x512x1xf32> to vector<512x1xf32>
    %get3A_245 = arith.constant 6 : index
    %get3A_246 = arith.constant 1 : index
    %get3A_247 = arith.constant 0 : index
    %get3A_248 = arith.constant 64 : index
    %get3A_249 = vector.load %arg1[%get3A_245, %get3A_246, %get3A_247, %get3A_248] : memref<16x2x512x128xf32, #tpu.memory_space<vmem>>, vector<1x1x512x1xf32>
    %get3A_250 = vector.shape_cast %get3A_249 : vector<1x1x512x1xf32> to vector<512x1xf32>
    %max3A_251 = arith.maximumf %get3A_244, %get3A_250 : vector<512x1xf32>
    %sub3A_252 = arith.subf %get3A_244, %max3A_251 : vector<512x1xf32>
    %exp3A_253 = math.exp %sub3A_252 : vector<512x1xf32>
    %sub3A_254 = arith.subf %get3A_250, %max3A_251 : vector<512x1xf32>
    %exp3A_255 = math.exp %sub3A_254 : vector<512x1xf32>
    %add3A_256 = arith.addf %exp3A_253, %exp3A_255 : vector<512x1xf32>
    %log3A_257 = math.log %add3A_256 : vector<512x1xf32>
    %add3A_258 = arith.addf %log3A_257, %max3A_251 : vector<512x1xf32>
    %get3A_259 = arith.constant 6 : index
    %get3A_260 = arith.constant 0 : index
    %get3A_261 = arith.constant 0 : index
    %get3A_262 = arith.constant 0 : index
    %get3A_263 = vector.load %arg1[%get3A_259, %get3A_260, %get3A_261, %get3A_262] : memref<16x2x512x128xf32, #tpu.memory_space<vmem>>, vector<1x1x512x64xf32>
    %get3A_264 = vector.shape_cast %get3A_263 : vector<1x1x512x64xf32> to vector<512x64xf32>
    %sub3A_265 = arith.subf %get3A_244, %add3A_258 : vector<512x1xf32>
    %exp3A_266 = math.exp %sub3A_265 : vector<512x1xf32>
    %mul3A_267 = vector.broadcast %exp3A_266 : vector<512x1xf32> to vector<512x64xf32>
    %mul3A_268 = arith.mulf %get3A_264, %mul3A_267 : vector<512x64xf32>
    %get3A_269 = arith.constant 6 : index
    %get3A_270 = arith.constant 1 : index
    %get3A_271 = arith.constant 0 : index
    %get3A_272 = arith.constant 0 : index
    %get3A_273 = vector.load %arg1[%get3A_269, %get3A_270, %get3A_271, %get3A_272] : memref<16x2x512x128xf32, #tpu.memory_space<vmem>>, vector<1x1x512x64xf32>
    %get3A_274 = vector.shape_cast %get3A_273 : vector<1x1x512x64xf32> to vector<512x64xf32>
    %sub3A_275 = arith.subf %get3A_250, %add3A_258 : vector<512x1xf32>
    %exp3A_276 = math.exp %sub3A_275 : vector<512x1xf32>
    %mul3A_277 = vector.broadcast %exp3A_276 : vector<512x1xf32> to vector<512x64xf32>
    %mul3A_278 = arith.mulf %get3A_274, %mul3A_277 : vector<512x64xf32>
    %add3A_279 = arith.addf %mul3A_268, %mul3A_278 : vector<512x64xf32>
    %get3A_280 = arith.constant 7 : index
    %get3A_281 = arith.constant 0 : index
    %get3A_282 = arith.constant 0 : index
    %get3A_283 = arith.constant 64 : index
    %get3A_284 = vector.load %arg1[%get3A_280, %get3A_281, %get3A_282, %get3A_283] : memref<16x2x512x128xf32, #tpu.memory_space<vmem>>, vector<1x1x512x1xf32>
    %get3A_285 = vector.shape_cast %get3A_284 : vector<1x1x512x1xf32> to vector<512x1xf32>
    %get3A_286 = arith.constant 7 : index
    %get3A_287 = arith.constant 1 : index
    %get3A_288 = arith.constant 0 : index
    %get3A_289 = arith.constant 64 : index
    %get3A_290 = vector.load %arg1[%get3A_286, %get3A_287, %get3A_288, %get3A_289] : memref<16x2x512x128xf32, #tpu.memory_space<vmem>>, vector<1x1x512x1xf32>
    %get3A_291 = vector.shape_cast %get3A_290 : vector<1x1x512x1xf32> to vector<512x1xf32>
    %max3A_292 = arith.maximumf %get3A_285, %get3A_291 : vector<512x1xf32>
    %sub3A_293 = arith.subf %get3A_285, %max3A_292 : vector<512x1xf32>
    %exp3A_294 = math.exp %sub3A_293 : vector<512x1xf32>
    %sub3A_295 = arith.subf %get3A_291, %max3A_292 : vector<512x1xf32>
    %exp3A_296 = math.exp %sub3A_295 : vector<512x1xf32>
    %add3A_297 = arith.addf %exp3A_294, %exp3A_296 : vector<512x1xf32>
    %log3A_298 = math.log %add3A_297 : vector<512x1xf32>
    %add3A_299 = arith.addf %log3A_298, %max3A_292 : vector<512x1xf32>
    %get3A_300 = arith.constant 7 : index
    %get3A_301 = arith.constant 0 : index
    %get3A_302 = arith.constant 0 : index
    %get3A_303 = arith.constant 0 : index
    %get3A_304 = vector.load %arg1[%get3A_300, %get3A_301, %get3A_302, %get3A_303] : memref<16x2x512x128xf32, #tpu.memory_space<vmem>>, vector<1x1x512x64xf32>
    %get3A_305 = vector.shape_cast %get3A_304 : vector<1x1x512x64xf32> to vector<512x64xf32>
    %sub3A_306 = arith.subf %get3A_285, %add3A_299 : vector<512x1xf32>
    %exp3A_307 = math.exp %sub3A_306 : vector<512x1xf32>
    %mul3A_308 = vector.broadcast %exp3A_307 : vector<512x1xf32> to vector<512x64xf32>
    %mul3A_309 = arith.mulf %get3A_305, %mul3A_308 : vector<512x64xf32>
    %get3A_310 = arith.constant 7 : index
    %get3A_311 = arith.constant 1 : index
    %get3A_312 = arith.constant 0 : index
    %get3A_313 = arith.constant 0 : index
    %get3A_314 = vector.load %arg1[%get3A_310, %get3A_311, %get3A_312, %get3A_313] : memref<16x2x512x128xf32, #tpu.memory_space<vmem>>, vector<1x1x512x64xf32>
    %get3A_315 = vector.shape_cast %get3A_314 : vector<1x1x512x64xf32> to vector<512x64xf32>
    %sub3A_316 = arith.subf %get3A_291, %add3A_299 : vector<512x1xf32>
    %exp3A_317 = math.exp %sub3A_316 : vector<512x1xf32>
    %mul3A_318 = vector.broadcast %exp3A_317 : vector<512x1xf32> to vector<512x64xf32>
    %mul3A_319 = arith.mulf %get3A_315, %mul3A_318 : vector<512x64xf32>
    %add3A_320 = arith.addf %mul3A_309, %mul3A_319 : vector<512x64xf32>
    %get3A_321 = arith.constant 8 : index
    %get3A_322 = arith.constant 0 : index
    %get3A_323 = arith.constant 0 : index
    %get3A_324 = arith.constant 64 : index
    %get3A_325 = vector.load %arg1[%get3A_321, %get3A_322, %get3A_323, %get3A_324] : memref<16x2x512x128xf32, #tpu.memory_space<vmem>>, vector<1x1x512x1xf32>
    %get3A_326 = vector.shape_cast %get3A_325 : vector<1x1x512x1xf32> to vector<512x1xf32>
    %get3A_327 = arith.constant 8 : index
    %get3A_328 = arith.constant 1 : index
    %get3A_329 = arith.constant 0 : index
    %get3A_330 = arith.constant 64 : index
    %get3A_331 = vector.load %arg1[%get3A_327, %get3A_328, %get3A_329, %get3A_330] : memref<16x2x512x128xf32, #tpu.memory_space<vmem>>, vector<1x1x512x1xf32>
    %get3A_332 = vector.shape_cast %get3A_331 : vector<1x1x512x1xf32> to vector<512x1xf32>
    %max3A_333 = arith.maximumf %get3A_326, %get3A_332 : vector<512x1xf32>
    %sub3A_334 = arith.subf %get3A_326, %max3A_333 : vector<512x1xf32>
    %exp3A_335 = math.exp %sub3A_334 : vector<512x1xf32>
    %sub3A_336 = arith.subf %get3A_332, %max3A_333 : vector<512x1xf32>
    %exp3A_337 = math.exp %sub3A_336 : vector<512x1xf32>
    %add3A_338 = arith.addf %exp3A_335, %exp3A_337 : vector<512x1xf32>
    %log3A_339 = math.log %add3A_338 : vector<512x1xf32>
    %add3A_340 = arith.addf %log3A_339, %max3A_333 : vector<512x1xf32>
    %get3A_341 = arith.constant 8 : index
    %get3A_342 = arith.constant 0 : index
    %get3A_343 = arith.constant 0 : index
    %get3A_344 = arith.constant 0 : index
    %get3A_345 = vector.load %arg1[%get3A_341, %get3A_342, %get3A_343, %get3A_344] : memref<16x2x512x128xf32, #tpu.memory_space<vmem>>, vector<1x1x512x64xf32>
    %get3A_346 = vector.shape_cast %get3A_345 : vector<1x1x512x64xf32> to vector<512x64xf32>
    %sub3A_347 = arith.subf %get3A_326, %add3A_340 : vector<512x1xf32>
    %exp3A_348 = math.exp %sub3A_347 : vector<512x1xf32>
    %mul3A_349 = vector.broadcast %exp3A_348 : vector<512x1xf32> to vector<512x64xf32>
    %mul3A_350 = arith.mulf %get3A_346, %mul3A_349 : vector<512x64xf32>
    %get3A_351 = arith.constant 8 : index
    %get3A_352 = arith.constant 1 : index
    %get3A_353 = arith.constant 0 : index
    %get3A_354 = arith.constant 0 : index
    %get3A_355 = vector.load %arg1[%get3A_351, %get3A_352, %get3A_353, %get3A_354] : memref<16x2x512x128xf32, #tpu.memory_space<vmem>>, vector<1x1x512x64xf32>
    %get3A_356 = vector.shape_cast %get3A_355 : vector<1x1x512x64xf32> to vector<512x64xf32>
    %sub3A_357 = arith.subf %get3A_332, %add3A_340 : vector<512x1xf32>
    %exp3A_358 = math.exp %sub3A_357 : vector<512x1xf32>
    %mul3A_359 = vector.broadcast %exp3A_358 : vector<512x1xf32> to vector<512x64xf32>
    %mul3A_360 = arith.mulf %get3A_356, %mul3A_359 : vector<512x64xf32>
    %add3A_361 = arith.addf %mul3A_350, %mul3A_360 : vector<512x64xf32>
    %get3A_362 = arith.constant 9 : index
    %get3A_363 = arith.constant 0 : index
    %get3A_364 = arith.constant 0 : index
    %get3A_365 = arith.constant 64 : index
    %get3A_366 = vector.load %arg1[%get3A_362, %get3A_363, %get3A_364, %get3A_365] : memref<16x2x512x128xf32, #tpu.memory_space<vmem>>, vector<1x1x512x1xf32>
    %get3A_367 = vector.shape_cast %get3A_366 : vector<1x1x512x1xf32> to vector<512x1xf32>
    %get3A_368 = arith.constant 9 : index
    %get3A_369 = arith.constant 1 : index
    %get3A_370 = arith.constant 0 : index
    %get3A_371 = arith.constant 64 : index
    %get3A_372 = vector.load %arg1[%get3A_368, %get3A_369, %get3A_370, %get3A_371] : memref<16x2x512x128xf32, #tpu.memory_space<vmem>>, vector<1x1x512x1xf32>
    %get3A_373 = vector.shape_cast %get3A_372 : vector<1x1x512x1xf32> to vector<512x1xf32>
    %max3A_374 = arith.maximumf %get3A_367, %get3A_373 : vector<512x1xf32>
    %sub3A_375 = arith.subf %get3A_367, %max3A_374 : vector<512x1xf32>
    %exp3A_376 = math.exp %sub3A_375 : vector<512x1xf32>
    %sub3A_377 = arith.subf %get3A_373, %max3A_374 : vector<512x1xf32>
    %exp3A_378 = math.exp %sub3A_377 : vector<512x1xf32>
    %add3A_379 = arith.addf %exp3A_376, %exp3A_378 : vector<512x1xf32>
    %log3A_380 = math.log %add3A_379 : vector<512x1xf32>
    %add3A_381 = arith.addf %log3A_380, %max3A_374 : vector<512x1xf32>
    %get3A_382 = arith.constant 9 : index
    %get3A_383 = arith.constant 0 : index
    %get3A_384 = arith.constant 0 : index
    %get3A_385 = arith.constant 0 : index
    %get3A_386 = vector.load %arg1[%get3A_382, %get3A_383, %get3A_384, %get3A_385] : memref<16x2x512x128xf32, #tpu.memory_space<vmem>>, vector<1x1x512x64xf32>
    %get3A_387 = vector.shape_cast %get3A_386 : vector<1x1x512x64xf32> to vector<512x64xf32>
    %sub3A_388 = arith.subf %get3A_367, %add3A_381 : vector<512x1xf32>
    %exp3A_389 = math.exp %sub3A_388 : vector<512x1xf32>
    %mul3A_390 = vector.broadcast %exp3A_389 : vector<512x1xf32> to vector<512x64xf32>
    %mul3A_391 = arith.mulf %get3A_387, %mul3A_390 : vector<512x64xf32>
    %get3A_392 = arith.constant 9 : index
    %get3A_393 = arith.constant 1 : index
    %get3A_394 = arith.constant 0 : index
    %get3A_395 = arith.constant 0 : index
    %get3A_396 = vector.load %arg1[%get3A_392, %get3A_393, %get3A_394, %get3A_395] : memref<16x2x512x128xf32, #tpu.memory_space<vmem>>, vector<1x1x512x64xf32>
    %get3A_397 = vector.shape_cast %get3A_396 : vector<1x1x512x64xf32> to vector<512x64xf32>
    %sub3A_398 = arith.subf %get3A_373, %add3A_381 : vector<512x1xf32>
    %exp3A_399 = math.exp %sub3A_398 : vector<512x1xf32>
    %mul3A_400 = vector.broadcast %exp3A_399 : vector<512x1xf32> to vector<512x64xf32>
    %mul3A_401 = arith.mulf %get3A_397, %mul3A_400 : vector<512x64xf32>
    %add3A_402 = arith.addf %mul3A_391, %mul3A_401 : vector<512x64xf32>
    %get3A_403 = arith.constant 10 : index
    %get3A_404 = arith.constant 0 : index
    %get3A_405 = arith.constant 0 : index
    %get3A_406 = arith.constant 64 : index
    %get3A_407 = vector.load %arg1[%get3A_403, %get3A_404, %get3A_405, %get3A_406] : memref<16x2x512x128xf32, #tpu.memory_space<vmem>>, vector<1x1x512x1xf32>
    %get3A_408 = vector.shape_cast %get3A_407 : vector<1x1x512x1xf32> to vector<512x1xf32>
    %get3A_409 = arith.constant 10 : index
    %get3A_410 = arith.constant 1 : index
    %get3A_411 = arith.constant 0 : index
    %get3A_412 = arith.constant 64 : index
    %get3A_413 = vector.load %arg1[%get3A_409, %get3A_410, %get3A_411, %get3A_412] : memref<16x2x512x128xf32, #tpu.memory_space<vmem>>, vector<1x1x512x1xf32>
    %get3A_414 = vector.shape_cast %get3A_413 : vector<1x1x512x1xf32> to vector<512x1xf32>
    %max3A_415 = arith.maximumf %get3A_408, %get3A_414 : vector<512x1xf32>
    %sub3A_416 = arith.subf %get3A_408, %max3A_415 : vector<512x1xf32>
    %exp3A_417 = math.exp %sub3A_416 : vector<512x1xf32>
    %sub3A_418 = arith.subf %get3A_414, %max3A_415 : vector<512x1xf32>
    %exp3A_419 = math.exp %sub3A_418 : vector<512x1xf32>
    %add3A_420 = arith.addf %exp3A_417, %exp3A_419 : vector<512x1xf32>
    %log3A_421 = math.log %add3A_420 : vector<512x1xf32>
    %add3A_422 = arith.addf %log3A_421, %max3A_415 : vector<512x1xf32>
    %get3A_423 = arith.constant 10 : index
    %get3A_424 = arith.constant 0 : index
    %get3A_425 = arith.constant 0 : index
    %get3A_426 = arith.constant 0 : index
    %get3A_427 = vector.load %arg1[%get3A_423, %get3A_424, %get3A_425, %get3A_426] : memref<16x2x512x128xf32, #tpu.memory_space<vmem>>, vector<1x1x512x64xf32>
    %get3A_428 = vector.shape_cast %get3A_427 : vector<1x1x512x64xf32> to vector<512x64xf32>
    %sub3A_429 = arith.subf %get3A_408, %add3A_422 : vector<512x1xf32>
    %exp3A_430 = math.exp %sub3A_429 : vector<512x1xf32>
    %mul3A_431 = vector.broadcast %exp3A_430 : vector<512x1xf32> to vector<512x64xf32>
    %mul3A_432 = arith.mulf %get3A_428, %mul3A_431 : vector<512x64xf32>
    %get3A_433 = arith.constant 10 : index
    %get3A_434 = arith.constant 1 : index
    %get3A_435 = arith.constant 0 : index
    %get3A_436 = arith.constant 0 : index
    %get3A_437 = vector.load %arg1[%get3A_433, %get3A_434, %get3A_435, %get3A_436] : memref<16x2x512x128xf32, #tpu.memory_space<vmem>>, vector<1x1x512x64xf32>
    %get3A_438 = vector.shape_cast %get3A_437 : vector<1x1x512x64xf32> to vector<512x64xf32>
    %sub3A_439 = arith.subf %get3A_414, %add3A_422 : vector<512x1xf32>
    %exp3A_440 = math.exp %sub3A_439 : vector<512x1xf32>
    %mul3A_441 = vector.broadcast %exp3A_440 : vector<512x1xf32> to vector<512x64xf32>
    %mul3A_442 = arith.mulf %get3A_438, %mul3A_441 : vector<512x64xf32>
    %add3A_443 = arith.addf %mul3A_432, %mul3A_442 : vector<512x64xf32>
    %get3A_444 = arith.constant 11 : index
    %get3A_445 = arith.constant 0 : index
    %get3A_446 = arith.constant 0 : index
    %get3A_447 = arith.constant 64 : index
    %get3A_448 = vector.load %arg1[%get3A_444, %get3A_445, %get3A_446, %get3A_447] : memref<16x2x512x128xf32, #tpu.memory_space<vmem>>, vector<1x1x512x1xf32>
    %get3A_449 = vector.shape_cast %get3A_448 : vector<1x1x512x1xf32> to vector<512x1xf32>
    %get3A_450 = arith.constant 11 : index
    %get3A_451 = arith.constant 1 : index
    %get3A_452 = arith.constant 0 : index
    %get3A_453 = arith.constant 64 : index
    %get3A_454 = vector.load %arg1[%get3A_450, %get3A_451, %get3A_452, %get3A_453] : memref<16x2x512x128xf32, #tpu.memory_space<vmem>>, vector<1x1x512x1xf32>
    %get3A_455 = vector.shape_cast %get3A_454 : vector<1x1x512x1xf32> to vector<512x1xf32>
    %max3A_456 = arith.maximumf %get3A_449, %get3A_455 : vector<512x1xf32>
    %sub3A_457 = arith.subf %get3A_449, %max3A_456 : vector<512x1xf32>
    %exp3A_458 = math.exp %sub3A_457 : vector<512x1xf32>
    %sub3A_459 = arith.subf %get3A_455, %max3A_456 : vector<512x1xf32>
    %exp3A_460 = math.exp %sub3A_459 : vector<512x1xf32>
    %add3A_461 = arith.addf %exp3A_458, %exp3A_460 : vector<512x1xf32>
    %log3A_462 = math.log %add3A_461 : vector<512x1xf32>
    %add3A_463 = arith.addf %log3A_462, %max3A_456 : vector<512x1xf32>
    %get3A_464 = arith.constant 11 : index
    %get3A_465 = arith.constant 0 : index
    %get3A_466 = arith.constant 0 : index
    %get3A_467 = arith.constant 0 : index
    %get3A_468 = vector.load %arg1[%get3A_464, %get3A_465, %get3A_466, %get3A_467] : memref<16x2x512x128xf32, #tpu.memory_space<vmem>>, vector<1x1x512x64xf32>
    %get3A_469 = vector.shape_cast %get3A_468 : vector<1x1x512x64xf32> to vector<512x64xf32>
    %sub3A_470 = arith.subf %get3A_449, %add3A_463 : vector<512x1xf32>
    %exp3A_471 = math.exp %sub3A_470 : vector<512x1xf32>
    %mul3A_472 = vector.broadcast %exp3A_471 : vector<512x1xf32> to vector<512x64xf32>
    %mul3A_473 = arith.mulf %get3A_469, %mul3A_472 : vector<512x64xf32>
    %get3A_474 = arith.constant 11 : index
    %get3A_475 = arith.constant 1 : index
    %get3A_476 = arith.constant 0 : index
    %get3A_477 = arith.constant 0 : index
    %get3A_478 = vector.load %arg1[%get3A_474, %get3A_475, %get3A_476, %get3A_477] : memref<16x2x512x128xf32, #tpu.memory_space<vmem>>, vector<1x1x512x64xf32>
    %get3A_479 = vector.shape_cast %get3A_478 : vector<1x1x512x64xf32> to vector<512x64xf32>
    %sub3A_480 = arith.subf %get3A_455, %add3A_463 : vector<512x1xf32>
    %exp3A_481 = math.exp %sub3A_480 : vector<512x1xf32>
    %mul3A_482 = vector.broadcast %exp3A_481 : vector<512x1xf32> to vector<512x64xf32>
    %mul3A_483 = arith.mulf %get3A_479, %mul3A_482 : vector<512x64xf32>
    %add3A_484 = arith.addf %mul3A_473, %mul3A_483 : vector<512x64xf32>
    %get3A_485 = arith.constant 12 : index
    %get3A_486 = arith.constant 0 : index
    %get3A_487 = arith.constant 0 : index
    %get3A_488 = arith.constant 64 : index
    %get3A_489 = vector.load %arg1[%get3A_485, %get3A_486, %get3A_487, %get3A_488] : memref<16x2x512x128xf32, #tpu.memory_space<vmem>>, vector<1x1x512x1xf32>
    %get3A_490 = vector.shape_cast %get3A_489 : vector<1x1x512x1xf32> to vector<512x1xf32>
    %get3A_491 = arith.constant 12 : index
    %get3A_492 = arith.constant 1 : index
    %get3A_493 = arith.constant 0 : index
    %get3A_494 = arith.constant 64 : index
    %get3A_495 = vector.load %arg1[%get3A_491, %get3A_492, %get3A_493, %get3A_494] : memref<16x2x512x128xf32, #tpu.memory_space<vmem>>, vector<1x1x512x1xf32>
    %get3A_496 = vector.shape_cast %get3A_495 : vector<1x1x512x1xf32> to vector<512x1xf32>
    %max3A_497 = arith.maximumf %get3A_490, %get3A_496 : vector<512x1xf32>
    %sub3A_498 = arith.subf %get3A_490, %max3A_497 : vector<512x1xf32>
    %exp3A_499 = math.exp %sub3A_498 : vector<512x1xf32>
    %sub3A_500 = arith.subf %get3A_496, %max3A_497 : vector<512x1xf32>
    %exp3A_501 = math.exp %sub3A_500 : vector<512x1xf32>
    %add3A_502 = arith.addf %exp3A_499, %exp3A_501 : vector<512x1xf32>
    %log3A_503 = math.log %add3A_502 : vector<512x1xf32>
    %add3A_504 = arith.addf %log3A_503, %max3A_497 : vector<512x1xf32>
    %get3A_505 = arith.constant 12 : index
    %get3A_506 = arith.constant 0 : index
    %get3A_507 = arith.constant 0 : index
    %get3A_508 = arith.constant 0 : index
    %get3A_509 = vector.load %arg1[%get3A_505, %get3A_506, %get3A_507, %get3A_508] : memref<16x2x512x128xf32, #tpu.memory_space<vmem>>, vector<1x1x512x64xf32>
    %get3A_510 = vector.shape_cast %get3A_509 : vector<1x1x512x64xf32> to vector<512x64xf32>
    %sub3A_511 = arith.subf %get3A_490, %add3A_504 : vector<512x1xf32>
    %exp3A_512 = math.exp %sub3A_511 : vector<512x1xf32>
    %mul3A_513 = vector.broadcast %exp3A_512 : vector<512x1xf32> to vector<512x64xf32>
    %mul3A_514 = arith.mulf %get3A_510, %mul3A_513 : vector<512x64xf32>
    %get3A_515 = arith.constant 12 : index
    %get3A_516 = arith.constant 1 : index
    %get3A_517 = arith.constant 0 : index
    %get3A_518 = arith.constant 0 : index
    %get3A_519 = vector.load %arg1[%get3A_515, %get3A_516, %get3A_517, %get3A_518] : memref<16x2x512x128xf32, #tpu.memory_space<vmem>>, vector<1x1x512x64xf32>
    %get3A_520 = vector.shape_cast %get3A_519 : vector<1x1x512x64xf32> to vector<512x64xf32>
    %sub3A_521 = arith.subf %get3A_496, %add3A_504 : vector<512x1xf32>
    %exp3A_522 = math.exp %sub3A_521 : vector<512x1xf32>
    %mul3A_523 = vector.broadcast %exp3A_522 : vector<512x1xf32> to vector<512x64xf32>
    %mul3A_524 = arith.mulf %get3A_520, %mul3A_523 : vector<512x64xf32>
    %add3A_525 = arith.addf %mul3A_514, %mul3A_524 : vector<512x64xf32>
    %get3A_526 = arith.constant 13 : index
    %get3A_527 = arith.constant 0 : index
    %get3A_528 = arith.constant 0 : index
    %get3A_529 = arith.constant 64 : index
    %get3A_530 = vector.load %arg1[%get3A_526, %get3A_527, %get3A_528, %get3A_529] : memref<16x2x512x128xf32, #tpu.memory_space<vmem>>, vector<1x1x512x1xf32>
    %get3A_531 = vector.shape_cast %get3A_530 : vector<1x1x512x1xf32> to vector<512x1xf32>
    %get3A_532 = arith.constant 13 : index
    %get3A_533 = arith.constant 1 : index
    %get3A_534 = arith.constant 0 : index
    %get3A_535 = arith.constant 64 : index
    %get3A_536 = vector.load %arg1[%get3A_532, %get3A_533, %get3A_534, %get3A_535] : memref<16x2x512x128xf32, #tpu.memory_space<vmem>>, vector<1x1x512x1xf32>
    %get3A_537 = vector.shape_cast %get3A_536 : vector<1x1x512x1xf32> to vector<512x1xf32>
    %max3A_538 = arith.maximumf %get3A_531, %get3A_537 : vector<512x1xf32>
    %sub3A_539 = arith.subf %get3A_531, %max3A_538 : vector<512x1xf32>
    %exp3A_540 = math.exp %sub3A_539 : vector<512x1xf32>
    %sub3A_541 = arith.subf %get3A_537, %max3A_538 : vector<512x1xf32>
    %exp3A_542 = math.exp %sub3A_541 : vector<512x1xf32>
    %add3A_543 = arith.addf %exp3A_540, %exp3A_542 : vector<512x1xf32>
    %log3A_544 = math.log %add3A_543 : vector<512x1xf32>
    %add3A_545 = arith.addf %log3A_544, %max3A_538 : vector<512x1xf32>
    %get3A_546 = arith.constant 13 : index
    %get3A_547 = arith.constant 0 : index
    %get3A_548 = arith.constant 0 : index
    %get3A_549 = arith.constant 0 : index
    %get3A_550 = vector.load %arg1[%get3A_546, %get3A_547, %get3A_548, %get3A_549] : memref<16x2x512x128xf32, #tpu.memory_space<vmem>>, vector<1x1x512x64xf32>
    %get3A_551 = vector.shape_cast %get3A_550 : vector<1x1x512x64xf32> to vector<512x64xf32>
    %sub3A_552 = arith.subf %get3A_531, %add3A_545 : vector<512x1xf32>
    %exp3A_553 = math.exp %sub3A_552 : vector<512x1xf32>
    %mul3A_554 = vector.broadcast %exp3A_553 : vector<512x1xf32> to vector<512x64xf32>
    %mul3A_555 = arith.mulf %get3A_551, %mul3A_554 : vector<512x64xf32>
    %get3A_556 = arith.constant 13 : index
    %get3A_557 = arith.constant 1 : index
    %get3A_558 = arith.constant 0 : index
    %get3A_559 = arith.constant 0 : index
    %get3A_560 = vector.load %arg1[%get3A_556, %get3A_557, %get3A_558, %get3A_559] : memref<16x2x512x128xf32, #tpu.memory_space<vmem>>, vector<1x1x512x64xf32>
    %get3A_561 = vector.shape_cast %get3A_560 : vector<1x1x512x64xf32> to vector<512x64xf32>
    %sub3A_562 = arith.subf %get3A_537, %add3A_545 : vector<512x1xf32>
    %exp3A_563 = math.exp %sub3A_562 : vector<512x1xf32>
    %mul3A_564 = vector.broadcast %exp3A_563 : vector<512x1xf32> to vector<512x64xf32>
    %mul3A_565 = arith.mulf %get3A_561, %mul3A_564 : vector<512x64xf32>
    %add3A_566 = arith.addf %mul3A_555, %mul3A_565 : vector<512x64xf32>
    %get3A_567 = arith.constant 14 : index
    %get3A_568 = arith.constant 0 : index
    %get3A_569 = arith.constant 0 : index
    %get3A_570 = arith.constant 64 : index
    %get3A_571 = vector.load %arg1[%get3A_567, %get3A_568, %get3A_569, %get3A_570] : memref<16x2x512x128xf32, #tpu.memory_space<vmem>>, vector<1x1x512x1xf32>
    %get3A_572 = vector.shape_cast %get3A_571 : vector<1x1x512x1xf32> to vector<512x1xf32>
    %get3A_573 = arith.constant 14 : index
    %get3A_574 = arith.constant 1 : index
    %get3A_575 = arith.constant 0 : index
    %get3A_576 = arith.constant 64 : index
    %get3A_577 = vector.load %arg1[%get3A_573, %get3A_574, %get3A_575, %get3A_576] : memref<16x2x512x128xf32, #tpu.memory_space<vmem>>, vector<1x1x512x1xf32>
    %get3A_578 = vector.shape_cast %get3A_577 : vector<1x1x512x1xf32> to vector<512x1xf32>
    %max3A_579 = arith.maximumf %get3A_572, %get3A_578 : vector<512x1xf32>
    %sub3A_580 = arith.subf %get3A_572, %max3A_579 : vector<512x1xf32>
    %exp3A_581 = math.exp %sub3A_580 : vector<512x1xf32>
    %sub3A_582 = arith.subf %get3A_578, %max3A_579 : vector<512x1xf32>
    %exp3A_583 = math.exp %sub3A_582 : vector<512x1xf32>
    %add3A_584 = arith.addf %exp3A_581, %exp3A_583 : vector<512x1xf32>
    %log3A_585 = math.log %add3A_584 : vector<512x1xf32>
    %add3A_586 = arith.addf %log3A_585, %max3A_579 : vector<512x1xf32>
    %get3A_587 = arith.constant 14 : index
    %get3A_588 = arith.constant 0 : index
    %get3A_589 = arith.constant 0 : index
    %get3A_590 = arith.constant 0 : index
    %get3A_591 = vector.load %arg1[%get3A_587, %get3A_588, %get3A_589, %get3A_590] : memref<16x2x512x128xf32, #tpu.memory_space<vmem>>, vector<1x1x512x64xf32>
    %get3A_592 = vector.shape_cast %get3A_591 : vector<1x1x512x64xf32> to vector<512x64xf32>
    %sub3A_593 = arith.subf %get3A_572, %add3A_586 : vector<512x1xf32>
    %exp3A_594 = math.exp %sub3A_593 : vector<512x1xf32>
    %mul3A_595 = vector.broadcast %exp3A_594 : vector<512x1xf32> to vector<512x64xf32>
    %mul3A_596 = arith.mulf %get3A_592, %mul3A_595 : vector<512x64xf32>
    %get3A_597 = arith.constant 14 : index
    %get3A_598 = arith.constant 1 : index
    %get3A_599 = arith.constant 0 : index
    %get3A_600 = arith.constant 0 : index
    %get3A_601 = vector.load %arg1[%get3A_597, %get3A_598, %get3A_599, %get3A_600] : memref<16x2x512x128xf32, #tpu.memory_space<vmem>>, vector<1x1x512x64xf32>
    %get3A_602 = vector.shape_cast %get3A_601 : vector<1x1x512x64xf32> to vector<512x64xf32>
    %sub3A_603 = arith.subf %get3A_578, %add3A_586 : vector<512x1xf32>
    %exp3A_604 = math.exp %sub3A_603 : vector<512x1xf32>
    %mul3A_605 = vector.broadcast %exp3A_604 : vector<512x1xf32> to vector<512x64xf32>
    %mul3A_606 = arith.mulf %get3A_602, %mul3A_605 : vector<512x64xf32>
    %add3A_607 = arith.addf %mul3A_596, %mul3A_606 : vector<512x64xf32>
    %get3A_608 = arith.constant 15 : index
    %get3A_609 = arith.constant 0 : index
    %get3A_610 = arith.constant 0 : index
    %get3A_611 = arith.constant 64 : index
    %get3A_612 = vector.load %arg1[%get3A_608, %get3A_609, %get3A_610, %get3A_611] : memref<16x2x512x128xf32, #tpu.memory_space<vmem>>, vector<1x1x512x1xf32>
    %get3A_613 = vector.shape_cast %get3A_612 : vector<1x1x512x1xf32> to vector<512x1xf32>
    %get3A_614 = arith.constant 15 : index
    %get3A_615 = arith.constant 1 : index
    %get3A_616 = arith.constant 0 : index
    %get3A_617 = arith.constant 64 : index
    %get3A_618 = vector.load %arg1[%get3A_614, %get3A_615, %get3A_616, %get3A_617] : memref<16x2x512x128xf32, #tpu.memory_space<vmem>>, vector<1x1x512x1xf32>
    %get3A_619 = vector.shape_cast %get3A_618 : vector<1x1x512x1xf32> to vector<512x1xf32>
    %max3A_620 = arith.maximumf %get3A_613, %get3A_619 : vector<512x1xf32>
    %sub3A_621 = arith.subf %get3A_613, %max3A_620 : vector<512x1xf32>
    %exp3A_622 = math.exp %sub3A_621 : vector<512x1xf32>
    %sub3A_623 = arith.subf %get3A_619, %max3A_620 : vector<512x1xf32>
    %exp3A_624 = math.exp %sub3A_623 : vector<512x1xf32>
    %add3A_625 = arith.addf %exp3A_622, %exp3A_624 : vector<512x1xf32>
    %log3A_626 = math.log %add3A_625 : vector<512x1xf32>
    %add3A_627 = arith.addf %log3A_626, %max3A_620 : vector<512x1xf32>
    %get3A_628 = arith.constant 15 : index
    %get3A_629 = arith.constant 0 : index
    %get3A_630 = arith.constant 0 : index
    %get3A_631 = arith.constant 0 : index
    %get3A_632 = vector.load %arg1[%get3A_628, %get3A_629, %get3A_630, %get3A_631] : memref<16x2x512x128xf32, #tpu.memory_space<vmem>>, vector<1x1x512x64xf32>
    %get3A_633 = vector.shape_cast %get3A_632 : vector<1x1x512x64xf32> to vector<512x64xf32>
    %sub3A_634 = arith.subf %get3A_613, %add3A_627 : vector<512x1xf32>
    %exp3A_635 = math.exp %sub3A_634 : vector<512x1xf32>
    %mul3A_636 = vector.broadcast %exp3A_635 : vector<512x1xf32> to vector<512x64xf32>
    %mul3A_637 = arith.mulf %get3A_633, %mul3A_636 : vector<512x64xf32>
    %get3A_638 = arith.constant 15 : index
    %get3A_639 = arith.constant 1 : index
    %get3A_640 = arith.constant 0 : index
    %get3A_641 = arith.constant 0 : index
    %get3A_642 = vector.load %arg1[%get3A_638, %get3A_639, %get3A_640, %get3A_641] : memref<16x2x512x128xf32, #tpu.memory_space<vmem>>, vector<1x1x512x64xf32>
    %get3A_643 = vector.shape_cast %get3A_642 : vector<1x1x512x64xf32> to vector<512x64xf32>
    %sub3A_644 = arith.subf %get3A_619, %add3A_627 : vector<512x1xf32>
    %exp3A_645 = math.exp %sub3A_644 : vector<512x1xf32>
    %mul3A_646 = vector.broadcast %exp3A_645 : vector<512x1xf32> to vector<512x64xf32>
    %mul3A_647 = arith.mulf %get3A_643, %mul3A_646 : vector<512x64xf32>
    %add3A_648 = arith.addf %mul3A_637, %mul3A_647 : vector<512x64xf32>
    %concatenate3A = tpu.concatenate %add3A_33, %add3A_74, %add3A_115, %add3A_156, %add3A_197, %add3A_238, %add3A_279, %add3A_320, %add3A_361, %add3A_402, %add3A_443, %add3A_484, %add3A_525, %add3A_566, %add3A_607, %add3A_648 in 1 : vector<512x64xf32>, vector<512x64xf32>, vector<512x64xf32>, vector<512x64xf32>, vector<512x64xf32>, vector<512x64xf32>, vector<512x64xf32>, vector<512x64xf32>, vector<512x64xf32>, vector<512x64xf32>, vector<512x64xf32>, vector<512x64xf32>, vector<512x64xf32>, vector<512x64xf32>, vector<512x64xf32>, vector<512x64xf32> -> vector<512x1024xf32>
    %get3A_649 = arith.constant 0 : index
    %get3A_650 = arith.constant 0 : index
    %get3A_651 = vector.load %arg2[%get3A_649, %get3A_650] : memref<512x1024xf32, #tpu.memory_space<vmem>>, vector<512x1024xf32>
    %get3A_652 = arith.constant 0 : index
    %get3A_653 = arith.constant 0 : index
    %get3A_654 = vector.load %arg3[%get3A_652, %get3A_653] : memref<1024x1024xf32, #tpu.memory_space<vmem>>, vector<1024x1024xf32>
    %slice3A = vector.extract_strided_slice %concatenate3A {offsets = [0, 0], sizes = [512, 256], strides = [1, 1]} : vector<512x1024xf32> to vector<512x256xf32>
    %slice3A_655 = vector.extract_strided_slice %get3A_654 {offsets = [0, 0], sizes = [256, 1024], strides = [1, 1]} : vector<1024x1024xf32> to vector<256x1024xf32>
    %convert_element_type3A = arith.truncf %slice3A : vector<512x256xf32> to vector<512x256xbf16>
    %convert_element_type3A_656 = arith.truncf %slice3A_655 : vector<256x1024xf32> to vector<256x1024xbf16>
    %dot_general3A = arith.constant dense<0.000000e+00> : vector<512x1024xf32>
    %dot_general3A_657 = tpu.matmul %convert_element_type3A, %convert_element_type3A_656, %dot_general3A {dimension_numbers = #tpu.dot_dimension_numbers<[1], [0], [0], [1], [0, 0, 1, 1], [], []>, transpose_lhs_hint = false} : vector<512x256xbf16>, vector<256x1024xbf16>, vector<512x1024xf32> -> vector<512x1024xf32>
    %slice3A_658 = vector.extract_strided_slice %concatenate3A {offsets = [0, 256], sizes = [512, 256], strides = [1, 1]} : vector<512x1024xf32> to vector<512x256xf32>
    %slice3A_659 = vector.extract_strided_slice %get3A_654 {offsets = [256, 0], sizes = [256, 1024], strides = [1, 1]} : vector<1024x1024xf32> to vector<256x1024xf32>
    %convert_element_type3A_660 = arith.truncf %slice3A_658 : vector<512x256xf32> to vector<512x256xbf16>
    %convert_element_type3A_661 = arith.truncf %slice3A_659 : vector<256x1024xf32> to vector<256x1024xbf16>
    %dot_general3A_662 = arith.constant dense<0.000000e+00> : vector<512x1024xf32>
    %dot_general3A_663 = tpu.matmul %convert_element_type3A_660, %convert_element_type3A_661, %dot_general3A_662 {dimension_numbers = #tpu.dot_dimension_numbers<[1], [0], [0], [1], [0, 0, 1, 1], [], []>, transpose_lhs_hint = false} : vector<512x256xbf16>, vector<256x1024xbf16>, vector<512x1024xf32> -> vector<512x1024xf32>
    %add3A_664 = arith.addf %dot_general3A_657, %dot_general3A_663 : vector<512x1024xf32>
    %slice3A_665 = vector.extract_strided_slice %concatenate3A {offsets = [0, 512], sizes = [512, 256], strides = [1, 1]} : vector<512x1024xf32> to vector<512x256xf32>
    %slice3A_666 = vector.extract_strided_slice %get3A_654 {offsets = [512, 0], sizes = [256, 1024], strides = [1, 1]} : vector<1024x1024xf32> to vector<256x1024xf32>
    %convert_element_type3A_667 = arith.truncf %slice3A_665 : vector<512x256xf32> to vector<512x256xbf16>
    %convert_element_type3A_668 = arith.truncf %slice3A_666 : vector<256x1024xf32> to vector<256x1024xbf16>
    %dot_general3A_669 = arith.constant dense<0.000000e+00> : vector<512x1024xf32>
    %dot_general3A_670 = tpu.matmul %convert_element_type3A_667, %convert_element_type3A_668, %dot_general3A_669 {dimension_numbers = #tpu.dot_dimension_numbers<[1], [0], [0], [1], [0, 0, 1, 1], [], []>, transpose_lhs_hint = false} : vector<512x256xbf16>, vector<256x1024xbf16>, vector<512x1024xf32> -> vector<512x1024xf32>
    %add3A_671 = arith.addf %add3A_664, %dot_general3A_670 : vector<512x1024xf32>
    %slice3A_672 = vector.extract_strided_slice %concatenate3A {offsets = [0, 768], sizes = [512, 256], strides = [1, 1]} : vector<512x1024xf32> to vector<512x256xf32>
    %slice3A_673 = vector.extract_strided_slice %get3A_654 {offsets = [768, 0], sizes = [256, 1024], strides = [1, 1]} : vector<1024x1024xf32> to vector<256x1024xf32>
    %convert_element_type3A_674 = arith.truncf %slice3A_672 : vector<512x256xf32> to vector<512x256xbf16>
    %convert_element_type3A_675 = arith.truncf %slice3A_673 : vector<256x1024xf32> to vector<256x1024xbf16>
    %dot_general3A_676 = arith.constant dense<0.000000e+00> : vector<512x1024xf32>
    %dot_general3A_677 = tpu.matmul %convert_element_type3A_674, %convert_element_type3A_675, %dot_general3A_676 {dimension_numbers = #tpu.dot_dimension_numbers<[1], [0], [0], [1], [0, 0, 1, 1], [], []>, transpose_lhs_hint = false} : vector<512x256xbf16>, vector<256x1024xbf16>, vector<512x1024xf32> -> vector<512x1024xf32>
    %add3A_678 = arith.addf %add3A_671, %dot_general3A_677 : vector<512x1024xf32>
    %add3A_679 = arith.addf %get3A_651, %add3A_678 : vector<512x1024xf32>
    %swap3A = arith.constant 0 : index
    %swap3A_680 = arith.constant 0 : index
    %swap3A_681 = vector.load %arg4[%swap3A, %swap3A_680] : memref<512x1024xf32, #tpu.memory_space<vmem>>, vector<512x1024xf32>
    tpu.vector_store %arg4[%swap3A, %swap3A_680], %add3A_679 {strides = array<i32>} : memref<512x1024xf32, #tpu.memory_space<vmem>>, vector<512x1024xf32>,
    return
  }
  func.func @transform_0(%arg0: i32) -> (i32, i32, i32, i32) {
    %c0_i32 = arith.constant 0 : i32
    %c0_i32_0 = arith.constant 0 : i32
    %c0_i32_1 = arith.constant 0 : i32
    %c0_i32_2 = arith.constant 0 : i32
    return %c0_i32, %c0_i32_0, %arg0, %c0_i32_1 : i32, i32, i32, i32
  }
  func.func @transform_1(%arg0: i32) -> (i32, i32) {
    %c0_i32 = arith.constant 0 : i32
    %c0_i32_0 = arith.constant 0 : i32
    return %arg0, %c0_i32 : i32, i32
  }
  func.func @transform_2(%arg0: i32) -> (i32, i32) {
    %c0_i32 = arith.constant 0 : i32
    %c0_i32_0 = arith.constant 0 : i32
    %c0_i32_1 = arith.constant 0 : i32
    return %c0_i32, %c0_i32_0 : i32, i32
  }
  func.func @transform_3(%arg0: i32) -> (i32, i32) {
    %c0_i32 = arith.constant 0 : i32
    %c0_i32_0 = arith.constant 0 : i32
    return %arg0, %c0_i32 : i32, i32
  }
}

module attributes {stable_mosaic.version = 14 : i64} {
  func.func @body(%arg0: i32, %arg1: i32, %arg2: memref<1024x1024xf32, #tpu.memory_space<vmem>>, %arg3: memref<1x1024xf32, #tpu.memory_space<vmem>>, %arg4: memref<1x1024xf32, #tpu.memory_space<vmem>>, %arg5: memref<1024x512xf32, #tpu.memory_space<vmem>>, %arg6: memref<1x4096xf32, #tpu.memory_space<vmem>>, %arg7: memref<512x1024xf32, #tpu.memory_space<vmem>>, %arg8: memref<1x1024xf32, #tpu.memory_space<vmem>>, %arg9: memref<1024x1024xf32, #tpu.memory_space<vmem>>) attributes {dimension_semantics = [#tpu.dimension_semantics<arbitrary>, #tpu.dimension_semantics<arbitrary>], iteration_bounds = array<i64: 4, 8>, scalar_prefetch = 0 : i64, scratch_operands = 0 : i64, tpu.core_type = #tpu.core_type<tc>, window_params = [{transform_indices = @transform_0, window_bounds = array<i64: 1024, 1024>}, {pipeline_mode = #tpu.pipeline_mode<synchronous>, transform_indices = @transform_1, window_bounds = array<i64: 1, 1024>}, {pipeline_mode = #tpu.pipeline_mode<synchronous>, transform_indices = @transform_2, window_bounds = array<i64: 1, 1024>}, {transform_indices = @transform_3, window_bounds = array<i64: 1024, 512>}, {pipeline_mode = #tpu.pipeline_mode<synchronous>, transform_indices = @transform_4, window_bounds = array<i64: 1, 4096>}, {transform_indices = @transform_5, window_bounds = array<i64: 512, 1024>}, {pipeline_mode = #tpu.pipeline_mode<synchronous>, transform_indices = @transform_6, window_bounds = array<i64: 1, 1024>}, {transform_indices = @transform_7, window_bounds = array<i64: 1024, 1024>}]} {
    %get3A = arith.constant 0 : index
    %get3A_0 = arith.constant 0 : index
    %get3A_1 = vector.load %arg2[%get3A, %get3A_0] : memref<1024x1024xf32, #tpu.memory_space<vmem>>, vector<1024x1024xf32>
    %reduce_sum3A = arith.constant dense<0.000000e+00> : vector<1024xf32>
    %reduce_sum3A_2 = vector.multi_reduction <add>, %get3A_1, %reduce_sum3A [1] : vector<1024x1024xf32> to vector<1024xf32>
    %broadcast_in_dim3A = vector.shape_cast %reduce_sum3A_2 : vector<1024xf32> to vector<1024x1xf32>
    %div3A = arith.constant 1.024000e+03 : f32
    %div3A_3 = vector.broadcast %div3A : f32 to vector<1024x1xf32>
    %div3A_4 = arith.divf %broadcast_in_dim3A, %div3A_3 : vector<1024x1xf32>
    %sub3A = vector.broadcast %div3A_4 : vector<1024x1xf32> to vector<1024x1024xf32>
    %sub3A_5 = arith.subf %get3A_1, %sub3A : vector<1024x1024xf32>
    %sub3A_6 = vector.broadcast %div3A_4 : vector<1024x1xf32> to vector<1024x1024xf32>
    %sub3A_7 = arith.subf %get3A_1, %sub3A_6 : vector<1024x1024xf32>
    %mul3A = arith.mulf %sub3A_5, %sub3A_7 : vector<1024x1024xf32>
    %reduce_sum3A_8 = arith.constant dense<0.000000e+00> : vector<1024xf32>
    %reduce_sum3A_9 = vector.multi_reduction <add>, %mul3A, %reduce_sum3A_8 [1] : vector<1024x1024xf32> to vector<1024xf32>
    %broadcast_in_dim3A_10 = vector.shape_cast %reduce_sum3A_9 : vector<1024xf32> to vector<1024x1xf32>
    %div3A_11 = arith.constant 1.024000e+03 : f32
    %div3A_12 = vector.broadcast %div3A_11 : f32 to vector<1024x1xf32>
    %div3A_13 = arith.divf %broadcast_in_dim3A_10, %div3A_12 : vector<1024x1xf32>
    %sub3A_14 = vector.broadcast %div3A_4 : vector<1024x1xf32> to vector<1024x1024xf32>
    %sub3A_15 = arith.subf %get3A_1, %sub3A_14 : vector<1024x1024xf32>
    %add3A = arith.constant 9.99999974E-6 : f32
    %add3A_16 = vector.broadcast %add3A : f32 to vector<1024x1xf32>
    %add3A_17 = arith.addf %div3A_13, %add3A_16 : vector<1024x1xf32>
    %rsqrt3A = math.rsqrt %add3A_17 : vector<1024x1xf32>
    %mul3A_18 = vector.broadcast %rsqrt3A : vector<1024x1xf32> to vector<1024x1024xf32>
    %mul3A_19 = arith.mulf %sub3A_15, %mul3A_18 : vector<1024x1024xf32>
    %get3A_20 = arith.constant 0 : index
    %get3A_21 = arith.constant 0 : index
    %get3A_22 = vector.load %arg3[%get3A_20, %get3A_21] : memref<1x1024xf32, #tpu.memory_space<vmem>>, vector<1x1024xf32>
    %mul3A_23 = vector.broadcast %get3A_22 : vector<1x1024xf32> to vector<1024x1024xf32>
    %mul3A_24 = arith.mulf %mul3A_19, %mul3A_23 : vector<1024x1024xf32>
    %get3A_25 = arith.constant 0 : index
    %get3A_26 = arith.constant 0 : index
    %get3A_27 = vector.load %arg4[%get3A_25, %get3A_26] : memref<1x1024xf32, #tpu.memory_space<vmem>>, vector<1x1024xf32>
    %add3A_28 = vector.broadcast %get3A_27 : vector<1x1024xf32> to vector<1024x1024xf32>
    %add3A_29 = arith.addf %mul3A_24, %add3A_28 : vector<1024x1024xf32>
    %mul3A_30 = arith.constant 512 : i32
    %mul3A_31 = arith.muli %arg1, %mul3A_30 : i32
    %get3A_32 = arith.constant 0 : index
    %get3A_33 = arith.index_cast %mul3A_31 : i32 to index
    %get3A_34 = vector.load %arg6[%get3A_32, %get3A_33] : memref<1x4096xf32, #tpu.memory_space<vmem>>, vector<1x512xf32>
    %get3A_35 = arith.constant 0 : index
    %get3A_36 = arith.constant 0 : index
    %get3A_37 = vector.load %arg5[%get3A_35, %get3A_36] : memref<1024x512xf32, #tpu.memory_space<vmem>>, vector<1024x512xf32>
    %slice3A = vector.extract_strided_slice %add3A_29 {offsets = [0, 0], sizes = [1024, 256], strides = [1, 1]} : vector<1024x1024xf32> to vector<1024x256xf32>
    %slice3A_38 = vector.extract_strided_slice %get3A_37 {offsets = [0, 0], sizes = [256, 512], strides = [1, 1]} : vector<1024x512xf32> to vector<256x512xf32>
    %convert_element_type3A = arith.truncf %slice3A : vector<1024x256xf32> to vector<1024x256xbf16>
    %convert_element_type3A_39 = arith.truncf %slice3A_38 : vector<256x512xf32> to vector<256x512xbf16>
    %dot_general3A = arith.constant dense<0.000000e+00> : vector<1024x512xf32>
    %dot_general3A_40 = tpu.matmul %convert_element_type3A, %convert_element_type3A_39, %dot_general3A {dimension_numbers = #tpu.dot_dimension_numbers<[1], [0], [0], [1], [0, 0, 1, 1], [], []>, transpose_lhs_hint = false} : vector<1024x256xbf16>, vector<256x512xbf16>, vector<1024x512xf32> -> vector<1024x512xf32>
    %slice3A_41 = vector.extract_strided_slice %add3A_29 {offsets = [0, 256], sizes = [1024, 256], strides = [1, 1]} : vector<1024x1024xf32> to vector<1024x256xf32>
    %slice3A_42 = vector.extract_strided_slice %get3A_37 {offsets = [256, 0], sizes = [256, 512], strides = [1, 1]} : vector<1024x512xf32> to vector<256x512xf32>
    %convert_element_type3A_43 = arith.truncf %slice3A_41 : vector<1024x256xf32> to vector<1024x256xbf16>
    %convert_element_type3A_44 = arith.truncf %slice3A_42 : vector<256x512xf32> to vector<256x512xbf16>
    %dot_general3A_45 = arith.constant dense<0.000000e+00> : vector<1024x512xf32>
    %dot_general3A_46 = tpu.matmul %convert_element_type3A_43, %convert_element_type3A_44, %dot_general3A_45 {dimension_numbers = #tpu.dot_dimension_numbers<[1], [0], [0], [1], [0, 0, 1, 1], [], []>, transpose_lhs_hint = false} : vector<1024x256xbf16>, vector<256x512xbf16>, vector<1024x512xf32> -> vector<1024x512xf32>
    %add3A_47 = arith.addf %dot_general3A_40, %dot_general3A_46 : vector<1024x512xf32>
    %slice3A_48 = vector.extract_strided_slice %add3A_29 {offsets = [0, 512], sizes = [1024, 256], strides = [1, 1]} : vector<1024x1024xf32> to vector<1024x256xf32>
    %slice3A_49 = vector.extract_strided_slice %get3A_37 {offsets = [512, 0], sizes = [256, 512], strides = [1, 1]} : vector<1024x512xf32> to vector<256x512xf32>
    %convert_element_type3A_50 = arith.truncf %slice3A_48 : vector<1024x256xf32> to vector<1024x256xbf16>
    %convert_element_type3A_51 = arith.truncf %slice3A_49 : vector<256x512xf32> to vector<256x512xbf16>
    %dot_general3A_52 = arith.constant dense<0.000000e+00> : vector<1024x512xf32>
    %dot_general3A_53 = tpu.matmul %convert_element_type3A_50, %convert_element_type3A_51, %dot_general3A_52 {dimension_numbers = #tpu.dot_dimension_numbers<[1], [0], [0], [1], [0, 0, 1, 1], [], []>, transpose_lhs_hint = false} : vector<1024x256xbf16>, vector<256x512xbf16>, vector<1024x512xf32> -> vector<1024x512xf32>
    %add3A_54 = arith.addf %add3A_47, %dot_general3A_53 : vector<1024x512xf32>
    %slice3A_55 = vector.extract_strided_slice %add3A_29 {offsets = [0, 768], sizes = [1024, 256], strides = [1, 1]} : vector<1024x1024xf32> to vector<1024x256xf32>
    %slice3A_56 = vector.extract_strided_slice %get3A_37 {offsets = [768, 0], sizes = [256, 512], strides = [1, 1]} : vector<1024x512xf32> to vector<256x512xf32>
    %convert_element_type3A_57 = arith.truncf %slice3A_55 : vector<1024x256xf32> to vector<1024x256xbf16>
    %convert_element_type3A_58 = arith.truncf %slice3A_56 : vector<256x512xf32> to vector<256x512xbf16>
    %dot_general3A_59 = arith.constant dense<0.000000e+00> : vector<1024x512xf32>
    %dot_general3A_60 = tpu.matmul %convert_element_type3A_57, %convert_element_type3A_58, %dot_general3A_59 {dimension_numbers = #tpu.dot_dimension_numbers<[1], [0], [0], [1], [0, 0, 1, 1], [], []>, transpose_lhs_hint = false} : vector<1024x256xbf16>, vector<256x512xbf16>, vector<1024x512xf32> -> vector<1024x512xf32>
    %add3A_61 = arith.addf %add3A_54, %dot_general3A_60 : vector<1024x512xf32>
    %add3A_62 = vector.broadcast %get3A_34 : vector<1x512xf32> to vector<1024x512xf32>
    %add3A_63 = arith.addf %add3A_61, %add3A_62 : vector<1024x512xf32>
    %integer_pow3A = arith.mulf %add3A_63, %add3A_63 : vector<1024x512xf32>
    %integer_pow3A_64 = arith.mulf %add3A_63, %integer_pow3A : vector<1024x512xf32>
    %mul3A_65 = arith.constant 4.471500e-02 : f32
    %mul3A_66 = vector.broadcast %mul3A_65 : f32 to vector<1024x512xf32>
    %mul3A_67 = arith.mulf %mul3A_66, %integer_pow3A_64 : vector<1024x512xf32>
    %add3A_68 = arith.addf %add3A_63, %mul3A_67 : vector<1024x512xf32>
    %mul3A_69 = arith.constant 0.797884583 : f32
    %mul3A_70 = vector.broadcast %mul3A_69 : f32 to vector<1024x512xf32>
    %mul3A_71 = arith.mulf %mul3A_70, %add3A_68 : vector<1024x512xf32>
    %tanh3A = math.tanh %mul3A_71 : vector<1024x512xf32>
    %add3A_72 = arith.constant 1.000000e+00 : f32
    %add3A_73 = vector.broadcast %add3A_72 : f32 to vector<1024x512xf32>
    %add3A_74 = arith.addf %add3A_73, %tanh3A : vector<1024x512xf32>
    %mul3A_75 = arith.constant 5.000000e-01 : f32
    %mul3A_76 = vector.broadcast %mul3A_75 : f32 to vector<1024x512xf32>
    %mul3A_77 = arith.mulf %mul3A_76, %add3A_74 : vector<1024x512xf32>
    %mul3A_78 = arith.mulf %add3A_63, %mul3A_77 : vector<1024x512xf32>
    %get3A_79 = arith.constant 0 : index
    %get3A_80 = arith.constant 0 : index
    %get3A_81 = vector.load %arg7[%get3A_79, %get3A_80] : memref<512x1024xf32, #tpu.memory_space<vmem>>, vector<512x1024xf32>
    %slice3A_82 = vector.extract_strided_slice %mul3A_78 {offsets = [0, 0], sizes = [1024, 256], strides = [1, 1]} : vector<1024x512xf32> to vector<1024x256xf32>
    %slice3A_83 = vector.extract_strided_slice %get3A_81 {offsets = [0, 0], sizes = [256, 1024], strides = [1, 1]} : vector<512x1024xf32> to vector<256x1024xf32>
    %convert_element_type3A_84 = arith.truncf %slice3A_82 : vector<1024x256xf32> to vector<1024x256xbf16>
    %convert_element_type3A_85 = arith.truncf %slice3A_83 : vector<256x1024xf32> to vector<256x1024xbf16>
    %dot_general3A_86 = arith.constant dense<0.000000e+00> : vector<1024x1024xf32>
    %dot_general3A_87 = tpu.matmul %convert_element_type3A_84, %convert_element_type3A_85, %dot_general3A_86 {dimension_numbers = #tpu.dot_dimension_numbers<[1], [0], [0], [1], [0, 0, 1, 1], [], []>, transpose_lhs_hint = false} : vector<1024x256xbf16>, vector<256x1024xbf16>, vector<1024x1024xf32> -> vector<1024x1024xf32>
    %slice3A_88 = vector.extract_strided_slice %mul3A_78 {offsets = [0, 256], sizes = [1024, 256], strides = [1, 1]} : vector<1024x512xf32> to vector<1024x256xf32>
    %slice3A_89 = vector.extract_strided_slice %get3A_81 {offsets = [256, 0], sizes = [256, 1024], strides = [1, 1]} : vector<512x1024xf32> to vector<256x1024xf32>
    %convert_element_type3A_90 = arith.truncf %slice3A_88 : vector<1024x256xf32> to vector<1024x256xbf16>
    %convert_element_type3A_91 = arith.truncf %slice3A_89 : vector<256x1024xf32> to vector<256x1024xbf16>
    %dot_general3A_92 = arith.constant dense<0.000000e+00> : vector<1024x1024xf32>
    %dot_general3A_93 = tpu.matmul %convert_element_type3A_90, %convert_element_type3A_91, %dot_general3A_92 {dimension_numbers = #tpu.dot_dimension_numbers<[1], [0], [0], [1], [0, 0, 1, 1], [], []>, transpose_lhs_hint = false} : vector<1024x256xbf16>, vector<256x1024xbf16>, vector<1024x1024xf32> -> vector<1024x1024xf32>
    %add3A_94 = arith.addf %dot_general3A_87, %dot_general3A_93 : vector<1024x1024xf32>
    %eq3A = arith.constant 0 : i32
    %eq3A_95 = arith.cmpi eq, %arg1, %eq3A : i32
    %convert_element_type3A_96 = arith.extui %eq3A_95 : i1 to i32
    %cond3A = arith.constant 0 : i32
    %cond3A_97 = arith.cmpi ne, %convert_element_type3A_96, %cond3A : i32
    scf.if %cond3A_97 {
      %swap3A = arith.constant 0 : index
      %swap3A_108 = arith.constant 0 : index
      %swap3A_109 = vector.load %arg9[%swap3A, %swap3A_108] : memref<1024x1024xf32, #tpu.memory_space<vmem>>, vector<1024x1024xf32>
      tpu.vector_store %arg9[%swap3A, %swap3A_108], %add3A_94 {strides = array<i32>} : memref<1024x1024xf32, #tpu.memory_space<vmem>>, vector<1024x1024xf32>,
    } else {
    }
    %gt3A = arith.constant 0 : i32
    %gt3A_98 = arith.cmpi sgt, %arg1, %gt3A : i32
    %lt3A = arith.constant 7 : i32
    %lt3A_99 = arith.cmpi slt, %arg1, %lt3A : i32
    %and3A = arith.andi %gt3A_98, %lt3A_99 : i1
    %convert_element_type3A_100 = arith.extui %and3A : i1 to i32
    %cond3A_101 = arith.constant 0 : i32
    %cond3A_102 = arith.cmpi ne, %convert_element_type3A_100, %cond3A_101 : i32
    scf.if %cond3A_102 {
      %get3A_108 = arith.constant 0 : index
      %get3A_109 = arith.constant 0 : index
      %get3A_110 = vector.load %arg9[%get3A_108, %get3A_109] : memref<1024x1024xf32, #tpu.memory_space<vmem>>, vector<1024x1024xf32>
      %add3A_111 = arith.addf %get3A_110, %add3A_94 : vector<1024x1024xf32>
      %swap3A = arith.constant 0 : index
      %swap3A_112 = arith.constant 0 : index
      %swap3A_113 = vector.load %arg9[%swap3A, %swap3A_112] : memref<1024x1024xf32, #tpu.memory_space<vmem>>, vector<1024x1024xf32>
      tpu.vector_store %arg9[%swap3A, %swap3A_112], %add3A_111 {strides = array<i32>} : memref<1024x1024xf32, #tpu.memory_space<vmem>>, vector<1024x1024xf32>,
    } else {
    }
    %eq3A_103 = arith.constant 7 : i32
    %eq3A_104 = arith.cmpi eq, %arg1, %eq3A_103 : i32
    %convert_element_type3A_105 = arith.extui %eq3A_104 : i1 to i32
    %cond3A_106 = arith.constant 0 : i32
    %cond3A_107 = arith.cmpi ne, %convert_element_type3A_105, %cond3A_106 : i32
    scf.if %cond3A_107 {
      %get3A_108 = arith.constant 0 : index
      %get3A_109 = arith.constant 0 : index
      %get3A_110 = vector.load %arg9[%get3A_108, %get3A_109] : memref<1024x1024xf32, #tpu.memory_space<vmem>>, vector<1024x1024xf32>
      %add3A_111 = arith.addf %get3A_110, %add3A_94 : vector<1024x1024xf32>
      %get3A_112 = arith.constant 0 : index
      %get3A_113 = arith.constant 0 : index
      %get3A_114 = vector.load %arg8[%get3A_112, %get3A_113] : memref<1x1024xf32, #tpu.memory_space<vmem>>, vector<1x1024xf32>
      %add3A_115 = vector.broadcast %get3A_114 : vector<1x1024xf32> to vector<1024x1024xf32>
      %add3A_116 = arith.addf %add3A_111, %add3A_115 : vector<1024x1024xf32>
      %add3A_117 = arith.addf %get3A_1, %add3A_116 : vector<1024x1024xf32>
      %swap3A = arith.constant 0 : index
      %swap3A_118 = arith.constant 0 : index
      %swap3A_119 = vector.load %arg9[%swap3A, %swap3A_118] : memref<1024x1024xf32, #tpu.memory_space<vmem>>, vector<1024x1024xf32>
      tpu.vector_store %arg9[%swap3A, %swap3A_118], %add3A_117 {strides = array<i32>} : memref<1024x1024xf32, #tpu.memory_space<vmem>>, vector<1024x1024xf32>,
    } else {
    }
    return
  }
  func.func @transform_0(%arg0: i32, %arg1: i32) -> (i32, i32) {
    %c0_i32 = arith.constant 0 : i32
    %c0_i32_0 = arith.constant 0 : i32
    return %arg0, %c0_i32 : i32, i32
  }
  func.func @transform_1(%arg0: i32, %arg1: i32) -> (i32, i32) {
    %c0_i32 = arith.constant 0 : i32
    %c0_i32_0 = arith.constant 0 : i32
    %c0_i32_1 = arith.constant 0 : i32
    return %c0_i32, %c0_i32_0 : i32, i32
  }
  func.func @transform_2(%arg0: i32, %arg1: i32) -> (i32, i32) {
    %c0_i32 = arith.constant 0 : i32
    %c0_i32_0 = arith.constant 0 : i32
    %c0_i32_1 = arith.constant 0 : i32
    return %c0_i32, %c0_i32_0 : i32, i32
  }
  func.func @transform_3(%arg0: i32, %arg1: i32) -> (i32, i32) {
    %c0_i32 = arith.constant 0 : i32
    %c0_i32_0 = arith.constant 0 : i32
    return %c0_i32, %arg1 : i32, i32
  }
  func.func @transform_4(%arg0: i32, %arg1: i32) -> (i32, i32) {
    %c0_i32 = arith.constant 0 : i32
    %c0_i32_0 = arith.constant 0 : i32
    %c0_i32_1 = arith.constant 0 : i32
    return %c0_i32, %c0_i32_0 : i32, i32
  }
  func.func @transform_5(%arg0: i32, %arg1: i32) -> (i32, i32) {
    %c0_i32 = arith.constant 0 : i32
    %c0_i32_0 = arith.constant 0 : i32
    return %arg1, %c0_i32 : i32, i32
  }
  func.func @transform_6(%arg0: i32, %arg1: i32) -> (i32, i32) {
    %c0_i32 = arith.constant 0 : i32
    %c0_i32_0 = arith.constant 0 : i32
    %c0_i32_1 = arith.constant 0 : i32
    return %c0_i32, %c0_i32_0 : i32, i32
  }
  func.func @transform_7(%arg0: i32, %arg1: i32) -> (i32, i32) {
    %c0_i32 = arith.constant 0 : i32
    %c0_i32_0 = arith.constant 0 : i32
    return %arg0, %c0_i32 : i32, i32
  }
}

module attributes {stable_mosaic.version = 14 : i64} {
  func.func @body(%arg0: i32, %arg1: memref<512x1024xf32, #tpu.memory_space<vmem>>, %arg2: memref<1024x128xf32, #tpu.memory_space<vmem>>, %arg3: memref<1x128xf32, #tpu.memory_space<vmem>>, %arg4: memref<512x128xf32, #tpu.memory_space<vmem>>) attributes {dimension_semantics = [#tpu.dimension_semantics<arbitrary>], iteration_bounds = array<i64: 8>, scalar_prefetch = 0 : i64, scratch_operands = 0 : i64, tpu.core_type = #tpu.core_type<tc>, window_params = [{transform_indices = @transform_0, window_bounds = array<i64: 512, 1024>}, {pipeline_mode = #tpu.pipeline_mode<synchronous>, transform_indices = @transform_1, window_bounds = array<i64: 1024, 128>}, {pipeline_mode = #tpu.pipeline_mode<synchronous>, transform_indices = @transform_2, window_bounds = array<i64: 1, 128>}, {transform_indices = @transform_3, window_bounds = array<i64: 512, 128>}]} {
    %get3A = arith.constant 0 : index
    %get3A_0 = arith.constant 0 : index
    %get3A_1 = vector.load %arg1[%get3A, %get3A_0] : memref<512x1024xf32, #tpu.memory_space<vmem>>, vector<512x1024xf32>
    %get3A_2 = arith.constant 0 : index
    %get3A_3 = arith.constant 0 : index
    %get3A_4 = vector.load %arg2[%get3A_2, %get3A_3] : memref<1024x128xf32, #tpu.memory_space<vmem>>, vector<1024x128xf32>
    %slice3A = vector.extract_strided_slice %get3A_1 {offsets = [0, 0], sizes = [512, 256], strides = [1, 1]} : vector<512x1024xf32> to vector<512x256xf32>
    %slice3A_5 = vector.extract_strided_slice %get3A_4 {offsets = [0, 0], sizes = [256, 128], strides = [1, 1]} : vector<1024x128xf32> to vector<256x128xf32>
    %convert_element_type3A = arith.truncf %slice3A : vector<512x256xf32> to vector<512x256xbf16>
    %convert_element_type3A_6 = arith.truncf %slice3A_5 : vector<256x128xf32> to vector<256x128xbf16>
    %dot_general3A = arith.constant dense<0.000000e+00> : vector<512x128xf32>
    %dot_general3A_7 = tpu.matmul %convert_element_type3A, %convert_element_type3A_6, %dot_general3A {dimension_numbers = #tpu.dot_dimension_numbers<[1], [0], [0], [1], [0, 0, 1, 1], [], []>, transpose_lhs_hint = false} : vector<512x256xbf16>, vector<256x128xbf16>, vector<512x128xf32> -> vector<512x128xf32>
    %slice3A_8 = vector.extract_strided_slice %get3A_1 {offsets = [0, 256], sizes = [512, 256], strides = [1, 1]} : vector<512x1024xf32> to vector<512x256xf32>
    %slice3A_9 = vector.extract_strided_slice %get3A_4 {offsets = [256, 0], sizes = [256, 128], strides = [1, 1]} : vector<1024x128xf32> to vector<256x128xf32>
    %convert_element_type3A_10 = arith.truncf %slice3A_8 : vector<512x256xf32> to vector<512x256xbf16>
    %convert_element_type3A_11 = arith.truncf %slice3A_9 : vector<256x128xf32> to vector<256x128xbf16>
    %dot_general3A_12 = arith.constant dense<0.000000e+00> : vector<512x128xf32>
    %dot_general3A_13 = tpu.matmul %convert_element_type3A_10, %convert_element_type3A_11, %dot_general3A_12 {dimension_numbers = #tpu.dot_dimension_numbers<[1], [0], [0], [1], [0, 0, 1, 1], [], []>, transpose_lhs_hint = false} : vector<512x256xbf16>, vector<256x128xbf16>, vector<512x128xf32> -> vector<512x128xf32>
    %add3A = arith.addf %dot_general3A_7, %dot_general3A_13 : vector<512x128xf32>
    %slice3A_14 = vector.extract_strided_slice %get3A_1 {offsets = [0, 512], sizes = [512, 256], strides = [1, 1]} : vector<512x1024xf32> to vector<512x256xf32>
    %slice3A_15 = vector.extract_strided_slice %get3A_4 {offsets = [512, 0], sizes = [256, 128], strides = [1, 1]} : vector<1024x128xf32> to vector<256x128xf32>
    %convert_element_type3A_16 = arith.truncf %slice3A_14 : vector<512x256xf32> to vector<512x256xbf16>
    %convert_element_type3A_17 = arith.truncf %slice3A_15 : vector<256x128xf32> to vector<256x128xbf16>
    %dot_general3A_18 = arith.constant dense<0.000000e+00> : vector<512x128xf32>
    %dot_general3A_19 = tpu.matmul %convert_element_type3A_16, %convert_element_type3A_17, %dot_general3A_18 {dimension_numbers = #tpu.dot_dimension_numbers<[1], [0], [0], [1], [0, 0, 1, 1], [], []>, transpose_lhs_hint = false} : vector<512x256xbf16>, vector<256x128xbf16>, vector<512x128xf32> -> vector<512x128xf32>
    %add3A_20 = arith.addf %add3A, %dot_general3A_19 : vector<512x128xf32>
    %slice3A_21 = vector.extract_strided_slice %get3A_1 {offsets = [0, 768], sizes = [512, 256], strides = [1, 1]} : vector<512x1024xf32> to vector<512x256xf32>
    %slice3A_22 = vector.extract_strided_slice %get3A_4 {offsets = [768, 0], sizes = [256, 128], strides = [1, 1]} : vector<1024x128xf32> to vector<256x128xf32>
    %convert_element_type3A_23 = arith.truncf %slice3A_21 : vector<512x256xf32> to vector<512x256xbf16>
    %convert_element_type3A_24 = arith.truncf %slice3A_22 : vector<256x128xf32> to vector<256x128xbf16>
    %dot_general3A_25 = arith.constant dense<0.000000e+00> : vector<512x128xf32>
    %dot_general3A_26 = tpu.matmul %convert_element_type3A_23, %convert_element_type3A_24, %dot_general3A_25 {dimension_numbers = #tpu.dot_dimension_numbers<[1], [0], [0], [1], [0, 0, 1, 1], [], []>, transpose_lhs_hint = false} : vector<512x256xbf16>, vector<256x128xbf16>, vector<512x128xf32> -> vector<512x128xf32>
    %add3A_27 = arith.addf %add3A_20, %dot_general3A_26 : vector<512x128xf32>
    %get3A_28 = arith.constant 0 : index
    %get3A_29 = arith.constant 0 : index
    %get3A_30 = vector.load %arg3[%get3A_28, %get3A_29] : memref<1x128xf32, #tpu.memory_space<vmem>>, vector<1x128xf32>
    %add3A_31 = vector.broadcast %get3A_30 : vector<1x128xf32> to vector<512x128xf32>
    %add3A_32 = arith.addf %add3A_27, %add3A_31 : vector<512x128xf32>
    %swap3A = arith.constant 0 : index
    %swap3A_33 = arith.constant 0 : index
    %swap3A_34 = vector.load %arg4[%swap3A, %swap3A_33] : memref<512x128xf32, #tpu.memory_space<vmem>>, vector<512x128xf32>
    tpu.vector_store %arg4[%swap3A, %swap3A_33], %add3A_32 {strides = array<i32>} : memref<512x128xf32, #tpu.memory_space<vmem>>, vector<512x128xf32>,
    return
  }
  func.func @transform_0(%arg0: i32) -> (i32, i32) {
    %c0_i32 = arith.constant 0 : i32
    %c0_i32_0 = arith.constant 0 : i32
    return %arg0, %c0_i32 : i32, i32
  }
  func.func @transform_1(%arg0: i32) -> (i32, i32) {
    %c0_i32 = arith.constant 0 : i32
    %c0_i32_0 = arith.constant 0 : i32
    %c0_i32_1 = arith.constant 0 : i32
    return %c0_i32, %c0_i32_0 : i32, i32
  }
  func.func @transform_2(%arg0: i32) -> (i32, i32) {
    %c0_i32 = arith.constant 0 : i32
    %c0_i32_0 = arith.constant 0 : i32
    %c0_i32_1 = arith.constant 0 : i32
    return %c0_i32, %c0_i32_0 : i32, i32
  }
  func.func @transform_3(%arg0: i32) -> (i32, i32) {
    %c0_i32 = arith.constant 0 : i32
    %c0_i32_0 = arith.constant 0 : i32
    return %arg0, %c0_i32 : i32, i32
  }
}

</mosaic_0001>

<sc_bundles>
// kernel: gather_offload_async_start.1
scs
__scs_entry_jumppad:
0x0: {  	(pc) =	sbr.rel $0x88, $3  }
0x1: {  	(tag) =	ssettag $0x0;
	lr =	simm.s32 $0x1  }
0x2: {  	[smem:$0x3F84] =	sst lr;
	_ =	strace $0xD0000000  }
0x3: {  	_ = 	snop  }
0x4: {  	_ = 	snop  }
0x5: {  	_ = 	snop  }
0x6: {  	_ = 	snop  }
0x7: {  	_ = 	snop  }
__scs_overlays_trampoline_lowered:
0x8: {  	[smem:$0x3F93] =	sst s0  }
0x9: {  	[smem:$0x3F94] =	sst s1  }
0xa: {  	[smem:$0x3F95] =	sst s2  }
0xb: {  	[smem:$0x3F96] =	sst s3  }
0xc: {  	[smem:$0x3F97] =	sst s4  }
0xd: {  	[smem:$0x3F98] =	sst s5  }
0xe: {  	[smem:$0x3F99] =	sst s6  }
0xf: {  	[smem:$0x3F9A] =	sst s7  }
0x10: {  	[smem:$0x3F9B] =	sst s8  }
0x11: {  	[smem:$0x3F9C] =	sst s9;
	s0 =	simm.s32 @!p0 $0x0  }
0x12: {  	s1 =	sld [smem:$0x3F82];
	s0 =	simm.s32 @p0 $0x1  }
0x13: {  	[smem:$0x3F9D] =	sst s0;
	s0 =	simm.s32 @!p1 $0x0  }
0x14: {  	s2 =	sld [smem:$0x3F81];
	s0 =	simm.s32 @p1 $0x1  }
0x15: {  	[smem:$0x3F9E] =	sst s0;
	s0 =	simm.s32 @!p2 $0x0  }
0x16: {  	s3 =	sld [smem:$0x3FDB];
	s0 =	simm.s32 @p2 $0x1  }
0x17: {  	s4 =	simm.s32 $0x1BF5;
	[smem:$0x3FA0] =	sst s0  }
0x18: {  	s0 =	sld [smem:$0x3F83];
	_ =	swait.ge [sflag:s4], $0x0  }
0x19: {  	s7 =	sld [smem:$0x3F84]  }
0x1a: {  	s8 =	sadd.s32 $0xFFFFE003, lr  }
0x1b: {  	s9 =	sadd.s32 $0xFFFFFEF7, lr;
	s5 =	simm.s32 $0xFFFFFFFF;
	p2 =	slt.u32 s8, $0xFFFFF086  }
0x1c: {  	p1 =	slt.u32 s9, $0xF7A;
	s5 =	simm.s32 @!p2 $0x0  }
0x1d: {  	s5 =	simm.s32 @p1 $0x1;
	p0 =	seq.s32 s7, s2  }
0x1e: {  	s7 =	smul.u32 @!p0 $0xF7A, s2;
	p2 =	seq.s32 @!p0 s5, $0x0  }
0x1f: {  	s9 =	smul.u32 $0xF7A, s1;
	s8 =	simm.s32 @!p0 $0x1BF5;
	p2 =	por !p2, p0  }
0x20: {  	[sflag:s8] =	ssyncset.s32 @!p0 $0xFFFFF086;
	s6 =	sadd.s32 @!p0 s3, s7;
	s7 =	simm.s32 @!p0 $0x108  }
0x21: {  	s3 =	sadd.s32 s3, s9;
	s6 =	sadd.s32 @!p0 $0x88, s6;
	s7 =	simm.s32 @p2 $0x1082  }
0x22: {  	[simem:s7], [sflag:s8] =	dma.local @!p0 [hbm:s6], $0xF7A  }
0x23: {  	s9 =	sor.u32 $0xD0000000, s2;
	s6 =	simm.s32 $0x108;
	_ =	swait.ge @!p0 [sflag:s8], $0x0  }
0x24: {  	s3 =	sadd.s32 $0x88, s3;
	s6 =	simm.s32 @!p1 $0x1082;
	[sflag:s4] =	ssyncset.s32 $0xFFFFF086  }
0x25: {  	[simem:s6], [sflag:s4] =	dma.local [hbm:s3], $0xF7A  }
0x26: {  	[smem:$0x3F84] =	sst s1;
	(tag) =	ssettag s2;
	_ =	strace s9  }
0x27: {  	s1 =	sld [smem:$0x3F94]  }
0x28: {  	s2 =	sld [smem:$0x3F95]  }
0x29: {  	s4 =	sld [smem:$0x3F97]  }
0x2a: {  	p0 =	seq.s32 s5, $0x0;
	s5 =	sld [smem:$0x3F98]  }
0x2b: {  	s6 =	sld [smem:$0x3F99]  }
0x2c: {  	s7 =	sld [smem:$0x3F9A]  }
0x2d: {  	s3 =	simm.s32 $0x108;
	s8 =	sld [smem:$0x3F9B]  }
0x2e: {  	s3 =	simm.s32 @!p0 $0x1082;
	s9 =	sld [smem:$0x3F9C]  }
0x2f: {  	lr =	sadd.s32 s0, s3;
	s0 =	sld [smem:$0x3F93]  }
0x30: {  	s3 =	sld [smem:$0x3F96]  }
0x31: {  	[smem:$0x3F9F] =	sst s10  }
0x32: {  	s10 =	sld [smem:$0x3F9D];
	_ =	sdelay $0x3  }
0x33: {  	p0 =	seq.s32 s10, $0x1;
	s10 =	sld [smem:$0x3F9F];
	_ =	sdelay $0x3  }
0x34: {  	[smem:$0x3F9F] =	sst s10  }
0x35: {  	s10 =	sld [smem:$0x3F9E];
	_ =	sdelay $0x3  }
0x36: {  	p1 =	seq.s32 s10, $0x1;
	s10 =	sld [smem:$0x3F9F];
	_ =	sdelay $0x3  }
0x37: {  	[smem:$0x3F9F] =	sst s10  }
0x38: {  	s10 =	sld [smem:$0x3FA0]  }
0x39: {  	_ = 	snop;
	(pc) =	sbr.ind lr, $3  }
0x3a: {  	_ = 	snop  }
0x3b: {  	_ = 	snop  }
0x3c: {  	p2 =	seq.s32 s10, $0x1;
	s10 =	sld [smem:$0x3F9F]  }
0x3d: {  	_ =	shalt  }
0x3e: {  	_ =	shalt  }
0x3f: {  	_ =	shalt  }
0x40: {  	_ =	shalt  }
0x41: {  	_ =	shalt  }
0x42: {  	_ =	shalt  }
0x43: {  	_ =	shalt  }
0x44: {  	_ =	shalt  }
0x45: {  	_ =	shalt  }
0x46: {  	_ =	shalt  }
0x47: {  	_ =	shalt  }
0x48: {  	_ =	shalt  }
0x49: {  	_ =	shalt  }
0x4a: {  	_ =	shalt  }
0x4b: {  	_ =	shalt  }
0x4c: {  	_ =	shalt  }
0x4d: {  	_ =	shalt  }
0x4e: {  	_ =	shalt  }
0x4f: {  	_ =	shalt  }
0x50: {  	_ =	shalt  }
0x51: {  	_ =	shalt  }
0x52: {  	_ =	shalt  }
0x53: {  	_ =	shalt  }
0x54: {  	_ =	shalt  }
0x55: {  	_ =	shalt  }
0x56: {  	_ =	shalt  }
0x57: {  	_ =	shalt  }
0x58: {  	_ =	shalt  }
0x59: {  	_ =	shalt  }
0x5a: {  	_ =	shalt  }
0x5b: {  	_ =	shalt  }
0x5c: {  	_ =	shalt  }
0x5d: {  	_ =	shalt  }
0x5e: {  	_ =	shalt  }
0x5f: {  	_ =	shalt  }
0x60: {  	_ =	shalt  }
0x61: {  	_ =	shalt  }
0x62: {  	_ =	shalt  }
0x63: {  	_ =	shalt  }
0x64: {  	_ =	shalt  }
0x65: {  	_ =	shalt  }
0x66: {  	_ =	shalt  }
0x67: {  	_ =	shalt  }
0x68: {  	_ =	shalt  }
0x69: {  	_ =	shalt  }
0x6a: {  	_ =	shalt  }
0x6b: {  	_ =	shalt  }
0x6c: {  	_ =	shalt  }
0x6d: {  	_ =	shalt  }
0x6e: {  	_ =	shalt  }
0x6f: {  	_ =	shalt  }
0x70: {  	_ =	shalt  }
0x71: {  	_ =	shalt  }
0x72: {  	_ =	shalt  }
0x73: {  	_ =	shalt  }
0x74: {  	_ =	shalt  }
0x75: {  	_ =	shalt  }
0x76: {  	_ =	shalt  }
0x77: {  	_ =	shalt  }
0x78: {  	_ =	shalt  }
0x79: {  	_ =	shalt  }
0x7a: {  	_ =	shalt  }
0x7b: {  	_ =	shalt  }
0x7c: {  	_ =	shalt  }
0x7d: {  	_ =	shalt  }
0x7e: {  	_ =	shalt  }
0x7f: {  	_ =	shalt  }
0x80: {  	_ =	shalt  }
0x81: {  	_ =	shalt  }
0x82: {  	_ =	shalt  }
0x83: {  	_ =	shalt  }
0x84: {  	_ =	shalt  }
0x85: {  	_ =	shalt  }
0x86: {  	_ =	shalt  }
0x87: {  	_ =	shalt  }
.Lfunc_end0:
.L_simem_size_0:
called_computation.2_lowered:
.L_overlay_start_0:
0x88: {  	s2 =	sld [smem:$0x3FD9]  }
0x89: {  	s3 =	sld [smem:$0x3FFE];
	_ =	sdelay $0x1  }
0x8a: {  	s1 =	srdreg.scid  }
0x8b: {  	s0 =	sand.u32 $0x1, s1  }
0x8c: {  	s17 =	sshll.u32 s0, $0xA;
	s2 =	sadd.s32 s3, s2  }
0x8d: {  	s2 =	sadd.s32 s2, s17  }
0x8e: {  	[smem:$0x3FAB] =	sst s2  }
0x8f: {  	_ = 	snop  }
0x90: {  	(tm) =	ssettm $0x1  }
0x91: {  	s18 =	sld [smem:$0x3FFB];
	_ =	sdelay $0x3  }
0x92: {  	_ =	strace s18  }
0x93: {  	s2 =	sld [smem:$0x3FFC];
	_ =	sdelay $0x3  }
0x94: {  	_ =	strace s2  }
0x95: {  	s2 =	sld [smem:$0x3FFD];
	_ =	sdelay $0x3  }
0x96: {  	_ =	strace s2  }
0x97: {  	_ =	strace $0x8FFFFFFF  }
0x98: {  	s19 =	sld [smem:$0x3FDB];
	_ =	sdelay $0x1  }
0x99: {  	s20 =	simm.s32 $_scs_section_size  }
0x9a: {  	s4 =	simm.s32 $_size__tile_overlayer_lowered;
	s5 =	simm.s32 $_tile_overlayer_lowered  }
0x9b: {  	s6 =	simm.s32 $0x1BFF;
	s21 =	sshll.u32 s5, $0x1;
	s3 =	sadd.s32 s20, s19  }
0x9c: {  	s22 =	simm.s32 $0x0;
	s4 =	sshll.u32 s4, $0x1;
	s5 =	sadd.s32 s21, s3  }
0x9d: {  	[timem:s22], [sflag:s6] =	dma.local [hbm:s5], s4  }
0x9e: {  	_ =	swait.ge [sflag:s6], s4  }
0x9f: {  	s4 =	ssub.s32 $0x0, s4;
	[sflag:s6] =	ssyncset.done $0x0  }
0xa0: {  	[sflag:s6] =	ssyncadd.s32 s4;
	_ =	sdelay $0x1  }
0xa1: {  	s23 =	simm.s32 $0x1B8B  }
0xa2: {  	_ =	swait.ge [sflag:s23], $0x1  }
0xa3: {  	[sflag:s23] =	ssyncset.done $0x0  }
0xa4: {  	[sflag:s23] =	ssyncadd.s32 $0xFFFFFFFF  }
0xa5: {  	s4 =	sld [smem:$0x0]  }
0xa6: {  	s5 =	sand.u32 $0xFFFFFFFE, s1  }
0xa7: {  	p0 =	sne.s32 s1, s5  }
0xa8: {  	s5 =	sshll.u32 @p0 s5, $0xE  }
0xa9: {  	s5 =	sadd.s32 @p0 $0x11B8D, s5;
	s6 =	sshll.u32 @p0 s4, $0x11  }
0xaa: {  	s5 =	sor.u32 @p0 s6, s5  }
0xab: {  	[sflag:s5] =	ssyncadd.remote.s32 @p0 $0x1;
	_ =	sdelay $0x1  }
0xac: {  	s5 =	simm.s32 @p0 $0x1B8D  }
0xad: {  	_ =	swait.eq @p0 [sflag:s5], $0x1  }
0xae: {  	[sflag:s5] =	ssyncadd.s32 @p0 $0xFFFFFFFF  }
0xaf: {  	s6 =	sshll.u32 @!p0 s1, $0xE  }
0xb0: {  	s6 =	sor.u32 @!p0 $0x4000, s6;
	s5 =	simm.s32 @!p0 $0x1B8D  }
0xb1: {  	s4 =	sshll.u32 @!p0 s4, $0x11;
	s6 =	sadd.s32 @!p0 $0x11B8D, s6;
	_ =	swait.eq @!p0 [sflag:s5], $0x1  }
0xb2: {  	s4 =	sor.u32 @!p0 s4, s6;
	[sflag:s5] =	ssyncadd.s32 @!p0 $0xFFFFFFFF  }
0xb3: {  	s25 =	simm.s32 $0x1B8E;
	s24 =	sld [smem:$0x3FFE];
	[sflag:s4] =	ssyncadd.remote.s32 @!p0 $0x1  }
0xb4: {  	s26 =	simm.s32 $execute0_lowered;
	[smem:$0x3FD2] =	sst s25  }
0xb5: {  	s5 =	sshll.u32 s26, $0x1;
	_ =	strace $0x80000052;
	[dreg:$0x1] =	wrdreg $0xFFFFFFFF  }
0xb6: {  	s28 =	simm.s32 $_size_execute0_lowered;
	s3 =	sadd.s32 s3, s5;
	[dreg:$0x0] =	wrdreg $0x0  }
0xb7: {  	s5 =	sshll.u32 s28, $0x1;
	[dreg:$0x2] =	wrdreg s3  }
0xb8: {  	[dreg:$0x3] =	wrdreg s5  }
0xb9: {  	[dreg:$0x4] =	wrdreg $0xC0  }
0xba: {  	_ =	task [dreg:s22], $0x5FFFF  }
0xbb: {  	[dreg:$0x1] =	wrdreg $0xFFFFFFFF  }
0xbc: {  	[dreg:$0x0] =	wrdreg $0x60  }
0xbd: {  	[dreg:$0x2] =	wrdreg s24  }
0xbe: {  	[dreg:$0x3] =	wrdreg $0x9  }
0xbf: {  	_ =	task.clear_ibuf [dreg:s22], $0x4FFFF;
	_ =	strace $0x90000052  }
0xc0: {  	s29 =	simm.s32 $0x9;
	_ =	strace $0x80000054  }
0xc1: {  	_ =	swait.ge [sflag:s29], $0x1  }
0xc2: {  	[sflag:s29] =	ssyncadd.s32 $0xFFFFFFFF  }
0xc3: {  	_ =	strace $0x90000054  }
0xc4: {  	_ =	sfence  }
0xc5: {  	s30 =	sld [smem:$0x0];
	_ =	sdelay $0x2  }
0xc6: {  	s31 =	sshll.u32 s1, $0xD;
	s1 =	sshrl.u32 s1, $0x2  }
0xc7: {  	s4 =	sand.u32 $0x4000, s31;
	s1 =	sadd.s32 s1, s30  }
0xc8: {  	s0 =	sor.u32 s4, s0;
	s1 =	sshll.u32 s1, $0x11  }
0xc9: {  	s0 =	sor.u32 s1, s0  }
0xca: {  	s0 =	sadd.s32 $0x8F2B, s0  }
0xcb: {  	[sflag:s0] =	ssyncadd.remote.s32 $0x1  }
0xcc: {  	_ =	sfence.sel $0xFFFF  }
0xcd: {  	[dreg:$0x0] =	wrdreg $0xFFFFFFFF;
	(pc) =	sbr.abs _section_cstart, $3  }
0xce: {  	[dreg:$0x1] =	wrdreg $0xFFFFFFFF  }
0xcf: {  	_ =	task.clear_ibuf [dreg:s22], $0x2FFFF;
	_ =	strace $0x9FFFFFFF  }
0xd0: {  	(tm) =	ssettm $0x7FFFFFFF  }
0xd1: {  	_ =	shalt  }
tec
execute0_lowered:
.L_overlay_start_1:
0x0: {  	(tag) =	ssettag $0x1  }
0x1: {  	s7 =	rddreg [dreg:$0x0]  }
0x2: {  	s0 =	rddreg [dreg:$0x1];
	_ =	strace $0x80000053  }
0x3: {  	s1 =	srdreg.scid;
	s4 =	simm.s32 $0x1;
	s9 =	simm.s32 $0x3  }
0x4: {  	s11 =	simm.s32 $0x0;
	p0 =	por $0x0, $0x0;
	s5 =	sshll.u32 s1, $0x4  }
.Ltmp0:
0x5: {  	s1 =	stileid.u32;
	s5 =	sand.u32 $0x10, s5;
	(pc) =	sbr.rel .LBB2_1-.Ltmp0, $4  }
0x6: {  	s2 =	sadd.s32 $0x115800, s7;
	s3 =	sadd.s32 $0x91600, s7;
	s6 =	sor.u32 s1, s5  }
0x7: {  	[sflag:s4] =	ssyncpa.u1 $0x0;
	s5 =	simm.s32 $0x2;
	s6 =	sshll.u32 s6, $0xC  }
0x8: {  	s7 =	sadd.s32 $0x495800, s7;
	[sflag:s5] =	ssyncpa.u1 $0x0;
	s8 =	sadd.s32 $0x1000, s6  }
0x9: {  	vm0 =	vmmov $0xff;
	vm1 =	vcmask $0x3F20;
	[sflag:s9] =	ssyncpa.u1 $0x0;
	s10 =	smov.u32 s6;
	s9 =	simm.s32 $0x0  }
.LBB2_7:
0xa: {  	p1 =	slt.u32 s9, $0x2;
	s11 =	sadd.s32 $0x100, s10  }
0xb: {  	s13 =	smov.u32 s6;
	s9 =	sadd.s32 $0x1, s9;
	p2 =	slt.s32 s11, s8  }
0xc: {  	s13 =	smov.u32 @p2 s11;
	p2 =	sne.s32 s9, $0x12  }
.Ltmp1:
0xd: {  	_ = 	snop;
	(pc) =	sbr.rel @!p2 .LBB2_8-.Ltmp1, $4  }
0xe: {  	s12 =	simm.s32 @!p1 $0x3  }
0xf: {  	_ =	swait.ge @!p1 [sflag:s12], $0x8000  }
0x10: {  	p0 =	por !p0, !p0;
	[sflag:s12] =	ssyncset.done @!p1 $0x0  }
0x11: {  	s11 =	smov.u32 s10;
	s10 =	smov.u32 s13;
	[sflag:s12] =	ssyncadd.s32 @!p1 $0xFFFF8000  }
.LBB2_1:
0x12: {  	p1 =	sgt.u32 s9, $0xF  }
0x13: {  	s12 =	sxor.u32 @!p1 $0xFFFFFFFF, s9  }
0x14: {  	s13 =	sshrl.u32 @!p1 s10, $0x3;
	s12 =	sshll.u32 @!p1 s12, $0x8  }
0x15: {  	s14 =	sand.u32 @!p1 $0x7, s10;
	s13 =	sadd.s32 @!p1 s3, s13;
	s12 =	sand.u32 @!p1 $0x100, s12  }
0x16: {  	[tilespmem:s12], [sflag:$0x2] =	stream.linear.gather @!p1 [hbm4b:s13+s14], $0x100, $0x38;
	[tilespmem:$0x10200] =	vst v63  }
0x17: {  	p1 =	seq.s32 s9, $0x0  }
0x18: {  	p2 =	seq.s32 @!p1 s9, $0x11  }
0x19: {  	p1 =	por p1, p2  }
.Ltmp2:
0x1a: {  	_ = 	snop;
	(pc) =	sbr.rel @p1 .LBB2_7-.Ltmp2, $1  }
0x1b: {  	_ =	sdelay $0x3  }
0x1c: {  	s12 =	simm.s32 $0x1  }
0x1d: {  	_ =	swait.ge [sflag:s5], $0x100;
	s12 =	simm.s32 @!p0 $0x0  }
0x1e: {  	[sflag:s5] =	ssyncset.done $0x0;
	s14 =	sshll.u32 s12, $0x8  }
0x1f: {  	[sflag:s5] =	ssyncadd.s32 $0xFFFFFF00;
	s13 =	sadd.s32 $0x0, s14  }
0x20: {  	v0 =	vld.msk [tilespmem:s13+$0x0 ss:$0x1], $0xffff;
	_ =	sdelay $0x4  }
0x21: {  	v1 =	vshll.u32 v0, $0x3  }
0x22: {  	vm2 =	veq.s32 v0, $0x80000000;
	v0 =	vshll.u32 v0, $0x14;
	v1 =	vand.u32 $0xFFF80, v1  }
0x23: {  	v0 =	vand.u32 $0xF00000, v0;
	v1 =	vsel vm2, $0xFFFFFF80, v1  }
0x24: {  	v0 =	vsel vm2, $0xFFF00000, v0;
	v2 =	vand.u32 $0xFFFFFC00, v1  }
0x25: {  	v1 =	vand.u32 $0x380, v1;
	v0 =	vadd.s32 v0, v2  }
0x26: {  	v0 =	vor.u32 v1, v0  }
0x27: {  	v0 =	vshrl.u32 v0, $0x3;
	_ =	sdelay $0x2  }
0x28: {  	s12 =	sshll.u32 s12, $0xF  }
0x29: {  	s12 =	sor.u32 $0x200, s12  }
0x2a: {  	[tilespmem:s12], [sflag:$0x1] =	stream.indirect_vreg.gather [hbm:s2], $0x80, v0, vm0, $0x38;
	[tilespmem:$0x10200] =	vst v63  }
0x2b: {  	s15 =	sadd.s32 $0x10, s14;
	s13 =	sadd.s32 $0x400, s12  }
0x2c: {  	[tilespmem:s13], [sflag:$0x1] =	stream.indirect_vreg.gather [hbm:s2], $0x80, v0, vm1, $0x38;
	[tilespmem:$0x10200] =	vst v63  }
0x2d: {  	s16 =	simm.s32 $0x80;
	v0 =	vld.msk [tilespmem:s15+$0x0 ss:$0x1], $0xffff;
	s15 =	smov.u32 s12  }
.LBB2_3:
0x2e: {  	p1 =	sne.s32 s16, $0x3C0;
	_ =	sdelay $0x4  }
0x2f: {  	v1 =	vshll.u32 v0, $0x3  }
0x30: {  	vm2 =	veq.s32 v0, $0x80000000;
	v0 =	vshll.u32 v0, $0x14;
	v1 =	vand.u32 $0xFFF80, v1  }
0x31: {  	v0 =	vand.u32 $0xF00000, v0;
	v1 =	vsel vm2, $0xFFFFFF80, v1  }
0x32: {  	v0 =	vsel vm2, $0xFFF00000, v0;
	v2 =	vand.u32 $0xFFFFFC00, v1  }
0x33: {  	v1 =	vand.u32 $0x380, v1;
	v0 =	vadd.s32 v0, v2  }
0x34: {  	v0 =	vor.u32 v1, v0  }
0x35: {  	v0 =	vshrl.u32 v0, $0x3;
	_ =	sdelay $0x3  }
.Ltmp3:
0x36: {  	s17 =	sshra.s32 s16, $0x2;
	s15 =	sadd.s32 $0x800, s15;
	(pc) =	sbr.rel @p1 .LBB2_3-.Ltmp3, $4  }
0x37: {  	[tilespmem:s15], [sflag:$0x1] =	stream.indirect_vreg.gather [hbm:s2], $0x80, v0, vm0, $0x38;
	[tilespmem:$0x10200] =	vst v63  }
0x38: {  	s17 =	sadd.s32 s17, s14;
	s18 =	sadd.s32 $0x400, s15  }
0x39: {  	[tilespmem:s18], [sflag:$0x1] =	stream.indirect_vreg.gather [hbm:s2], $0x80, v0, vm1, $0x38;
	[tilespmem:$0x10200] =	vst v63  }
0x3a: {  	s16 =	sadd.s32 $0x40, s16;
	v0 =	vld.msk [tilespmem:s17+$0x0 ss:$0x1], $0xffff  }
0x3b: {  	_ =	sdelay $0x3  }
0x3c: {  	v1 =	vshll.u32 v0, $0x3  }
0x3d: {  	vm2 =	veq.s32 v0, $0x80000000;
	v63 =	vshll.u32 v0, $0x14;
	v1 =	vand.u32 $0xFFF80, v1  }
0x3e: {  	v0 =	vand.u32 $0xF00000, v63;
	v1 =	vsel vm2, $0xFFFFFF80, v1  }
0x3f: {  	v0 =	vsel vm2, $0xFFF00000, v0;
	v2 =	vand.u32 $0xFFFFFC00, v1  }
0x40: {  	v1 =	vand.u32 $0x380, v1;
	v0 =	vadd.s32 v0, v2  }
0x41: {  	v0 =	vor.u32 v1, v0  }
0x42: {  	v0 =	vshrl.u32 v0, $0x3;
	_ =	sdelay $0x3  }
0x43: {  	s14 =	sadd.s32 $0x800, s15  }
0x44: {  	[tilespmem:s14], [sflag:$0x1] =	stream.indirect_vreg.gather [hbm:s2], $0x80, v0, vm0, $0x38;
	[tilespmem:$0x10200] =	vst v63  }
0x45: {  	s14 =	sadd.s32 $0x400, s14  }
0x46: {  	[tilespmem:s14], [sflag:$0x1] =	stream.indirect_vreg.gather [hbm:s2], $0x80, v0, vm1, $0x38;
	[tilespmem:$0x10200] =	vst v63  }
0x47: {  	s11 =	sshll.u32 s11, $0x4;
	_ =	swait.ge [sflag:s4], $0x8000  }
0x48: {  	s11 =	sadd.s32 s11, s7;
	[sflag:s4] =	ssyncset.done $0x0  }
0x49: {  	s15 =	sadd.s32 $0x0, s11;
	s14 =	simm.s32 $0x80;
	[sflag:s4] =	ssyncadd.s32 $0xFFFF8000  }
.LBB2_5:
0x4a: {  	[hbm:s15] =	stream.linear.scatter [tilespmem:s12], [sflag:$0x3], $0x400, $0x38;
	[tilespmem:$0x10200] =	vst v63  }
0x4b: {  	s15 =	smov.u32 s14;
	s12 =	smov.u32 s13;
	p1 =	sne.s32 s14, $0xF80  }
.Ltmp4:
0x4c: {  	s14 =	sadd.s32 $0x80, s14;
	(pc) =	sbr.rel @p1 .LBB2_5-.Ltmp4, $2  }
0x4d: {  	_ =	sdelay $0x2  }
0x4e: {  	s13 =	sadd.s32 $0x400, s13;
	s15 =	sadd.s32 s15, s11  }
.Ltmp5:
0x4f: {  	(pc) =	sbr.rel .LBB2_7-.Ltmp5, $2  }
0x50: {  	_ =	sdelay $0x2  }
0x51: {  	[hbm:s15] =	stream.linear.scatter [tilespmem:s12], [sflag:$0x3], $0x400, $0x38;
	[tilespmem:$0x10200] =	vst v63  }
.LBB2_8:
0x52: {  	_ =	sfence.sel $0x180000  }
0x53: {  	s2 =	simm.s32 $0x2;
	[bflag:$0x0] =	sbarrier.arrive $0xFFFF  }
0x54: {  	s30 =	simm.s32 $0x3;
	[sflag:s2] =	ssyncpa.u1 $0x1  }
0x55: {  	s31 =	simm.s32 $0x1;
	[sflag:s30] =	ssyncpa.u1 $0x1  }
0x56: {  	[sflag:s31] =	ssyncpa.u1 $0x1  }
0x57: {  	p0 =	sne.s32 s1, $0x0;
	_ =	strace $0x90000053  }
0x58: {  	s0 =	sadd.s32 @!p0 $0x100000, s0;
	[bflag:$0x2] =	sbarrier.arrive $0xFFFF  }
0x59: {  	[sflag:s0] =	ssyncadd.tile.s32 @!p0 $0x1;
	_ =	shalt  }
.Lfunc_end2:
_tile_overlayer_lowered:
.L_overlay_start_2:
0x5a: {  	(tag) =	ssettag $0x2  }
0x5b: {  	s0 =	rddreg [dreg:$0x0];
	s2 =	stileid.u32  }
0x5c: {  	s1 =	rddreg [dreg:$0x1];
	p0 =	sne.s32 s2, $0x0  }
0x5d: {  	s3 =	rddreg [dreg:$0x2];
	[bflag:$0x3] =	sbarrier.arrive $0xFFFF;
	s2 =	simm.s32 @!p0 $0x1C01  }
0x5e: {  	[timem:s3], [sflag:s2] =	dma.local @!p0 [hbm:s0], s1  }
0x5f: {  	s0 =	simm.s32 @!p0 $0x1  }
0x60: {  	_ =	swait.ge @!p0 [sflag:s0], s1  }
0x61: {  	s1 =	ssub.s32 @!p0 $0x0, s1;
	[sflag:s0] =	ssyncset.done @!p0 $0x0  }
0x62: {  	[sflag:s0] =	ssyncadd.s32 @!p0 s1  }
0x63: {  	[bflag:$0x3] =	sbarrier.arrive $0xFFFF  }
0x64: {  	_ =	shalt  }

// kernel: gather_offload_async_start.2
scs
__scs_entry_jumppad:
0x0: {  	(pc) =	sbr.rel $0x88, $3  }
0x1: {  	(tag) =	ssettag $0x0;
	lr =	simm.s32 $0x1  }
0x2: {  	[smem:$0x3F84] =	sst lr;
	_ =	strace $0xD0000000  }
0x3: {  	_ = 	snop  }
0x4: {  	_ = 	snop  }
0x5: {  	_ = 	snop  }
0x6: {  	_ = 	snop  }
0x7: {  	_ = 	snop  }
__scs_overlays_trampoline_lowered:
0x8: {  	[smem:$0x3F93] =	sst s0  }
0x9: {  	[smem:$0x3F94] =	sst s1  }
0xa: {  	[smem:$0x3F95] =	sst s2  }
0xb: {  	[smem:$0x3F96] =	sst s3  }
0xc: {  	[smem:$0x3F97] =	sst s4  }
0xd: {  	[smem:$0x3F98] =	sst s5  }
0xe: {  	[smem:$0x3F99] =	sst s6  }
0xf: {  	[smem:$0x3F9A] =	sst s7  }
0x10: {  	[smem:$0x3F9B] =	sst s8  }
0x11: {  	[smem:$0x3F9C] =	sst s9;
	s0 =	simm.s32 @!p0 $0x0  }
0x12: {  	s1 =	sld [smem:$0x3F82];
	s0 =	simm.s32 @p0 $0x1  }
0x13: {  	[smem:$0x3F9D] =	sst s0;
	s0 =	simm.s32 @!p1 $0x0  }
0x14: {  	s2 =	sld [smem:$0x3F81];
	s0 =	simm.s32 @p1 $0x1  }
0x15: {  	[smem:$0x3F9E] =	sst s0;
	s0 =	simm.s32 @!p2 $0x0  }
0x16: {  	s3 =	sld [smem:$0x3FDB];
	s0 =	simm.s32 @p2 $0x1  }
0x17: {  	s4 =	simm.s32 $0x1BF5;
	[smem:$0x3FA0] =	sst s0  }
0x18: {  	s0 =	sld [smem:$0x3F83];
	_ =	swait.ge [sflag:s4], $0x0  }
0x19: {  	s7 =	sld [smem:$0x3F84]  }
0x1a: {  	s8 =	sadd.s32 $0xFFFFE003, lr  }
0x1b: {  	s9 =	sadd.s32 $0xFFFFFEF7, lr;
	s5 =	simm.s32 $0xFFFFFFFF;
	p2 =	slt.u32 s8, $0xFFFFF086  }
0x1c: {  	p1 =	slt.u32 s9, $0xF7A;
	s5 =	simm.s32 @!p2 $0x0  }
0x1d: {  	s5 =	simm.s32 @p1 $0x1;
	p0 =	seq.s32 s7, s2  }
0x1e: {  	s7 =	smul.u32 @!p0 $0xF7A, s2;
	p2 =	seq.s32 @!p0 s5, $0x0  }
0x1f: {  	s9 =	smul.u32 $0xF7A, s1;
	s8 =	simm.s32 @!p0 $0x1BF5;
	p2 =	por !p2, p0  }
0x20: {  	[sflag:s8] =	ssyncset.s32 @!p0 $0xFFFFF086;
	s6 =	sadd.s32 @!p0 s3, s7;
	s7 =	simm.s32 @!p0 $0x108  }
0x21: {  	s3 =	sadd.s32 s3, s9;
	s6 =	sadd.s32 @!p0 $0x88, s6;
	s7 =	simm.s32 @p2 $0x1082  }
0x22: {  	[simem:s7], [sflag:s8] =	dma.local @!p0 [hbm:s6], $0xF7A  }
0x23: {  	s9 =	sor.u32 $0xD0000000, s2;
	s6 =	simm.s32 $0x108;
	_ =	swait.ge @!p0 [sflag:s8], $0x0  }
0x24: {  	s3 =	sadd.s32 $0x88, s3;
	s6 =	simm.s32 @!p1 $0x1082;
	[sflag:s4] =	ssyncset.s32 $0xFFFFF086  }
0x25: {  	[simem:s6], [sflag:s4] =	dma.local [hbm:s3], $0xF7A  }
0x26: {  	[smem:$0x3F84] =	sst s1;
	(tag) =	ssettag s2;
	_ =	strace s9  }
0x27: {  	s1 =	sld [smem:$0x3F94]  }
0x28: {  	s2 =	sld [smem:$0x3F95]  }
0x29: {  	s4 =	sld [smem:$0x3F97]  }
0x2a: {  	p0 =	seq.s32 s5, $0x0;
	s5 =	sld [smem:$0x3F98]  }
0x2b: {  	s6 =	sld [smem:$0x3F99]  }
0x2c: {  	s7 =	sld [smem:$0x3F9A]  }
0x2d: {  	s3 =	simm.s32 $0x108;
	s8 =	sld [smem:$0x3F9B]  }
0x2e: {  	s3 =	simm.s32 @!p0 $0x1082;
	s9 =	sld [smem:$0x3F9C]  }
0x2f: {  	lr =	sadd.s32 s0, s3;
	s0 =	sld [smem:$0x3F93]  }
0x30: {  	s3 =	sld [smem:$0x3F96]  }
0x31: {  	[smem:$0x3F9F] =	sst s10  }
0x32: {  	s10 =	sld [smem:$0x3F9D];
	_ =	sdelay $0x3  }
0x33: {  	p0 =	seq.s32 s10, $0x1;
	s10 =	sld [smem:$0x3F9F];
	_ =	sdelay $0x3  }
0x34: {  	[smem:$0x3F9F] =	sst s10  }
0x35: {  	s10 =	sld [smem:$0x3F9E];
	_ =	sdelay $0x3  }
0x36: {  	p1 =	seq.s32 s10, $0x1;
	s10 =	sld [smem:$0x3F9F];
	_ =	sdelay $0x3  }
0x37: {  	[smem:$0x3F9F] =	sst s10  }
0x38: {  	s10 =	sld [smem:$0x3FA0]  }
0x39: {  	_ = 	snop;
	(pc) =	sbr.ind lr, $3  }
0x3a: {  	_ = 	snop  }
0x3b: {  	_ = 	snop  }
0x3c: {  	p2 =	seq.s32 s10, $0x1;
	s10 =	sld [smem:$0x3F9F]  }
0x3d: {  	_ =	shalt  }
0x3e: {  	_ =	shalt  }
0x3f: {  	_ =	shalt  }
0x40: {  	_ =	shalt  }
0x41: {  	_ =	shalt  }
0x42: {  	_ =	shalt  }
0x43: {  	_ =	shalt  }
0x44: {  	_ =	shalt  }
0x45: {  	_ =	shalt  }
0x46: {  	_ =	shalt  }
0x47: {  	_ =	shalt  }
0x48: {  	_ =	shalt  }
0x49: {  	_ =	shalt  }
0x4a: {  	_ =	shalt  }
0x4b: {  	_ =	shalt  }
0x4c: {  	_ =	shalt  }
0x4d: {  	_ =	shalt  }
0x4e: {  	_ =	shalt  }
0x4f: {  	_ =	shalt  }
0x50: {  	_ =	shalt  }
0x51: {  	_ =	shalt  }
0x52: {  	_ =	shalt  }
0x53: {  	_ =	shalt  }
0x54: {  	_ =	shalt  }
0x55: {  	_ =	shalt  }
0x56: {  	_ =	shalt  }
0x57: {  	_ =	shalt  }
0x58: {  	_ =	shalt  }
0x59: {  	_ =	shalt  }
0x5a: {  	_ =	shalt  }
0x5b: {  	_ =	shalt  }
0x5c: {  	_ =	shalt  }
0x5d: {  	_ =	shalt  }
0x5e: {  	_ =	shalt  }
0x5f: {  	_ =	shalt  }
0x60: {  	_ =	shalt  }
0x61: {  	_ =	shalt  }
0x62: {  	_ =	shalt  }
0x63: {  	_ =	shalt  }
0x64: {  	_ =	shalt  }
0x65: {  	_ =	shalt  }
0x66: {  	_ =	shalt  }
0x67: {  	_ =	shalt  }
0x68: {  	_ =	shalt  }
0x69: {  	_ =	shalt  }
0x6a: {  	_ =	shalt  }
0x6b: {  	_ =	shalt  }
0x6c: {  	_ =	shalt  }
0x6d: {  	_ =	shalt  }
0x6e: {  	_ =	shalt  }
0x6f: {  	_ =	shalt  }
0x70: {  	_ =	shalt  }
0x71: {  	_ =	shalt  }
0x72: {  	_ =	shalt  }
0x73: {  	_ =	shalt  }
0x74: {  	_ =	shalt  }
0x75: {  	_ =	shalt  }
0x76: {  	_ =	shalt  }
0x77: {  	_ =	shalt  }
0x78: {  	_ =	shalt  }
0x79: {  	_ =	shalt  }
0x7a: {  	_ =	shalt  }
0x7b: {  	_ =	shalt  }
0x7c: {  	_ =	shalt  }
0x7d: {  	_ =	shalt  }
0x7e: {  	_ =	shalt  }
0x7f: {  	_ =	shalt  }
0x80: {  	_ =	shalt  }
0x81: {  	_ =	shalt  }
0x82: {  	_ =	shalt  }
0x83: {  	_ =	shalt  }
0x84: {  	_ =	shalt  }
0x85: {  	_ =	shalt  }
0x86: {  	_ =	shalt  }
0x87: {  	_ =	shalt  }
.Lfunc_end0:
.L_simem_size_0:
called_computation.3_lowered:
.L_overlay_start_0:
0x88: {  	s2 =	sld [smem:$0x3FD9]  }
0x89: {  	s3 =	sld [smem:$0x3FFE];
	_ =	sdelay $0x1  }
0x8a: {  	s1 =	srdreg.scid  }
0x8b: {  	s0 =	sand.u32 $0x1, s1  }
0x8c: {  	s17 =	sshll.u32 s0, $0xA;
	s2 =	sadd.s32 s3, s2  }
0x8d: {  	s2 =	sadd.s32 s2, s17  }
0x8e: {  	[smem:$0x3FAB] =	sst s2  }
0x8f: {  	_ = 	snop  }
0x90: {  	(tm) =	ssettm $0x1  }
0x91: {  	s18 =	sld [smem:$0x3FFB];
	_ =	sdelay $0x3  }
0x92: {  	_ =	strace s18  }
0x93: {  	s2 =	sld [smem:$0x3FFC];
	_ =	sdelay $0x3  }
0x94: {  	_ =	strace s2  }
0x95: {  	s2 =	sld [smem:$0x3FFD];
	_ =	sdelay $0x3  }
0x96: {  	_ =	strace s2  }
0x97: {  	_ =	strace $0x8FFFFFFF  }
0x98: {  	s19 =	sld [smem:$0x3FDB];
	_ =	sdelay $0x1  }
0x99: {  	s20 =	simm.s32 $_scs_section_size  }
0x9a: {  	s4 =	simm.s32 $_size__tile_overlayer_lowered;
	s5 =	simm.s32 $_tile_overlayer_lowered  }
0x9b: {  	s6 =	simm.s32 $0x1BFF;
	s21 =	sshll.u32 s5, $0x1;
	s3 =	sadd.s32 s20, s19  }
0x9c: {  	s22 =	simm.s32 $0x0;
	s4 =	sshll.u32 s4, $0x1;
	s5 =	sadd.s32 s21, s3  }
0x9d: {  	[timem:s22], [sflag:s6] =	dma.local [hbm:s5], s4  }
0x9e: {  	_ =	swait.ge [sflag:s6], s4  }
0x9f: {  	s4 =	ssub.s32 $0x0, s4;
	[sflag:s6] =	ssyncset.done $0x0  }
0xa0: {  	[sflag:s6] =	ssyncadd.s32 s4;
	_ =	sdelay $0x1  }
0xa1: {  	s23 =	simm.s32 $0x1B8B  }
0xa2: {  	_ =	swait.ge [sflag:s23], $0x1  }
0xa3: {  	[sflag:s23] =	ssyncset.done $0x0  }
0xa4: {  	[sflag:s23] =	ssyncadd.s32 $0xFFFFFFFF  }
0xa5: {  	s4 =	sld [smem:$0x0]  }
0xa6: {  	s5 =	sand.u32 $0xFFFFFFFE, s1  }
0xa7: {  	p0 =	sne.s32 s1, s5  }
0xa8: {  	s5 =	sshll.u32 @p0 s5, $0xE  }
0xa9: {  	s5 =	sadd.s32 @p0 $0x11B8D, s5;
	s6 =	sshll.u32 @p0 s4, $0x11  }
0xaa: {  	s5 =	sor.u32 @p0 s6, s5  }
0xab: {  	[sflag:s5] =	ssyncadd.remote.s32 @p0 $0x1;
	_ =	sdelay $0x1  }
0xac: {  	s5 =	simm.s32 @p0 $0x1B8D  }
0xad: {  	_ =	swait.eq @p0 [sflag:s5], $0x1  }
0xae: {  	[sflag:s5] =	ssyncadd.s32 @p0 $0xFFFFFFFF  }
0xaf: {  	s6 =	sshll.u32 @!p0 s1, $0xE  }
0xb0: {  	s6 =	sor.u32 @!p0 $0x4000, s6;
	s5 =	simm.s32 @!p0 $0x1B8D  }
0xb1: {  	s4 =	sshll.u32 @!p0 s4, $0x11;
	s6 =	sadd.s32 @!p0 $0x11B8D, s6;
	_ =	swait.eq @!p0 [sflag:s5], $0x1  }
0xb2: {  	s4 =	sor.u32 @!p0 s4, s6;
	[sflag:s5] =	ssyncadd.s32 @!p0 $0xFFFFFFFF  }
0xb3: {  	s25 =	simm.s32 $0x1B8E;
	s24 =	sld [smem:$0x3FFE];
	[sflag:s4] =	ssyncadd.remote.s32 @!p0 $0x1  }
0xb4: {  	s26 =	simm.s32 $execute0_lowered;
	[smem:$0x3FD2] =	sst s25  }
0xb5: {  	s5 =	sshll.u32 s26, $0x1;
	_ =	strace $0x8000004F;
	[dreg:$0x1] =	wrdreg $0xFFFFFFFF  }
0xb6: {  	s28 =	simm.s32 $_size_execute0_lowered;
	s3 =	sadd.s32 s3, s5;
	[dreg:$0x0] =	wrdreg $0x0  }
0xb7: {  	s5 =	sshll.u32 s28, $0x1;
	[dreg:$0x2] =	wrdreg s3  }
0xb8: {  	[dreg:$0x3] =	wrdreg s5  }
0xb9: {  	[dreg:$0x4] =	wrdreg $0xC0  }
0xba: {  	_ =	task [dreg:s22], $0x5FFFF  }
0xbb: {  	[dreg:$0x1] =	wrdreg $0xFFFFFFFF  }
0xbc: {  	[dreg:$0x0] =	wrdreg $0x60  }
0xbd: {  	[dreg:$0x2] =	wrdreg s24  }
0xbe: {  	[dreg:$0x3] =	wrdreg $0xA  }
0xbf: {  	_ =	task.clear_ibuf [dreg:s22], $0x4FFFF;
	_ =	strace $0x9000004F  }
0xc0: {  	s29 =	simm.s32 $0xA;
	_ =	strace $0x80000051  }
0xc1: {  	_ =	swait.ge [sflag:s29], $0x1  }
0xc2: {  	[sflag:s29] =	ssyncadd.s32 $0xFFFFFFFF  }
0xc3: {  	_ =	strace $0x90000051  }
0xc4: {  	_ =	sfence  }
0xc5: {  	s30 =	sld [smem:$0x0];
	_ =	sdelay $0x2  }
0xc6: {  	s31 =	sshll.u32 s1, $0xD;
	s1 =	sshrl.u32 s1, $0x2  }
0xc7: {  	s4 =	sand.u32 $0x4000, s31;
	s1 =	sadd.s32 s1, s30  }
0xc8: {  	s0 =	sor.u32 s4, s0;
	s1 =	sshll.u32 s1, $0x11  }
0xc9: {  	s0 =	sor.u32 s1, s0  }
0xca: {  	s0 =	sadd.s32 $0x8F2B, s0  }
0xcb: {  	[sflag:s0] =	ssyncadd.remote.s32 $0x1  }
0xcc: {  	_ =	sfence.sel $0xFFFF  }
0xcd: {  	[dreg:$0x0] =	wrdreg $0xFFFFFFFF;
	(pc) =	sbr.abs _section_cstart, $3  }
0xce: {  	[dreg:$0x1] =	wrdreg $0xFFFFFFFF  }
0xcf: {  	_ =	task.clear_ibuf [dreg:s22], $0x2FFFF;
	_ =	strace $0x9FFFFFFF  }
0xd0: {  	(tm) =	ssettm $0x7FFFFFFF  }
0xd1: {  	_ =	shalt  }
tec
execute0_lowered:
.L_overlay_start_1:
0x0: {  	(tag) =	ssettag $0x1  }
0x1: {  	s0 =	srdreg.scid;
	s5 =	rddreg [dreg:$0x0]  }
0x2: {  	s1 =	stileid.u32;
	s6 =	simm.s32 $0x1;
	s9 =	simm.s32 $0x1  }
0x3: {  	s10 =	simm.s32 $0x3;
	s13 =	simm.s32 $0x0;
	s2 =	sshll.u32 s0, $0xB  }
0x4: {  	s12 =	simm.s32 $0x0;
	s3 =	sshll.u32 s1, $0xC;
	s2 =	sand.u32 $0x800, s2  }
0x5: {  	s0 =	rddreg [dreg:$0x1];
	_ =	strace $0x80000050;
	s2 =	sor.u32 s3, s2  }
0x6: {  	s4 =	sadd.s32 $0x91600, s5;
	[sflag:s6] =	ssyncpa.u1 $0x0;
	s8 =	ssub.s32 $0x20000, s2  }
.Ltmp0:
0x7: {  	s3 =	sadd.s32 $0xAE000, s5;
	s7 =	sand.u32 $0xF800, s8;
	(pc) =	sbr.rel .LBB2_1-.Ltmp0, $4  }
0x8: {  	s5 =	sadd.s32 $0x88600, s5;
	s11 =	smov.u32 s2;
	p0 =	sne.s32 s7, $0x0  }
0x9: {  	s8 =	sshrl.u32 s8, $0x10;
	s7 =	simm.s32 $0x2;
	s9 =	simm.s32 @!p0 $0x0  }
0xa: {  	[sflag:s7] =	ssyncpa.u1 $0x0;
	p0 =	por $0x0, $0x0;
	s8 =	sadd.s32 s9, s8  }
0xb: {  	vm0 =	vmmov $0xffff;
	[sflag:s10] =	ssyncpa.u1 $0x0;
	s10 =	simm.s32 $0x0;
	s9 =	sadd.s32 $0x1, s8  }
.LBB2_4:
0xc: {  	vm1 =	veq.s32 v0, $0x80000000;
	v63 =	vand.u32 $0xF, v0;
	v2 =	vand.u32 $0x1FFF, v2  }
0xd: {  	v0 =	vsel vm1, $0xFFFFFFFF, v63;
	v2 =	vsel vm1, $0xFFFFFFFF, v2  }
0xe: {  	v3 =	vshll.u32 v0, $0xD;
	v4 =	vshll.u32 v2, $0x3  }
0xf: {  	v0 =	vshll.u32 v0, $0x7;
	v3 =	vand.u32 $0xFFFF0000, v3;
	v4 =	vand.u32 $0xFFFFFC00, v4  }
0x10: {  	v0 =	vand.u32 $0x380, v0;
	v3 =	vadd.s32 v3, v4  }
0x11: {  	v2 =	vand.u32 $0x7F, v2;
	v0 =	vor.u32 v0, v3  }
0x12: {  	v0 =	vor.u32 v2, v0;
	_ =	sdelay $0x1  }
0x13: {  	(ifvalue) =	ssetifvalue $0x7FFFFFFF;
	s14 =	sadd.s32 $0x10, s14  }
0x14: {  	[tilespmem:s14], [sflag:$0x1] =	stream.indirect_vreg.gather [hbm4b:s3+s10], $0x1, v1, vm0, $0x4038;
	[tilespmem:$0x2000] =	vst v63  }
0x15: {  	(ifvalue) =	ssetifvalue $0x7FFFFFFF;
	s14 =	sadd.s32 $0x10, s14  }
0x16: {  	[tilespmem:s14], [sflag:$0x1] =	stream.indirect_vreg.gather [hbm4b:s3+s10], $0x1, v0, vm0, $0x4038;
	[tilespmem:$0x2000] =	vst v63  }
0x17: {  	_ =	swait.ge [sflag:s6], $0x800  }
0x18: {  	s30 =	sshrl.u32 s13, $0x3;
	[sflag:s6] =	ssyncset.done $0x0  }
0x19: {  	s31 =	sand.u32 $0x7, s13;
	s14 =	sadd.s32 s5, s30;
	[sflag:s6] =	ssyncadd.s32 $0xFFFFF800  }
0x1a: {  	[hbm4b:s14+s31] =	stream.linear.scatter [tilespmem:s15], [sflag:$0x3], $0x800, $0x38;
	[tilespmem:$0x2000] =	vst v63  }
.LBB2_5:
0x1b: {  	s15 =	sadd.s32 $0x10000, s11  }
0x1c: {  	p2 =	sgt.s32 s15, $0x1FFFF  }
0x1d: {  	s15 =	smov.u32 @p2 s2;
	p2 =	sne.s32 s12, s9  }
.Ltmp1:
0x1e: {  	p1 =	slt.u32 s12, $0x2;
	(pc) =	sbr.rel @!p2 .LBB2_6-.Ltmp1, $4  }
0x1f: {  	s14 =	simm.s32 @!p1 $0x3  }
0x20: {  	s16 =	sadd.s32 $0x1, s12;
	_ =	swait.ge @!p1 [sflag:s14], $0x800  }
0x21: {  	s13 =	smov.u32 s11;
	p0 =	por !p0, !p0;
	[sflag:s14] =	ssyncset.done @!p1 $0x0  }
0x22: {  	s12 =	smov.u32 s16;
	s11 =	smov.u32 s15;
	[sflag:s14] =	ssyncadd.s32 @!p1 $0xFFFFF800  }
.LBB2_1:
0x23: {  	p1 =	sge.u32 s12, s8  }
0x24: {  	s14 =	sxor.u32 @!p1 $0xFFFFFFFF, s12  }
0x25: {  	s31 =	sadd.s32 $0xFFFFFFFF, s12;
	s15 =	sshrl.u32 @!p1 s11, $0x3;
	s14 =	sshll.u32 @!p1 s14, $0xB  }
0x26: {  	s16 =	sand.u32 @!p1 $0x7, s11;
	s15 =	sadd.s32 @!p1 s4, s15;
	s14 =	sand.u32 @!p1 $0x800, s14  }
0x27: {  	[tilespmem:s14], [sflag:$0x2] =	stream.linear.gather @!p1 [hbm4b:s15+s16], $0x800, $0x38;
	[tilespmem:$0x2000] =	vst v63  }
0x28: {  	p1 =	sge.u32 s31, s8  }
.Ltmp2:
0x29: {  	_ = 	snop;
	(pc) =	sbr.rel @p1 .LBB2_5-.Ltmp2, $1  }
0x2a: {  	_ =	sdelay $0x3  }
0x2b: {  	s14 =	simm.s32 $0x1  }
0x2c: {  	_ =	swait.ge [sflag:s7], $0x800;
	s14 =	simm.s32 @!p0 $0x0  }
0x2d: {  	[sflag:s7] =	ssyncset.done $0x0;
	s14 =	sshll.u32 s14, $0xB  }
0x2e: {  	[sflag:s7] =	ssyncadd.s32 $0xFFFFF800;
	(ifvalue) =	ssetifvalue $0x7FFFFFFF;
	v0 =	vld.msk [tilespmem:s14+$0x0 ss:$0x1], $0xffff;
	_ =	sdelay $0x3  }
0x2f: {  	s15 =	sadd.s32 $0x10, s14  }
0x30: {  	v2 =	vld.msk [tilespmem:s15+$0x0 ss:$0x1], $0xffff;
	v1 =	vshrl.u32 v0, $0x4  }
0x31: {  	vm1 =	veq.s32 v0, $0x80000000;
	v0 =	vand.u32 $0xF, v0;
	v1 =	vand.u32 $0x1FFF, v1  }
0x32: {  	v0 =	vsel vm1, $0xFFFFFFFF, v0;
	v1 =	vsel vm1, $0xFFFFFFFF, v1  }
0x33: {  	v3 =	vshll.u32 v0, $0xD;
	v4 =	vshll.u32 v1, $0x3  }
0x34: {  	v0 =	vshll.u32 v0, $0x7;
	v3 =	vand.u32 $0xFFFF0000, v3;
	v4 =	vand.u32 $0xFFFFFC00, v4  }
0x35: {  	vm1 =	veq.s32 v2, $0x80000000;
	v0 =	vand.u32 $0x380, v0;
	v3 =	vadd.s32 v3, v4  }
0x36: {  	v1 =	vand.u32 $0x7F, v1;
	v0 =	vor.u32 v0, v3;
	v3 =	vshrl.u32 v2, $0x4  }
0x37: {  	s17 =	sadd.s32 $0x10, s15;
	v2 =	vand.u32 $0xF, v2;
	v1 =	vor.u32 v1, v0;
	v3 =	vand.u32 $0x1FFF, v3  }
0x38: {  	v0 =	vld.msk [tilespmem:s17+$0x0 ss:$0x1], $0xffff;
	v2 =	vsel vm1, $0xFFFFFFFF, v2;
	v3 =	vsel vm1, $0xFFFFFFFF, v3  }
0x39: {  	v63 =	vshll.u32 v2, $0xD;
	v5 =	vshll.u32 v3, $0x3  }
0x3a: {  	s31 =	sshll.u32 s12, $0xB;
	v2 =	vshll.u32 v2, $0x7;
	v4 =	vand.u32 $0xFFFF0000, v63;
	v5 =	vand.u32 $0xFFFFFC00, v5  }
0x3b: {  	s14 =	sor.u32 $0x1000, s14;
	s15 =	sand.u32 $0x800, s31;
	(ifvalue) =	ssetifvalue $0x7FFFFFFF;
	v2 =	vand.u32 $0x380, v2;
	v4 =	vadd.s32 v4, v5  }
0x3c: {  	[tilespmem:s14], [sflag:$0x1] =	stream.indirect_vreg.gather [hbm4b:s3+s10], $0x1, v1, vm0, $0x4038;
	v1 =	vand.u32 $0x7F, v3;
	v3 =	vor.u32 v2, v4;
	[tilespmem:$0x2000] =	vst v63  }
0x3d: {  	s16 =	simm.s32 $0x20;
	s15 =	sor.u32 $0x1000, s15;
	s17 =	sadd.s32 $0x10, s17;
	v2 =	vshrl.u32 v0, $0x4;
	v1 =	vor.u32 v1, v3  }
.LBB2_3:
0x3e: {  	s16 =	sadd.s32 $0x10, s16;
	vm1 =	veq.s32 v0, $0x80000000;
	v3 =	vand.u32 $0xF, v0;
	v0 =	vld.msk [tilespmem:s17+$0x0 ss:$0x1], $0xffff;
	v2 =	vand.u32 $0x1FFF, v2  }
0x3f: {  	p1 =	slt.u32 s16, $0x7F0;
	v3 =	vsel vm1, $0xFFFFFFFF, v3;
	v2 =	vsel vm1, $0xFFFFFFFF, v2  }
.Ltmp3:
0x40: {  	v4 =	vshll.u32 v3, $0xD;
	v5 =	vshll.u32 v2, $0x3;
	(pc) =	sbr.rel @p1 .LBB2_3-.Ltmp3, $4  }
0x41: {  	s14 =	sadd.s32 $0x10, s14;
	v3 =	vshll.u32 v3, $0x7;
	v4 =	vand.u32 $0xFFFF0000, v4;
	v5 =	vand.u32 $0xFFFFFC00, v5;
	(ifvalue) =	ssetifvalue $0x7FFFFFFF  }
0x42: {  	v3 =	vand.u32 $0x380, v3;
	v4 =	vadd.s32 v4, v5;
	[tilespmem:s14], [sflag:$0x1] =	stream.indirect_vreg.gather [hbm4b:s3+s10], $0x1, v1, vm0, $0x4038;
	[tilespmem:$0x2000] =	vst v63  }
0x43: {  	v1 =	vand.u32 $0x7F, v2;
	v3 =	vor.u32 v3, v4  }
0x44: {  	s17 =	sadd.s32 $0x10, s17;
	v2 =	vshrl.u32 v0, $0x4;
	v1 =	vor.u32 v1, v3  }
.Ltmp4:
0x45: {  	_ = 	snop;
	(pc) =	sbr.rel .LBB2_4-.Ltmp4, $1  }
0x46: {  	_ =	sdelay $0x3  }
.LBB2_6:
0x47: {  	_ =	sfence.sel $0x180000  }
0x48: {  	s2 =	simm.s32 $0x2;
	[bflag:$0x0] =	sbarrier.arrive $0xFFFF  }
0x49: {  	s30 =	simm.s32 $0x3;
	[sflag:s2] =	ssyncpa.u1 $0x1  }
0x4a: {  	s31 =	simm.s32 $0x1;
	[sflag:s30] =	ssyncpa.u1 $0x1  }
0x4b: {  	[sflag:s31] =	ssyncpa.u1 $0x1  }
0x4c: {  	p0 =	sne.s32 s1, $0x0;
	_ =	strace $0x90000050  }
0x4d: {  	s0 =	sadd.s32 @!p0 $0x100000, s0;
	[bflag:$0x2] =	sbarrier.arrive $0xFFFF  }
0x4e: {  	[sflag:s0] =	ssyncadd.tile.s32 @!p0 $0x1;
	_ =	shalt  }
.Lfunc_end2:
_tile_overlayer_lowered:
.L_overlay_start_2:
0x4f: {  	(tag) =	ssettag $0x2  }
0x50: {  	s0 =	rddreg [dreg:$0x0];
	s2 =	stileid.u32  }
0x51: {  	s1 =	rddreg [dreg:$0x1];
	p0 =	sne.s32 s2, $0x0  }
0x52: {  	s3 =	rddreg [dreg:$0x2];
	[bflag:$0x3] =	sbarrier.arrive $0xFFFF;
	s2 =	simm.s32 @!p0 $0x1C01  }
0x53: {  	[timem:s3], [sflag:s2] =	dma.local @!p0 [hbm:s0], s1  }
0x54: {  	s0 =	simm.s32 @!p0 $0x1  }
0x55: {  	_ =	swait.ge @!p0 [sflag:s0], s1  }
0x56: {  	s1 =	ssub.s32 @!p0 $0x0, s1;
	[sflag:s0] =	ssyncset.done @!p0 $0x0  }
0x57: {  	[sflag:s0] =	ssyncadd.s32 @!p0 s1  }
0x58: {  	[bflag:$0x3] =	sbarrier.arrive $0xFFFF  }
0x59: {  	_ =	shalt  }

// kernel: gather_offload_async_start
scs
__scs_entry_jumppad:
0x0: {  	(pc) =	sbr.rel $0x88, $3  }
0x1: {  	(tag) =	ssettag $0x0;
	lr =	simm.s32 $0x1  }
0x2: {  	[smem:$0x3F84] =	sst lr;
	_ =	strace $0xD0000000  }
0x3: {  	_ = 	snop  }
0x4: {  	_ = 	snop  }
0x5: {  	_ = 	snop  }
0x6: {  	_ = 	snop  }
0x7: {  	_ = 	snop  }
__scs_overlays_trampoline_lowered:
0x8: {  	[smem:$0x3F93] =	sst s0  }
0x9: {  	[smem:$0x3F94] =	sst s1  }
0xa: {  	[smem:$0x3F95] =	sst s2  }
0xb: {  	[smem:$0x3F96] =	sst s3  }
0xc: {  	[smem:$0x3F97] =	sst s4  }
0xd: {  	[smem:$0x3F98] =	sst s5  }
0xe: {  	[smem:$0x3F99] =	sst s6  }
0xf: {  	[smem:$0x3F9A] =	sst s7  }
0x10: {  	[smem:$0x3F9B] =	sst s8  }
0x11: {  	[smem:$0x3F9C] =	sst s9;
	s0 =	simm.s32 @!p0 $0x0  }
0x12: {  	s1 =	sld [smem:$0x3F82];
	s0 =	simm.s32 @p0 $0x1  }
0x13: {  	[smem:$0x3F9D] =	sst s0;
	s0 =	simm.s32 @!p1 $0x0  }
0x14: {  	s2 =	sld [smem:$0x3F81];
	s0 =	simm.s32 @p1 $0x1  }
0x15: {  	[smem:$0x3F9E] =	sst s0;
	s0 =	simm.s32 @!p2 $0x0  }
0x16: {  	s3 =	sld [smem:$0x3FDB];
	s0 =	simm.s32 @p2 $0x1  }
0x17: {  	s4 =	simm.s32 $0x1BF5;
	[smem:$0x3FA0] =	sst s0  }
0x18: {  	s0 =	sld [smem:$0x3F83];
	_ =	swait.ge [sflag:s4], $0x0  }
0x19: {  	s7 =	sld [smem:$0x3F84]  }
0x1a: {  	s8 =	sadd.s32 $0xFFFFE003, lr  }
0x1b: {  	s9 =	sadd.s32 $0xFFFFFEF7, lr;
	s5 =	simm.s32 $0xFFFFFFFF;
	p2 =	slt.u32 s8, $0xFFFFF086  }
0x1c: {  	p1 =	slt.u32 s9, $0xF7A;
	s5 =	simm.s32 @!p2 $0x0  }
0x1d: {  	s5 =	simm.s32 @p1 $0x1;
	p0 =	seq.s32 s7, s2  }
0x1e: {  	s7 =	smul.u32 @!p0 $0xF7A, s2;
	p2 =	seq.s32 @!p0 s5, $0x0  }
0x1f: {  	s9 =	smul.u32 $0xF7A, s1;
	s8 =	simm.s32 @!p0 $0x1BF5;
	p2 =	por !p2, p0  }
0x20: {  	[sflag:s8] =	ssyncset.s32 @!p0 $0xFFFFF086;
	s6 =	sadd.s32 @!p0 s3, s7;
	s7 =	simm.s32 @!p0 $0x108  }
0x21: {  	s3 =	sadd.s32 s3, s9;
	s6 =	sadd.s32 @!p0 $0x88, s6;
	s7 =	simm.s32 @p2 $0x1082  }
0x22: {  	[simem:s7], [sflag:s8] =	dma.local @!p0 [hbm:s6], $0xF7A  }
0x23: {  	s9 =	sor.u32 $0xD0000000, s2;
	s6 =	simm.s32 $0x108;
	_ =	swait.ge @!p0 [sflag:s8], $0x0  }
0x24: {  	s3 =	sadd.s32 $0x88, s3;
	s6 =	simm.s32 @!p1 $0x1082;
	[sflag:s4] =	ssyncset.s32 $0xFFFFF086  }
0x25: {  	[simem:s6], [sflag:s4] =	dma.local [hbm:s3], $0xF7A  }
0x26: {  	[smem:$0x3F84] =	sst s1;
	(tag) =	ssettag s2;
	_ =	strace s9  }
0x27: {  	s1 =	sld [smem:$0x3F94]  }
0x28: {  	s2 =	sld [smem:$0x3F95]  }
0x29: {  	s4 =	sld [smem:$0x3F97]  }
0x2a: {  	p0 =	seq.s32 s5, $0x0;
	s5 =	sld [smem:$0x3F98]  }
0x2b: {  	s6 =	sld [smem:$0x3F99]  }
0x2c: {  	s7 =	sld [smem:$0x3F9A]  }
0x2d: {  	s3 =	simm.s32 $0x108;
	s8 =	sld [smem:$0x3F9B]  }
0x2e: {  	s3 =	simm.s32 @!p0 $0x1082;
	s9 =	sld [smem:$0x3F9C]  }
0x2f: {  	lr =	sadd.s32 s0, s3;
	s0 =	sld [smem:$0x3F93]  }
0x30: {  	s3 =	sld [smem:$0x3F96]  }
0x31: {  	[smem:$0x3F9F] =	sst s10  }
0x32: {  	s10 =	sld [smem:$0x3F9D];
	_ =	sdelay $0x3  }
0x33: {  	p0 =	seq.s32 s10, $0x1;
	s10 =	sld [smem:$0x3F9F];
	_ =	sdelay $0x3  }
0x34: {  	[smem:$0x3F9F] =	sst s10  }
0x35: {  	s10 =	sld [smem:$0x3F9E];
	_ =	sdelay $0x3  }
0x36: {  	p1 =	seq.s32 s10, $0x1;
	s10 =	sld [smem:$0x3F9F];
	_ =	sdelay $0x3  }
0x37: {  	[smem:$0x3F9F] =	sst s10  }
0x38: {  	s10 =	sld [smem:$0x3FA0]  }
0x39: {  	_ = 	snop;
	(pc) =	sbr.ind lr, $3  }
0x3a: {  	_ = 	snop  }
0x3b: {  	_ = 	snop  }
0x3c: {  	p2 =	seq.s32 s10, $0x1;
	s10 =	sld [smem:$0x3F9F]  }
0x3d: {  	_ =	shalt  }
0x3e: {  	_ =	shalt  }
0x3f: {  	_ =	shalt  }
0x40: {  	_ =	shalt  }
0x41: {  	_ =	shalt  }
0x42: {  	_ =	shalt  }
0x43: {  	_ =	shalt  }
0x44: {  	_ =	shalt  }
0x45: {  	_ =	shalt  }
0x46: {  	_ =	shalt  }
0x47: {  	_ =	shalt  }
0x48: {  	_ =	shalt  }
0x49: {  	_ =	shalt  }
0x4a: {  	_ =	shalt  }
0x4b: {  	_ =	shalt  }
0x4c: {  	_ =	shalt  }
0x4d: {  	_ =	shalt  }
0x4e: {  	_ =	shalt  }
0x4f: {  	_ =	shalt  }
0x50: {  	_ =	shalt  }
0x51: {  	_ =	shalt  }
0x52: {  	_ =	shalt  }
0x53: {  	_ =	shalt  }
0x54: {  	_ =	shalt  }
0x55: {  	_ =	shalt  }
0x56: {  	_ =	shalt  }
0x57: {  	_ =	shalt  }
0x58: {  	_ =	shalt  }
0x59: {  	_ =	shalt  }
0x5a: {  	_ =	shalt  }
0x5b: {  	_ =	shalt  }
0x5c: {  	_ =	shalt  }
0x5d: {  	_ =	shalt  }
0x5e: {  	_ =	shalt  }
0x5f: {  	_ =	shalt  }
0x60: {  	_ =	shalt  }
0x61: {  	_ =	shalt  }
0x62: {  	_ =	shalt  }
0x63: {  	_ =	shalt  }
0x64: {  	_ =	shalt  }
0x65: {  	_ =	shalt  }
0x66: {  	_ =	shalt  }
0x67: {  	_ =	shalt  }
0x68: {  	_ =	shalt  }
0x69: {  	_ =	shalt  }
0x6a: {  	_ =	shalt  }
0x6b: {  	_ =	shalt  }
0x6c: {  	_ =	shalt  }
0x6d: {  	_ =	shalt  }
0x6e: {  	_ =	shalt  }
0x6f: {  	_ =	shalt  }
0x70: {  	_ =	shalt  }
0x71: {  	_ =	shalt  }
0x72: {  	_ =	shalt  }
0x73: {  	_ =	shalt  }
0x74: {  	_ =	shalt  }
0x75: {  	_ =	shalt  }
0x76: {  	_ =	shalt  }
0x77: {  	_ =	shalt  }
0x78: {  	_ =	shalt  }
0x79: {  	_ =	shalt  }
0x7a: {  	_ =	shalt  }
0x7b: {  	_ =	shalt  }
0x7c: {  	_ =	shalt  }
0x7d: {  	_ =	shalt  }
0x7e: {  	_ =	shalt  }
0x7f: {  	_ =	shalt  }
0x80: {  	_ =	shalt  }
0x81: {  	_ =	shalt  }
0x82: {  	_ =	shalt  }
0x83: {  	_ =	shalt  }
0x84: {  	_ =	shalt  }
0x85: {  	_ =	shalt  }
0x86: {  	_ =	shalt  }
0x87: {  	_ =	shalt  }
.Lfunc_end0:
.L_simem_size_0:
called_computation.1_lowered:
.L_overlay_start_0:
0x88: {  	s2 =	sld [smem:$0x3FD9]  }
0x89: {  	s3 =	sld [smem:$0x3FFE];
	_ =	sdelay $0x1  }
0x8a: {  	s1 =	srdreg.scid  }
0x8b: {  	s0 =	sand.u32 $0x1, s1  }
0x8c: {  	s14 =	sshll.u32 s0, $0xA;
	s2 =	sadd.s32 s3, s2  }
0x8d: {  	s2 =	sadd.s32 s2, s14  }
0x8e: {  	[smem:$0x3FAB] =	sst s2  }
0x8f: {  	_ = 	snop  }
0x90: {  	s2 =	sld [smem:$0x3FD0];
	_ =	sdelay $0x2  }
0x91: {  	s4 =	simm.s32 $0xC;
	s5 =	simm.s32 $0x10;
	s15 =	sld [smem:$0x3FAD]  }
0x92: {  	[smem:s5], [sflag:s4] =	dma.local [hbm:s2], $0x1  }
0x93: {  	_ =	swait.eq [sflag:s4], $0x1  }
0x94: {  	[sflag:s4] =	ssyncset.done $0x0  }
0x95: {  	[sflag:s4] =	ssyncadd.s32 $0xFFFFFFFF  }
0x96: {  	s16 =	sld [smem:$0x10];
	(tm) =	ssettm $0x1  }
0x97: {  	s17 =	sld [smem:$0x3FFB];
	_ =	sdelay $0x3  }
0x98: {  	_ =	strace s17  }
0x99: {  	s4 =	sld [smem:$0x3FFC];
	_ =	sdelay $0x3  }
0x9a: {  	_ =	strace s4  }
0x9b: {  	s4 =	sld [smem:$0x3FFD];
	_ =	sdelay $0x3  }
0x9c: {  	_ =	strace s4  }
0x9d: {  	_ =	strace $0x8FFFFFFF  }
0x9e: {  	s18 =	sld [smem:$0x3FDB];
	_ =	sdelay $0x1  }
0x9f: {  	s19 =	simm.s32 $_scs_section_size  }
0xa0: {  	s6 =	simm.s32 $_size__tile_overlayer_lowered;
	s7 =	simm.s32 $_tile_overlayer_lowered  }
0xa1: {  	s22 =	simm.s32 $0x1BFF;
	s21 =	sshll.u32 s7, $0x1;
	s4 =	sadd.s32 s19, s18  }
0xa2: {  	s8 =	simm.s32 $0x0;
	s20 =	sshll.u32 s6, $0x1;
	s6 =	sadd.s32 s21, s4  }
0xa3: {  	[timem:s8], [sflag:s22] =	dma.local [hbm:s6], s20  }
0xa4: {  	_ =	swait.ge [sflag:s22], s20  }
0xa5: {  	s5 =	ssub.s32 $0x0, s20;
	[sflag:s22] =	ssyncset.done $0x0  }
0xa6: {  	[sflag:s22] =	ssyncadd.s32 s5;
	_ =	sdelay $0x1  }
0xa7: {  	s23 =	simm.s32 $0x1B8B  }
0xa8: {  	_ =	swait.ge [sflag:s23], $0x1  }
0xa9: {  	[sflag:s23] =	ssyncset.done $0x0  }
0xaa: {  	s25 =	simm.s32 $0x1B8E;
	s24 =	sld [smem:$0x3FFE];
	[sflag:s23] =	ssyncadd.s32 $0xFFFFFFFF  }
0xab: {  	s26 =	simm.s32 $execute0_lowered;
	[smem:$0x3FD2] =	sst s25  }
0xac: {  	s6 =	sshll.u32 s26, $0x1;
	_ =	strace $0x80000046;
	[dreg:$0x1] =	wrdreg $0xFFFFFFFF  }
0xad: {  	s28 =	simm.s32 $_size_execute0_lowered;
	s4 =	sadd.s32 s4, s6;
	[dreg:$0x0] =	wrdreg $0x0  }
0xae: {  	s6 =	sshll.u32 s28, $0x1;
	[dreg:$0x2] =	wrdreg s4  }
0xaf: {  	[dreg:$0x3] =	wrdreg s6  }
0xb0: {  	[dreg:$0x4] =	wrdreg $0xC0  }
0xb1: {  	_ =	task [dreg:s8], $0x5FFFF  }
0xb2: {  	[dreg:$0x1] =	wrdreg $0xFFFFFFFF  }
0xb3: {  	[dreg:$0x0] =	wrdreg $0x60  }
0xb4: {  	[dreg:$0x2] =	wrdreg s15  }
0xb5: {  	[dreg:$0x3] =	wrdreg s16  }
0xb6: {  	[dreg:$0x4] =	wrdreg s24  }
0xb7: {  	[dreg:$0x5] =	wrdreg $0x9  }
0xb8: {  	_ =	task.clear_ibuf [dreg:s8], $0x6FFFF;
	_ =	strace $0x90000046  }
0xb9: {  	s29 =	simm.s32 $0x9;
	_ =	strace $0x80000048  }
0xba: {  	_ =	swait.ge [sflag:s29], $0x1  }
0xbb: {  	[sflag:s29] =	ssyncadd.s32 $0xFFFFFFFF  }
0xbc: {  	_ =	strace $0x90000048  }
0xbd: {  	_ =	sfence  }
0xbe: {  	s30 =	sld [smem:$0x0];
	_ =	sdelay $0x2  }
0xbf: {  	s31 =	sshll.u32 s1, $0xD;
	s1 =	sshrl.u32 s1, $0x2  }
0xc0: {  	s3 =	sand.u32 $0x4000, s31;
	s1 =	sadd.s32 s1, s30  }
0xc1: {  	s0 =	sor.u32 s3, s0;
	s1 =	sshll.u32 s1, $0x11  }
0xc2: {  	s0 =	sor.u32 s1, s0  }
0xc3: {  	s0 =	sadd.s32 $0x8F2B, s0  }
0xc4: {  	[sflag:s0] =	ssyncadd.remote.s32 $0x1  }
0xc5: {  	_ =	sfence.sel $0xFFFF  }
0xc6: {  	[dreg:$0x0] =	wrdreg $0xFFFFFFFF;
	(pc) =	sbr.abs _section_cstart, $3  }
0xc7: {  	[dreg:$0x1] =	wrdreg $0xFFFFFFFF  }
0xc8: {  	_ =	task.clear_ibuf [dreg:s8], $0x2FFFF;
	_ =	strace $0x9FFFFFFF  }
0xc9: {  	(tm) =	ssettm $0x7FFFFFFF  }
tec
execute0_lowered:
.L_overlay_start_1:
0x0: {  	(tag) =	ssettag $0x1  }
0x1: {  	s2 =	rddreg [dreg:$0x0]  }
0x2: {  	s3 =	rddreg [dreg:$0x1]  }
0x3: {  	s7 =	rddreg [dreg:$0x2]  }
0x4: {  	s0 =	rddreg [dreg:$0x3];
	s1 =	srdreg.scid;
	_ =	strace $0x80000047  }
0x5: {  	s4 =	simm.s32 $0x1;
	s9 =	simm.s32 $0x3;
	s5 =	sshll.u32 s1, $0x4  }
.Ltmp0:
0x6: {  	s1 =	stileid.u32;
	s5 =	sand.u32 $0x10, s5;
	(pc) =	sbr.rel .LBB2_1-.Ltmp0, $4  }
0x7: {  	s11 =	simm.s32 $0x0;
	p0 =	por $0x0, $0x0;
	s6 =	sor.u32 s1, s5  }
0x8: {  	[sflag:s4] =	ssyncpa.u1 $0x0;
	s5 =	simm.s32 $0x2;
	s6 =	sshll.u32 s6, $0x7  }
0x9: {  	s7 =	sadd.s32 $0x4600, s7;
	[sflag:s5] =	ssyncpa.u1 $0x0;
	s8 =	sadd.s32 $0x80, s6  }
0xa: {  	vm0 =	vmmov $0xff;
	vm1 =	vcmask $0x3F20;
	[sflag:s9] =	ssyncpa.u1 $0x0;
	s10 =	smov.u32 s6;
	s9 =	simm.s32 $0x0  }
.LBB2_9:
0xb: {  	p1 =	slt.u32 s9, $0x2;
	s11 =	sadd.s32 $0x20, s10  }
0xc: {  	s13 =	smov.u32 s6;
	s9 =	sadd.s32 $0x1, s9;
	p2 =	slt.s32 s11, s8  }
0xd: {  	s13 =	smov.u32 @p2 s11;
	p2 =	sne.s32 s9, $0x6  }
.Ltmp1:
0xe: {  	_ = 	snop;
	(pc) =	sbr.rel @!p2 .LBB2_10-.Ltmp1, $4  }
0xf: {  	s12 =	simm.s32 @!p1 $0x3  }
0x10: {  	_ =	swait.ge @!p1 [sflag:s12], $0x8000  }
0x11: {  	p0 =	por !p0, !p0;
	[sflag:s12] =	ssyncset.done @!p1 $0x0  }
0x12: {  	s11 =	smov.u32 s10;
	s10 =	smov.u32 s13;
	[sflag:s12] =	ssyncadd.s32 @!p1 $0xFFFF8000  }
.LBB2_1:
0x13: {  	p1 =	sgt.u32 s9, $0x3  }
0x14: {  	s12 =	sxor.u32 @!p1 $0xFFFFFFFF, s9  }
0x15: {  	s13 =	sshrl.u32 @!p1 s10, $0x3;
	s12 =	sshll.u32 @!p1 s12, $0x5  }
0x16: {  	s14 =	sand.u32 @!p1 $0x7, s10;
	s13 =	sadd.s32 @!p1 s3, s13;
	s12 =	sand.u32 @!p1 $0x20, s12  }
0x17: {  	[tilespmem:s12], [sflag:$0x2] =	stream.linear.gather @!p1 [hbm4b:s13+s14], $0x20, $0x38;
	[tilespmem:$0x10040] =	vst v63  }
0x18: {  	p1 =	seq.s32 s9, $0x0  }
0x19: {  	p2 =	seq.s32 @!p1 s9, $0x5  }
0x1a: {  	p1 =	por p1, p2  }
.Ltmp2:
0x1b: {  	_ = 	snop;
	(pc) =	sbr.rel @p1 .LBB2_9-.Ltmp2, $1  }
0x1c: {  	_ =	sdelay $0x3  }
0x1d: {  	s12 =	simm.s32 $0x1  }
0x1e: {  	_ =	swait.ge [sflag:s5], $0x20;
	s13 =	sand.u32 $0x1, s9;
	s12 =	simm.s32 @!p0 $0x0  }
0x1f: {  	s15 =	simm.s32 $0x0;
	p2 =	por $0x1, $0x1;
	s12 =	sshll.u32 s12, $0x11  }
0x20: {  	[sflag:s5] =	ssyncset.done $0x0;
	s13 =	sshll.u32 s13, $0x5;
	s14 =	sshrl.u32 s12, $0x2  }
0x21: {  	[sflag:s5] =	ssyncadd.s32 $0xFFFFFFE0;
	s12 =	sor.u32 $0x40, s14;
	s14 =	sadd.s32 $0x40, s14  }
.LBB2_3:
0x22: {  	s16 =	sshll.u32 s15, $0x4  }
0x23: {  	s16 =	sand.u32 $0x3FFFFFF0, s16  }
0x24: {  	s16 =	sadd.s32 s16, s13  }
0x25: {  	v0 =	vld.msk [tilespmem:s16+$0x0 ss:$0x1], $0xffff;
	_ =	sdelay $0x4  }
0x26: {  	vm2 =	vgt.s32 v0, $0x0  }
0x27: {  	v0 =	vnsel vm2, $0x0, v0  }
0x28: {  	v0 =	vmin.u32 v0, $0x4E1F  }
0x29: {  	v1 =	vshll.u32 v0, $0x7;
	v0 =	vshll.u32 v0, $0x4  }
0x2a: {  	v1 =	vand.u32 $0x3FFC00, v1;
	v0 =	vand.u32 $0x70, v0  }
0x2b: {  	v0 =	vor.u32 v0, v1  }
0x2c: {  	s31 =	sshll.u32 s15, $0x10  }
0x2d: {  	s15 =	sshra.s32 s31, $0x2  }
0x2e: {  	s15 =	sadd.s32 s15, s14  }
0x2f: {  	s17 =	sadd.s32 $0x0, s15  }
0x30: {  	[tilespmem:s17], [sflag:$0x1] =	stream.indirect_vreg.gather [hbm:s2], $0x80, v0, vm0, $0x38;
	[tilespmem:$0x10040] =	vst v63  }
0x31: {  	p1 =	por p2, p2;
	s16 =	simm.s32 $0x1000;
	v1 =	vadd.s32 $0x80, v0;
	s17 =	sadd.s32 $0x2000, s17  }
.LBB2_4:
0x32: {  	[tilespmem:s17], [sflag:$0x1] =	stream.indirect_vreg.gather [hbm:s2], $0x80, v0, vm1, $0x38;
	[tilespmem:$0x10040] =	vst v63  }
0x33: {  	v0 =	vmov v1;
	s17 =	smov.u32 s16;
	p2 =	sne.s32 s16, $0x7000  }
.Ltmp3:
0x34: {  	s16 =	sadd.s32 $0x1000, s16;
	(pc) =	sbr.rel @p2 .LBB2_4-.Ltmp3, $4  }
0x35: {  	s17 =	sshra.s32 s17, $0x2  }
0x36: {  	s17 =	sadd.s32 s17, s15  }
0x37: {  	[tilespmem:s17], [sflag:$0x1] =	stream.indirect_vreg.gather [hbm:s2], $0x80, v1, vm0, $0x38;
	[tilespmem:$0x10040] =	vst v63  }
0x38: {  	s17 =	sadd.s32 $0x2000, s17;
	v1 =	vadd.s32 $0x80, v1  }
0x39: {  	_ = 	snop  }
.Ltmp4:
0x3a: {  	_ = 	snop;
	(pc) =	sbr.rel @p1 .LBB2_3-.Ltmp4, $3  }
0x3b: {  	_ =	sdelay $0x1  }
0x3c: {  	[tilespmem:s17], [sflag:$0x1] =	stream.indirect_vreg.gather [hbm:s2], $0x80, v0, vm1, $0x38;
	[tilespmem:$0x10040] =	vst v63  }
0x3d: {  	s15 =	simm.s32 $0x1;
	p2 =	por $0x0, $0x0  }
0x3e: {  	s13 =	sshll.u32 s11, $0x7  }
0x3f: {  	s31 =	sshll.u32 s11, $0x4;
	s13 =	sand.u32 $0xFFFFFC00, s13  }
0x40: {  	_ =	swait.ge [sflag:s4], $0x8000;
	s11 =	sand.u32 $0x70, s31;
	s13 =	sadd.s32 s13, s7  }
0x41: {  	s14 =	sadd.s32 $0x2000, s12;
	[sflag:s4] =	ssyncset.done $0x0;
	s11 =	sadd.s32 s11, s13  }
0x42: {  	[sflag:s4] =	ssyncadd.s32 $0xFFFF8000;
	s13 =	simm.s32 $0x400;
	s15 =	sadd.s32 $0x0, s11  }
.LBB2_7:
0x43: {  	[hbm:s15] =	stream.linear.scatter [tilespmem:s12], [sflag:$0x3], $0x2000, $0x38;
	[tilespmem:$0x10040] =	vst v63  }
0x44: {  	s15 =	smov.u32 s13;
	s12 =	smov.u32 s14;
	p1 =	sne.s32 s13, $0xC00  }
.Ltmp5:
0x45: {  	s13 =	sadd.s32 $0x400, s13;
	(pc) =	sbr.rel @p1 .LBB2_7-.Ltmp5, $2  }
0x46: {  	_ =	sdelay $0x2  }
0x47: {  	s14 =	sadd.s32 $0x2000, s14;
	s15 =	sadd.s32 s15, s11  }
.Ltmp6:
0x48: {  	(pc) =	sbr.rel .LBB2_9-.Ltmp6, $2  }
0x49: {  	_ =	sdelay $0x2  }
0x4a: {  	[hbm:s15] =	stream.linear.scatter [tilespmem:s12], [sflag:$0x3], $0x2000, $0x38;
	[tilespmem:$0x10040] =	vst v63  }
.LBB2_10:
0x4b: {  	_ =	sfence.sel $0x180000  }
0x4c: {  	s2 =	simm.s32 $0x2;
	[bflag:$0x0] =	sbarrier.arrive $0xFFFF  }
0x4d: {  	s30 =	simm.s32 $0x3;
	[sflag:s2] =	ssyncpa.u1 $0x1  }
0x4e: {  	s31 =	simm.s32 $0x1;
	[sflag:s30] =	ssyncpa.u1 $0x1  }
0x4f: {  	[sflag:s31] =	ssyncpa.u1 $0x1  }
0x50: {  	p0 =	sne.s32 s1, $0x0;
	_ =	strace $0x90000047  }
0x51: {  	s0 =	sadd.s32 @!p0 $0x100000, s0;
	[bflag:$0x2] =	sbarrier.arrive $0xFFFF  }
0x52: {  	[sflag:s0] =	ssyncadd.tile.s32 @!p0 $0x1;
	_ =	shalt  }
.Lfunc_end2:
_tile_overlayer_lowered:
.L_overlay_start_2:
0x53: {  	(tag) =	ssettag $0x2  }
0x54: {  	s0 =	rddreg [dreg:$0x0];
	s2 =	stileid.u32  }
0x55: {  	s1 =	rddreg [dreg:$0x1];
	p0 =	sne.s32 s2, $0x0  }
0x56: {  	s3 =	rddreg [dreg:$0x2];
	[bflag:$0x3] =	sbarrier.arrive $0xFFFF;
	s2 =	simm.s32 @!p0 $0x1C01  }
0x57: {  	[timem:s3], [sflag:s2] =	dma.local @!p0 [hbm:s0], s1  }
0x58: {  	s0 =	simm.s32 @!p0 $0x1  }
0x59: {  	_ =	swait.ge @!p0 [sflag:s0], s1  }
0x5a: {  	s1 =	ssub.s32 @!p0 $0x0, s1;
	[sflag:s0] =	ssyncset.done @!p0 $0x0  }
0x5b: {  	[sflag:s0] =	ssyncadd.s32 @!p0 s1  }
0x5c: {  	[bflag:$0x3] =	sbarrier.arrive $0xFFFF  }
0x5d: {  	_ =	shalt  }

// kernel: kernel.16.cloned.1.call-start
scs
__scs_entry_jumppad:
0x0: {  	(pc) =	sbr.rel $0x88, $3  }
0x1: {  	(tag) =	ssettag $0x0;
	lr =	simm.s32 $0x1  }
0x2: {  	[smem:$0x3F84] =	sst lr;
	_ =	strace $0xD0000000  }
0x3: {  	_ = 	snop  }
0x4: {  	_ = 	snop  }
0x5: {  	_ = 	snop  }
0x6: {  	_ = 	snop  }
0x7: {  	_ = 	snop  }
__scs_overlays_trampoline_lowered:
0x8: {  	[smem:$0x3F93] =	sst s0  }
0x9: {  	[smem:$0x3F94] =	sst s1  }
0xa: {  	[smem:$0x3F95] =	sst s2  }
0xb: {  	[smem:$0x3F96] =	sst s3  }
0xc: {  	[smem:$0x3F97] =	sst s4  }
0xd: {  	[smem:$0x3F98] =	sst s5  }
0xe: {  	[smem:$0x3F99] =	sst s6  }
0xf: {  	[smem:$0x3F9A] =	sst s7  }
0x10: {  	[smem:$0x3F9B] =	sst s8  }
0x11: {  	[smem:$0x3F9C] =	sst s9;
	s0 =	simm.s32 @!p0 $0x0  }
0x12: {  	s1 =	sld [smem:$0x3F82];
	s0 =	simm.s32 @p0 $0x1  }
0x13: {  	[smem:$0x3F9D] =	sst s0;
	s0 =	simm.s32 @!p1 $0x0  }
0x14: {  	s2 =	sld [smem:$0x3F81];
	s0 =	simm.s32 @p1 $0x1  }
0x15: {  	[smem:$0x3F9E] =	sst s0;
	s0 =	simm.s32 @!p2 $0x0  }
0x16: {  	s3 =	sld [smem:$0x3FDB];
	s0 =	simm.s32 @p2 $0x1  }
0x17: {  	s4 =	simm.s32 $0x1BF5;
	[smem:$0x3FA0] =	sst s0  }
0x18: {  	s0 =	sld [smem:$0x3F83];
	_ =	swait.ge [sflag:s4], $0x0  }
0x19: {  	s7 =	sld [smem:$0x3F84]  }
0x1a: {  	s8 =	sadd.s32 $0xFFFFE003, lr  }
0x1b: {  	s9 =	sadd.s32 $0xFFFFFEF7, lr;
	s5 =	simm.s32 $0xFFFFFFFF;
	p2 =	slt.u32 s8, $0xFFFFF086  }
0x1c: {  	p1 =	slt.u32 s9, $0xF7A;
	s5 =	simm.s32 @!p2 $0x0  }
0x1d: {  	s5 =	simm.s32 @p1 $0x1;
	p0 =	seq.s32 s7, s2  }
0x1e: {  	s7 =	smul.u32 @!p0 $0xF7A, s2;
	p2 =	seq.s32 @!p0 s5, $0x0  }
0x1f: {  	s9 =	smul.u32 $0xF7A, s1;
	s8 =	simm.s32 @!p0 $0x1BF5;
	p2 =	por !p2, p0  }
0x20: {  	[sflag:s8] =	ssyncset.s32 @!p0 $0xFFFFF086;
	s6 =	sadd.s32 @!p0 s3, s7;
	s7 =	simm.s32 @!p0 $0x108  }
0x21: {  	s3 =	sadd.s32 s3, s9;
	s6 =	sadd.s32 @!p0 $0x88, s6;
	s7 =	simm.s32 @p2 $0x1082  }
0x22: {  	[simem:s7], [sflag:s8] =	dma.local @!p0 [hbm:s6], $0xF7A  }
0x23: {  	s9 =	sor.u32 $0xD0000000, s2;
	s6 =	simm.s32 $0x108;
	_ =	swait.ge @!p0 [sflag:s8], $0x0  }
0x24: {  	s3 =	sadd.s32 $0x88, s3;
	s6 =	simm.s32 @!p1 $0x1082;
	[sflag:s4] =	ssyncset.s32 $0xFFFFF086  }
0x25: {  	[simem:s6], [sflag:s4] =	dma.local [hbm:s3], $0xF7A  }
0x26: {  	[smem:$0x3F84] =	sst s1;
	(tag) =	ssettag s2;
	_ =	strace s9  }
0x27: {  	s1 =	sld [smem:$0x3F94]  }
0x28: {  	s2 =	sld [smem:$0x3F95]  }
0x29: {  	s4 =	sld [smem:$0x3F97]  }
0x2a: {  	p0 =	seq.s32 s5, $0x0;
	s5 =	sld [smem:$0x3F98]  }
0x2b: {  	s6 =	sld [smem:$0x3F99]  }
0x2c: {  	s7 =	sld [smem:$0x3F9A]  }
0x2d: {  	s3 =	simm.s32 $0x108;
	s8 =	sld [smem:$0x3F9B]  }
0x2e: {  	s3 =	simm.s32 @!p0 $0x1082;
	s9 =	sld [smem:$0x3F9C]  }
0x2f: {  	lr =	sadd.s32 s0, s3;
	s0 =	sld [smem:$0x3F93]  }
0x30: {  	s3 =	sld [smem:$0x3F96]  }
0x31: {  	[smem:$0x3F9F] =	sst s10  }
0x32: {  	s10 =	sld [smem:$0x3F9D];
	_ =	sdelay $0x3  }
0x33: {  	p0 =	seq.s32 s10, $0x1;
	s10 =	sld [smem:$0x3F9F];
	_ =	sdelay $0x3  }
0x34: {  	[smem:$0x3F9F] =	sst s10  }
0x35: {  	s10 =	sld [smem:$0x3F9E];
	_ =	sdelay $0x3  }
0x36: {  	p1 =	seq.s32 s10, $0x1;
	s10 =	sld [smem:$0x3F9F];
	_ =	sdelay $0x3  }
0x37: {  	[smem:$0x3F9F] =	sst s10  }
0x38: {  	s10 =	sld [smem:$0x3FA0]  }
0x39: {  	_ = 	snop;
	(pc) =	sbr.ind lr, $3  }
0x3a: {  	_ = 	snop  }
0x3b: {  	_ = 	snop  }
0x3c: {  	p2 =	seq.s32 s10, $0x1;
	s10 =	sld [smem:$0x3F9F]  }
0x3d: {  	_ =	shalt  }
0x3e: {  	_ =	shalt  }
0x3f: {  	_ =	shalt  }
0x40: {  	_ =	shalt  }
0x41: {  	_ =	shalt  }
0x42: {  	_ =	shalt  }
0x43: {  	_ =	shalt  }
0x44: {  	_ =	shalt  }
0x45: {  	_ =	shalt  }
0x46: {  	_ =	shalt  }
0x47: {  	_ =	shalt  }
0x48: {  	_ =	shalt  }
0x49: {  	_ =	shalt  }
0x4a: {  	_ =	shalt  }
0x4b: {  	_ =	shalt  }
0x4c: {  	_ =	shalt  }
0x4d: {  	_ =	shalt  }
0x4e: {  	_ =	shalt  }
0x4f: {  	_ =	shalt  }
0x50: {  	_ =	shalt  }
0x51: {  	_ =	shalt  }
0x52: {  	_ =	shalt  }
0x53: {  	_ =	shalt  }
0x54: {  	_ =	shalt  }
0x55: {  	_ =	shalt  }
0x56: {  	_ =	shalt  }
0x57: {  	_ =	shalt  }
0x58: {  	_ =	shalt  }
0x59: {  	_ =	shalt  }
0x5a: {  	_ =	shalt  }
0x5b: {  	_ =	shalt  }
0x5c: {  	_ =	shalt  }
0x5d: {  	_ =	shalt  }
0x5e: {  	_ =	shalt  }
0x5f: {  	_ =	shalt  }
0x60: {  	_ =	shalt  }
0x61: {  	_ =	shalt  }
0x62: {  	_ =	shalt  }
0x63: {  	_ =	shalt  }
0x64: {  	_ =	shalt  }
0x65: {  	_ =	shalt  }
0x66: {  	_ =	shalt  }
0x67: {  	_ =	shalt  }
0x68: {  	_ =	shalt  }
0x69: {  	_ =	shalt  }
0x6a: {  	_ =	shalt  }
0x6b: {  	_ =	shalt  }
0x6c: {  	_ =	shalt  }
0x6d: {  	_ =	shalt  }
0x6e: {  	_ =	shalt  }
0x6f: {  	_ =	shalt  }
0x70: {  	_ =	shalt  }
0x71: {  	_ =	shalt  }
0x72: {  	_ =	shalt  }
0x73: {  	_ =	shalt  }
0x74: {  	_ =	shalt  }
0x75: {  	_ =	shalt  }
0x76: {  	_ =	shalt  }
0x77: {  	_ =	shalt  }
0x78: {  	_ =	shalt  }
0x79: {  	_ =	shalt  }
0x7a: {  	_ =	shalt  }
0x7b: {  	_ =	shalt  }
0x7c: {  	_ =	shalt  }
0x7d: {  	_ =	shalt  }
0x7e: {  	_ =	shalt  }
0x7f: {  	_ =	shalt  }
0x80: {  	_ =	shalt  }
0x81: {  	_ =	shalt  }
0x82: {  	_ =	shalt  }
0x83: {  	_ =	shalt  }
0x84: {  	_ =	shalt  }
0x85: {  	_ =	shalt  }
0x86: {  	_ =	shalt  }
0x87: {  	_ =	shalt  }
.Lfunc_end0:
.L_simem_size_0:
called_computation.4_lowered:
.L_overlay_start_0:
0x88: {  	s2 =	sld [smem:$0x3FD9]  }
0x89: {  	s3 =	sld [smem:$0x3FFE];
	_ =	sdelay $0x1  }
0x8a: {  	s1 =	srdreg.scid  }
0x8b: {  	s0 =	sand.u32 $0x1, s1  }
0x8c: {  	s17 =	sshll.u32 s0, $0xA;
	s2 =	sadd.s32 s3, s2  }
0x8d: {  	s2 =	sadd.s32 s2, s17  }
0x8e: {  	[smem:$0x3FAB] =	sst s2  }
0x8f: {  	_ = 	snop  }
0x90: {  	s18 =	sld [smem:$0x3FAD];
	(tm) =	ssettm $0x1  }
0x91: {  	s19 =	sld [smem:$0x3FFB];
	_ =	sdelay $0x3  }
0x92: {  	_ =	strace s19  }
0x93: {  	s2 =	sld [smem:$0x3FFC];
	_ =	sdelay $0x3  }
0x94: {  	_ =	strace s2  }
0x95: {  	s2 =	sld [smem:$0x3FFD];
	_ =	sdelay $0x3  }
0x96: {  	_ =	strace s2  }
0x97: {  	_ =	strace $0x8FFFFFFF  }
0x98: {  	s20 =	sld [smem:$0x3FDB];
	_ =	sdelay $0x1  }
0x99: {  	s4 =	simm.s32 $_scs_section_size  }
0x9a: {  	s5 =	simm.s32 $_size__tile_overlayer_lowered;
	s6 =	simm.s32 $_tile_overlayer_lowered  }
0x9b: {  	s7 =	simm.s32 $0x1BFF;
	s21 =	sshll.u32 s6, $0x1;
	s4 =	sadd.s32 s4, s20  }
0x9c: {  	s22 =	simm.s32 $0x0;
	s5 =	sshll.u32 s5, $0x1;
	s6 =	sadd.s32 s21, s4  }
0x9d: {  	[timem:s22], [sflag:s7] =	dma.local [hbm:s6], s5  }
0x9e: {  	_ =	swait.ge [sflag:s7], s5  }
0x9f: {  	s5 =	ssub.s32 $0x0, s5;
	[sflag:s7] =	ssyncset.done $0x0  }
0xa0: {  	[sflag:s7] =	ssyncadd.s32 s5;
	_ =	sdelay $0x1  }
0xa1: {  	s23 =	simm.s32 $0x1B8B  }
0xa2: {  	_ =	swait.ge [sflag:s23], $0x1  }
0xa3: {  	[sflag:s23] =	ssyncset.done $0x0  }
0xa4: {  	[sflag:s23] =	ssyncadd.s32 $0xFFFFFFFF  }
0xa5: {  	s5 =	sld [smem:$0x0]  }
0xa6: {  	s6 =	sand.u32 $0xFFFFFFFE, s1  }
0xa7: {  	p0 =	sne.s32 s1, s6  }
0xa8: {  	s6 =	sshll.u32 @p0 s6, $0xE  }
0xa9: {  	s6 =	sadd.s32 @p0 $0x11B8D, s6;
	s7 =	sshll.u32 @p0 s5, $0x11  }
0xaa: {  	s6 =	sor.u32 @p0 s7, s6  }
0xab: {  	[sflag:s6] =	ssyncadd.remote.s32 @p0 $0x1;
	_ =	sdelay $0x1  }
0xac: {  	s6 =	simm.s32 @p0 $0x1B8D  }
0xad: {  	_ =	swait.eq @p0 [sflag:s6], $0x1  }
0xae: {  	[sflag:s6] =	ssyncadd.s32 @p0 $0xFFFFFFFF  }
0xaf: {  	s7 =	sshll.u32 @!p0 s1, $0xE  }
0xb0: {  	s7 =	sor.u32 @!p0 $0x4000, s7;
	s6 =	simm.s32 @!p0 $0x1B8D  }
0xb1: {  	s5 =	sshll.u32 @!p0 s5, $0x11;
	s7 =	sadd.s32 @!p0 $0x11B8D, s7;
	_ =	swait.eq @!p0 [sflag:s6], $0x1  }
0xb2: {  	s5 =	sor.u32 @!p0 s5, s7;
	[sflag:s6] =	ssyncadd.s32 @!p0 $0xFFFFFFFF  }
0xb3: {  	s25 =	simm.s32 $0x1B8E;
	s24 =	sld [smem:$0x3FFE];
	[sflag:s5] =	ssyncadd.remote.s32 @!p0 $0x1  }
0xb4: {  	s26 =	simm.s32 $execute0_lowered;
	[smem:$0x3FD2] =	sst s25  }
0xb5: {  	s6 =	sshll.u32 s26, $0x1;
	_ =	strace $0x8000004C;
	[dreg:$0x1] =	wrdreg $0xFFFFFFFF  }
0xb6: {  	s28 =	simm.s32 $_size_execute0_lowered;
	s4 =	sadd.s32 s4, s6;
	[dreg:$0x0] =	wrdreg $0x0  }
0xb7: {  	s6 =	sshll.u32 s28, $0x1;
	[dreg:$0x2] =	wrdreg s4  }
0xb8: {  	[dreg:$0x3] =	wrdreg s6  }
0xb9: {  	[dreg:$0x4] =	wrdreg $0xC0  }
0xba: {  	_ =	task [dreg:s22], $0x5FFFF  }
0xbb: {  	[dreg:$0x1] =	wrdreg $0xFFFFFFFF  }
0xbc: {  	[dreg:$0x0] =	wrdreg $0x60  }
0xbd: {  	[dreg:$0x2] =	wrdreg s18  }
0xbe: {  	[dreg:$0x3] =	wrdreg s24  }
0xbf: {  	[dreg:$0x4] =	wrdreg $0xB  }
0xc0: {  	_ =	task.clear_ibuf [dreg:s22], $0x5FFFF;
	_ =	strace $0x9000004C  }
0xc1: {  	s29 =	simm.s32 $0xB;
	_ =	strace $0x8000004E  }
0xc2: {  	_ =	swait.ge [sflag:s29], $0x1  }
0xc3: {  	[sflag:s29] =	ssyncadd.s32 $0xFFFFFFFF  }
0xc4: {  	_ =	strace $0x9000004E  }
0xc5: {  	_ =	sfence  }
0xc6: {  	s30 =	sld [smem:$0x0];
	_ =	sdelay $0x2  }
0xc7: {  	s31 =	sshll.u32 s1, $0xD;
	s1 =	sshrl.u32 s1, $0x2  }
0xc8: {  	s4 =	sand.u32 $0x4000, s31;
	s1 =	sadd.s32 s1, s30  }
0xc9: {  	s0 =	sor.u32 s4, s0;
	s1 =	sshll.u32 s1, $0x11  }
0xca: {  	s0 =	sor.u32 s1, s0  }
0xcb: {  	s0 =	sadd.s32 $0x8F2B, s0  }
0xcc: {  	[sflag:s0] =	ssyncadd.remote.s32 $0x1  }
0xcd: {  	_ =	sfence.sel $0xFFFF  }
0xce: {  	[dreg:$0x0] =	wrdreg $0xFFFFFFFF;
	(pc) =	sbr.abs _section_cstart, $3  }
0xcf: {  	[dreg:$0x1] =	wrdreg $0xFFFFFFFF  }
0xd0: {  	_ =	task.clear_ibuf [dreg:s22], $0x2FFFF;
	_ =	strace $0x9FFFFFFF  }
0xd1: {  	(tm) =	ssettm $0x7FFFFFFF  }
tec
execute0_lowered:
.L_overlay_start_1:
0x0: {  	(tag) =	ssettag $0x1  }
0x1: {  	s2 =	rddreg [dreg:$0x0]  }
0x2: {  	s0 =	rddreg [dreg:$0x1];
	s1 =	srdreg.scid  }
0x3: {  	s4 =	stileid.u32;
	s3 =	simm.s32 $0x0;
	s9 =	simm.s32 $0x1  }
0x4: {  	s19 =	simm.s32 $0x2;
	s21 =	simm.s32 $0xA00;
	s22 =	simm.s32 $0x1200  }
0x5: {  	s23 =	simm.s32 $0x1A00;
	s24 =	simm.s32 $0x2200;
	s28 =	simm.s32 $0x3200  }
0x6: {  	s29 =	simm.s32 $0x3A00;
	s30 =	simm.s32 $0x4200;
	s31 =	simm.s32 $0x4A00  }
0x7: {  	s10 =	simm.s32 $0x6200;
	s11 =	simm.s32 $0x6A00;
	s12 =	simm.s32 $0x7200  }
0x8: {  	s13 =	simm.s32 $0x7A00;
	s18 =	simm.s32 $0x8200;
	s14 =	simm.s32 $0x8A00  }
0x9: {  	s15 =	simm.s32 $0x9200;
	s1 =	sand.u32 $0x1, s1;
	s4 =	sshll.u32 s4, $0x1  }
0xa: {  	s16 =	simm.s32 $0x9A00;
	[smem:$0x7FF] =	sst s3;
	s4 =	sor.u32 s1, s4  }
0xb: {  	s17 =	simm.s32 $0xA200;
	_ =	strace $0x8000004D;
	s5 =	sshll.u32 s4, $0x6  }
0xc: {  	s1 =	ssub.s32 $0x2, s1;
	s4 =	sshll.u32 s4, $0xE;
	s5 =	sadd.s32 s5, s0  }
0xd: {  	s6 =	sshrl.u32 s1, $0x1;
	s0 =	sadd.s32 s4, s0;
	s25 =	sadd.s32 $0x95600, s5  }
0xe: {  	s1 =	ssub.s32 s1, s6;
	s26 =	sadd.s32 $0x415800, s0;
	[dreg:$0x3] =	wrdreg s25  }
0xf: {  	s4 =	sadd.s32 $0x100, s2;
	s7 =	sadd.s32 $0x416800, s0;
	[dreg:$0x4] =	wrdreg s26  }
0x10: {  	s6 =	sadd.s32 $0x300, s2;
	s8 =	sadd.s32 $0x417800, s0;
	[dreg:$0x5] =	wrdreg s7  }
0x11: {  	v2 =	vlaneseq.u32;
	s5 =	sadd.s32 $0x200, s2;
	s0 =	sadd.s32 $0x418800, s0;
	[dreg:$0x6] =	wrdreg s8  }
0x12: {  	vm0 =	vmmov $0xffff;
	v1 =	vshrl.u32 v2, $0x3;
	s7 =	smax.u32 s1, $0x1;
	[dreg:$0x7] =	wrdreg s0;
	s8 =	simm.s32 $0x3  }
0x13: {  	v0 =	vand.u32 $0x7, v2;
	v2 =	vor.u32 $0x8, v2;
	v1 =	vmul.u32 $0x8, v1;
	s25 =	simm.s32 $0x200;
	s26 =	simm.s32 $0x2A00;
	s1 =	simm.s32 $0x5A00  }
.LBB2_1:
0x14: {  	s20 =	rddreg [dreg:$0x3]  }
0x15: {  	[tilespmem:s3], [sflag:$0x3] =	stream.linear.gather [hbm4b:s20+s3], $0x200, $0x38;
	[tilespmem:$0x10200] =	vst v63  }
0x16: {  	_ =	swait.ge [sflag:s8], $0x200  }
0x17: {  	[sflag:s8] =	ssyncset.done $0x0  }
0x18: {  	[sflag:s8] =	ssyncadd.s32 $0xFFFFFE00  }
0x19: {  	v3 =	vld [tilespmem:$0x0];
	_ =	sdelay $0x4  }
0x1a: {  	v4 =	vshll.u32 v3, $0x3  }
0x1b: {  	v3 =	vand.u32 $0x7, v3;
	v4 =	vand.u32 $0xFFFFFFC0, v4  }
0x1c: {  	v3 =	vor.u32 v3, v4  }
0x1d: {  	v4 =	vperm.xlane v3, v0;
	_ =	sdelay $0x1  }
0x1e: {  	v4 =	vadd.s32 v1, v4;
	_ =	sdelay $0x4  }
0x1f: {  	[tilespmem:s25], [sflag:$0x1] =	stream.indirect_vreg.gather [hbm4b:s2+s3], $0x80, v4, vm0, $0xb8;
	[tilespmem:$0x10200] =	vst v63  }
0x20: {  	v3 =	vperm.xlane v3, v2  }
0x21: {  	[tilespmem:s21], [sflag:$0x1] =	stream.indirect_vreg.gather [hbm4b:s4+s3], $0x80, v4, vm0, $0xb8;
	[tilespmem:$0x10200] =	vst v63  }
0x22: {  	v3 =	vadd.s32 v1, v3  }
0x23: {  	[tilespmem:s22], [sflag:$0x1] =	stream.indirect_vreg.gather [hbm4b:s5+s3], $0x80, v4, vm0, $0xb8;
	[tilespmem:$0x10200] =	vst v63  }
0x24: {  	_ = 	snop  }
0x25: {  	[tilespmem:s23], [sflag:$0x1] =	stream.indirect_vreg.gather [hbm4b:s6+s3], $0x80, v4, vm0, $0xb8;
	[tilespmem:$0x10200] =	vst v63  }
0x26: {  	_ = 	snop  }
0x27: {  	[tilespmem:s24], [sflag:$0x1] =	stream.indirect_vreg.gather [hbm4b:s2+s3], $0x80, v3, vm0, $0xb8;
	[tilespmem:$0x10200] =	vst v63  }
0x28: {  	_ = 	snop  }
0x29: {  	[tilespmem:s26], [sflag:$0x1] =	stream.indirect_vreg.gather [hbm4b:s4+s3], $0x80, v3, vm0, $0xb8;
	[tilespmem:$0x10200] =	vst v63  }
0x2a: {  	_ = 	snop  }
0x2b: {  	[tilespmem:s28], [sflag:$0x1] =	stream.indirect_vreg.gather [hbm4b:s5+s3], $0x80, v3, vm0, $0xb8;
	[tilespmem:$0x10200] =	vst v63  }
0x2c: {  	_ = 	snop  }
0x2d: {  	[tilespmem:s29], [sflag:$0x1] =	stream.indirect_vreg.gather [hbm4b:s6+s3], $0x80, v3, vm0, $0xb8;
	[tilespmem:$0x10200] =	vst v63  }
0x2e: {  	v3 =	vld [tilespmem:$0x10];
	_ =	sdelay $0x4  }
0x2f: {  	v57 =	vshll.u32 v3, $0x3  }
0x30: {  	v3 =	vand.u32 $0x7, v3;
	v4 =	vand.u32 $0xFFFFFFC0, v57  }
0x31: {  	v3 =	vor.u32 v3, v4  }
0x32: {  	v4 =	vperm.xlane v3, v0;
	_ =	sdelay $0x1  }
0x33: {  	v4 =	vadd.s32 v1, v4;
	_ =	sdelay $0x4  }
0x34: {  	[tilespmem:s30], [sflag:$0x1] =	stream.indirect_vreg.gather [hbm4b:s2+s3], $0x80, v4, vm0, $0xb8;
	[tilespmem:$0x10200] =	vst v63  }
0x35: {  	v3 =	vperm.xlane v3, v2  }
0x36: {  	[tilespmem:s31], [sflag:$0x1] =	stream.indirect_vreg.gather [hbm4b:s4+s3], $0x80, v4, vm0, $0xb8;
	[tilespmem:$0x10200] =	vst v63  }
0x37: {  	s0 =	simm.s32 $0x5200;
	v3 =	vadd.s32 v1, v3  }
0x38: {  	[tilespmem:s0], [sflag:$0x1] =	stream.indirect_vreg.gather [hbm4b:s5+s3], $0x80, v4, vm0, $0xb8;
	[tilespmem:$0x10200] =	vst v63  }
0x39: {  	_ = 	snop  }
0x3a: {  	[tilespmem:s1], [sflag:$0x1] =	stream.indirect_vreg.gather [hbm4b:s6+s3], $0x80, v4, vm0, $0xb8;
	[tilespmem:$0x10200] =	vst v63  }
0x3b: {  	_ = 	snop  }
0x3c: {  	[tilespmem:s10], [sflag:$0x1] =	stream.indirect_vreg.gather [hbm4b:s2+s3], $0x80, v3, vm0, $0xb8;
	[tilespmem:$0x10200] =	vst v63  }
0x3d: {  	_ = 	snop  }
0x3e: {  	[tilespmem:s11], [sflag:$0x1] =	stream.indirect_vreg.gather [hbm4b:s4+s3], $0x80, v3, vm0, $0xb8;
	[tilespmem:$0x10200] =	vst v63  }
0x3f: {  	_ = 	snop  }
0x40: {  	[tilespmem:s12], [sflag:$0x1] =	stream.indirect_vreg.gather [hbm4b:s5+s3], $0x80, v3, vm0, $0xb8;
	[tilespmem:$0x10200] =	vst v63  }
0x41: {  	_ = 	snop  }
0x42: {  	[tilespmem:s13], [sflag:$0x1] =	stream.indirect_vreg.gather [hbm4b:s6+s3], $0x80, v3, vm0, $0xb8;
	[tilespmem:$0x10200] =	vst v63  }
0x43: {  	v3 =	vld [tilespmem:$0x80];
	_ =	sdelay $0x4  }
0x44: {  	v58 =	vshll.u32 v3, $0x3  }
0x45: {  	v3 =	vand.u32 $0x7, v3;
	v4 =	vand.u32 $0xFFFFFFC0, v58  }
0x46: {  	v3 =	vor.u32 v3, v4  }
0x47: {  	v4 =	vperm.xlane v3, v0;
	_ =	sdelay $0x1  }
0x48: {  	v4 =	vadd.s32 v1, v4;
	_ =	sdelay $0x4  }
0x49: {  	[tilespmem:s18], [sflag:$0x2] =	stream.indirect_vreg.gather [hbm4b:s2+s3], $0x80, v4, vm0, $0xb8;
	[tilespmem:$0x10200] =	vst v63  }
0x4a: {  	v3 =	vperm.xlane v3, v2  }
0x4b: {  	[tilespmem:s14], [sflag:$0x2] =	stream.indirect_vreg.gather [hbm4b:s4+s3], $0x80, v4, vm0, $0xb8;
	[tilespmem:$0x10200] =	vst v63  }
0x4c: {  	v3 =	vadd.s32 v1, v3  }
0x4d: {  	[tilespmem:s15], [sflag:$0x2] =	stream.indirect_vreg.gather [hbm4b:s5+s3], $0x80, v4, vm0, $0xb8;
	[tilespmem:$0x10200] =	vst v63  }
0x4e: {  	_ = 	snop  }
0x4f: {  	[tilespmem:s16], [sflag:$0x2] =	stream.indirect_vreg.gather [hbm4b:s6+s3], $0x80, v4, vm0, $0xb8;
	[tilespmem:$0x10200] =	vst v63  }
0x50: {  	_ = 	snop  }
0x51: {  	[tilespmem:s17], [sflag:$0x2] =	stream.indirect_vreg.gather [hbm4b:s2+s3], $0x80, v3, vm0, $0xb8;
	[tilespmem:$0x10200] =	vst v63  }
0x52: {  	s20 =	simm.s32 $0xAA00  }
0x53: {  	[tilespmem:s20], [sflag:$0x2] =	stream.indirect_vreg.gather [hbm4b:s4+s3], $0x80, v3, vm0, $0xb8;
	[tilespmem:$0x10200] =	vst v63  }
0x54: {  	s20 =	simm.s32 $0xB200  }
0x55: {  	[tilespmem:s20], [sflag:$0x2] =	stream.indirect_vreg.gather [hbm4b:s5+s3], $0x80, v3, vm0, $0xb8;
	[tilespmem:$0x10200] =	vst v63  }
0x56: {  	s20 =	simm.s32 $0xBA00  }
0x57: {  	[tilespmem:s20], [sflag:$0x2] =	stream.indirect_vreg.gather [hbm4b:s6+s3], $0x80, v3, vm0, $0xb8;
	[tilespmem:$0x10200] =	vst v63  }
0x58: {  	v3 =	vld [tilespmem:$0x90];
	_ =	sdelay $0x4  }
0x59: {  	v59 =	vshll.u32 v3, $0x3  }
0x5a: {  	v3 =	vand.u32 $0x7, v3;
	v4 =	vand.u32 $0xFFFFFFC0, v59  }
0x5b: {  	v3 =	vor.u32 v3, v4  }
0x5c: {  	v4 =	vperm.xlane v3, v0;
	_ =	sdelay $0x1  }
0x5d: {  	v4 =	vadd.s32 v1, v4;
	_ =	sdelay $0x3  }
0x5e: {  	s20 =	simm.s32 $0xC200  }
0x5f: {  	[tilespmem:s20], [sflag:$0x2] =	stream.indirect_vreg.gather [hbm4b:s2+s3], $0x80, v4, vm0, $0xb8;
	[tilespmem:$0x10200] =	vst v63  }
0x60: {  	v3 =	vperm.xlane v3, v2;
	s20 =	simm.s32 $0xCA00  }
0x61: {  	[tilespmem:s20], [sflag:$0x2] =	stream.indirect_vreg.gather [hbm4b:s4+s3], $0x80, v4, vm0, $0xb8;
	[tilespmem:$0x10200] =	vst v63  }
0x62: {  	v3 =	vadd.s32 v1, v3;
	s20 =	simm.s32 $0xD200  }
0x63: {  	[tilespmem:s20], [sflag:$0x2] =	stream.indirect_vreg.gather [hbm4b:s5+s3], $0x80, v4, vm0, $0xb8;
	[tilespmem:$0x10200] =	vst v63  }
0x64: {  	s20 =	simm.s32 $0xDA00  }
0x65: {  	[tilespmem:s20], [sflag:$0x2] =	stream.indirect_vreg.gather [hbm4b:s6+s3], $0x80, v4, vm0, $0xb8;
	[tilespmem:$0x10200] =	vst v63  }
0x66: {  	s20 =	simm.s32 $0xE200  }
0x67: {  	[tilespmem:s20], [sflag:$0x2] =	stream.indirect_vreg.gather [hbm4b:s2+s3], $0x80, v3, vm0, $0xb8;
	[tilespmem:$0x10200] =	vst v63  }
0x68: {  	s20 =	simm.s32 $0xEA00  }
0x69: {  	[tilespmem:s20], [sflag:$0x2] =	stream.indirect_vreg.gather [hbm4b:s4+s3], $0x80, v3, vm0, $0xb8;
	[tilespmem:$0x10200] =	vst v63  }
0x6a: {  	s20 =	simm.s32 $0xF200  }
0x6b: {  	[tilespmem:s20], [sflag:$0x2] =	stream.indirect_vreg.gather [hbm4b:s5+s3], $0x80, v3, vm0, $0xb8;
	[tilespmem:$0x10200] =	vst v63  }
0x6c: {  	s20 =	simm.s32 $0xFA00  }
0x6d: {  	[tilespmem:s20], [sflag:$0x2] =	stream.indirect_vreg.gather [hbm4b:s6+s3], $0x80, v3, vm0, $0xb8;
	[tilespmem:$0x10200] =	vst v63  }
0x6e: {  	_ =	swait.ge [sflag:s9], $0x8000  }
0x6f: {  	[sflag:s9] =	ssyncset.done $0x0  }
0x70: {  	s20 =	rddreg [dreg:$0x4];
	[sflag:s9] =	ssyncadd.s32 $0xFFFF8000  }
0x71: {  	[hbm4b:s20+s3] =	stream.linear.scatter [tilespmem:s25], [sflag:$0x3], $0x8000, $0x38;
	[tilespmem:$0x10200] =	vst v63  }
0x72: {  	_ =	swait.ge [sflag:s8], $0x8000  }
0x73: {  	[sflag:s8] =	ssyncset.done $0x0  }
0x74: {  	[sflag:s8] =	ssyncadd.s32 $0xFFFF8000  }
0x75: {  	v3 =	vld [tilespmem:$0x100];
	_ =	sdelay $0x4  }
0x76: {  	v60 =	vshll.u32 v3, $0x3  }
0x77: {  	v3 =	vand.u32 $0x7, v3;
	v4 =	vand.u32 $0xFFFFFFC0, v60  }
0x78: {  	v3 =	vor.u32 v3, v4  }
0x79: {  	v4 =	vperm.xlane v3, v0;
	_ =	sdelay $0x1  }
0x7a: {  	v4 =	vadd.s32 v1, v4;
	_ =	sdelay $0x4  }
0x7b: {  	[tilespmem:s25], [sflag:$0x1] =	stream.indirect_vreg.gather [hbm4b:s2+s3], $0x80, v4, vm0, $0xb8;
	[tilespmem:$0x10200] =	vst v63  }
0x7c: {  	v3 =	vperm.xlane v3, v2  }
0x7d: {  	[tilespmem:s21], [sflag:$0x1] =	stream.indirect_vreg.gather [hbm4b:s4+s3], $0x80, v4, vm0, $0xb8;
	[tilespmem:$0x10200] =	vst v63  }
0x7e: {  	v3 =	vadd.s32 v1, v3  }
0x7f: {  	[tilespmem:s22], [sflag:$0x1] =	stream.indirect_vreg.gather [hbm4b:s5+s3], $0x80, v4, vm0, $0xb8;
	[tilespmem:$0x10200] =	vst v63  }
0x80: {  	_ = 	snop  }
0x81: {  	[tilespmem:s23], [sflag:$0x1] =	stream.indirect_vreg.gather [hbm4b:s6+s3], $0x80, v4, vm0, $0xb8;
	[tilespmem:$0x10200] =	vst v63  }
0x82: {  	_ = 	snop  }
0x83: {  	[tilespmem:s24], [sflag:$0x1] =	stream.indirect_vreg.gather [hbm4b:s2+s3], $0x80, v3, vm0, $0xb8;
	[tilespmem:$0x10200] =	vst v63  }
0x84: {  	_ = 	snop  }
0x85: {  	[tilespmem:s26], [sflag:$0x1] =	stream.indirect_vreg.gather [hbm4b:s4+s3], $0x80, v3, vm0, $0xb8;
	[tilespmem:$0x10200] =	vst v63  }
0x86: {  	_ = 	snop  }
0x87: {  	[tilespmem:s28], [sflag:$0x1] =	stream.indirect_vreg.gather [hbm4b:s5+s3], $0x80, v3, vm0, $0xb8;
	[tilespmem:$0x10200] =	vst v63  }
0x88: {  	_ = 	snop  }
0x89: {  	[tilespmem:s29], [sflag:$0x1] =	stream.indirect_vreg.gather [hbm4b:s6+s3], $0x80, v3, vm0, $0xb8;
	[tilespmem:$0x10200] =	vst v63  }
0x8a: {  	v3 =	vld [tilespmem:$0x110];
	_ =	sdelay $0x4  }
0x8b: {  	v61 =	vshll.u32 v3, $0x3  }
0x8c: {  	v3 =	vand.u32 $0x7, v3;
	v4 =	vand.u32 $0xFFFFFFC0, v61  }
0x8d: {  	v3 =	vor.u32 v3, v4  }
0x8e: {  	v4 =	vperm.xlane v3, v0;
	_ =	sdelay $0x1  }
0x8f: {  	v4 =	vadd.s32 v1, v4;
	_ =	sdelay $0x4  }
0x90: {  	[tilespmem:s30], [sflag:$0x1] =	stream.indirect_vreg.gather [hbm4b:s2+s3], $0x80, v4, vm0, $0xb8;
	[tilespmem:$0x10200] =	vst v63  }
0x91: {  	v3 =	vperm.xlane v3, v2  }
0x92: {  	[tilespmem:s31], [sflag:$0x1] =	stream.indirect_vreg.gather [hbm4b:s4+s3], $0x80, v4, vm0, $0xb8;
	[tilespmem:$0x10200] =	vst v63  }
0x93: {  	v3 =	vadd.s32 v1, v3  }
0x94: {  	[tilespmem:s0], [sflag:$0x1] =	stream.indirect_vreg.gather [hbm4b:s5+s3], $0x80, v4, vm0, $0xb8;
	[tilespmem:$0x10200] =	vst v63  }
0x95: {  	_ = 	snop  }
0x96: {  	[tilespmem:s1], [sflag:$0x1] =	stream.indirect_vreg.gather [hbm4b:s6+s3], $0x80, v4, vm0, $0xb8;
	[tilespmem:$0x10200] =	vst v63  }
0x97: {  	_ = 	snop  }
0x98: {  	[tilespmem:s10], [sflag:$0x1] =	stream.indirect_vreg.gather [hbm4b:s2+s3], $0x80, v3, vm0, $0xb8;
	[tilespmem:$0x10200] =	vst v63  }
0x99: {  	_ = 	snop  }
0x9a: {  	[tilespmem:s11], [sflag:$0x1] =	stream.indirect_vreg.gather [hbm4b:s4+s3], $0x80, v3, vm0, $0xb8;
	[tilespmem:$0x10200] =	vst v63  }
0x9b: {  	_ = 	snop  }
0x9c: {  	[tilespmem:s12], [sflag:$0x1] =	stream.indirect_vreg.gather [hbm4b:s5+s3], $0x80, v3, vm0, $0xb8;
	[tilespmem:$0x10200] =	vst v63  }
0x9d: {  	_ = 	snop  }
0x9e: {  	[tilespmem:s13], [sflag:$0x1] =	stream.indirect_vreg.gather [hbm4b:s6+s3], $0x80, v3, vm0, $0xb8;
	[tilespmem:$0x10200] =	vst v63  }
0x9f: {  	_ =	swait.ge [sflag:s19], $0x8000  }
0xa0: {  	[sflag:s19] =	ssyncset.done $0x0  }
0xa1: {  	s0 =	rddreg [dreg:$0x5];
	[sflag:s19] =	ssyncadd.s32 $0xFFFF8000  }
0xa2: {  	[hbm4b:s0+s3] =	stream.linear.scatter [tilespmem:s18], [sflag:$0x3], $0x8000, $0x38;
	[tilespmem:$0x10200] =	vst v63  }
0xa3: {  	_ =	swait.ge [sflag:s8], $0x8000  }
0xa4: {  	[sflag:s8] =	ssyncset.done $0x0  }
0xa5: {  	[sflag:s8] =	ssyncadd.s32 $0xFFFF8000  }
0xa6: {  	v3 =	vld [tilespmem:$0x180];
	_ =	sdelay $0x4  }
0xa7: {  	v62 =	vshll.u32 v3, $0x3  }
0xa8: {  	v3 =	vand.u32 $0x7, v3;
	v4 =	vand.u32 $0xFFFFFFC0, v62  }
0xa9: {  	v3 =	vor.u32 v3, v4  }
0xaa: {  	v4 =	vperm.xlane v3, v0;
	_ =	sdelay $0x1  }
0xab: {  	v4 =	vadd.s32 v1, v4;
	_ =	sdelay $0x4  }
0xac: {  	[tilespmem:s18], [sflag:$0x2] =	stream.indirect_vreg.gather [hbm4b:s2+s3], $0x80, v4, vm0, $0xb8;
	[tilespmem:$0x10200] =	vst v63  }
0xad: {  	v3 =	vperm.xlane v3, v2  }
0xae: {  	[tilespmem:s14], [sflag:$0x2] =	stream.indirect_vreg.gather [hbm4b:s4+s3], $0x80, v4, vm0, $0xb8;
	[tilespmem:$0x10200] =	vst v63  }
0xaf: {  	v3 =	vadd.s32 v1, v3  }
0xb0: {  	[tilespmem:s15], [sflag:$0x2] =	stream.indirect_vreg.gather [hbm4b:s5+s3], $0x80, v4, vm0, $0xb8;
	[tilespmem:$0x10200] =	vst v63  }
0xb1: {  	_ = 	snop  }
0xb2: {  	[tilespmem:s16], [sflag:$0x2] =	stream.indirect_vreg.gather [hbm4b:s6+s3], $0x80, v4, vm0, $0xb8;
	[tilespmem:$0x10200] =	vst v63  }
0xb3: {  	_ = 	snop  }
0xb4: {  	[tilespmem:s17], [sflag:$0x2] =	stream.indirect_vreg.gather [hbm4b:s2+s3], $0x80, v3, vm0, $0xb8;
	[tilespmem:$0x10200] =	vst v63  }
0xb5: {  	s20 =	simm.s32 $0xAA00  }
0xb6: {  	[tilespmem:s20], [sflag:$0x2] =	stream.indirect_vreg.gather [hbm4b:s4+s3], $0x80, v3, vm0, $0xb8;
	[tilespmem:$0x10200] =	vst v63  }
0xb7: {  	s20 =	simm.s32 $0xB200  }
0xb8: {  	[tilespmem:s20], [sflag:$0x2] =	stream.indirect_vreg.gather [hbm4b:s5+s3], $0x80, v3, vm0, $0xb8;
	[tilespmem:$0x10200] =	vst v63  }
0xb9: {  	s20 =	simm.s32 $0xBA00  }
0xba: {  	[tilespmem:s20], [sflag:$0x2] =	stream.indirect_vreg.gather [hbm4b:s6+s3], $0x80, v3, vm0, $0xb8;
	[tilespmem:$0x10200] =	vst v63  }
0xbb: {  	v3 =	vld [tilespmem:$0x190];
	_ =	sdelay $0x4  }
0xbc: {  	v63 =	vshll.u32 v3, $0x3  }
0xbd: {  	v3 =	vand.u32 $0x7, v3;
	v4 =	vand.u32 $0xFFFFFFC0, v63  }
0xbe: {  	v3 =	vor.u32 v3, v4  }
0xbf: {  	v4 =	vperm.xlane v3, v0;
	_ =	sdelay $0x1  }
0xc0: {  	v4 =	vadd.s32 v1, v4;
	_ =	sdelay $0x3  }
0xc1: {  	s20 =	simm.s32 $0xC200  }
0xc2: {  	[tilespmem:s20], [sflag:$0x2] =	stream.indirect_vreg.gather [hbm4b:s2+s3], $0x80, v4, vm0, $0xb8;
	[tilespmem:$0x10200] =	vst v63  }
0xc3: {  	v3 =	vperm.xlane v3, v2;
	s20 =	simm.s32 $0xCA00  }
0xc4: {  	[tilespmem:s20], [sflag:$0x2] =	stream.indirect_vreg.gather [hbm4b:s4+s3], $0x80, v4, vm0, $0xb8;
	[tilespmem:$0x10200] =	vst v63  }
0xc5: {  	v3 =	vadd.s32 v1, v3;
	s20 =	simm.s32 $0xD200  }
0xc6: {  	[tilespmem:s20], [sflag:$0x2] =	stream.indirect_vreg.gather [hbm4b:s5+s3], $0x80, v4, vm0, $0xb8;
	[tilespmem:$0x10200] =	vst v63  }
0xc7: {  	s20 =	simm.s32 $0xDA00  }
0xc8: {  	[tilespmem:s20], [sflag:$0x2] =	stream.indirect_vreg.gather [hbm4b:s6+s3], $0x80, v4, vm0, $0xb8;
	[tilespmem:$0x10200] =	vst v63  }
0xc9: {  	s20 =	simm.s32 $0xE200  }
0xca: {  	[tilespmem:s20], [sflag:$0x2] =	stream.indirect_vreg.gather [hbm4b:s2+s3], $0x80, v3, vm0, $0xb8;
	[tilespmem:$0x10200] =	vst v63  }
0xcb: {  	s20 =	simm.s32 $0xEA00  }
0xcc: {  	[tilespmem:s20], [sflag:$0x2] =	stream.indirect_vreg.gather [hbm4b:s4+s3], $0x80, v3, vm0, $0xb8;
	[tilespmem:$0x10200] =	vst v63  }
0xcd: {  	s20 =	simm.s32 $0xF200  }
0xce: {  	[tilespmem:s20], [sflag:$0x2] =	stream.indirect_vreg.gather [hbm4b:s5+s3], $0x80, v3, vm0, $0xb8;
	[tilespmem:$0x10200] =	vst v63  }
0xcf: {  	s20 =	simm.s32 $0xFA00  }
0xd0: {  	[tilespmem:s20], [sflag:$0x2] =	stream.indirect_vreg.gather [hbm4b:s6+s3], $0x80, v3, vm0, $0xb8;
	[tilespmem:$0x10200] =	vst v63  }
0xd1: {  	_ =	swait.ge [sflag:s9], $0x8000  }
0xd2: {  	[sflag:s9] =	ssyncset.done $0x0  }
0xd3: {  	s0 =	rddreg [dreg:$0x6];
	[sflag:s9] =	ssyncadd.s32 $0xFFFF8000  }
0xd4: {  	[hbm4b:s0+s3] =	stream.linear.scatter [tilespmem:s25], [sflag:$0x3], $0x8000, $0x38;
	[tilespmem:$0x10200] =	vst v63  }
0xd5: {  	_ =	swait.ge [sflag:s8], $0x8000  }
0xd6: {  	[sflag:s8] =	ssyncset.done $0x0  }
0xd7: {  	[sflag:s8] =	ssyncadd.s32 $0xFFFF8000  }
0xd8: {  	_ =	swait.ge [sflag:s19], $0x8000  }
0xd9: {  	p0 =	sne.s32 s7, $0x1;
	[sflag:s19] =	ssyncset.done $0x0  }
.Ltmp0:
0xda: {  	s0 =	rddreg [dreg:$0x7];
	[sflag:s19] =	ssyncadd.s32 $0xFFFF8000;
	(pc) =	sbr.rel @p0 .LBB2_1-.Ltmp0, $4  }
0xdb: {  	[hbm4b:s0+s3] =	stream.linear.scatter [tilespmem:s18], [sflag:$0x3], $0x8000, $0x38;
	[tilespmem:$0x10200] =	vst v63  }
0xdc: {  	_ =	swait.ge [sflag:s8], $0x8000  }
0xdd: {  	[sflag:s8] =	ssyncset.done $0x0  }
0xde: {  	s7 =	sadd.s32 $0xFFFFFFFF, s7;
	[sflag:s8] =	ssyncadd.s32 $0xFFFF8000  }
0xdf: {  	_ =	sfence.sel $0x180000  }
0xe0: {  	[bflag:$0x0] =	sbarrier.arrive $0xFFFF  }
0xe1: {  	_ =	strace $0x9000004D  }
0xe2: {  	s0 =	stileid.u32;
	[bflag:$0x2] =	sbarrier.arrive $0xFFFF  }
0xe3: {  	p0 =	sne.s32 s0, $0x0;
	s0 =	rddreg [dreg:$0x2]  }
0xe4: {  	s0 =	sadd.s32 @!p0 $0x100000, s0  }
0xe5: {  	[sflag:s0] =	ssyncadd.tile.s32 @!p0 $0x1;
	_ =	shalt  }
.Lfunc_end2:
_tile_overlayer_lowered:
.L_overlay_start_2:
0xe6: {  	(tag) =	ssettag $0x2  }
0xe7: {  	s0 =	rddreg [dreg:$0x0];
	s2 =	stileid.u32  }
0xe8: {  	s1 =	rddreg [dreg:$0x1];
	p0 =	sne.s32 s2, $0x0  }
0xe9: {  	s3 =	rddreg [dreg:$0x2];
	[bflag:$0x3] =	sbarrier.arrive $0xFFFF;
	s2 =	simm.s32 @!p0 $0x1C03  }
0xea: {  	[timem:s3], [sflag:s2] =	dma.local @!p0 [hbm:s0], s1  }
0xeb: {  	s0 =	simm.s32 @!p0 $0x3  }
0xec: {  	_ =	swait.ge @!p0 [sflag:s0], s1  }
0xed: {  	s1 =	ssub.s32 @!p0 $0x0, s1;
	[sflag:s0] =	ssyncset.done @!p0 $0x0  }
0xee: {  	[sflag:s0] =	ssyncadd.s32 @!p0 s1  }
0xef: {  	[bflag:$0x3] =	sbarrier.arrive $0xFFFF  }
0xf0: {  	_ =	shalt  }

// kernel: kernel.19.cloned.1.call-start
scs
__scs_entry_jumppad:
0x0: {  	(pc) =	sbr.rel $0x88, $3  }
0x1: {  	(tag) =	ssettag $0x0;
	lr =	simm.s32 $0x1  }
0x2: {  	[smem:$0x3F84] =	sst lr;
	_ =	strace $0xD0000000  }
0x3: {  	_ = 	snop  }
0x4: {  	_ = 	snop  }
0x5: {  	_ = 	snop  }
0x6: {  	_ = 	snop  }
0x7: {  	_ = 	snop  }
__scs_overlays_trampoline_lowered:
0x8: {  	[smem:$0x3F93] =	sst s0  }
0x9: {  	[smem:$0x3F94] =	sst s1  }
0xa: {  	[smem:$0x3F95] =	sst s2  }
0xb: {  	[smem:$0x3F96] =	sst s3  }
0xc: {  	[smem:$0x3F97] =	sst s4  }
0xd: {  	[smem:$0x3F98] =	sst s5  }
0xe: {  	[smem:$0x3F99] =	sst s6  }
0xf: {  	[smem:$0x3F9A] =	sst s7  }
0x10: {  	[smem:$0x3F9B] =	sst s8  }
0x11: {  	[smem:$0x3F9C] =	sst s9;
	s0 =	simm.s32 @!p0 $0x0  }
0x12: {  	s1 =	sld [smem:$0x3F82];
	s0 =	simm.s32 @p0 $0x1  }
0x13: {  	[smem:$0x3F9D] =	sst s0;
	s0 =	simm.s32 @!p1 $0x0  }
0x14: {  	s2 =	sld [smem:$0x3F81];
	s0 =	simm.s32 @p1 $0x1  }
0x15: {  	[smem:$0x3F9E] =	sst s0;
	s0 =	simm.s32 @!p2 $0x0  }
0x16: {  	s3 =	sld [smem:$0x3FDB];
	s0 =	simm.s32 @p2 $0x1  }
0x17: {  	s4 =	simm.s32 $0x1BF5;
	[smem:$0x3FA0] =	sst s0  }
0x18: {  	s0 =	sld [smem:$0x3F83];
	_ =	swait.ge [sflag:s4], $0x0  }
0x19: {  	s7 =	sld [smem:$0x3F84]  }
0x1a: {  	s8 =	sadd.s32 $0xFFFFE003, lr  }
0x1b: {  	s9 =	sadd.s32 $0xFFFFFEF7, lr;
	s5 =	simm.s32 $0xFFFFFFFF;
	p2 =	slt.u32 s8, $0xFFFFF086  }
0x1c: {  	p1 =	slt.u32 s9, $0xF7A;
	s5 =	simm.s32 @!p2 $0x0  }
0x1d: {  	s5 =	simm.s32 @p1 $0x1;
	p0 =	seq.s32 s7, s2  }
0x1e: {  	s7 =	smul.u32 @!p0 $0xF7A, s2;
	p2 =	seq.s32 @!p0 s5, $0x0  }
0x1f: {  	s9 =	smul.u32 $0xF7A, s1;
	s8 =	simm.s32 @!p0 $0x1BF5;
	p2 =	por !p2, p0  }
0x20: {  	[sflag:s8] =	ssyncset.s32 @!p0 $0xFFFFF086;
	s6 =	sadd.s32 @!p0 s3, s7;
	s7 =	simm.s32 @!p0 $0x108  }
0x21: {  	s3 =	sadd.s32 s3, s9;
	s6 =	sadd.s32 @!p0 $0x88, s6;
	s7 =	simm.s32 @p2 $0x1082  }
0x22: {  	[simem:s7], [sflag:s8] =	dma.local @!p0 [hbm:s6], $0xF7A  }
0x23: {  	s9 =	sor.u32 $0xD0000000, s2;
	s6 =	simm.s32 $0x108;
	_ =	swait.ge @!p0 [sflag:s8], $0x0  }
0x24: {  	s3 =	sadd.s32 $0x88, s3;
	s6 =	simm.s32 @!p1 $0x1082;
	[sflag:s4] =	ssyncset.s32 $0xFFFFF086  }
0x25: {  	[simem:s6], [sflag:s4] =	dma.local [hbm:s3], $0xF7A  }
0x26: {  	[smem:$0x3F84] =	sst s1;
	(tag) =	ssettag s2;
	_ =	strace s9  }
0x27: {  	s1 =	sld [smem:$0x3F94]  }
0x28: {  	s2 =	sld [smem:$0x3F95]  }
0x29: {  	s4 =	sld [smem:$0x3F97]  }
0x2a: {  	p0 =	seq.s32 s5, $0x0;
	s5 =	sld [smem:$0x3F98]  }
0x2b: {  	s6 =	sld [smem:$0x3F99]  }
0x2c: {  	s7 =	sld [smem:$0x3F9A]  }
0x2d: {  	s3 =	simm.s32 $0x108;
	s8 =	sld [smem:$0x3F9B]  }
0x2e: {  	s3 =	simm.s32 @!p0 $0x1082;
	s9 =	sld [smem:$0x3F9C]  }
0x2f: {  	lr =	sadd.s32 s0, s3;
	s0 =	sld [smem:$0x3F93]  }
0x30: {  	s3 =	sld [smem:$0x3F96]  }
0x31: {  	[smem:$0x3F9F] =	sst s10  }
0x32: {  	s10 =	sld [smem:$0x3F9D];
	_ =	sdelay $0x3  }
0x33: {  	p0 =	seq.s32 s10, $0x1;
	s10 =	sld [smem:$0x3F9F];
	_ =	sdelay $0x3  }
0x34: {  	[smem:$0x3F9F] =	sst s10  }
0x35: {  	s10 =	sld [smem:$0x3F9E];
	_ =	sdelay $0x3  }
0x36: {  	p1 =	seq.s32 s10, $0x1;
	s10 =	sld [smem:$0x3F9F];
	_ =	sdelay $0x3  }
0x37: {  	[smem:$0x3F9F] =	sst s10  }
0x38: {  	s10 =	sld [smem:$0x3FA0]  }
0x39: {  	_ = 	snop;
	(pc) =	sbr.ind lr, $3  }
0x3a: {  	_ = 	snop  }
0x3b: {  	_ = 	snop  }
0x3c: {  	p2 =	seq.s32 s10, $0x1;
	s10 =	sld [smem:$0x3F9F]  }
0x3d: {  	_ =	shalt  }
0x3e: {  	_ =	shalt  }
0x3f: {  	_ =	shalt  }
0x40: {  	_ =	shalt  }
0x41: {  	_ =	shalt  }
0x42: {  	_ =	shalt  }
0x43: {  	_ =	shalt  }
0x44: {  	_ =	shalt  }
0x45: {  	_ =	shalt  }
0x46: {  	_ =	shalt  }
0x47: {  	_ =	shalt  }
0x48: {  	_ =	shalt  }
0x49: {  	_ =	shalt  }
0x4a: {  	_ =	shalt  }
0x4b: {  	_ =	shalt  }
0x4c: {  	_ =	shalt  }
0x4d: {  	_ =	shalt  }
0x4e: {  	_ =	shalt  }
0x4f: {  	_ =	shalt  }
0x50: {  	_ =	shalt  }
0x51: {  	_ =	shalt  }
0x52: {  	_ =	shalt  }
0x53: {  	_ =	shalt  }
0x54: {  	_ =	shalt  }
0x55: {  	_ =	shalt  }
0x56: {  	_ =	shalt  }
0x57: {  	_ =	shalt  }
0x58: {  	_ =	shalt  }
0x59: {  	_ =	shalt  }
0x5a: {  	_ =	shalt  }
0x5b: {  	_ =	shalt  }
0x5c: {  	_ =	shalt  }
0x5d: {  	_ =	shalt  }
0x5e: {  	_ =	shalt  }
0x5f: {  	_ =	shalt  }
0x60: {  	_ =	shalt  }
0x61: {  	_ =	shalt  }
0x62: {  	_ =	shalt  }
0x63: {  	_ =	shalt  }
0x64: {  	_ =	shalt  }
0x65: {  	_ =	shalt  }
0x66: {  	_ =	shalt  }
0x67: {  	_ =	shalt  }
0x68: {  	_ =	shalt  }
0x69: {  	_ =	shalt  }
0x6a: {  	_ =	shalt  }
0x6b: {  	_ =	shalt  }
0x6c: {  	_ =	shalt  }
0x6d: {  	_ =	shalt  }
0x6e: {  	_ =	shalt  }
0x6f: {  	_ =	shalt  }
0x70: {  	_ =	shalt  }
0x71: {  	_ =	shalt  }
0x72: {  	_ =	shalt  }
0x73: {  	_ =	shalt  }
0x74: {  	_ =	shalt  }
0x75: {  	_ =	shalt  }
0x76: {  	_ =	shalt  }
0x77: {  	_ =	shalt  }
0x78: {  	_ =	shalt  }
0x79: {  	_ =	shalt  }
0x7a: {  	_ =	shalt  }
0x7b: {  	_ =	shalt  }
0x7c: {  	_ =	shalt  }
0x7d: {  	_ =	shalt  }
0x7e: {  	_ =	shalt  }
0x7f: {  	_ =	shalt  }
0x80: {  	_ =	shalt  }
0x81: {  	_ =	shalt  }
0x82: {  	_ =	shalt  }
0x83: {  	_ =	shalt  }
0x84: {  	_ =	shalt  }
0x85: {  	_ =	shalt  }
0x86: {  	_ =	shalt  }
0x87: {  	_ =	shalt  }
.Lfunc_end0:
.L_simem_size_0:
called_computation.5_lowered:
.L_overlay_start_0:
0x88: {  	s2 =	sld [smem:$0x3FD9]  }
0x89: {  	s3 =	sld [smem:$0x3FFE];
	_ =	sdelay $0x1  }
0x8a: {  	s1 =	srdreg.scid  }
0x8b: {  	s0 =	sand.u32 $0x1, s1  }
0x8c: {  	s17 =	sshll.u32 s0, $0xA;
	s2 =	sadd.s32 s3, s2  }
0x8d: {  	s2 =	sadd.s32 s2, s17  }
0x8e: {  	[smem:$0x3FAB] =	sst s2  }
0x8f: {  	_ = 	snop  }
0x90: {  	(tm) =	ssettm $0x1  }
0x91: {  	s18 =	sld [smem:$0x3FFB];
	_ =	sdelay $0x3  }
0x92: {  	_ =	strace s18  }
0x93: {  	s2 =	sld [smem:$0x3FFC];
	_ =	sdelay $0x3  }
0x94: {  	_ =	strace s2  }
0x95: {  	s2 =	sld [smem:$0x3FFD];
	_ =	sdelay $0x3  }
0x96: {  	_ =	strace s2  }
0x97: {  	_ =	strace $0x8FFFFFFF  }
0x98: {  	s19 =	sld [smem:$0x3FDB];
	_ =	sdelay $0x1  }
0x99: {  	s20 =	simm.s32 $_scs_section_size  }
0x9a: {  	s4 =	simm.s32 $_size__tile_overlayer_lowered;
	s5 =	simm.s32 $_tile_overlayer_lowered  }
0x9b: {  	s6 =	simm.s32 $0x1BFF;
	s21 =	sshll.u32 s5, $0x1;
	s3 =	sadd.s32 s20, s19  }
0x9c: {  	s22 =	simm.s32 $0x0;
	s4 =	sshll.u32 s4, $0x1;
	s5 =	sadd.s32 s21, s3  }
0x9d: {  	[timem:s22], [sflag:s6] =	dma.local [hbm:s5], s4  }
0x9e: {  	_ =	swait.ge [sflag:s6], s4  }
0x9f: {  	s4 =	ssub.s32 $0x0, s4;
	[sflag:s6] =	ssyncset.done $0x0  }
0xa0: {  	[sflag:s6] =	ssyncadd.s32 s4;
	_ =	sdelay $0x1  }
0xa1: {  	s23 =	simm.s32 $0x1B8B  }
0xa2: {  	_ =	swait.ge [sflag:s23], $0x1  }
0xa3: {  	[sflag:s23] =	ssyncset.done $0x0  }
0xa4: {  	[sflag:s23] =	ssyncadd.s32 $0xFFFFFFFF  }
0xa5: {  	s4 =	sld [smem:$0x0]  }
0xa6: {  	s5 =	sand.u32 $0xFFFFFFFE, s1  }
0xa7: {  	p0 =	sne.s32 s1, s5  }
0xa8: {  	s5 =	sshll.u32 @p0 s5, $0xE  }
0xa9: {  	s5 =	sadd.s32 @p0 $0x11B8D, s5;
	s6 =	sshll.u32 @p0 s4, $0x11  }
0xaa: {  	s5 =	sor.u32 @p0 s6, s5  }
0xab: {  	[sflag:s5] =	ssyncadd.remote.s32 @p0 $0x1;
	_ =	sdelay $0x1  }
0xac: {  	s5 =	simm.s32 @p0 $0x1B8D  }
0xad: {  	_ =	swait.eq @p0 [sflag:s5], $0x1  }
0xae: {  	[sflag:s5] =	ssyncadd.s32 @p0 $0xFFFFFFFF  }
0xaf: {  	s6 =	sshll.u32 @!p0 s1, $0xE  }
0xb0: {  	s6 =	sor.u32 @!p0 $0x4000, s6;
	s5 =	simm.s32 @!p0 $0x1B8D  }
0xb1: {  	s4 =	sshll.u32 @!p0 s4, $0x11;
	s6 =	sadd.s32 @!p0 $0x11B8D, s6;
	_ =	swait.eq @!p0 [sflag:s5], $0x1  }
0xb2: {  	s4 =	sor.u32 @!p0 s4, s6;
	[sflag:s5] =	ssyncadd.s32 @!p0 $0xFFFFFFFF  }
0xb3: {  	s25 =	simm.s32 $0x1B8E;
	s24 =	sld [smem:$0x3FFE];
	[sflag:s4] =	ssyncadd.remote.s32 @!p0 $0x1  }
0xb4: {  	s26 =	simm.s32 $execute0_lowered;
	[smem:$0x3FD2] =	sst s25  }
0xb5: {  	s5 =	sshll.u32 s26, $0x1;
	_ =	strace $0x80000055;
	[dreg:$0x1] =	wrdreg $0xFFFFFFFF  }
0xb6: {  	s28 =	simm.s32 $_size_execute0_lowered;
	s3 =	sadd.s32 s3, s5;
	[dreg:$0x0] =	wrdreg $0x0  }
0xb7: {  	s5 =	sshll.u32 s28, $0x1;
	[dreg:$0x2] =	wrdreg s3  }
0xb8: {  	[dreg:$0x3] =	wrdreg s5  }
0xb9: {  	[dreg:$0x4] =	wrdreg $0xC0  }
0xba: {  	_ =	task [dreg:s22], $0x5FFFF  }
0xbb: {  	[dreg:$0x1] =	wrdreg $0xFFFFFFFF  }
0xbc: {  	[dreg:$0x0] =	wrdreg $0x60  }
0xbd: {  	[dreg:$0x2] =	wrdreg s24  }
0xbe: {  	[dreg:$0x3] =	wrdreg $0xB  }
0xbf: {  	_ =	task.clear_ibuf [dreg:s22], $0x4FFFF;
	_ =	strace $0x90000055  }
0xc0: {  	s29 =	simm.s32 $0xB;
	_ =	strace $0x80000057  }
0xc1: {  	_ =	swait.ge [sflag:s29], $0x1  }
0xc2: {  	[sflag:s29] =	ssyncadd.s32 $0xFFFFFFFF  }
0xc3: {  	_ =	strace $0x90000057  }
0xc4: {  	_ =	sfence  }
0xc5: {  	s30 =	sld [smem:$0x0];
	_ =	sdelay $0x2  }
0xc6: {  	s31 =	sshll.u32 s1, $0xD;
	s1 =	sshrl.u32 s1, $0x2  }
0xc7: {  	s4 =	sand.u32 $0x4000, s31;
	s1 =	sadd.s32 s1, s30  }
0xc8: {  	s0 =	sor.u32 s4, s0;
	s1 =	sshll.u32 s1, $0x11  }
0xc9: {  	s0 =	sor.u32 s1, s0  }
0xca: {  	s0 =	sadd.s32 $0x8F2B, s0  }
0xcb: {  	[sflag:s0] =	ssyncadd.remote.s32 $0x1  }
0xcc: {  	_ =	sfence.sel $0xFFFF  }
0xcd: {  	[dreg:$0x0] =	wrdreg $0xFFFFFFFF;
	(pc) =	sbr.abs _section_cstart, $3  }
0xce: {  	[dreg:$0x1] =	wrdreg $0xFFFFFFFF  }
0xcf: {  	_ =	task.clear_ibuf [dreg:s22], $0x2FFFF;
	_ =	strace $0x9FFFFFFF  }
0xd0: {  	(tm) =	ssettm $0x7FFFFFFF  }
0xd1: {  	_ =	shalt  }
tec
execute0_lowered:
.L_overlay_start_1:
0x0: {  	(tag) =	ssettag $0x1  }
0x1: {  	s4 =	rddreg [dreg:$0x0]  }
0x2: {  	s2 =	srdreg.scid;
	s0 =	rddreg [dreg:$0x1]  }
0x3: {  	s1 =	stileid.u32;
	s12 =	simm.s32 $0x5000;
	s13 =	simm.s32 $0x1  }
0x4: {  	s14 =	simm.s32 $0x2;
	s15 =	simm.s32 $0xF80;
	s16 =	simm.s32 $0x0  }
0x5: {  	s8 =	sand.u32 $0x1, s2;
	s2 =	simm.s32 $0x0;
	s3 =	sshll.u32 s1, $0xD  }
0x6: {  	s9 =	sadd.s32 $0x795800, s4;
	s11 =	sshll.u32 s1, $0x11;
	s5 =	sshll.u32 s8, $0xC  }
0x7: {  	[smem:$0x7FF] =	sst s2;
	s7 =	ssub.s32 $0x2, s8;
	s8 =	sshll.u32 s8, $0x10  }
0x8: {  	s5 =	sor.u32 s5, s3;
	_ =	strace $0x80000056;
	s3 =	sadd.s32 $0x695800, s4  }
0x9: {  	s31 =	sshrl.u32 s7, $0x1;
	s6 =	sshrl.u32 s5, $0x3;
	s5 =	sshll.u32 s5, $0x4  }
0xa: {  	s7 =	ssub.s32 s7, s31;
	s6 =	sadd.s32 s6, s4;
	s10 =	sadd.s32 s9, s5  }
0xb: {  	s5 =	smax.u32 s7, $0x1;
	s9 =	sadd.s32 s11, s9;
	s11 =	simm.s32 $0x80  }
0xc: {  	s4 =	sadd.s32 $0xA2000, s6;
	s6 =	sadd.s32 $0xF000, s10;
	s7 =	sadd.s32 $0xF800, s10  }
0xd: {  	s8 =	sadd.s32 s8, s9;
	s9 =	simm.s32 $0x3;
	s10 =	simm.s32 $0x1000  }
.LBB2_1:
0xe: {  	[tilespmem:s2], [sflag:$0x3] =	stream.linear.gather [hbm4b:s4+s2], $0x1000, $0x38;
	[tilespmem:$0x9000] =	vst v63  }
0xf: {  	_ =	swait.ge [sflag:s9], $0x1000  }
0x10: {  	[sflag:s9] =	ssyncset.done $0x0  }
0x11: {  	[sflag:s9] =	ssyncadd.s32 $0xFFFFF000  }
0x12: {  	[tilespmem:s10], [sflag:$0x1] =	stream.indirect.gather [hbm4b:s3+s11], $0x80, s2, s11, $0xb8;
	[tilespmem:$0x9000] =	vst v63  }
0x13: {  	_ = 	snop  }
0x14: {  	[tilespmem:s12], [sflag:$0x2] =	stream.indirect.gather [hbm4b:s3+s11], $0x80, s11, s11, $0xb8;
	[tilespmem:$0x9000] =	vst v63  }
0x15: {  	_ =	swait.ge [sflag:s13], $0x4000  }
0x16: {  	[sflag:s13] =	ssyncset.done $0x0  }
0x17: {  	s17 =	sadd.s32 $0x0, s8;
	[sflag:s13] =	ssyncadd.s32 $0xFFFFC000  }
0x18: {  	[hbm4b:s17+s2] =	stream.linear.scatter [tilespmem:s10], [sflag:$0x3], $0x4000, $0x38;
	[tilespmem:$0x9000] =	vst v63  }
0x19: {  	_ =	swait.ge [sflag:s9], $0x4000  }
0x1a: {  	[sflag:s9] =	ssyncset.done $0x0  }
0x1b: {  	s18 =	simm.s32 $0x100;
	[sflag:s9] =	ssyncadd.s32 $0xFFFFC000  }
0x1c: {  	[tilespmem:s10], [sflag:$0x1] =	stream.indirect.gather [hbm4b:s3+s11], $0x80, s18, s11, $0xb8;
	[tilespmem:$0x9000] =	vst v63  }
0x1d: {  	_ =	swait.ge [sflag:s14], $0x4000  }
0x1e: {  	[sflag:s14] =	ssyncset.done $0x0  }
0x1f: {  	s17 =	sadd.s32 $0x800, s17;
	[sflag:s14] =	ssyncadd.s32 $0xFFFFC000  }
0x20: {  	[hbm4b:s17+s2] =	stream.linear.scatter [tilespmem:s12], [sflag:$0x3], $0x4000, $0x38;
	[tilespmem:$0x9000] =	vst v63  }
0x21: {  	_ =	swait.ge [sflag:s9], $0x4000  }
0x22: {  	s18 =	simm.s32 $0x80;
	s17 =	simm.s32 $0x1000;
	[sflag:s9] =	ssyncset.done $0x0  }
.LBB2_2:
0x23: {  	p0 =	sne.s32 s17, $0xE000;
	[sflag:s9] =	ssyncadd.s32 $0xFFFFC000;
	s18 =	sadd.s32 $0x100, s18  }
0x24: {  	[tilespmem:s12], [sflag:$0x2] =	stream.indirect.gather [hbm4b:s3+s11], $0x80, s18, s11, $0xb8;
	[tilespmem:$0x9000] =	vst v63  }
0x25: {  	s19 =	smov.u32 s17;
	s17 =	sadd.s32 $0x1000, s17;
	_ =	swait.ge [sflag:s13], $0x4000  }
0x26: {  	[sflag:s13] =	ssyncset.done $0x0  }
0x27: {  	s19 =	sadd.s32 s19, s8;
	[sflag:s13] =	ssyncadd.s32 $0xFFFFC000  }
0x28: {  	[hbm4b:s19+s2] =	stream.linear.scatter [tilespmem:s10], [sflag:$0x3], $0x4000, $0x38;
	[tilespmem:$0x9000] =	vst v63  }
0x29: {  	_ =	swait.ge [sflag:s9], $0x4000  }
0x2a: {  	[sflag:s9] =	ssyncset.done $0x0  }
0x2b: {  	s20 =	sadd.s32 $0x80, s18;
	[sflag:s9] =	ssyncadd.s32 $0xFFFFC000  }
0x2c: {  	[tilespmem:s10], [sflag:$0x1] =	stream.indirect.gather [hbm4b:s3+s11], $0x80, s20, s11, $0xb8;
	[tilespmem:$0x9000] =	vst v63  }
0x2d: {  	_ =	swait.ge [sflag:s14], $0x4000  }
.Ltmp0:
0x2e: {  	[sflag:s14] =	ssyncset.done $0x0;
	(pc) =	sbr.rel @p0 .LBB2_2-.Ltmp0, $4  }
0x2f: {  	s19 =	sadd.s32 $0x800, s19;
	[sflag:s14] =	ssyncadd.s32 $0xFFFFC000  }
0x30: {  	[hbm4b:s19+s2] =	stream.linear.scatter [tilespmem:s12], [sflag:$0x3], $0x4000, $0x38;
	[tilespmem:$0x9000] =	vst v63  }
0x31: {  	_ =	swait.ge [sflag:s9], $0x4000  }
0x32: {  	[sflag:s9] =	ssyncset.done $0x0  }
0x33: {  	[sflag:s9] =	ssyncadd.s32 $0xFFFFC000  }
0x34: {  	[tilespmem:s12], [sflag:$0x2] =	stream.indirect.gather [hbm4b:s3+s11], $0x80, s15, s11, $0xb8;
	[tilespmem:$0x9000] =	vst v63  }
0x35: {  	_ =	swait.ge [sflag:s13], $0x4000  }
0x36: {  	[sflag:s13] =	ssyncset.done $0x0  }
0x37: {  	[sflag:s13] =	ssyncadd.s32 $0xFFFFC000  }
0x38: {  	[hbm4b:s6+s2] =	stream.linear.scatter [tilespmem:s10], [sflag:$0x3], $0x4000, $0x38;
	[tilespmem:$0x9000] =	vst v63  }
0x39: {  	_ =	swait.ge [sflag:s9], $0x4000  }
0x3a: {  	[sflag:s9] =	ssyncset.done $0x0  }
0x3b: {  	[sflag:s9] =	ssyncadd.s32 $0xFFFFC000  }
0x3c: {  	s16 =	sadd.s32 $0x1, s16;
	_ =	swait.ge [sflag:s14], $0x4000  }
0x3d: {  	p0 =	sne.s32 s16, s5;
	[sflag:s14] =	ssyncset.done $0x0  }
.Ltmp1:
0x3e: {  	[sflag:s14] =	ssyncadd.s32 $0xFFFFC000;
	(pc) =	sbr.rel @p0 .LBB2_1-.Ltmp1, $4  }
0x3f: {  	[hbm4b:s7+s2] =	stream.linear.scatter [tilespmem:s12], [sflag:$0x3], $0x4000, $0x38;
	[tilespmem:$0x9000] =	vst v63  }
0x40: {  	_ =	swait.ge [sflag:s9], $0x4000  }
0x41: {  	[sflag:s9] =	ssyncset.done $0x0  }
0x42: {  	[sflag:s9] =	ssyncadd.s32 $0xFFFFC000  }
0x43: {  	_ =	sfence.sel $0x180000  }
0x44: {  	[bflag:$0x0] =	sbarrier.arrive $0xFFFF  }
0x45: {  	p0 =	sne.s32 s1, $0x0;
	_ =	strace $0x90000056  }
0x46: {  	s0 =	sadd.s32 @!p0 $0x100000, s0;
	[bflag:$0x2] =	sbarrier.arrive $0xFFFF  }
0x47: {  	[sflag:s0] =	ssyncadd.tile.s32 @!p0 $0x1;
	_ =	shalt  }
.Lfunc_end2:
_tile_overlayer_lowered:
.L_overlay_start_2:
0x48: {  	(tag) =	ssettag $0x2  }
0x49: {  	s0 =	rddreg [dreg:$0x0];
	s2 =	stileid.u32  }
0x4a: {  	s1 =	rddreg [dreg:$0x1];
	p0 =	sne.s32 s2, $0x0  }
0x4b: {  	s3 =	rddreg [dreg:$0x2];
	[bflag:$0x3] =	sbarrier.arrive $0xFFFF;
	s2 =	simm.s32 @!p0 $0x1C03  }
0x4c: {  	[timem:s3], [sflag:s2] =	dma.local @!p0 [hbm:s0], s1  }
0x4d: {  	s0 =	simm.s32 @!p0 $0x3  }
0x4e: {  	_ =	swait.ge @!p0 [sflag:s0], s1  }
0x4f: {  	s1 =	ssub.s32 @!p0 $0x0, s1;
	[sflag:s0] =	ssyncset.done @!p0 $0x0  }
0x50: {  	[sflag:s0] =	ssyncadd.s32 @!p0 s1  }
0x51: {  	[bflag:$0x3] =	sbarrier.arrive $0xFFFF  }
0x52: {  	_ =	shalt  }

// kernel: kernel.22.cloned.1.call-start
scs
__scs_entry_jumppad:
0x0: {  	(pc) =	sbr.rel $0x88, $3  }
0x1: {  	(tag) =	ssettag $0x0;
	lr =	simm.s32 $0x1  }
0x2: {  	[smem:$0x3F84] =	sst lr;
	_ =	strace $0xD0000000  }
0x3: {  	_ = 	snop  }
0x4: {  	_ = 	snop  }
0x5: {  	_ = 	snop  }
0x6: {  	_ = 	snop  }
0x7: {  	_ = 	snop  }
__scs_overlays_trampoline_lowered:
0x8: {  	[smem:$0x3F93] =	sst s0  }
0x9: {  	[smem:$0x3F94] =	sst s1  }
0xa: {  	[smem:$0x3F95] =	sst s2  }
0xb: {  	[smem:$0x3F96] =	sst s3  }
0xc: {  	[smem:$0x3F97] =	sst s4  }
0xd: {  	[smem:$0x3F98] =	sst s5  }
0xe: {  	[smem:$0x3F99] =	sst s6  }
0xf: {  	[smem:$0x3F9A] =	sst s7  }
0x10: {  	[smem:$0x3F9B] =	sst s8  }
0x11: {  	[smem:$0x3F9C] =	sst s9;
	s0 =	simm.s32 @!p0 $0x0  }
0x12: {  	s1 =	sld [smem:$0x3F82];
	s0 =	simm.s32 @p0 $0x1  }
0x13: {  	[smem:$0x3F9D] =	sst s0;
	s0 =	simm.s32 @!p1 $0x0  }
0x14: {  	s2 =	sld [smem:$0x3F81];
	s0 =	simm.s32 @p1 $0x1  }
0x15: {  	[smem:$0x3F9E] =	sst s0;
	s0 =	simm.s32 @!p2 $0x0  }
0x16: {  	s3 =	sld [smem:$0x3FDB];
	s0 =	simm.s32 @p2 $0x1  }
0x17: {  	s4 =	simm.s32 $0x1BF5;
	[smem:$0x3FA0] =	sst s0  }
0x18: {  	s0 =	sld [smem:$0x3F83];
	_ =	swait.ge [sflag:s4], $0x0  }
0x19: {  	s7 =	sld [smem:$0x3F84]  }
0x1a: {  	s8 =	sadd.s32 $0xFFFFE003, lr  }
0x1b: {  	s9 =	sadd.s32 $0xFFFFFEF7, lr;
	s5 =	simm.s32 $0xFFFFFFFF;
	p2 =	slt.u32 s8, $0xFFFFF086  }
0x1c: {  	p1 =	slt.u32 s9, $0xF7A;
	s5 =	simm.s32 @!p2 $0x0  }
0x1d: {  	s5 =	simm.s32 @p1 $0x1;
	p0 =	seq.s32 s7, s2  }
0x1e: {  	s7 =	smul.u32 @!p0 $0xF7A, s2;
	p2 =	seq.s32 @!p0 s5, $0x0  }
0x1f: {  	s9 =	smul.u32 $0xF7A, s1;
	s8 =	simm.s32 @!p0 $0x1BF5;
	p2 =	por !p2, p0  }
0x20: {  	[sflag:s8] =	ssyncset.s32 @!p0 $0xFFFFF086;
	s6 =	sadd.s32 @!p0 s3, s7;
	s7 =	simm.s32 @!p0 $0x108  }
0x21: {  	s3 =	sadd.s32 s3, s9;
	s6 =	sadd.s32 @!p0 $0x88, s6;
	s7 =	simm.s32 @p2 $0x1082  }
0x22: {  	[simem:s7], [sflag:s8] =	dma.local @!p0 [hbm:s6], $0xF7A  }
0x23: {  	s9 =	sor.u32 $0xD0000000, s2;
	s6 =	simm.s32 $0x108;
	_ =	swait.ge @!p0 [sflag:s8], $0x0  }
0x24: {  	s3 =	sadd.s32 $0x88, s3;
	s6 =	simm.s32 @!p1 $0x1082;
	[sflag:s4] =	ssyncset.s32 $0xFFFFF086  }
0x25: {  	[simem:s6], [sflag:s4] =	dma.local [hbm:s3], $0xF7A  }
0x26: {  	[smem:$0x3F84] =	sst s1;
	(tag) =	ssettag s2;
	_ =	strace s9  }
0x27: {  	s1 =	sld [smem:$0x3F94]  }
0x28: {  	s2 =	sld [smem:$0x3F95]  }
0x29: {  	s4 =	sld [smem:$0x3F97]  }
0x2a: {  	p0 =	seq.s32 s5, $0x0;
	s5 =	sld [smem:$0x3F98]  }
0x2b: {  	s6 =	sld [smem:$0x3F99]  }
0x2c: {  	s7 =	sld [smem:$0x3F9A]  }
0x2d: {  	s3 =	simm.s32 $0x108;
	s8 =	sld [smem:$0x3F9B]  }
0x2e: {  	s3 =	simm.s32 @!p0 $0x1082;
	s9 =	sld [smem:$0x3F9C]  }
0x2f: {  	lr =	sadd.s32 s0, s3;
	s0 =	sld [smem:$0x3F93]  }
0x30: {  	s3 =	sld [smem:$0x3F96]  }
0x31: {  	[smem:$0x3F9F] =	sst s10  }
0x32: {  	s10 =	sld [smem:$0x3F9D];
	_ =	sdelay $0x3  }
0x33: {  	p0 =	seq.s32 s10, $0x1;
	s10 =	sld [smem:$0x3F9F];
	_ =	sdelay $0x3  }
0x34: {  	[smem:$0x3F9F] =	sst s10  }
0x35: {  	s10 =	sld [smem:$0x3F9E];
	_ =	sdelay $0x3  }
0x36: {  	p1 =	seq.s32 s10, $0x1;
	s10 =	sld [smem:$0x3F9F];
	_ =	sdelay $0x3  }
0x37: {  	[smem:$0x3F9F] =	sst s10  }
0x38: {  	s10 =	sld [smem:$0x3FA0]  }
0x39: {  	_ = 	snop;
	(pc) =	sbr.ind lr, $3  }
0x3a: {  	_ = 	snop  }
0x3b: {  	_ = 	snop  }
0x3c: {  	p2 =	seq.s32 s10, $0x1;
	s10 =	sld [smem:$0x3F9F]  }
0x3d: {  	_ =	shalt  }
0x3e: {  	_ =	shalt  }
0x3f: {  	_ =	shalt  }
0x40: {  	_ =	shalt  }
0x41: {  	_ =	shalt  }
0x42: {  	_ =	shalt  }
0x43: {  	_ =	shalt  }
0x44: {  	_ =	shalt  }
0x45: {  	_ =	shalt  }
0x46: {  	_ =	shalt  }
0x47: {  	_ =	shalt  }
0x48: {  	_ =	shalt  }
0x49: {  	_ =	shalt  }
0x4a: {  	_ =	shalt  }
0x4b: {  	_ =	shalt  }
0x4c: {  	_ =	shalt  }
0x4d: {  	_ =	shalt  }
0x4e: {  	_ =	shalt  }
0x4f: {  	_ =	shalt  }
0x50: {  	_ =	shalt  }
0x51: {  	_ =	shalt  }
0x52: {  	_ =	shalt  }
0x53: {  	_ =	shalt  }
0x54: {  	_ =	shalt  }
0x55: {  	_ =	shalt  }
0x56: {  	_ =	shalt  }
0x57: {  	_ =	shalt  }
0x58: {  	_ =	shalt  }
0x59: {  	_ =	shalt  }
0x5a: {  	_ =	shalt  }
0x5b: {  	_ =	shalt  }
0x5c: {  	_ =	shalt  }
0x5d: {  	_ =	shalt  }
0x5e: {  	_ =	shalt  }
0x5f: {  	_ =	shalt  }
0x60: {  	_ =	shalt  }
0x61: {  	_ =	shalt  }
0x62: {  	_ =	shalt  }
0x63: {  	_ =	shalt  }
0x64: {  	_ =	shalt  }
0x65: {  	_ =	shalt  }
0x66: {  	_ =	shalt  }
0x67: {  	_ =	shalt  }
0x68: {  	_ =	shalt  }
0x69: {  	_ =	shalt  }
0x6a: {  	_ =	shalt  }
0x6b: {  	_ =	shalt  }
0x6c: {  	_ =	shalt  }
0x6d: {  	_ =	shalt  }
0x6e: {  	_ =	shalt  }
0x6f: {  	_ =	shalt  }
0x70: {  	_ =	shalt  }
0x71: {  	_ =	shalt  }
0x72: {  	_ =	shalt  }
0x73: {  	_ =	shalt  }
0x74: {  	_ =	shalt  }
0x75: {  	_ =	shalt  }
0x76: {  	_ =	shalt  }
0x77: {  	_ =	shalt  }
0x78: {  	_ =	shalt  }
0x79: {  	_ =	shalt  }
0x7a: {  	_ =	shalt  }
0x7b: {  	_ =	shalt  }
0x7c: {  	_ =	shalt  }
0x7d: {  	_ =	shalt  }
0x7e: {  	_ =	shalt  }
0x7f: {  	_ =	shalt  }
0x80: {  	_ =	shalt  }
0x81: {  	_ =	shalt  }
0x82: {  	_ =	shalt  }
0x83: {  	_ =	shalt  }
0x84: {  	_ =	shalt  }
0x85: {  	_ =	shalt  }
0x86: {  	_ =	shalt  }
0x87: {  	_ =	shalt  }
.Lfunc_end0:
.L_simem_size_0:
called_computation.6_lowered:
.L_overlay_start_0:
0x88: {  	s2 =	sld [smem:$0x3FD9]  }
0x89: {  	s3 =	sld [smem:$0x3FFE];
	_ =	sdelay $0x1  }
0x8a: {  	s1 =	srdreg.scid  }
0x8b: {  	s0 =	sand.u32 $0x1, s1  }
0x8c: {  	s16 =	sshll.u32 s0, $0xA;
	s2 =	sadd.s32 s3, s2  }
0x8d: {  	s2 =	sadd.s32 s2, s16  }
0x8e: {  	[smem:$0x3FAB] =	sst s2  }
0x8f: {  	_ = 	snop  }
0x90: {  	(tm) =	ssettm $0x1  }
0x91: {  	s17 =	sld [smem:$0x3FFB];
	_ =	sdelay $0x3  }
0x92: {  	_ =	strace s17  }
0x93: {  	s2 =	sld [smem:$0x3FFC];
	_ =	sdelay $0x3  }
0x94: {  	_ =	strace s2  }
0x95: {  	s2 =	sld [smem:$0x3FFD];
	_ =	sdelay $0x3  }
0x96: {  	_ =	strace s2  }
0x97: {  	_ =	strace $0x8FFFFFFF  }
0x98: {  	s18 =	sld [smem:$0x3FDB];
	_ =	sdelay $0x1  }
0x99: {  	s19 =	simm.s32 $_scs_section_size  }
0x9a: {  	s4 =	simm.s32 $_size__tile_overlayer_lowered;
	s5 =	simm.s32 $_tile_overlayer_lowered  }
0x9b: {  	s22 =	simm.s32 $0x1BFF;
	s21 =	sshll.u32 s5, $0x1;
	s2 =	sadd.s32 s19, s18  }
0x9c: {  	s6 =	simm.s32 $0x0;
	s20 =	sshll.u32 s4, $0x1;
	s4 =	sadd.s32 s21, s2  }
0x9d: {  	[timem:s6], [sflag:s22] =	dma.local [hbm:s4], s20  }
0x9e: {  	_ =	swait.ge [sflag:s22], s20  }
0x9f: {  	s3 =	ssub.s32 $0x0, s20;
	[sflag:s22] =	ssyncset.done $0x0  }
0xa0: {  	[sflag:s22] =	ssyncadd.s32 s3;
	_ =	sdelay $0x1  }
0xa1: {  	s23 =	simm.s32 $0x1B8B  }
0xa2: {  	_ =	swait.ge [sflag:s23], $0x1  }
0xa3: {  	[sflag:s23] =	ssyncset.done $0x0  }
0xa4: {  	s25 =	simm.s32 $0x1B8E;
	s24 =	sld [smem:$0x3FFE];
	[sflag:s23] =	ssyncadd.s32 $0xFFFFFFFF  }
0xa5: {  	s26 =	simm.s32 $execute0_lowered;
	[smem:$0x3FD2] =	sst s25  }
0xa6: {  	s4 =	sshll.u32 s26, $0x1;
	_ =	strace $0x80000058;
	[dreg:$0x1] =	wrdreg $0xFFFFFFFF  }
0xa7: {  	s28 =	simm.s32 $_size_execute0_lowered;
	s2 =	sadd.s32 s2, s4;
	[dreg:$0x0] =	wrdreg $0x0  }
0xa8: {  	s4 =	sshll.u32 s28, $0x1;
	[dreg:$0x2] =	wrdreg s2  }
0xa9: {  	[dreg:$0x3] =	wrdreg s4  }
0xaa: {  	[dreg:$0x4] =	wrdreg $0xC0  }
0xab: {  	_ =	task [dreg:s6], $0x5FFFF  }
0xac: {  	[dreg:$0x1] =	wrdreg $0xFFFFFFFF  }
0xad: {  	[dreg:$0x0] =	wrdreg $0x60  }
0xae: {  	[dreg:$0x2] =	wrdreg s24  }
0xaf: {  	[dreg:$0x3] =	wrdreg $0x9  }
0xb0: {  	_ =	task.clear_ibuf [dreg:s6], $0x4FFFF;
	_ =	strace $0x90000058  }
0xb1: {  	s29 =	simm.s32 $0x9;
	_ =	strace $0x8000005A  }
0xb2: {  	_ =	swait.ge [sflag:s29], $0x1  }
0xb3: {  	[sflag:s29] =	ssyncadd.s32 $0xFFFFFFFF  }
0xb4: {  	_ =	strace $0x9000005A  }
0xb5: {  	_ =	sfence  }
0xb6: {  	s30 =	sld [smem:$0x0];
	_ =	sdelay $0x2  }
0xb7: {  	s31 =	sshll.u32 s1, $0xD;
	s1 =	sshrl.u32 s1, $0x2  }
0xb8: {  	s3 =	sand.u32 $0x4000, s31;
	s1 =	sadd.s32 s1, s30  }
0xb9: {  	s0 =	sor.u32 s3, s0;
	s1 =	sshll.u32 s1, $0x11  }
0xba: {  	s0 =	sor.u32 s1, s0  }
0xbb: {  	s0 =	sadd.s32 $0x8F2B, s0  }
0xbc: {  	[sflag:s0] =	ssyncadd.remote.s32 $0x1  }
0xbd: {  	_ =	sfence.sel $0xFFFF  }
0xbe: {  	[dreg:$0x0] =	wrdreg $0xFFFFFFFF;
	(pc) =	sbr.abs _section_cstart, $3  }
0xbf: {  	[dreg:$0x1] =	wrdreg $0xFFFFFFFF  }
0xc0: {  	_ =	task.clear_ibuf [dreg:s6], $0x2FFFF;
	_ =	strace $0x9FFFFFFF  }
0xc1: {  	(tm) =	ssettm $0x7FFFFFFF  }
tec
execute0_lowered:
.L_overlay_start_1:
0x0: {  	(tag) =	ssettag $0x1  }
0x1: {  	s4 =	rddreg [dreg:$0x0]  }
0x2: {  	s2 =	srdreg.scid;
	s0 =	rddreg [dreg:$0x1]  }
0x3: {  	s1 =	stileid.u32;
	s12 =	simm.s32 $0x5000;
	s13 =	simm.s32 $0x1  }
0x4: {  	s14 =	simm.s32 $0x2;
	s15 =	simm.s32 $0xF80;
	s16 =	simm.s32 $0x0  }
0x5: {  	s8 =	sand.u32 $0x1, s2;
	s2 =	simm.s32 $0x0;
	s3 =	sshll.u32 s1, $0xD  }
0x6: {  	s9 =	sadd.s32 $0x395800, s4;
	s11 =	sshll.u32 s1, $0x11;
	s5 =	sshll.u32 s8, $0xC  }
0x7: {  	[smem:$0x7FF] =	sst s2;
	s7 =	ssub.s32 $0x2, s8;
	s8 =	sshll.u32 s8, $0x10  }
0x8: {  	s5 =	sor.u32 s5, s3;
	_ =	strace $0x80000059;
	s3 =	sadd.s32 $0x9E000, s4  }
0x9: {  	s31 =	sshrl.u32 s7, $0x1;
	s6 =	sshrl.u32 s5, $0x3;
	s5 =	sshll.u32 s5, $0x4  }
0xa: {  	s7 =	ssub.s32 s7, s31;
	s6 =	sadd.s32 s6, s4;
	s10 =	sadd.s32 s9, s5  }
0xb: {  	s5 =	smax.u32 s7, $0x1;
	s9 =	sadd.s32 s11, s9;
	s11 =	simm.s32 $0x80  }
0xc: {  	s4 =	sadd.s32 $0x9A000, s6;
	s6 =	sadd.s32 $0xF000, s10;
	s7 =	sadd.s32 $0xF800, s10  }
0xd: {  	s8 =	sadd.s32 s8, s9;
	s9 =	simm.s32 $0x3;
	s10 =	simm.s32 $0x1000  }
.LBB2_1:
0xe: {  	[tilespmem:s2], [sflag:$0x3] =	stream.linear.gather [hbm4b:s4+s2], $0x1000, $0x38;
	[tilespmem:$0x9000] =	vst v63  }
0xf: {  	_ =	swait.ge [sflag:s9], $0x1000  }
0x10: {  	[sflag:s9] =	ssyncset.done $0x0  }
0x11: {  	[sflag:s9] =	ssyncadd.s32 $0xFFFFF000  }
0x12: {  	[tilespmem:s10], [sflag:$0x1] =	stream.indirect.gather [hbm4b:s3+s11], $0x80, s2, s11, $0xb8;
	[tilespmem:$0x9000] =	vst v63  }
0x13: {  	_ = 	snop  }
0x14: {  	[tilespmem:s12], [sflag:$0x2] =	stream.indirect.gather [hbm4b:s3+s11], $0x80, s11, s11, $0xb8;
	[tilespmem:$0x9000] =	vst v63  }
0x15: {  	_ =	swait.ge [sflag:s13], $0x4000  }
0x16: {  	[sflag:s13] =	ssyncset.done $0x0  }
0x17: {  	s17 =	sadd.s32 $0x0, s8;
	[sflag:s13] =	ssyncadd.s32 $0xFFFFC000  }
0x18: {  	[hbm4b:s17+s2] =	stream.linear.scatter [tilespmem:s10], [sflag:$0x3], $0x4000, $0x38;
	[tilespmem:$0x9000] =	vst v63  }
0x19: {  	_ =	swait.ge [sflag:s9], $0x4000  }
0x1a: {  	[sflag:s9] =	ssyncset.done $0x0  }
0x1b: {  	s18 =	simm.s32 $0x100;
	[sflag:s9] =	ssyncadd.s32 $0xFFFFC000  }
0x1c: {  	[tilespmem:s10], [sflag:$0x1] =	stream.indirect.gather [hbm4b:s3+s11], $0x80, s18, s11, $0xb8;
	[tilespmem:$0x9000] =	vst v63  }
0x1d: {  	_ =	swait.ge [sflag:s14], $0x4000  }
0x1e: {  	[sflag:s14] =	ssyncset.done $0x0  }
0x1f: {  	s17 =	sadd.s32 $0x800, s17;
	[sflag:s14] =	ssyncadd.s32 $0xFFFFC000  }
0x20: {  	[hbm4b:s17+s2] =	stream.linear.scatter [tilespmem:s12], [sflag:$0x3], $0x4000, $0x38;
	[tilespmem:$0x9000] =	vst v63  }
0x21: {  	_ =	swait.ge [sflag:s9], $0x4000  }
0x22: {  	s18 =	simm.s32 $0x80;
	s17 =	simm.s32 $0x1000;
	[sflag:s9] =	ssyncset.done $0x0  }
.LBB2_2:
0x23: {  	p0 =	sne.s32 s17, $0xE000;
	[sflag:s9] =	ssyncadd.s32 $0xFFFFC000;
	s18 =	sadd.s32 $0x100, s18  }
0x24: {  	[tilespmem:s12], [sflag:$0x2] =	stream.indirect.gather [hbm4b:s3+s11], $0x80, s18, s11, $0xb8;
	[tilespmem:$0x9000] =	vst v63  }
0x25: {  	s19 =	smov.u32 s17;
	s17 =	sadd.s32 $0x1000, s17;
	_ =	swait.ge [sflag:s13], $0x4000  }
0x26: {  	[sflag:s13] =	ssyncset.done $0x0  }
0x27: {  	s19 =	sadd.s32 s19, s8;
	[sflag:s13] =	ssyncadd.s32 $0xFFFFC000  }
0x28: {  	[hbm4b:s19+s2] =	stream.linear.scatter [tilespmem:s10], [sflag:$0x3], $0x4000, $0x38;
	[tilespmem:$0x9000] =	vst v63  }
0x29: {  	_ =	swait.ge [sflag:s9], $0x4000  }
0x2a: {  	[sflag:s9] =	ssyncset.done $0x0  }
0x2b: {  	s20 =	sadd.s32 $0x80, s18;
	[sflag:s9] =	ssyncadd.s32 $0xFFFFC000  }
0x2c: {  	[tilespmem:s10], [sflag:$0x1] =	stream.indirect.gather [hbm4b:s3+s11], $0x80, s20, s11, $0xb8;
	[tilespmem:$0x9000] =	vst v63  }
0x2d: {  	_ =	swait.ge [sflag:s14], $0x4000  }
.Ltmp0:
0x2e: {  	[sflag:s14] =	ssyncset.done $0x0;
	(pc) =	sbr.rel @p0 .LBB2_2-.Ltmp0, $4  }
0x2f: {  	s19 =	sadd.s32 $0x800, s19;
	[sflag:s14] =	ssyncadd.s32 $0xFFFFC000  }
0x30: {  	[hbm4b:s19+s2] =	stream.linear.scatter [tilespmem:s12], [sflag:$0x3], $0x4000, $0x38;
	[tilespmem:$0x9000] =	vst v63  }
0x31: {  	_ =	swait.ge [sflag:s9], $0x4000  }
0x32: {  	[sflag:s9] =	ssyncset.done $0x0  }
0x33: {  	[sflag:s9] =	ssyncadd.s32 $0xFFFFC000  }
0x34: {  	[tilespmem:s12], [sflag:$0x2] =	stream.indirect.gather [hbm4b:s3+s11], $0x80, s15, s11, $0xb8;
	[tilespmem:$0x9000] =	vst v63  }
0x35: {  	_ =	swait.ge [sflag:s13], $0x4000  }
0x36: {  	[sflag:s13] =	ssyncset.done $0x0  }
0x37: {  	[sflag:s13] =	ssyncadd.s32 $0xFFFFC000  }
0x38: {  	[hbm4b:s6+s2] =	stream.linear.scatter [tilespmem:s10], [sflag:$0x3], $0x4000, $0x38;
	[tilespmem:$0x9000] =	vst v63  }
0x39: {  	_ =	swait.ge [sflag:s9], $0x4000  }
0x3a: {  	[sflag:s9] =	ssyncset.done $0x0  }
0x3b: {  	[sflag:s9] =	ssyncadd.s32 $0xFFFFC000  }
0x3c: {  	s16 =	sadd.s32 $0x1, s16;
	_ =	swait.ge [sflag:s14], $0x4000  }
0x3d: {  	p0 =	sne.s32 s16, s5;
	[sflag:s14] =	ssyncset.done $0x0  }
.Ltmp1:
0x3e: {  	[sflag:s14] =	ssyncadd.s32 $0xFFFFC000;
	(pc) =	sbr.rel @p0 .LBB2_1-.Ltmp1, $4  }
0x3f: {  	[hbm4b:s7+s2] =	stream.linear.scatter [tilespmem:s12], [sflag:$0x3], $0x4000, $0x38;
	[tilespmem:$0x9000] =	vst v63  }
0x40: {  	_ =	swait.ge [sflag:s9], $0x4000  }
0x41: {  	[sflag:s9] =	ssyncset.done $0x0  }
0x42: {  	[sflag:s9] =	ssyncadd.s32 $0xFFFFC000  }
0x43: {  	_ =	sfence.sel $0x180000  }
0x44: {  	[bflag:$0x0] =	sbarrier.arrive $0xFFFF  }
0x45: {  	p0 =	sne.s32 s1, $0x0;
	_ =	strace $0x90000059  }
0x46: {  	s0 =	sadd.s32 @!p0 $0x100000, s0;
	[bflag:$0x2] =	sbarrier.arrive $0xFFFF  }
0x47: {  	[sflag:s0] =	ssyncadd.tile.s32 @!p0 $0x1;
	_ =	shalt  }
.Lfunc_end2:
_tile_overlayer_lowered:
.L_overlay_start_2:
0x48: {  	(tag) =	ssettag $0x2  }
0x49: {  	s0 =	rddreg [dreg:$0x0];
	s2 =	stileid.u32  }
0x4a: {  	s1 =	rddreg [dreg:$0x1];
	p0 =	sne.s32 s2, $0x0  }
0x4b: {  	s3 =	rddreg [dreg:$0x2];
	[bflag:$0x3] =	sbarrier.arrive $0xFFFF;
	s2 =	simm.s32 @!p0 $0x1C03  }
0x4c: {  	[timem:s3], [sflag:s2] =	dma.local @!p0 [hbm:s0], s1  }
0x4d: {  	s0 =	simm.s32 @!p0 $0x3  }
0x4e: {  	_ =	swait.ge @!p0 [sflag:s0], s1  }
0x4f: {  	s1 =	ssub.s32 @!p0 $0x0, s1;
	[sflag:s0] =	ssyncset.done @!p0 $0x0  }
0x50: {  	[sflag:s0] =	ssyncadd.s32 @!p0 s1  }
0x51: {  	[bflag:$0x3] =	sbarrier.arrive $0xFFFF  }
0x52: {  	_ =	shalt  }

// kernel: kernel.25.cloned.1.call-start
scs
__scs_entry_jumppad:
0x0: {  	(pc) =	sbr.rel $0x88, $3  }
0x1: {  	(tag) =	ssettag $0x0;
	lr =	simm.s32 $0x1  }
0x2: {  	[smem:$0x3F84] =	sst lr;
	_ =	strace $0xD0000000  }
0x3: {  	_ = 	snop  }
0x4: {  	_ = 	snop  }
0x5: {  	_ = 	snop  }
0x6: {  	_ = 	snop  }
0x7: {  	_ = 	snop  }
__scs_overlays_trampoline_lowered:
0x8: {  	[smem:$0x3F93] =	sst s0  }
0x9: {  	[smem:$0x3F94] =	sst s1  }
0xa: {  	[smem:$0x3F95] =	sst s2  }
0xb: {  	[smem:$0x3F96] =	sst s3  }
0xc: {  	[smem:$0x3F97] =	sst s4  }
0xd: {  	[smem:$0x3F98] =	sst s5  }
0xe: {  	[smem:$0x3F99] =	sst s6  }
0xf: {  	[smem:$0x3F9A] =	sst s7  }
0x10: {  	[smem:$0x3F9B] =	sst s8  }
0x11: {  	[smem:$0x3F9C] =	sst s9;
	s0 =	simm.s32 @!p0 $0x0  }
0x12: {  	s1 =	sld [smem:$0x3F82];
	s0 =	simm.s32 @p0 $0x1  }
0x13: {  	[smem:$0x3F9D] =	sst s0;
	s0 =	simm.s32 @!p1 $0x0  }
0x14: {  	s2 =	sld [smem:$0x3F81];
	s0 =	simm.s32 @p1 $0x1  }
0x15: {  	[smem:$0x3F9E] =	sst s0;
	s0 =	simm.s32 @!p2 $0x0  }
0x16: {  	s3 =	sld [smem:$0x3FDB];
	s0 =	simm.s32 @p2 $0x1  }
0x17: {  	s4 =	simm.s32 $0x1BF5;
	[smem:$0x3FA0] =	sst s0  }
0x18: {  	s0 =	sld [smem:$0x3F83];
	_ =	swait.ge [sflag:s4], $0x0  }
0x19: {  	s7 =	sld [smem:$0x3F84]  }
0x1a: {  	s8 =	sadd.s32 $0xFFFFE003, lr  }
0x1b: {  	s9 =	sadd.s32 $0xFFFFFEF7, lr;
	s5 =	simm.s32 $0xFFFFFFFF;
	p2 =	slt.u32 s8, $0xFFFFF086  }
0x1c: {  	p1 =	slt.u32 s9, $0xF7A;
	s5 =	simm.s32 @!p2 $0x0  }
0x1d: {  	s5 =	simm.s32 @p1 $0x1;
	p0 =	seq.s32 s7, s2  }
0x1e: {  	s7 =	smul.u32 @!p0 $0xF7A, s2;
	p2 =	seq.s32 @!p0 s5, $0x0  }
0x1f: {  	s9 =	smul.u32 $0xF7A, s1;
	s8 =	simm.s32 @!p0 $0x1BF5;
	p2 =	por !p2, p0  }
0x20: {  	[sflag:s8] =	ssyncset.s32 @!p0 $0xFFFFF086;
	s6 =	sadd.s32 @!p0 s3, s7;
	s7 =	simm.s32 @!p0 $0x108  }
0x21: {  	s3 =	sadd.s32 s3, s9;
	s6 =	sadd.s32 @!p0 $0x88, s6;
	s7 =	simm.s32 @p2 $0x1082  }
0x22: {  	[simem:s7], [sflag:s8] =	dma.local @!p0 [hbm:s6], $0xF7A  }
0x23: {  	s9 =	sor.u32 $0xD0000000, s2;
	s6 =	simm.s32 $0x108;
	_ =	swait.ge @!p0 [sflag:s8], $0x0  }
0x24: {  	s3 =	sadd.s32 $0x88, s3;
	s6 =	simm.s32 @!p1 $0x1082;
	[sflag:s4] =	ssyncset.s32 $0xFFFFF086  }
0x25: {  	[simem:s6], [sflag:s4] =	dma.local [hbm:s3], $0xF7A  }
0x26: {  	[smem:$0x3F84] =	sst s1;
	(tag) =	ssettag s2;
	_ =	strace s9  }
0x27: {  	s1 =	sld [smem:$0x3F94]  }
0x28: {  	s2 =	sld [smem:$0x3F95]  }
0x29: {  	s4 =	sld [smem:$0x3F97]  }
0x2a: {  	p0 =	seq.s32 s5, $0x0;
	s5 =	sld [smem:$0x3F98]  }
0x2b: {  	s6 =	sld [smem:$0x3F99]  }
0x2c: {  	s7 =	sld [smem:$0x3F9A]  }
0x2d: {  	s3 =	simm.s32 $0x108;
	s8 =	sld [smem:$0x3F9B]  }
0x2e: {  	s3 =	simm.s32 @!p0 $0x1082;
	s9 =	sld [smem:$0x3F9C]  }
0x2f: {  	lr =	sadd.s32 s0, s3;
	s0 =	sld [smem:$0x3F93]  }
0x30: {  	s3 =	sld [smem:$0x3F96]  }
0x31: {  	[smem:$0x3F9F] =	sst s10  }
0x32: {  	s10 =	sld [smem:$0x3F9D];
	_ =	sdelay $0x3  }
0x33: {  	p0 =	seq.s32 s10, $0x1;
	s10 =	sld [smem:$0x3F9F];
	_ =	sdelay $0x3  }
0x34: {  	[smem:$0x3F9F] =	sst s10  }
0x35: {  	s10 =	sld [smem:$0x3F9E];
	_ =	sdelay $0x3  }
0x36: {  	p1 =	seq.s32 s10, $0x1;
	s10 =	sld [smem:$0x3F9F];
	_ =	sdelay $0x3  }
0x37: {  	[smem:$0x3F9F] =	sst s10  }
0x38: {  	s10 =	sld [smem:$0x3FA0]  }
0x39: {  	_ = 	snop;
	(pc) =	sbr.ind lr, $3  }
0x3a: {  	_ = 	snop  }
0x3b: {  	_ = 	snop  }
0x3c: {  	p2 =	seq.s32 s10, $0x1;
	s10 =	sld [smem:$0x3F9F]  }
0x3d: {  	_ =	shalt  }
0x3e: {  	_ =	shalt  }
0x3f: {  	_ =	shalt  }
0x40: {  	_ =	shalt  }
0x41: {  	_ =	shalt  }
0x42: {  	_ =	shalt  }
0x43: {  	_ =	shalt  }
0x44: {  	_ =	shalt  }
0x45: {  	_ =	shalt  }
0x46: {  	_ =	shalt  }
0x47: {  	_ =	shalt  }
0x48: {  	_ =	shalt  }
0x49: {  	_ =	shalt  }
0x4a: {  	_ =	shalt  }
0x4b: {  	_ =	shalt  }
0x4c: {  	_ =	shalt  }
0x4d: {  	_ =	shalt  }
0x4e: {  	_ =	shalt  }
0x4f: {  	_ =	shalt  }
0x50: {  	_ =	shalt  }
0x51: {  	_ =	shalt  }
0x52: {  	_ =	shalt  }
0x53: {  	_ =	shalt  }
0x54: {  	_ =	shalt  }
0x55: {  	_ =	shalt  }
0x56: {  	_ =	shalt  }
0x57: {  	_ =	shalt  }
0x58: {  	_ =	shalt  }
0x59: {  	_ =	shalt  }
0x5a: {  	_ =	shalt  }
0x5b: {  	_ =	shalt  }
0x5c: {  	_ =	shalt  }
0x5d: {  	_ =	shalt  }
0x5e: {  	_ =	shalt  }
0x5f: {  	_ =	shalt  }
0x60: {  	_ =	shalt  }
0x61: {  	_ =	shalt  }
0x62: {  	_ =	shalt  }
0x63: {  	_ =	shalt  }
0x64: {  	_ =	shalt  }
0x65: {  	_ =	shalt  }
0x66: {  	_ =	shalt  }
0x67: {  	_ =	shalt  }
0x68: {  	_ =	shalt  }
0x69: {  	_ =	shalt  }
0x6a: {  	_ =	shalt  }
0x6b: {  	_ =	shalt  }
0x6c: {  	_ =	shalt  }
0x6d: {  	_ =	shalt  }
0x6e: {  	_ =	shalt  }
0x6f: {  	_ =	shalt  }
0x70: {  	_ =	shalt  }
0x71: {  	_ =	shalt  }
0x72: {  	_ =	shalt  }
0x73: {  	_ =	shalt  }
0x74: {  	_ =	shalt  }
0x75: {  	_ =	shalt  }
0x76: {  	_ =	shalt  }
0x77: {  	_ =	shalt  }
0x78: {  	_ =	shalt  }
0x79: {  	_ =	shalt  }
0x7a: {  	_ =	shalt  }
0x7b: {  	_ =	shalt  }
0x7c: {  	_ =	shalt  }
0x7d: {  	_ =	shalt  }
0x7e: {  	_ =	shalt  }
0x7f: {  	_ =	shalt  }
0x80: {  	_ =	shalt  }
0x81: {  	_ =	shalt  }
0x82: {  	_ =	shalt  }
0x83: {  	_ =	shalt  }
0x84: {  	_ =	shalt  }
0x85: {  	_ =	shalt  }
0x86: {  	_ =	shalt  }
0x87: {  	_ =	shalt  }
.Lfunc_end0:
.L_simem_size_0:
called_computation.7_lowered:
.L_overlay_start_0:
0x88: {  	s2 =	sld [smem:$0x3FD9]  }
0x89: {  	s3 =	sld [smem:$0x3FFE];
	_ =	sdelay $0x1  }
0x8a: {  	s1 =	srdreg.scid  }
0x8b: {  	s0 =	sand.u32 $0x1, s1  }
0x8c: {  	s16 =	sshll.u32 s0, $0xA;
	s2 =	sadd.s32 s3, s2  }
0x8d: {  	s2 =	sadd.s32 s2, s16  }
0x8e: {  	[smem:$0x3FAB] =	sst s2  }
0x8f: {  	_ = 	snop  }
0x90: {  	(tm) =	ssettm $0x1  }
0x91: {  	s17 =	sld [smem:$0x3FFB];
	_ =	sdelay $0x3  }
0x92: {  	_ =	strace s17  }
0x93: {  	s2 =	sld [smem:$0x3FFC];
	_ =	sdelay $0x3  }
0x94: {  	_ =	strace s2  }
0x95: {  	s2 =	sld [smem:$0x3FFD];
	_ =	sdelay $0x3  }
0x96: {  	_ =	strace s2  }
0x97: {  	_ =	strace $0x8FFFFFFF  }
0x98: {  	s18 =	sld [smem:$0x3FDB];
	_ =	sdelay $0x1  }
0x99: {  	s19 =	simm.s32 $_scs_section_size  }
0x9a: {  	s4 =	simm.s32 $_size__tile_overlayer_lowered;
	s5 =	simm.s32 $_tile_overlayer_lowered  }
0x9b: {  	s22 =	simm.s32 $0x1BFF;
	s21 =	sshll.u32 s5, $0x1;
	s2 =	sadd.s32 s19, s18  }
0x9c: {  	s6 =	simm.s32 $0x0;
	s20 =	sshll.u32 s4, $0x1;
	s4 =	sadd.s32 s21, s2  }
0x9d: {  	[timem:s6], [sflag:s22] =	dma.local [hbm:s4], s20  }
0x9e: {  	_ =	swait.ge [sflag:s22], s20  }
0x9f: {  	s3 =	ssub.s32 $0x0, s20;
	[sflag:s22] =	ssyncset.done $0x0  }
0xa0: {  	[sflag:s22] =	ssyncadd.s32 s3;
	_ =	sdelay $0x1  }
0xa1: {  	s23 =	simm.s32 $0x1B8B  }
0xa2: {  	_ =	swait.ge [sflag:s23], $0x1  }
0xa3: {  	[sflag:s23] =	ssyncset.done $0x0  }
0xa4: {  	s25 =	simm.s32 $0x1B8E;
	s24 =	sld [smem:$0x3FFE];
	[sflag:s23] =	ssyncadd.s32 $0xFFFFFFFF  }
0xa5: {  	s26 =	simm.s32 $execute0_lowered;
	[smem:$0x3FD2] =	sst s25  }
0xa6: {  	s4 =	sshll.u32 s26, $0x1;
	_ =	strace $0x8000005B;
	[dreg:$0x1] =	wrdreg $0xFFFFFFFF  }
0xa7: {  	s28 =	simm.s32 $_size_execute0_lowered;
	s2 =	sadd.s32 s2, s4;
	[dreg:$0x0] =	wrdreg $0x0  }
0xa8: {  	s4 =	sshll.u32 s28, $0x1;
	[dreg:$0x2] =	wrdreg s2  }
0xa9: {  	[dreg:$0x3] =	wrdreg s4  }
0xaa: {  	[dreg:$0x4] =	wrdreg $0xC0  }
0xab: {  	_ =	task [dreg:s6], $0x5FFFF  }
0xac: {  	[dreg:$0x1] =	wrdreg $0xFFFFFFFF  }
0xad: {  	[dreg:$0x0] =	wrdreg $0x60  }
0xae: {  	[dreg:$0x2] =	wrdreg s24  }
0xaf: {  	[dreg:$0x3] =	wrdreg $0x9  }
0xb0: {  	_ =	task.clear_ibuf [dreg:s6], $0x4FFFF;
	_ =	strace $0x9000005B  }
0xb1: {  	s29 =	simm.s32 $0x9;
	_ =	strace $0x8000005D  }
0xb2: {  	_ =	swait.ge [sflag:s29], $0x1  }
0xb3: {  	[sflag:s29] =	ssyncadd.s32 $0xFFFFFFFF  }
0xb4: {  	_ =	strace $0x9000005D  }
0xb5: {  	_ =	sfence  }
0xb6: {  	s30 =	sld [smem:$0x0];
	_ =	sdelay $0x2  }
0xb7: {  	s31 =	sshll.u32 s1, $0xD;
	s1 =	sshrl.u32 s1, $0x2  }
0xb8: {  	s3 =	sand.u32 $0x4000, s31;
	s1 =	sadd.s32 s1, s30  }
0xb9: {  	s0 =	sor.u32 s3, s0;
	s1 =	sshll.u32 s1, $0x11  }
0xba: {  	s0 =	sor.u32 s1, s0  }
0xbb: {  	s0 =	sadd.s32 $0x8F2B, s0  }
0xbc: {  	[sflag:s0] =	ssyncadd.remote.s32 $0x1  }
0xbd: {  	_ =	sfence.sel $0xFFFF  }
0xbe: {  	[dreg:$0x0] =	wrdreg $0xFFFFFFFF;
	(pc) =	sbr.abs _section_cstart, $3  }
0xbf: {  	[dreg:$0x1] =	wrdreg $0xFFFFFFFF  }
0xc0: {  	_ =	task.clear_ibuf [dreg:s6], $0x2FFFF;
	_ =	strace $0x9FFFFFFF  }
0xc1: {  	(tm) =	ssettm $0x7FFFFFFF  }
tec
execute0_lowered:
.L_overlay_start_1:
0x0: {  	(tag) =	ssettag $0x1  }
0x1: {  	s4 =	rddreg [dreg:$0x0]  }
0x2: {  	s2 =	srdreg.scid;
	s0 =	rddreg [dreg:$0x1]  }
0x3: {  	s1 =	stileid.u32;
	s12 =	simm.s32 $0x5000;
	s13 =	simm.s32 $0x1  }
0x4: {  	s14 =	simm.s32 $0x2;
	s15 =	simm.s32 $0xF80;
	s16 =	simm.s32 $0x0  }
0x5: {  	s8 =	sand.u32 $0x1, s2;
	s2 =	simm.s32 $0x0;
	s3 =	sshll.u32 s1, $0xD  }
0x6: {  	s9 =	sadd.s32 $0x2A6000, s4;
	s11 =	sshll.u32 s1, $0x11;
	s5 =	sshll.u32 s8, $0xC  }
0x7: {  	[smem:$0x7FF] =	sst s2;
	s7 =	ssub.s32 $0x2, s8;
	s8 =	sshll.u32 s8, $0x10  }
0x8: {  	s5 =	sor.u32 s5, s3;
	_ =	strace $0x8000005C;
	s3 =	sadd.s32 $0x11A000, s4  }
0x9: {  	s31 =	sshrl.u32 s7, $0x1;
	s6 =	sshrl.u32 s5, $0x3;
	s5 =	sshll.u32 s5, $0x4  }
0xa: {  	s7 =	ssub.s32 s7, s31;
	s6 =	sadd.s32 s6, s4;
	s10 =	sadd.s32 s9, s5  }
0xb: {  	s5 =	smax.u32 s7, $0x1;
	s9 =	sadd.s32 s11, s9;
	s11 =	simm.s32 $0x80  }
0xc: {  	s4 =	sadd.s32 $0x2A2000, s6;
	s6 =	sadd.s32 $0xF000, s10;
	s7 =	sadd.s32 $0xF800, s10  }
0xd: {  	s8 =	sadd.s32 s8, s9;
	s9 =	simm.s32 $0x3;
	s10 =	simm.s32 $0x1000  }
.LBB2_1:
0xe: {  	[tilespmem:s2], [sflag:$0x3] =	stream.linear.gather [hbm4b:s4+s2], $0x1000, $0x38;
	[tilespmem:$0x9000] =	vst v63  }
0xf: {  	_ =	swait.ge [sflag:s9], $0x1000  }
0x10: {  	[sflag:s9] =	ssyncset.done $0x0  }
0x11: {  	[sflag:s9] =	ssyncadd.s32 $0xFFFFF000  }
0x12: {  	[tilespmem:s10], [sflag:$0x1] =	stream.indirect.gather [hbm4b:s3+s11], $0x80, s2, s11, $0xb8;
	[tilespmem:$0x9000] =	vst v63  }
0x13: {  	_ = 	snop  }
0x14: {  	[tilespmem:s12], [sflag:$0x2] =	stream.indirect.gather [hbm4b:s3+s11], $0x80, s11, s11, $0xb8;
	[tilespmem:$0x9000] =	vst v63  }
0x15: {  	_ =	swait.ge [sflag:s13], $0x4000  }
0x16: {  	[sflag:s13] =	ssyncset.done $0x0  }
0x17: {  	s17 =	sadd.s32 $0x0, s8;
	[sflag:s13] =	ssyncadd.s32 $0xFFFFC000  }
0x18: {  	[hbm4b:s17+s2] =	stream.linear.scatter [tilespmem:s10], [sflag:$0x3], $0x4000, $0x38;
	[tilespmem:$0x9000] =	vst v63  }
0x19: {  	_ =	swait.ge [sflag:s9], $0x4000  }
0x1a: {  	[sflag:s9] =	ssyncset.done $0x0  }
0x1b: {  	s18 =	simm.s32 $0x100;
	[sflag:s9] =	ssyncadd.s32 $0xFFFFC000  }
0x1c: {  	[tilespmem:s10], [sflag:$0x1] =	stream.indirect.gather [hbm4b:s3+s11], $0x80, s18, s11, $0xb8;
	[tilespmem:$0x9000] =	vst v63  }
0x1d: {  	_ =	swait.ge [sflag:s14], $0x4000  }
0x1e: {  	[sflag:s14] =	ssyncset.done $0x0  }
0x1f: {  	s17 =	sadd.s32 $0x800, s17;
	[sflag:s14] =	ssyncadd.s32 $0xFFFFC000  }
0x20: {  	[hbm4b:s17+s2] =	stream.linear.scatter [tilespmem:s12], [sflag:$0x3], $0x4000, $0x38;
	[tilespmem:$0x9000] =	vst v63  }
0x21: {  	_ =	swait.ge [sflag:s9], $0x4000  }
0x22: {  	s18 =	simm.s32 $0x80;
	s17 =	simm.s32 $0x1000;
	[sflag:s9] =	ssyncset.done $0x0  }
.LBB2_2:
0x23: {  	p0 =	sne.s32 s17, $0xE000;
	[sflag:s9] =	ssyncadd.s32 $0xFFFFC000;
	s18 =	sadd.s32 $0x100, s18  }
0x24: {  	[tilespmem:s12], [sflag:$0x2] =	stream.indirect.gather [hbm4b:s3+s11], $0x80, s18, s11, $0xb8;
	[tilespmem:$0x9000] =	vst v63  }
0x25: {  	s19 =	smov.u32 s17;
	s17 =	sadd.s32 $0x1000, s17;
	_ =	swait.ge [sflag:s13], $0x4000  }
0x26: {  	[sflag:s13] =	ssyncset.done $0x0  }
0x27: {  	s19 =	sadd.s32 s19, s8;
	[sflag:s13] =	ssyncadd.s32 $0xFFFFC000  }
0x28: {  	[hbm4b:s19+s2] =	stream.linear.scatter [tilespmem:s10], [sflag:$0x3], $0x4000, $0x38;
	[tilespmem:$0x9000] =	vst v63  }
0x29: {  	_ =	swait.ge [sflag:s9], $0x4000  }
0x2a: {  	[sflag:s9] =	ssyncset.done $0x0  }
0x2b: {  	s20 =	sadd.s32 $0x80, s18;
	[sflag:s9] =	ssyncadd.s32 $0xFFFFC000  }
0x2c: {  	[tilespmem:s10], [sflag:$0x1] =	stream.indirect.gather [hbm4b:s3+s11], $0x80, s20, s11, $0xb8;
	[tilespmem:$0x9000] =	vst v63  }
0x2d: {  	_ =	swait.ge [sflag:s14], $0x4000  }
.Ltmp0:
0x2e: {  	[sflag:s14] =	ssyncset.done $0x0;
	(pc) =	sbr.rel @p0 .LBB2_2-.Ltmp0, $4  }
0x2f: {  	s19 =	sadd.s32 $0x800, s19;
	[sflag:s14] =	ssyncadd.s32 $0xFFFFC000  }
0x30: {  	[hbm4b:s19+s2] =	stream.linear.scatter [tilespmem:s12], [sflag:$0x3], $0x4000, $0x38;
	[tilespmem:$0x9000] =	vst v63  }
0x31: {  	_ =	swait.ge [sflag:s9], $0x4000  }
0x32: {  	[sflag:s9] =	ssyncset.done $0x0  }
0x33: {  	[sflag:s9] =	ssyncadd.s32 $0xFFFFC000  }
0x34: {  	[tilespmem:s12], [sflag:$0x2] =	stream.indirect.gather [hbm4b:s3+s11], $0x80, s15, s11, $0xb8;
	[tilespmem:$0x9000] =	vst v63  }
0x35: {  	_ =	swait.ge [sflag:s13], $0x4000  }
0x36: {  	[sflag:s13] =	ssyncset.done $0x0  }
0x37: {  	[sflag:s13] =	ssyncadd.s32 $0xFFFFC000  }
0x38: {  	[hbm4b:s6+s2] =	stream.linear.scatter [tilespmem:s10], [sflag:$0x3], $0x4000, $0x38;
	[tilespmem:$0x9000] =	vst v63  }
0x39: {  	_ =	swait.ge [sflag:s9], $0x4000  }
0x3a: {  	[sflag:s9] =	ssyncset.done $0x0  }
0x3b: {  	[sflag:s9] =	ssyncadd.s32 $0xFFFFC000  }
0x3c: {  	s16 =	sadd.s32 $0x1, s16;
	_ =	swait.ge [sflag:s14], $0x4000  }
0x3d: {  	p0 =	sne.s32 s16, s5;
	[sflag:s14] =	ssyncset.done $0x0  }
.Ltmp1:
0x3e: {  	[sflag:s14] =	ssyncadd.s32 $0xFFFFC000;
	(pc) =	sbr.rel @p0 .LBB2_1-.Ltmp1, $4  }
0x3f: {  	[hbm4b:s7+s2] =	stream.linear.scatter [tilespmem:s12], [sflag:$0x3], $0x4000, $0x38;
	[tilespmem:$0x9000] =	vst v63  }
0x40: {  	_ =	swait.ge [sflag:s9], $0x4000  }
0x41: {  	[sflag:s9] =	ssyncset.done $0x0  }
0x42: {  	[sflag:s9] =	ssyncadd.s32 $0xFFFFC000  }
0x43: {  	_ =	sfence.sel $0x180000  }
0x44: {  	[bflag:$0x0] =	sbarrier.arrive $0xFFFF  }
0x45: {  	p0 =	sne.s32 s1, $0x0;
	_ =	strace $0x9000005C  }
0x46: {  	s0 =	sadd.s32 @!p0 $0x100000, s0;
	[bflag:$0x2] =	sbarrier.arrive $0xFFFF  }
0x47: {  	[sflag:s0] =	ssyncadd.tile.s32 @!p0 $0x1;
	_ =	shalt  }
.Lfunc_end2:
_tile_overlayer_lowered:
.L_overlay_start_2:
0x48: {  	(tag) =	ssettag $0x2  }
0x49: {  	s0 =	rddreg [dreg:$0x0];
	s2 =	stileid.u32  }
0x4a: {  	s1 =	rddreg [dreg:$0x1];
	p0 =	sne.s32 s2, $0x0  }
0x4b: {  	s3 =	rddreg [dreg:$0x2];
	[bflag:$0x3] =	sbarrier.arrive $0xFFFF;
	s2 =	simm.s32 @!p0 $0x1C03  }
0x4c: {  	[timem:s3], [sflag:s2] =	dma.local @!p0 [hbm:s0], s1  }
0x4d: {  	s0 =	simm.s32 @!p0 $0x3  }
0x4e: {  	_ =	swait.ge @!p0 [sflag:s0], s1  }
0x4f: {  	s1 =	ssub.s32 @!p0 $0x0, s1;
	[sflag:s0] =	ssyncset.done @!p0 $0x0  }
0x50: {  	[sflag:s0] =	ssyncadd.s32 @!p0 s1  }
0x51: {  	[bflag:$0x3] =	sbarrier.arrive $0xFFFF  }
0x52: {  	_ =	shalt  }

// kernel: kernel.28.cloned.1.call-start
scs
__scs_entry_jumppad:
0x0: {  	(pc) =	sbr.rel $0x88, $3  }
0x1: {  	(tag) =	ssettag $0x0;
	lr =	simm.s32 $0x1  }
0x2: {  	[smem:$0x3F84] =	sst lr;
	_ =	strace $0xD0000000  }
0x3: {  	_ = 	snop  }
0x4: {  	_ = 	snop  }
0x5: {  	_ = 	snop  }
0x6: {  	_ = 	snop  }
0x7: {  	_ = 	snop  }
__scs_overlays_trampoline_lowered:
0x8: {  	[smem:$0x3F93] =	sst s0  }
0x9: {  	[smem:$0x3F94] =	sst s1  }
0xa: {  	[smem:$0x3F95] =	sst s2  }
0xb: {  	[smem:$0x3F96] =	sst s3  }
0xc: {  	[smem:$0x3F97] =	sst s4  }
0xd: {  	[smem:$0x3F98] =	sst s5  }
0xe: {  	[smem:$0x3F99] =	sst s6  }
0xf: {  	[smem:$0x3F9A] =	sst s7  }
0x10: {  	[smem:$0x3F9B] =	sst s8  }
0x11: {  	[smem:$0x3F9C] =	sst s9;
	s0 =	simm.s32 @!p0 $0x0  }
0x12: {  	s1 =	sld [smem:$0x3F82];
	s0 =	simm.s32 @p0 $0x1  }
0x13: {  	[smem:$0x3F9D] =	sst s0;
	s0 =	simm.s32 @!p1 $0x0  }
0x14: {  	s2 =	sld [smem:$0x3F81];
	s0 =	simm.s32 @p1 $0x1  }
0x15: {  	[smem:$0x3F9E] =	sst s0;
	s0 =	simm.s32 @!p2 $0x0  }
0x16: {  	s3 =	sld [smem:$0x3FDB];
	s0 =	simm.s32 @p2 $0x1  }
0x17: {  	s4 =	simm.s32 $0x1BF5;
	[smem:$0x3FA0] =	sst s0  }
0x18: {  	s0 =	sld [smem:$0x3F83];
	_ =	swait.ge [sflag:s4], $0x0  }
0x19: {  	s7 =	sld [smem:$0x3F84]  }
0x1a: {  	s8 =	sadd.s32 $0xFFFFE003, lr  }
0x1b: {  	s9 =	sadd.s32 $0xFFFFFEF7, lr;
	s5 =	simm.s32 $0xFFFFFFFF;
	p2 =	slt.u32 s8, $0xFFFFF086  }
0x1c: {  	p1 =	slt.u32 s9, $0xF7A;
	s5 =	simm.s32 @!p2 $0x0  }
0x1d: {  	s5 =	simm.s32 @p1 $0x1;
	p0 =	seq.s32 s7, s2  }
0x1e: {  	s7 =	smul.u32 @!p0 $0xF7A, s2;
	p2 =	seq.s32 @!p0 s5, $0x0  }
0x1f: {  	s9 =	smul.u32 $0xF7A, s1;
	s8 =	simm.s32 @!p0 $0x1BF5;
	p2 =	por !p2, p0  }
0x20: {  	[sflag:s8] =	ssyncset.s32 @!p0 $0xFFFFF086;
	s6 =	sadd.s32 @!p0 s3, s7;
	s7 =	simm.s32 @!p0 $0x108  }
0x21: {  	s3 =	sadd.s32 s3, s9;
	s6 =	sadd.s32 @!p0 $0x88, s6;
	s7 =	simm.s32 @p2 $0x1082  }
0x22: {  	[simem:s7], [sflag:s8] =	dma.local @!p0 [hbm:s6], $0xF7A  }
0x23: {  	s9 =	sor.u32 $0xD0000000, s2;
	s6 =	simm.s32 $0x108;
	_ =	swait.ge @!p0 [sflag:s8], $0x0  }
0x24: {  	s3 =	sadd.s32 $0x88, s3;
	s6 =	simm.s32 @!p1 $0x1082;
	[sflag:s4] =	ssyncset.s32 $0xFFFFF086  }
0x25: {  	[simem:s6], [sflag:s4] =	dma.local [hbm:s3], $0xF7A  }
0x26: {  	[smem:$0x3F84] =	sst s1;
	(tag) =	ssettag s2;
	_ =	strace s9  }
0x27: {  	s1 =	sld [smem:$0x3F94]  }
0x28: {  	s2 =	sld [smem:$0x3F95]  }
0x29: {  	s4 =	sld [smem:$0x3F97]  }
0x2a: {  	p0 =	seq.s32 s5, $0x0;
	s5 =	sld [smem:$0x3F98]  }
0x2b: {  	s6 =	sld [smem:$0x3F99]  }
0x2c: {  	s7 =	sld [smem:$0x3F9A]  }
0x2d: {  	s3 =	simm.s32 $0x108;
	s8 =	sld [smem:$0x3F9B]  }
0x2e: {  	s3 =	simm.s32 @!p0 $0x1082;
	s9 =	sld [smem:$0x3F9C]  }
0x2f: {  	lr =	sadd.s32 s0, s3;
	s0 =	sld [smem:$0x3F93]  }
0x30: {  	s3 =	sld [smem:$0x3F96]  }
0x31: {  	[smem:$0x3F9F] =	sst s10  }
0x32: {  	s10 =	sld [smem:$0x3F9D];
	_ =	sdelay $0x3  }
0x33: {  	p0 =	seq.s32 s10, $0x1;
	s10 =	sld [smem:$0x3F9F];
	_ =	sdelay $0x3  }
0x34: {  	[smem:$0x3F9F] =	sst s10  }
0x35: {  	s10 =	sld [smem:$0x3F9E];
	_ =	sdelay $0x3  }
0x36: {  	p1 =	seq.s32 s10, $0x1;
	s10 =	sld [smem:$0x3F9F];
	_ =	sdelay $0x3  }
0x37: {  	[smem:$0x3F9F] =	sst s10  }
0x38: {  	s10 =	sld [smem:$0x3FA0]  }
0x39: {  	_ = 	snop;
	(pc) =	sbr.ind lr, $3  }
0x3a: {  	_ = 	snop  }
0x3b: {  	_ = 	snop  }
0x3c: {  	p2 =	seq.s32 s10, $0x1;
	s10 =	sld [smem:$0x3F9F]  }
0x3d: {  	_ =	shalt  }
0x3e: {  	_ =	shalt  }
0x3f: {  	_ =	shalt  }
0x40: {  	_ =	shalt  }
0x41: {  	_ =	shalt  }
0x42: {  	_ =	shalt  }
0x43: {  	_ =	shalt  }
0x44: {  	_ =	shalt  }
0x45: {  	_ =	shalt  }
0x46: {  	_ =	shalt  }
0x47: {  	_ =	shalt  }
0x48: {  	_ =	shalt  }
0x49: {  	_ =	shalt  }
0x4a: {  	_ =	shalt  }
0x4b: {  	_ =	shalt  }
0x4c: {  	_ =	shalt  }
0x4d: {  	_ =	shalt  }
0x4e: {  	_ =	shalt  }
0x4f: {  	_ =	shalt  }
0x50: {  	_ =	shalt  }
0x51: {  	_ =	shalt  }
0x52: {  	_ =	shalt  }
0x53: {  	_ =	shalt  }
0x54: {  	_ =	shalt  }
0x55: {  	_ =	shalt  }
0x56: {  	_ =	shalt  }
0x57: {  	_ =	shalt  }
0x58: {  	_ =	shalt  }
0x59: {  	_ =	shalt  }
0x5a: {  	_ =	shalt  }
0x5b: {  	_ =	shalt  }
0x5c: {  	_ =	shalt  }
0x5d: {  	_ =	shalt  }
0x5e: {  	_ =	shalt  }
0x5f: {  	_ =	shalt  }
0x60: {  	_ =	shalt  }
0x61: {  	_ =	shalt  }
0x62: {  	_ =	shalt  }
0x63: {  	_ =	shalt  }
0x64: {  	_ =	shalt  }
0x65: {  	_ =	shalt  }
0x66: {  	_ =	shalt  }
0x67: {  	_ =	shalt  }
0x68: {  	_ =	shalt  }
0x69: {  	_ =	shalt  }
0x6a: {  	_ =	shalt  }
0x6b: {  	_ =	shalt  }
0x6c: {  	_ =	shalt  }
0x6d: {  	_ =	shalt  }
0x6e: {  	_ =	shalt  }
0x6f: {  	_ =	shalt  }
0x70: {  	_ =	shalt  }
0x71: {  	_ =	shalt  }
0x72: {  	_ =	shalt  }
0x73: {  	_ =	shalt  }
0x74: {  	_ =	shalt  }
0x75: {  	_ =	shalt  }
0x76: {  	_ =	shalt  }
0x77: {  	_ =	shalt  }
0x78: {  	_ =	shalt  }
0x79: {  	_ =	shalt  }
0x7a: {  	_ =	shalt  }
0x7b: {  	_ =	shalt  }
0x7c: {  	_ =	shalt  }
0x7d: {  	_ =	shalt  }
0x7e: {  	_ =	shalt  }
0x7f: {  	_ =	shalt  }
0x80: {  	_ =	shalt  }
0x81: {  	_ =	shalt  }
0x82: {  	_ =	shalt  }
0x83: {  	_ =	shalt  }
0x84: {  	_ =	shalt  }
0x85: {  	_ =	shalt  }
0x86: {  	_ =	shalt  }
0x87: {  	_ =	shalt  }
.Lfunc_end0:
.L_simem_size_0:
called_computation.8_lowered:
.L_overlay_start_0:
0x88: {  	s2 =	sld [smem:$0x3FD9]  }
0x89: {  	s3 =	sld [smem:$0x3FFE];
	_ =	sdelay $0x1  }
0x8a: {  	s1 =	srdreg.scid  }
0x8b: {  	s0 =	sand.u32 $0x1, s1  }
0x8c: {  	s16 =	sshll.u32 s0, $0xA;
	s2 =	sadd.s32 s3, s2  }
0x8d: {  	s2 =	sadd.s32 s2, s16  }
0x8e: {  	[smem:$0x3FAB] =	sst s2  }
0x8f: {  	_ = 	snop  }
0x90: {  	(tm) =	ssettm $0x1  }
0x91: {  	s17 =	sld [smem:$0x3FFB];
	_ =	sdelay $0x3  }
0x92: {  	_ =	strace s17  }
0x93: {  	s2 =	sld [smem:$0x3FFC];
	_ =	sdelay $0x3  }
0x94: {  	_ =	strace s2  }
0x95: {  	s2 =	sld [smem:$0x3FFD];
	_ =	sdelay $0x3  }
0x96: {  	_ =	strace s2  }
0x97: {  	_ =	strace $0x8FFFFFFF  }
0x98: {  	s18 =	sld [smem:$0x3FDB];
	_ =	sdelay $0x1  }
0x99: {  	s19 =	simm.s32 $_scs_section_size  }
0x9a: {  	s4 =	simm.s32 $_size__tile_overlayer_lowered;
	s5 =	simm.s32 $_tile_overlayer_lowered  }
0x9b: {  	s22 =	simm.s32 $0x1BFF;
	s21 =	sshll.u32 s5, $0x1;
	s2 =	sadd.s32 s19, s18  }
0x9c: {  	s6 =	simm.s32 $0x0;
	s20 =	sshll.u32 s4, $0x1;
	s4 =	sadd.s32 s21, s2  }
0x9d: {  	[timem:s6], [sflag:s22] =	dma.local [hbm:s4], s20  }
0x9e: {  	_ =	swait.ge [sflag:s22], s20  }
0x9f: {  	s3 =	ssub.s32 $0x0, s20;
	[sflag:s22] =	ssyncset.done $0x0  }
0xa0: {  	[sflag:s22] =	ssyncadd.s32 s3;
	_ =	sdelay $0x1  }
0xa1: {  	s23 =	simm.s32 $0x1B8B  }
0xa2: {  	_ =	swait.ge [sflag:s23], $0x1  }
0xa3: {  	[sflag:s23] =	ssyncset.done $0x0  }
0xa4: {  	s25 =	simm.s32 $0x1B8E;
	s24 =	sld [smem:$0x3FFE];
	[sflag:s23] =	ssyncadd.s32 $0xFFFFFFFF  }
0xa5: {  	s26 =	simm.s32 $execute0_lowered;
	[smem:$0x3FD2] =	sst s25  }
0xa6: {  	s4 =	sshll.u32 s26, $0x1;
	_ =	strace $0x8000005E;
	[dreg:$0x1] =	wrdreg $0xFFFFFFFF  }
0xa7: {  	s28 =	simm.s32 $_size_execute0_lowered;
	s2 =	sadd.s32 s2, s4;
	[dreg:$0x0] =	wrdreg $0x0  }
0xa8: {  	s4 =	sshll.u32 s28, $0x1;
	[dreg:$0x2] =	wrdreg s2  }
0xa9: {  	[dreg:$0x3] =	wrdreg s4  }
0xaa: {  	[dreg:$0x4] =	wrdreg $0xC0  }
0xab: {  	_ =	task [dreg:s6], $0x5FFFF  }
0xac: {  	[dreg:$0x1] =	wrdreg $0xFFFFFFFF  }
0xad: {  	[dreg:$0x0] =	wrdreg $0x60  }
0xae: {  	[dreg:$0x2] =	wrdreg s24  }
0xaf: {  	[dreg:$0x3] =	wrdreg $0x9  }
0xb0: {  	_ =	task.clear_ibuf [dreg:s6], $0x4FFFF;
	_ =	strace $0x9000005E  }
0xb1: {  	s29 =	simm.s32 $0x9;
	_ =	strace $0x80000060  }
0xb2: {  	_ =	swait.ge [sflag:s29], $0x1  }
0xb3: {  	[sflag:s29] =	ssyncadd.s32 $0xFFFFFFFF  }
0xb4: {  	_ =	strace $0x90000060  }
0xb5: {  	_ =	sfence  }
0xb6: {  	s30 =	sld [smem:$0x0];
	_ =	sdelay $0x2  }
0xb7: {  	s31 =	sshll.u32 s1, $0xD;
	s1 =	sshrl.u32 s1, $0x2  }
0xb8: {  	s3 =	sand.u32 $0x4000, s31;
	s1 =	sadd.s32 s1, s30  }
0xb9: {  	s0 =	sor.u32 s3, s0;
	s1 =	sshll.u32 s1, $0x11  }
0xba: {  	s0 =	sor.u32 s1, s0  }
0xbb: {  	s0 =	sadd.s32 $0x8F2B, s0  }
0xbc: {  	[sflag:s0] =	ssyncadd.remote.s32 $0x1  }
0xbd: {  	_ =	sfence.sel $0xFFFF  }
0xbe: {  	[dreg:$0x0] =	wrdreg $0xFFFFFFFF;
	(pc) =	sbr.abs _section_cstart, $3  }
0xbf: {  	[dreg:$0x1] =	wrdreg $0xFFFFFFFF  }
0xc0: {  	_ =	task.clear_ibuf [dreg:s6], $0x2FFFF;
	_ =	strace $0x9FFFFFFF  }
0xc1: {  	(tm) =	ssettm $0x7FFFFFFF  }
tec
execute0_lowered:
.L_overlay_start_1:
0x0: {  	(tag) =	ssettag $0x1  }
0x1: {  	s4 =	rddreg [dreg:$0x0]  }
0x2: {  	s2 =	srdreg.scid;
	s0 =	rddreg [dreg:$0x1]  }
0x3: {  	s1 =	stileid.u32;
	s12 =	simm.s32 $0x5000;
	s13 =	simm.s32 $0x1  }
0x4: {  	s14 =	simm.s32 $0x2;
	s15 =	simm.s32 $0xF80;
	s16 =	simm.s32 $0x0  }
0x5: {  	s8 =	sand.u32 $0x1, s2;
	s2 =	simm.s32 $0x0;
	s3 =	sshll.u32 s1, $0xD  }
0x6: {  	s9 =	sadd.s32 $0x21E000, s4;
	s11 =	sshll.u32 s1, $0x11;
	s5 =	sshll.u32 s8, $0xC  }
0x7: {  	[smem:$0x7FF] =	sst s2;
	s7 =	ssub.s32 $0x2, s8;
	s8 =	sshll.u32 s8, $0x10  }
0x8: {  	s5 =	sor.u32 s5, s3;
	_ =	strace $0x8000005F;
	s3 =	sadd.s32 $0x4A6000, s4  }
0x9: {  	s31 =	sshrl.u32 s7, $0x1;
	s6 =	sshrl.u32 s5, $0x3;
	s5 =	sshll.u32 s5, $0x4  }
0xa: {  	s7 =	ssub.s32 s7, s31;
	s6 =	sadd.s32 s6, s4;
	s10 =	sadd.s32 s9, s5  }
0xb: {  	s5 =	smax.u32 s7, $0x1;
	s9 =	sadd.s32 s11, s9;
	s11 =	simm.s32 $0x80  }
0xc: {  	s4 =	sadd.s32 $0x21A000, s6;
	s6 =	sadd.s32 $0xF000, s10;
	s7 =	sadd.s32 $0xF800, s10  }
0xd: {  	s8 =	sadd.s32 s8, s9;
	s9 =	simm.s32 $0x3;
	s10 =	simm.s32 $0x1000  }
.LBB2_1:
0xe: {  	[tilespmem:s2], [sflag:$0x3] =	stream.linear.gather [hbm4b:s4+s2], $0x1000, $0x38;
	[tilespmem:$0x9000] =	vst v63  }
0xf: {  	_ =	swait.ge [sflag:s9], $0x1000  }
0x10: {  	[sflag:s9] =	ssyncset.done $0x0  }
0x11: {  	[sflag:s9] =	ssyncadd.s32 $0xFFFFF000  }
0x12: {  	[tilespmem:s10], [sflag:$0x1] =	stream.indirect.gather [hbm4b:s3+s11], $0x80, s2, s11, $0xb8;
	[tilespmem:$0x9000] =	vst v63  }
0x13: {  	_ = 	snop  }
0x14: {  	[tilespmem:s12], [sflag:$0x2] =	stream.indirect.gather [hbm4b:s3+s11], $0x80, s11, s11, $0xb8;
	[tilespmem:$0x9000] =	vst v63  }
0x15: {  	_ =	swait.ge [sflag:s13], $0x4000  }
0x16: {  	[sflag:s13] =	ssyncset.done $0x0  }
0x17: {  	s17 =	sadd.s32 $0x0, s8;
	[sflag:s13] =	ssyncadd.s32 $0xFFFFC000  }
0x18: {  	[hbm4b:s17+s2] =	stream.linear.scatter [tilespmem:s10], [sflag:$0x3], $0x4000, $0x38;
	[tilespmem:$0x9000] =	vst v63  }
0x19: {  	_ =	swait.ge [sflag:s9], $0x4000  }
0x1a: {  	[sflag:s9] =	ssyncset.done $0x0  }
0x1b: {  	s18 =	simm.s32 $0x100;
	[sflag:s9] =	ssyncadd.s32 $0xFFFFC000  }
0x1c: {  	[tilespmem:s10], [sflag:$0x1] =	stream.indirect.gather [hbm4b:s3+s11], $0x80, s18, s11, $0xb8;
	[tilespmem:$0x9000] =	vst v63  }
0x1d: {  	_ =	swait.ge [sflag:s14], $0x4000  }
0x1e: {  	[sflag:s14] =	ssyncset.done $0x0  }
0x1f: {  	s17 =	sadd.s32 $0x800, s17;
	[sflag:s14] =	ssyncadd.s32 $0xFFFFC000  }
0x20: {  	[hbm4b:s17+s2] =	stream.linear.scatter [tilespmem:s12], [sflag:$0x3], $0x4000, $0x38;
	[tilespmem:$0x9000] =	vst v63  }
0x21: {  	_ =	swait.ge [sflag:s9], $0x4000  }
0x22: {  	s18 =	simm.s32 $0x80;
	s17 =	simm.s32 $0x1000;
	[sflag:s9] =	ssyncset.done $0x0  }
.LBB2_2:
0x23: {  	p0 =	sne.s32 s17, $0xE000;
	[sflag:s9] =	ssyncadd.s32 $0xFFFFC000;
	s18 =	sadd.s32 $0x100, s18  }
0x24: {  	[tilespmem:s12], [sflag:$0x2] =	stream.indirect.gather [hbm4b:s3+s11], $0x80, s18, s11, $0xb8;
	[tilespmem:$0x9000] =	vst v63  }
0x25: {  	s19 =	smov.u32 s17;
	s17 =	sadd.s32 $0x1000, s17;
	_ =	swait.ge [sflag:s13], $0x4000  }
0x26: {  	[sflag:s13] =	ssyncset.done $0x0  }
0x27: {  	s19 =	sadd.s32 s19, s8;
	[sflag:s13] =	ssyncadd.s32 $0xFFFFC000  }
0x28: {  	[hbm4b:s19+s2] =	stream.linear.scatter [tilespmem:s10], [sflag:$0x3], $0x4000, $0x38;
	[tilespmem:$0x9000] =	vst v63  }
0x29: {  	_ =	swait.ge [sflag:s9], $0x4000  }
0x2a: {  	[sflag:s9] =	ssyncset.done $0x0  }
0x2b: {  	s20 =	sadd.s32 $0x80, s18;
	[sflag:s9] =	ssyncadd.s32 $0xFFFFC000  }
0x2c: {  	[tilespmem:s10], [sflag:$0x1] =	stream.indirect.gather [hbm4b:s3+s11], $0x80, s20, s11, $0xb8;
	[tilespmem:$0x9000] =	vst v63  }
0x2d: {  	_ =	swait.ge [sflag:s14], $0x4000  }
.Ltmp0:
0x2e: {  	[sflag:s14] =	ssyncset.done $0x0;
	(pc) =	sbr.rel @p0 .LBB2_2-.Ltmp0, $4  }
0x2f: {  	s19 =	sadd.s32 $0x800, s19;
	[sflag:s14] =	ssyncadd.s32 $0xFFFFC000  }
0x30: {  	[hbm4b:s19+s2] =	stream.linear.scatter [tilespmem:s12], [sflag:$0x3], $0x4000, $0x38;
	[tilespmem:$0x9000] =	vst v63  }
0x31: {  	_ =	swait.ge [sflag:s9], $0x4000  }
0x32: {  	[sflag:s9] =	ssyncset.done $0x0  }
0x33: {  	[sflag:s9] =	ssyncadd.s32 $0xFFFFC000  }
0x34: {  	[tilespmem:s12], [sflag:$0x2] =	stream.indirect.gather [hbm4b:s3+s11], $0x80, s15, s11, $0xb8;
	[tilespmem:$0x9000] =	vst v63  }
0x35: {  	_ =	swait.ge [sflag:s13], $0x4000  }
0x36: {  	[sflag:s13] =	ssyncset.done $0x0  }
0x37: {  	[sflag:s13] =	ssyncadd.s32 $0xFFFFC000  }
0x38: {  	[hbm4b:s6+s2] =	stream.linear.scatter [tilespmem:s10], [sflag:$0x3], $0x4000, $0x38;
	[tilespmem:$0x9000] =	vst v63  }
0x39: {  	_ =	swait.ge [sflag:s9], $0x4000  }
0x3a: {  	[sflag:s9] =	ssyncset.done $0x0  }
0x3b: {  	[sflag:s9] =	ssyncadd.s32 $0xFFFFC000  }
0x3c: {  	s16 =	sadd.s32 $0x1, s16;
	_ =	swait.ge [sflag:s14], $0x4000  }
0x3d: {  	p0 =	sne.s32 s16, s5;
	[sflag:s14] =	ssyncset.done $0x0  }
.Ltmp1:
0x3e: {  	[sflag:s14] =	ssyncadd.s32 $0xFFFFC000;
	(pc) =	sbr.rel @p0 .LBB2_1-.Ltmp1, $4  }
0x3f: {  	[hbm4b:s7+s2] =	stream.linear.scatter [tilespmem:s12], [sflag:$0x3], $0x4000, $0x38;
	[tilespmem:$0x9000] =	vst v63  }
0x40: {  	_ =	swait.ge [sflag:s9], $0x4000  }
0x41: {  	[sflag:s9] =	ssyncset.done $0x0  }
0x42: {  	[sflag:s9] =	ssyncadd.s32 $0xFFFFC000  }
0x43: {  	_ =	sfence.sel $0x180000  }
0x44: {  	[bflag:$0x0] =	sbarrier.arrive $0xFFFF  }
0x45: {  	p0 =	sne.s32 s1, $0x0;
	_ =	strace $0x9000005F  }
0x46: {  	s0 =	sadd.s32 @!p0 $0x100000, s0;
	[bflag:$0x2] =	sbarrier.arrive $0xFFFF  }
0x47: {  	[sflag:s0] =	ssyncadd.tile.s32 @!p0 $0x1;
	_ =	shalt  }
.Lfunc_end2:
_tile_overlayer_lowered:
.L_overlay_start_2:
0x48: {  	(tag) =	ssettag $0x2  }
0x49: {  	s0 =	rddreg [dreg:$0x0];
	s2 =	stileid.u32  }
0x4a: {  	s1 =	rddreg [dreg:$0x1];
	p0 =	sne.s32 s2, $0x0  }
0x4b: {  	s3 =	rddreg [dreg:$0x2];
	[bflag:$0x3] =	sbarrier.arrive $0xFFFF;
	s2 =	simm.s32 @!p0 $0x1C03  }
0x4c: {  	[timem:s3], [sflag:s2] =	dma.local @!p0 [hbm:s0], s1  }
0x4d: {  	s0 =	simm.s32 @!p0 $0x3  }
0x4e: {  	_ =	swait.ge @!p0 [sflag:s0], s1  }
0x4f: {  	s1 =	ssub.s32 @!p0 $0x0, s1;
	[sflag:s0] =	ssyncset.done @!p0 $0x0  }
0x50: {  	[sflag:s0] =	ssyncadd.s32 @!p0 s1  }
0x51: {  	[bflag:$0x3] =	sbarrier.arrive $0xFFFF  }
0x52: {  	_ =	shalt  }

// kernel: sparse-core-data-format-call.cloned.1.call-start
scs
called_computation_lowered:
.L_overlay_start_0:
0x0: {  	s1 =	sld [smem:$0x3FD9]  }
0x1: {  	s2 =	sld [smem:$0x3FFE];
	_ =	sdelay $0x1  }
0x2: {  	s3 =	srdreg.scid  }
0x3: {  	s0 =	sand.u32 $0x1, s3  }
0x4: {  	s17 =	sshll.u32 s0, $0xA;
	s1 =	sadd.s32 s2, s1  }
0x5: {  	s1 =	sadd.s32 s1, s17  }
0x6: {  	[smem:$0x3FAB] =	sst s1  }
0x7: {  	_ = 	snop  }
0x8: {  	(tm) =	ssettm $0x1  }
0x9: {  	s18 =	sld [smem:$0x3FFB];
	_ =	sdelay $0x3  }
0xa: {  	_ =	strace s18  }
0xb: {  	s1 =	sld [smem:$0x3FFC];
	_ =	sdelay $0x3  }
0xc: {  	_ =	strace s1  }
0xd: {  	s1 =	sld [smem:$0x3FFD];
	_ =	sdelay $0x3  }
0xe: {  	_ =	strace s1  }
0xf: {  	_ =	strace $0x8FFFFFFF  }
0x10: {  	s19 =	sld [smem:$0x3FDB];
	_ =	sdelay $0x1  }
0x11: {  	s20 =	simm.s32 $_scs_section_size  }
0x12: {  	s4 =	simm.s32 $_size__tile_overlayer_lowered;
	s5 =	simm.s32 $_tile_overlayer_lowered  }
0x13: {  	s23 =	simm.s32 $0x1BFF;
	s22 =	sshll.u32 s5, $0x1;
	s1 =	sadd.s32 s20, s19  }
0x14: {  	s6 =	simm.s32 $0x0;
	s21 =	sshll.u32 s4, $0x1;
	s4 =	sadd.s32 s22, s1  }
0x15: {  	[timem:s6], [sflag:s23] =	dma.local [hbm:s4], s21  }
0x16: {  	_ =	swait.ge [sflag:s23], s21  }
0x17: {  	s2 =	ssub.s32 $0x0, s21;
	[sflag:s23] =	ssyncset.done $0x0  }
0x18: {  	[sflag:s23] =	ssyncadd.s32 s2;
	_ =	sdelay $0x1  }
0x19: {  	s24 =	simm.s32 $0x1B8B  }
0x1a: {  	_ =	swait.ge [sflag:s24], $0x1  }
0x1b: {  	[sflag:s24] =	ssyncset.done $0x0  }
0x1c: {  	s26 =	simm.s32 $0x1B8E;
	s25 =	sld [smem:$0x3FFE];
	[sflag:s24] =	ssyncadd.s32 $0xFFFFFFFF  }
0x1d: {  	s27 =	simm.s32 $execute0_lowered;
	[smem:$0x3FD2] =	sst s26  }
0x1e: {  	s4 =	sshll.u32 s27, $0x1;
	_ =	strace $0x80000049;
	[dreg:$0x1] =	wrdreg $0xFFFFFFFF  }
0x1f: {  	s28 =	simm.s32 $_size_execute0_lowered;
	s1 =	sadd.s32 s1, s4;
	[dreg:$0x0] =	wrdreg $0x0  }
0x20: {  	s4 =	sshll.u32 s28, $0x1;
	[dreg:$0x2] =	wrdreg s1  }
0x21: {  	[dreg:$0x3] =	wrdreg s4  }
0x22: {  	[dreg:$0x4] =	wrdreg $0xC0  }
0x23: {  	_ =	task [dreg:s6], $0x5FFFF  }
0x24: {  	[dreg:$0x1] =	wrdreg $0xFFFFFFFF  }
0x25: {  	[dreg:$0x0] =	wrdreg $0x60  }
0x26: {  	[dreg:$0x2] =	wrdreg s25  }
0x27: {  	[dreg:$0x3] =	wrdreg $0x9  }
0x28: {  	_ =	task.clear_ibuf [dreg:s6], $0x4FFFF;
	_ =	strace $0x90000049  }
0x29: {  	s29 =	simm.s32 $0x9;
	_ =	strace $0x8000004B  }
0x2a: {  	_ =	swait.ge [sflag:s29], $0x1  }
0x2b: {  	[sflag:s29] =	ssyncadd.s32 $0xFFFFFFFF  }
0x2c: {  	_ =	strace $0x9000004B  }
0x2d: {  	_ =	sfence  }
0x2e: {  	s30 =	sld [smem:$0x0];
	_ =	sdelay $0x2  }
0x2f: {  	s31 =	sshll.u32 s3, $0xD;
	s3 =	sshrl.u32 s3, $0x2  }
0x30: {  	s2 =	sand.u32 $0x4000, s31;
	s1 =	sadd.s32 s3, s30  }
0x31: {  	s0 =	sor.u32 s2, s0;
	s1 =	sshll.u32 s1, $0x11  }
0x32: {  	s0 =	sor.u32 s1, s0  }
0x33: {  	s0 =	sadd.s32 $0x8F2B, s0  }
0x34: {  	[sflag:s0] =	ssyncadd.remote.s32 $0x1  }
0x35: {  	_ =	sfence.sel $0xFFFF  }
0x36: {  	[dreg:$0x0] =	wrdreg $0xFFFFFFFF;
	(pc) =	sbr.abs _section_cstart, $3  }
0x37: {  	[dreg:$0x1] =	wrdreg $0xFFFFFFFF  }
0x38: {  	_ =	task.clear_ibuf [dreg:s6], $0x2FFFF;
	_ =	strace $0x9FFFFFFF  }
0x39: {  	(tm) =	ssettm $0x7FFFFFFF  }
tec
execute0_lowered:
.L_overlay_start_1:
0x0: {  	(tag) =	ssettag $0x1  }
0x1: {  	s8 =	rddreg [dreg:$0x0]  }
0x2: {  	s0 =	stileid.u32;
	s1 =	srdreg.scid  }
0x3: {  	s31 =	simm.s32 $0x2;
	s14 =	simm.s32 $0x0;
	s15 =	simm.s32 $0x0  }
0x4: {  	s13 =	simm.s32 $0x0;
	s2 =	sshll.u32 s0, $0x1;
	s3 =	sshll.u32 s0, $0x4  }
0x5: {  	s4 =	sshll.u32 s1, $0x8;
	s1 =	rddreg [dreg:$0x1];
	_ =	strace $0x8000004A  }
0x6: {  	s2 =	sand.u32 $0xE, s2;
	s3 =	sor.u32 s3, s4;
	s4 =	sadd.s32 $0x215800, s8  }
0x7: {  	s3 =	sand.u32 $0x180, s3;
	s5 =	ssub.s32 $0x10, s2;
	s12 =	smov.u32 s2  }
0x8: {  	s6 =	sand.u32 $0xE, s5;
	s7 =	ssub.s32 $0x2000, s3;
	s10 =	sshrl.u32 s5, $0x4  }
0x9: {  	p0 =	sne.s32 s6, $0x0;
	s6 =	simm.s32 $0x1;
	s9 =	sand.u32 $0x180, s7  }
0xa: {  	s6 =	simm.s32 @!p0 $0x0;
	p0 =	sne.s32 s9, $0x0;
	s9 =	simm.s32 $0x1  }
.Ltmp0:
0xb: {  	s7 =	sshrl.u32 s7, $0x9;
	s9 =	simm.s32 @!p0 $0x0;
	(pc) =	sbr.rel .LBB1_1-.Ltmp0, $4  }
0xc: {  	s5 =	simm.s32 $0x1;
	s6 =	sadd.s32 s6, s10;
	s7 =	sadd.s32 s9, s7  }
0xd: {  	s11 =	smov.u32 s3;
	[sflag:s5] =	ssyncpa.u1 $0x0;
	s6 =	smul.u32 s6, s7  }
0xe: {  	[sflag:s31] =	ssyncpa.u1 $0x0;
	p0 =	por $0x0, $0x0;
	s10 =	simm.s32 $0x10000  }
0xf: {  	s7 =	sadd.s32 $0x115800, s8;
	s8 =	sadd.s32 $0x235800, s8;
	s9 =	sadd.s32 $0x1, s6  }
.LBB1_7:
0x10: {  	s16 =	sadd.s32 $0x200, s11  }
0x11: {  	s14 =	sadd.s32 $0x10, s12;
	s18 =	smov.u32 s12;
	p2 =	sgt.s32 s16, $0x1FFF  }
0x12: {  	s18 =	smov.u32 @p2 s14  }
0x13: {  	s16 =	smov.u32 @p2 s3;
	p2 =	sgt.s32 s18, $0xF  }
0x14: {  	s18 =	smov.u32 @p2 s2;
	p2 =	sne.s32 s13, s9  }
.Ltmp1:
0x15: {  	p1 =	slt.u32 s13, $0x2;
	(pc) =	sbr.rel @!p2 .LBB1_8-.Ltmp1, $4  }
0x16: {  	s17 =	simm.s32 @!p1 $0x2  }
0x17: {  	s15 =	smov.u32 s12;
	p0 =	por !p0, !p0;
	_ =	swait.ge @!p1 [sflag:s17], $0x4000  }
0x18: {  	s14 =	smov.u32 s11;
	[sflag:s17] =	ssyncset.done @!p1 $0x0;
	s11 =	smov.u32 s16  }
0x19: {  	s13 =	sadd.s32 $0x1, s13;
	[sflag:s17] =	ssyncadd.s32 @!p1 $0xFFFFC000;
	s12 =	smov.u32 s18  }
.LBB1_1:
0x1a: {  	p1 =	sge.u32 s13, s6  }
0x1b: {  	s16 =	sxor.u32 @!p1 $0xFFFFFFFF, s13;
	s17 =	sshll.u32 @!p1 s12, $0x11  }
0x1c: {  	s18 =	sshll.u32 @!p1 s11, $0x4;
	s20 =	simm.s32 @!p1 $0x40;
	s21 =	simm.s32 @!p1 $0x80  }
0x1d: {  	s16 =	sshll.u32 @!p1 s16, $0xE;
	s18 =	sand.u32 @!p1 $0x1FFF0, s18;
	s19 =	sadd.s32 @!p1 s4, s17  }
0x1e: {  	s17 =	sadd.s32 @!p1 s17, s8;
	s16 =	sand.u32 @!p1 $0x4000, s16;
	s19 =	sadd.s32 @!p1 s18, s19  }
0x1f: {  	[tilespmem:s16], [sflag:$0x1] =	stream.strided.gather @!p1 [hbm4b:s19+s20], $0x2000, s21, s20, $0x38;
	[tilespmem:$0x10100] =	vst v63  }
0x20: {  	s31 =	sadd.s32 $0xFFFFFFFF, s13;
	s17 =	sadd.s32 @!p1 s18, s17;
	s16 =	sor.u32 @!p1 $0x2000, s16  }
0x21: {  	[tilespmem:s16], [sflag:$0x1] =	stream.strided.gather @!p1 [hbm4b:s17+s20], $0x2000, s21, s20, $0x38;
	[tilespmem:$0x10100] =	vst v63  }
0x22: {  	p1 =	sge.u32 s31, s6  }
.Ltmp2:
0x23: {  	_ = 	snop;
	(pc) =	sbr.rel @p1 .LBB1_7-.Ltmp2, $1  }
0x24: {  	_ =	sdelay $0x3  }
0x25: {  	s16 =	simm.s32 $0x1;
	s18 =	sand.u32 $0x1, s13  }
0x26: {  	_ =	swait.ge [sflag:s5], $0x4000;
	s16 =	simm.s32 @!p0 $0x0;
	s18 =	smul.u32 $0x10200, s18  }
0x27: {  	p2 =	por $0x1, $0x1;
	[sflag:s5] =	ssyncset.done $0x0;
	s17 =	smul.u32 $0x10200, s16  }
0x28: {  	s19 =	sshll.u32 s16, $0x10;
	[sflag:s5] =	ssyncadd.s32 $0xFFFFC000;
	s30 =	sshrl.u32 s18, $0x2  }
0x29: {  	s31 =	sshrl.u32 s19, $0x2;
	s19 =	simm.s32 $0x0;
	s17 =	sshrl.u32 s17, $0x2  }
0x2a: {  	s16 =	sor.u32 $0x8000, s30;
	s18 =	sadd.s32 $0x20, s31;
	s17 =	sor.u32 $0x8000, s17  }
.LBB1_3:
0x2b: {  	s20 =	sshll.u32 s19, $0xD  }
0x2c: {  	s20 =	sand.u32 $0x3FFFE000, s20  }
0x2d: {  	s22 =	sadd.s32 s20, s18  }
0x2e: {  	s31 =	smul.u32 $0x8100, s19;
	v3 =	vld [tilespmem:s22+$0x10]  }
0x2f: {  	v1 =	vld [tilespmem:s22+$0xFFFFFFF0]  }
0x30: {  	s19 =	sshra.s32 s31, $0x2;
	v0 =	vld [tilespmem:s22+$0x0]  }
0x31: {  	s19 =	sadd.s32 s19, s17;
	v2 =	vld [tilespmem:s22+$0xFFFFFFE0]  }
0x32: {  	s20 =	sadd.s32 $0x0, s19  }
0x33: {  	p1 =	por p2, p2;
	s21 =	simm.s32 $0x4;
	s22 =	sadd.s32 $0x40, s22;
	[tilespmem:s20+$0x1830 ss:$0x81] =	vst.msk $0xffff, v3  }
.LBB1_4:
0x34: {  	v3 =	vld [tilespmem:s22+$0x10];
	p2 =	sne.s32 s21, $0x1FC;
	[tilespmem:s20+$0x810 ss:$0x81] =	vst.msk $0xffff, v1;
	s23 =	smov.u32 s21;
	s21 =	sadd.s32 $0x4, s21  }
.Ltmp3:
0x35: {  	v1 =	vld [tilespmem:s22+$0xFFFFFFF0];
	[tilespmem:s20+$0x1020 ss:$0x81] =	vst.msk $0xffff, v0;
	(pc) =	sbr.rel @p2 .LBB1_4-.Ltmp3, $4  }
0x36: {  	v0 =	vld [tilespmem:s22+$0x0];
	[tilespmem:s20+$0x0 ss:$0x81] =	vst.msk $0xffff, v2  }
0x37: {  	s20 =	sshra.s32 s23, $0x2;
	v2 =	vld [tilespmem:s22+$0xFFFFFFE0]  }
0x38: {  	s20 =	sadd.s32 s20, s19  }
0x39: {  	s22 =	sadd.s32 $0x40, s22;
	[tilespmem:s20+$0x1830 ss:$0x81] =	vst.msk $0xffff, v3  }
.Ltmp4:
0x3a: {  	(pc) =	sbr.rel @p1 .LBB1_3-.Ltmp4, $4  }
0x3b: {  	_ = 	snop  }
0x3c: {  	[tilespmem:s20+$0x810 ss:$0x81] =	vst.msk $0xffff, v1  }
0x3d: {  	[tilespmem:s20+$0x1020 ss:$0x81] =	vst.msk $0xffff, v0  }
0x3e: {  	s19 =	simm.s32 $0x1;
	p2 =	por $0x0, $0x0;
	[tilespmem:s20+$0x0 ss:$0x81] =	vst.msk $0xffff, v2  }
0x3f: {  	s17 =	sshll.u32 s14, $0x3;
	s18 =	sand.u32 $0x78, s14;
	s15 =	sshll.u32 s15, $0x10  }
.Ltmp5:
0x40: {  	s30 =	sand.u32 $0xFC00, s14;
	s17 =	sand.u32 $0x1C00, s17;
	(pc) =	sbr.rel .LBB1_7-.Ltmp5, $4  }
0x41: {  	s31 =	sand.u32 $0x7, s14;
	s15 =	sadd.s32 s7, s15;
	s17 =	sor.u32 s18, s17  }
0x42: {  	s14 =	sshll.u32 s31, $0x12;
	s15 =	sadd.s32 s30, s15;
	s17 =	sshrl.u32 s17, $0x3  }
0x43: {  	s14 =	sor.u32 $0x400, s14;
	s15 =	sadd.s32 s17, s15  }
0x44: {  	[hbm4b:s15+s14] =	stream.strided.scatter [tilespmem:s16], [sflag:$0x2], $0x4000, s10, s14, $0x20;
	[tilespmem:$0x10100] =	vst v63  }
.LBB1_8:
0x45: {  	_ =	sfence.sel $0x180000  }
0x46: {  	s2 =	simm.s32 $0x1;
	[bflag:$0x0] =	sbarrier.arrive $0xFFFF  }
0x47: {  	s31 =	simm.s32 $0x2;
	[sflag:s2] =	ssyncpa.u1 $0x1  }
0x48: {  	[sflag:s31] =	ssyncpa.u1 $0x1  }
0x49: {  	p0 =	sne.s32 s0, $0x0;
	_ =	strace $0x9000004A  }
0x4a: {  	s0 =	sadd.s32 @!p0 $0x100000, s1;
	[bflag:$0x2] =	sbarrier.arrive $0xFFFF  }
0x4b: {  	[sflag:s0] =	ssyncadd.tile.s32 @!p0 $0x1;
	_ =	shalt  }
.Lfunc_end1:
_tile_overlayer_lowered:
.L_overlay_start_2:
0x4c: {  	(tag) =	ssettag $0x2  }
0x4d: {  	s0 =	rddreg [dreg:$0x0];
	s2 =	stileid.u32  }
0x4e: {  	s1 =	rddreg [dreg:$0x1];
	p0 =	sne.s32 s2, $0x0  }
0x4f: {  	s3 =	rddreg [dreg:$0x2];
	[bflag:$0x3] =	sbarrier.arrive $0xFFFF;
	s2 =	simm.s32 @!p0 $0x1C01  }
0x50: {  	[timem:s3], [sflag:s2] =	dma.local @!p0 [hbm:s0], s1  }
0x51: {  	s0 =	simm.s32 @!p0 $0x1  }
0x52: {  	_ =	swait.ge @!p0 [sflag:s0], s1  }
0x53: {  	s1 =	ssub.s32 @!p0 $0x0, s1;
	[sflag:s0] =	ssyncset.done @!p0 $0x0  }
0x54: {  	[sflag:s0] =	ssyncadd.s32 @!p0 s1  }
0x55: {  	[bflag:$0x3] =	sbarrier.arrive $0xFFFF  }
0x56: {  	_ =	shalt  }

</sc_bundles>
